<compile_context>
chip_gen: v7x
topology: tpu7x:2x2x1
jax: 0.10.2.dev20260603
libtpu: 0.0.44.dev20260713+nightly
codegen_flags: <defaults>
</compile_context>

<pallas_src>
import functools

import jax
import jax.numpy as jnp
from jax import lax
from jax.experimental import pallas as pl
from jax.experimental.pallas import tpu as pltpu
from jax.experimental.pallas import tpu_sc as plsc



def _sc_sample_body(nchunks, ch, rpw,
                    z_hbm, w_hbm, u_hbm, out_hbm,
                    zbuf, wbuf, ubuf, cdfbuf, outbuf):
    L = 16
    wid = lax.axis_index("s") * 2 + lax.axis_index("c")
    iota = lax.iota(jnp.int32, L)
    Nc = 128
    nbins = Nc - 2
    last = Nc - 2

    def chunk_body(g, _):
        base = wid * rpw + g * ch
        pltpu.sync_copy(z_hbm.at[pl.ds(base, ch)], zbuf)
        pltpu.sync_copy(w_hbm.at[pl.ds(base, ch)], wbuf)
        pltpu.sync_copy(u_hbm.at[pl.ds(base, ch)], ubuf)

        def ray_body(r, _):
            rfull = jnp.full((L,), r, jnp.int32)

            acc = jnp.zeros((L,), jnp.float32)
            for c in range(8):
                j = iota + (16 * c)
                valid = j < nbins
                wg = plsc.load_gather(wbuf, [rfull, jnp.minimum(j + 1, 127)])
                acc = acc + jnp.where(valid, wg, jnp.float32(0.0))
            wsum = jnp.sum(acc) + jnp.float32(nbins * 1e-5)
            wsum_b = jnp.full((L,), wsum, jnp.float32)

            carry = jnp.zeros((L,), jnp.float32)
            for c in range(8):
                j = iota + (16 * c)
                valid = j < nbins
                wg = plsc.load_gather(wbuf, [rfull, jnp.minimum(j + 1, 127)])
                pc = jnp.where(valid, (wg + jnp.float32(1e-5)) / wsum_b,
                               jnp.float32(0.0))
                cum = plsc.cumsum(pc) + carry
                cdfbuf[pl.ds(16 * c, 16)] = cum
                carry = jnp.full((L,), jnp.max(cum), jnp.float32)

            for q in range(16):
                uq = plsc.load_gather(ubuf, [rfull, iota + (16 * q)])
                lo = jnp.zeros((L,), jnp.int32)
                for step in (64, 32, 16, 8, 4, 2, 1):
                    probe = lo + step
                    cv = plsc.load_gather(cdfbuf, [probe - 1])
                    take = jnp.logical_and(cv <= uq, probe <= last)
                    lo = jnp.where(take, probe, lo)
                above = jnp.minimum(lo + 1, last)
                cdfb = plsc.load_gather(cdfbuf, [jnp.maximum(lo - 1, 0)])
                cdfb = jnp.where(lo == 0, jnp.float32(0.0), cdfb)
                cdfa = plsc.load_gather(cdfbuf, [above - 1])
                zb0 = plsc.load_gather(zbuf, [rfull, lo])
                zb1 = plsc.load_gather(zbuf, [rfull, lo + 1])
                za0 = plsc.load_gather(zbuf, [rfull, above])
                za1 = plsc.load_gather(zbuf, [rfull, above + 1])
                binb = jnp.float32(0.5) * (zb0 + zb1)
                bina = jnp.float32(0.5) * (za0 + za1)
                denom = cdfa - cdfb
                denom = jnp.where(denom < jnp.float32(1e-5), jnp.float32(1.0),
                                  denom)
                t = (uq - cdfb) / denom
                zs = binb + t * (bina - binb)
                outbuf[r, pl.ds(16 * q, 16)] = zs
            return 0

        lax.fori_loop(0, ch, ray_body, 0)
        pltpu.sync_copy(outbuf, out_hbm.at[pl.ds(base, ch)])
        return 0

    lax.fori_loop(0, nchunks, chunk_body, 0)


def _sc_sample(z_vals, weights, u):
    B, Nc = z_vals.shape
    S = u.shape[1]
    NW = 32
    rpw = B // NW
    ch = 8
    nchunks = rpw // ch
    mesh = plsc.VectorSubcoreMesh(core_axis_name="c", subcore_axis_name="s")
    body = functools.partial(_sc_sample_body, nchunks, ch, rpw)
    fn = pl.kernel(
        body,
        mesh=mesh,
        compiler_params=pltpu.CompilerParams(needs_layout_passes=False),
        out_type=jax.ShapeDtypeStruct((B, S), jnp.float32),
        scratch_types=[
            pltpu.VMEM((ch, Nc), jnp.float32),
            pltpu.VMEM((ch, Nc), jnp.float32),
            pltpu.VMEM((ch, S), jnp.float32),
            pltpu.VMEM((Nc,), jnp.float32),
            pltpu.VMEM((ch, S), jnp.float32),
        ],
    )
    return fn(z_vals, weights, u)



def _bitonic_stage(v, j, k, up=True):
    n = v.shape[1]
    i = lax.broadcasted_iota(jnp.int32, (1, n), 1)
    bitj = (i & j) == 0
    dirup = ((i & k) == 0) == up
    other = jnp.where(bitj, jnp.roll(v, -j, axis=1), jnp.roll(v, j, axis=1))
    takemin = bitj == dirup
    return jnp.where(takemin, jnp.minimum(v, other), jnp.maximum(v, other))


def _tc_sort_body(org_ref, dir_ref, z_ref, zs_ref,
                  zall_ref, px_ref, py_ref, pz_ref):
    z = z_ref[...]
    zs = zs_ref[...]
    R, Nc = z.shape
    S = zs.shape[1]
    pos = jnp.float32(jnp.inf)

    k = 2
    while k <= S:
        j = k // 2
        while j >= 1:
            zs = _bitonic_stage(zs, j, k, up=False)
            j //= 2
        k *= 2

    pad = jnp.full((R, S - Nc), pos, dtype=jnp.float32)
    buf = jnp.concatenate([z, pad, zs], axis=1)
    j = S
    while j >= 1:
        buf = _bitonic_stage(buf, j, 2 * S)
        j //= 2
    zall = buf[:, :Nc + S]

    zall_ref[...] = zall
    px_ref[...] = org_ref[:, 0:1] + dir_ref[:, 0:1] * zall
    py_ref[...] = org_ref[:, 1:2] + dir_ref[:, 1:2] * zall
    pz_ref[...] = org_ref[:, 2:3] + dir_ref[:, 2:3] * zall


def _tc_sort(origin_input, direction_input, z_vals, zs):
    B, Nc = z_vals.shape
    S = zs.shape[1]
    T = Nc + S
    R = 256
    grid = (B // R,)
    row3 = pl.BlockSpec((R, 3), lambda i: (i, 0))
    out_shape = [jax.ShapeDtypeStruct((B, T), jnp.float32)] * 4
    return pl.pallas_call(
        _tc_sort_body,
        grid=grid,
        in_specs=[
            row3,
            row3,
            pl.BlockSpec((R, Nc), lambda i: (i, 0)),
            pl.BlockSpec((R, S), lambda i: (i, 0)),
        ],
        out_specs=[pl.BlockSpec((R, T), lambda i: (i, 0))] * 4,
        out_shape=out_shape,
    )(origin_input, direction_input, z_vals, zs)


def kernel(origin_input, direction_input, z_vals, viewdirs, weights, u):
    zs = _sc_sample(z_vals, weights, u)
    zall, px, py, pz = _tc_sort(origin_input, direction_input, z_vals, zs)
    pts = jnp.stack([px, py, pz], axis=-1)
    return (pts, viewdirs, zall)

# --- scband reference (transcript-rebuilt; emitter-appended) ---
"""Pipeline reference for scband-fine-samples-32134945309111 (READ-ONLY COPY).

The authoritative reference and input builder live on the scoring server;
editing this copy changes nothing except your own understanding.
"""

import jax, jax.numpy as jnp
import numpy as np


def setup_inputs(seed: int = 0) -> dict:
    key = jax.random.key(seed)
    ks = jax.random.split(key, 6)
    B, Nc, S = 16384, 128, 256
    origin_input = jax.random.normal(ks[0], (B, 3), dtype=jnp.float32)
    direction_input = jax.random.normal(ks[1], (B, 3), dtype=jnp.float32)
    # sorted depth values along each ray in [near=2, far=6]
    z_vals = jnp.sort(jax.random.uniform(ks[2], (B, Nc), dtype=jnp.float32) * 4.0 + 2.0, axis=-1)
    viewdirs = jax.random.normal(ks[3], (B, 3), dtype=jnp.float32)
    weights = jax.random.uniform(ks[4], (B, Nc), dtype=jnp.float32)
    u = jax.random.uniform(ks[5], (B, S), dtype=jnp.float32)
    return {"origin_input": origin_input, "direction_input": direction_input,
            "z_vals": z_vals, "viewdirs": viewdirs, "weights": weights, "u": u}


def _sample_pdf(u, bins, weights):
    weights = weights + 1e-05
    pdf = weights / jnp.sum(weights, axis=-1, keepdims=True)
    cdf = jnp.cumsum(pdf, axis=-1)
    cdf = jnp.concatenate([jnp.zeros_like(cdf[..., :1]), cdf], axis=-1)
    inds = jax.vmap(lambda c, uu: jnp.searchsorted(c, uu, side='right'))(cdf, u)
    below = jnp.maximum(0, inds - 1)
    above = jnp.minimum(cdf.shape[-1] - 1, inds)
    inds_g = jnp.stack([below, above], axis=-1)  # [B, S, 2]
    B, S = inds_g.shape[0], inds_g.shape[1]
    flat = inds_g.reshape(B, S * 2)
    cdf_g = jnp.take_along_axis(cdf, flat, axis=-1).reshape(B, S, 2)
    bins_g = jnp.take_along_axis(bins, flat, axis=-1).reshape(B, S, 2)
    denom = cdf_g[..., 1] - cdf_g[..., 0]
    denom = jnp.where(denom < 1e-05, jnp.ones_like(denom), denom)
    t = (u - cdf_g[..., 0]) / denom
    samples = bins_g[..., 0] + t * (bins_g[..., 1] - bins_g[..., 0])
    return samples


def reference(origin_input, direction_input, z_vals, viewdirs, weights, u):
    z_vals_mid = 0.5 * (z_vals[..., 1:] + z_vals[..., :-1])
    z_samples = _sample_pdf(u, z_vals_mid, weights[..., 1:-1])
    z_all = jnp.concatenate([z_vals, z_samples], axis=-1)
    z_all = jnp.sort(z_all, axis=-1)
    pts = origin_input[..., None, :] + direction_input[..., None, :] * z_all[..., :, None]
    # Original returns pts unstacked into a python list along axis 1 plus a list of
    # repeated viewdirs; we return the stacked equivalents (pts, viewdirs, z_all).
    return (pts, viewdirs, z_all)

if __name__ == "__main__":
    import jax
    _d = setup_inputs()
    print(jax.jit(kernel)(*tuple(_d.values())))

</pallas_src>

<mosaic_0001>
#map = affine_map<(d0, d1) -> (0, 0)>
module attributes {stable_mosaic.version = 14 : i64} {
  func.func @_sc_sample_body(%arg0: i32, %arg1: i32, %arg2: memref<16384x128xf32, #tpu.memory_space<hbm>>, %arg3: memref<16384x128xf32, #tpu.memory_space<hbm>>, %arg4: memref<16384x256xf32, #tpu.memory_space<hbm>>, %arg5: memref<16384x256xf32, #tpu.memory_space<hbm>>, %arg6: memref<8x128xf32, #tpu.memory_space<vmem>>, %arg7: memref<8x128xf32, #tpu.memory_space<vmem>>, %arg8: memref<8x256xf32, #tpu.memory_space<vmem>>, %arg9: memref<128xf32, #tpu.memory_space<vmem>>, %arg10: memref<8x256xf32, #tpu.memory_space<vmem>>) attributes {dimension_semantics = [#tpu.dimension_semantics<core_parallel>, #tpu.dimension_semantics<subcore_parallel>], iteration_bounds = array<i64: 2, 16>, scalar_prefetch = 0 : i64, scratch_operands = 5 : i64, tpu.core_type = #tpu.core_type<sc_vector_subcore>, window_params = [{transform_indices = #map}, {transform_indices = #map}, {transform_indices = #map}, {transform_indices = #map}]} {
    %mul3A = arith.constant 2 : i32
    %mul3A_0 = arith.muli %arg1, %mul3A : i32
    %add3A = arith.addi %mul3A_0, %arg0 : i32
    %iota3A = tpu.iota {dimensions = array<i32: 0>} : vector<16xi32>
    %scan3A = arith.constant 0 : i32
    %scan3A_1 = arith.constant 0 : i32
    %scan3A_2 = arith.constant 64 : i32
    %scan3A_3 = arith.addi %scan3A_1, %scan3A_2 : i32
    %scan3A_4 = arith.constant 1 : i32
    %scan3A_5 = scf.for %scan3A_7 = %scan3A_1 to %scan3A_3 step %scan3A_4 iter_args(%scan3A_8 = %scan3A) -> (i32)  : i32 {
      %mul3A_9 = arith.constant 512 : i32
      %mul3A_10 = arith.muli %add3A, %mul3A_9 : i32
      %mul3A_11 = arith.constant 8 : i32
      %mul3A_12 = arith.muli %scan3A_7, %mul3A_11 : i32
      %add3A_13 = arith.addi %mul3A_10, %mul3A_12 : i32
      "tpu.region"() ({
        %run_scoped3A = tpu.sem_alloc : memref<!tpu.dma_semaphore, #tpu.memory_space<semaphore_mem>>
        %dma_start3A = arith.constant 0 : i32
        %dma_start3A_22 = tpu.memref_slice %arg2[%add3A_13, %dma_start3A] : memref<16384x128xf32, #tpu.memory_space<hbm>> -> memref<8x128xf32, #tpu.memory_space<hbm>>
        %dma_start3A_23 = arith.constant 0 : i32
        %dma_start3A_24 = tpu.memref_slice %arg2[%add3A_13, %dma_start3A_23] : memref<16384x128xf32, #tpu.memory_space<hbm>> -> memref<8x128xf32, #tpu.memory_space<hbm>>
        tpu.enqueue_dma source(%dma_start3A_24 : memref<8x128xf32, #tpu.memory_space<hbm>>) target(%arg6 : memref<8x128xf32, #tpu.memory_space<vmem>>) target_semaphore(%run_scoped3A : memref<!tpu.dma_semaphore, #tpu.memory_space<semaphore_mem>>)
        %dma_wait3A = arith.constant 0 : i32
        %dma_wait3A_25 = tpu.memref_slice %arg2[%add3A_13, %dma_wait3A] : memref<16384x128xf32, #tpu.memory_space<hbm>> -> memref<8x128xf32, #tpu.memory_space<hbm>>
        %dma_wait3A_26 = arith.constant 0 : i32
        %dma_wait3A_27 = tpu.memref_slice %arg2[%add3A_13, %dma_wait3A_26] : memref<16384x128xf32, #tpu.memory_space<hbm>> -> memref<8x128xf32, #tpu.memory_space<hbm>>
        tpu.wait_dma2 semaphore(%run_scoped3A : memref<!tpu.dma_semaphore, #tpu.memory_space<semaphore_mem>>) src(%dma_wait3A_27 : memref<8x128xf32, #tpu.memory_space<hbm>>) dst(%arg6 : memref<8x128xf32, #tpu.memory_space<vmem>>)
        tpu.yield
      }) : () -> ()
      "tpu.region"() ({
        %run_scoped3A = tpu.sem_alloc : memref<!tpu.dma_semaphore, #tpu.memory_space<semaphore_mem>>
        %dma_start3A = arith.constant 0 : i32
        %dma_start3A_22 = tpu.memref_slice %arg3[%add3A_13, %dma_start3A] : memref<16384x128xf32, #tpu.memory_space<hbm>> -> memref<8x128xf32, #tpu.memory_space<hbm>>
        %dma_start3A_23 = arith.constant 0 : i32
        %dma_start3A_24 = tpu.memref_slice %arg3[%add3A_13, %dma_start3A_23] : memref<16384x128xf32, #tpu.memory_space<hbm>> -> memref<8x128xf32, #tpu.memory_space<hbm>>
        tpu.enqueue_dma source(%dma_start3A_24 : memref<8x128xf32, #tpu.memory_space<hbm>>) target(%arg7 : memref<8x128xf32, #tpu.memory_space<vmem>>) target_semaphore(%run_scoped3A : memref<!tpu.dma_semaphore, #tpu.memory_space<semaphore_mem>>)
        %dma_wait3A = arith.constant 0 : i32
        %dma_wait3A_25 = tpu.memref_slice %arg3[%add3A_13, %dma_wait3A] : memref<16384x128xf32, #tpu.memory_space<hbm>> -> memref<8x128xf32, #tpu.memory_space<hbm>>
        %dma_wait3A_26 = arith.constant 0 : i32
        %dma_wait3A_27 = tpu.memref_slice %arg3[%add3A_13, %dma_wait3A_26] : memref<16384x128xf32, #tpu.memory_space<hbm>> -> memref<8x128xf32, #tpu.memory_space<hbm>>
        tpu.wait_dma2 semaphore(%run_scoped3A : memref<!tpu.dma_semaphore, #tpu.memory_space<semaphore_mem>>) src(%dma_wait3A_27 : memref<8x128xf32, #tpu.memory_space<hbm>>) dst(%arg7 : memref<8x128xf32, #tpu.memory_space<vmem>>)
        tpu.yield
      }) : () -> ()
      "tpu.region"() ({
        %run_scoped3A = tpu.sem_alloc : memref<!tpu.dma_semaphore, #tpu.memory_space<semaphore_mem>>
        %dma_start3A = arith.constant 0 : i32
        %dma_start3A_22 = tpu.memref_slice %arg4[%add3A_13, %dma_start3A] : memref<16384x256xf32, #tpu.memory_space<hbm>> -> memref<8x256xf32, #tpu.memory_space<hbm>>
        %dma_start3A_23 = arith.constant 0 : i32
        %dma_start3A_24 = tpu.memref_slice %arg4[%add3A_13, %dma_start3A_23] : memref<16384x256xf32, #tpu.memory_space<hbm>> -> memref<8x256xf32, #tpu.memory_space<hbm>>
        tpu.enqueue_dma source(%dma_start3A_24 : memref<8x256xf32, #tpu.memory_space<hbm>>) target(%arg8 : memref<8x256xf32, #tpu.memory_space<vmem>>) target_semaphore(%run_scoped3A : memref<!tpu.dma_semaphore, #tpu.memory_space<semaphore_mem>>)
        %dma_wait3A = arith.constant 0 : i32
        %dma_wait3A_25 = tpu.memref_slice %arg4[%add3A_13, %dma_wait3A] : memref<16384x256xf32, #tpu.memory_space<hbm>> -> memref<8x256xf32, #tpu.memory_space<hbm>>
        %dma_wait3A_26 = arith.constant 0 : i32
        %dma_wait3A_27 = tpu.memref_slice %arg4[%add3A_13, %dma_wait3A_26] : memref<16384x256xf32, #tpu.memory_space<hbm>> -> memref<8x256xf32, #tpu.memory_space<hbm>>
        tpu.wait_dma2 semaphore(%run_scoped3A : memref<!tpu.dma_semaphore, #tpu.memory_space<semaphore_mem>>) src(%dma_wait3A_27 : memref<8x256xf32, #tpu.memory_space<hbm>>) dst(%arg8 : memref<8x256xf32, #tpu.memory_space<vmem>>)
        tpu.yield
      }) : () -> ()
      %scan3A_14 = arith.constant 0 : i32
      %scan3A_15 = arith.constant 0 : i32
      %scan3A_16 = arith.constant 8 : i32
      %scan3A_17 = arith.addi %scan3A_15, %scan3A_16 : i32
      %scan3A_18 = arith.constant 1 : i32
      %scan3A_19 = scf.for %scan3A_22 = %scan3A_15 to %scan3A_17 step %scan3A_18 iter_args(%scan3A_23 = %scan3A_14) -> (i32)  : i32 {
        %broadcast_in_dim3A = vector.broadcast %scan3A_22 : i32 to vector<16xi32>
        %broadcast_in_dim3A_24 = arith.constant 0.000000e+00 : f32
        %broadcast_in_dim3A_25 = vector.broadcast %broadcast_in_dim3A_24 : f32 to vector<16xf32>
        %add3A_26 = arith.constant 0 : i32
        %add3A_27 = vector.broadcast %add3A_26 : i32 to vector<16xi32>
        %add3A_28 = arith.addi %iota3A, %add3A_27 : vector<16xi32>
        %lt3A = arith.constant 126 : i32
        %lt3A_29 = vector.broadcast %lt3A : i32 to vector<16xi32>
        %lt3A_30 = arith.cmpi slt, %add3A_28, %lt3A_29 : vector<16xi32>
        %add3A_31 = arith.constant 1 : i32
        %add3A_32 = vector.broadcast %add3A_31 : i32 to vector<16xi32>
        %add3A_33 = arith.addi %add3A_28, %add3A_32 : vector<16xi32>
        %min3A = arith.constant 127 : i32
        %min3A_34 = vector.broadcast %min3A : i32 to vector<16xi32>
        %min3A_35 = arith.minsi %add3A_33, %min3A_34 : vector<16xi32>
        %gather3A = tpu.vector_load_idx %arg7[%broadcast_in_dim3A, %min3A_35] : memref<8x128xf32, #tpu.memory_space<vmem>>[vector<16xi32>, vector<16xi32>], vector<16xf32>,
        %jit3A = arith.constant 0.000000e+00 : f32
        %broadcast_in_dim3A_36 = vector.broadcast %jit3A : f32 to vector<16xf32>
        %select_n3A = arith.select %lt3A_30, %gather3A, %broadcast_in_dim3A_36 : vector<16xi1>, vector<16xf32>
        %add3A_37 = arith.addf %broadcast_in_dim3A_25, %select_n3A : vector<16xf32>
        %add3A_38 = arith.constant 16 : i32
        %add3A_39 = vector.broadcast %add3A_38 : i32 to vector<16xi32>
        %add3A_40 = arith.addi %iota3A, %add3A_39 : vector<16xi32>
        %lt3A_41 = arith.constant 126 : i32
        %lt3A_42 = vector.broadcast %lt3A_41 : i32 to vector<16xi32>
        %lt3A_43 = arith.cmpi slt, %add3A_40, %lt3A_42 : vector<16xi32>
        %add3A_44 = arith.constant 1 : i32
        %add3A_45 = vector.broadcast %add3A_44 : i32 to vector<16xi32>
        %add3A_46 = arith.addi %add3A_40, %add3A_45 : vector<16xi32>
        %min3A_47 = arith.constant 127 : i32
        %min3A_48 = vector.broadcast %min3A_47 : i32 to vector<16xi32>
        %min3A_49 = arith.minsi %add3A_46, %min3A_48 : vector<16xi32>
        %gather3A_50 = tpu.vector_load_idx %arg7[%broadcast_in_dim3A, %min3A_49] : memref<8x128xf32, #tpu.memory_space<vmem>>[vector<16xi32>, vector<16xi32>], vector<16xf32>,
        %jit3A_51 = arith.constant 0.000000e+00 : f32
        %broadcast_in_dim3A_52 = vector.broadcast %jit3A_51 : f32 to vector<16xf32>
        %select_n3A_53 = arith.select %lt3A_43, %gather3A_50, %broadcast_in_dim3A_52 : vector<16xi1>, vector<16xf32>
        %add3A_54 = arith.addf %add3A_37, %select_n3A_53 : vector<16xf32>
        %add3A_55 = arith.constant 32 : i32
        %add3A_56 = vector.broadcast %add3A_55 : i32 to vector<16xi32>
        %add3A_57 = arith.addi %iota3A, %add3A_56 : vector<16xi32>
        %lt3A_58 = arith.constant 126 : i32
        %lt3A_59 = vector.broadcast %lt3A_58 : i32 to vector<16xi32>
        %lt3A_60 = arith.cmpi slt, %add3A_57, %lt3A_59 : vector<16xi32>
        %add3A_61 = arith.constant 1 : i32
        %add3A_62 = vector.broadcast %add3A_61 : i32 to vector<16xi32>
        %add3A_63 = arith.addi %add3A_57, %add3A_62 : vector<16xi32>
        %min3A_64 = arith.constant 127 : i32
        %min3A_65 = vector.broadcast %min3A_64 : i32 to vector<16xi32>
        %min3A_66 = arith.minsi %add3A_63, %min3A_65 : vector<16xi32>
        %gather3A_67 = tpu.vector_load_idx %arg7[%broadcast_in_dim3A, %min3A_66] : memref<8x128xf32, #tpu.memory_space<vmem>>[vector<16xi32>, vector<16xi32>], vector<16xf32>,
        %jit3A_68 = arith.constant 0.000000e+00 : f32
        %broadcast_in_dim3A_69 = vector.broadcast %jit3A_68 : f32 to vector<16xf32>
        %select_n3A_70 = arith.select %lt3A_60, %gather3A_67, %broadcast_in_dim3A_69 : vector<16xi1>, vector<16xf32>
        %add3A_71 = arith.addf %add3A_54, %select_n3A_70 : vector<16xf32>
        %add3A_72 = arith.constant 48 : i32
        %add3A_73 = vector.broadcast %add3A_72 : i32 to vector<16xi32>
        %add3A_74 = arith.addi %iota3A, %add3A_73 : vector<16xi32>
        %lt3A_75 = arith.constant 126 : i32
        %lt3A_76 = vector.broadcast %lt3A_75 : i32 to vector<16xi32>
        %lt3A_77 = arith.cmpi slt, %add3A_74, %lt3A_76 : vector<16xi32>
        %add3A_78 = arith.constant 1 : i32
        %add3A_79 = vector.broadcast %add3A_78 : i32 to vector<16xi32>
        %add3A_80 = arith.addi %add3A_74, %add3A_79 : vector<16xi32>
        %min3A_81 = arith.constant 127 : i32
        %min3A_82 = vector.broadcast %min3A_81 : i32 to vector<16xi32>
        %min3A_83 = arith.minsi %add3A_80, %min3A_82 : vector<16xi32>
        %gather3A_84 = tpu.vector_load_idx %arg7[%broadcast_in_dim3A, %min3A_83] : memref<8x128xf32, #tpu.memory_space<vmem>>[vector<16xi32>, vector<16xi32>], vector<16xf32>,
        %jit3A_85 = arith.constant 0.000000e+00 : f32
        %broadcast_in_dim3A_86 = vector.broadcast %jit3A_85 : f32 to vector<16xf32>
        %select_n3A_87 = arith.select %lt3A_77, %gather3A_84, %broadcast_in_dim3A_86 : vector<16xi1>, vector<16xf32>
        %add3A_88 = arith.addf %add3A_71, %select_n3A_87 : vector<16xf32>
        %add3A_89 = arith.constant 64 : i32
        %add3A_90 = vector.broadcast %add3A_89 : i32 to vector<16xi32>
        %add3A_91 = arith.addi %iota3A, %add3A_90 : vector<16xi32>
        %lt3A_92 = arith.constant 126 : i32
        %lt3A_93 = vector.broadcast %lt3A_92 : i32 to vector<16xi32>
        %lt3A_94 = arith.cmpi slt, %add3A_91, %lt3A_93 : vector<16xi32>
        %add3A_95 = arith.constant 1 : i32
        %add3A_96 = vector.broadcast %add3A_95 : i32 to vector<16xi32>
        %add3A_97 = arith.addi %add3A_91, %add3A_96 : vector<16xi32>
        %min3A_98 = arith.constant 127 : i32
        %min3A_99 = vector.broadcast %min3A_98 : i32 to vector<16xi32>
        %min3A_100 = arith.minsi %add3A_97, %min3A_99 : vector<16xi32>
        %gather3A_101 = tpu.vector_load_idx %arg7[%broadcast_in_dim3A, %min3A_100] : memref<8x128xf32, #tpu.memory_space<vmem>>[vector<16xi32>, vector<16xi32>], vector<16xf32>,
        %jit3A_102 = arith.constant 0.000000e+00 : f32
        %broadcast_in_dim3A_103 = vector.broadcast %jit3A_102 : f32 to vector<16xf32>
        %select_n3A_104 = arith.select %lt3A_94, %gather3A_101, %broadcast_in_dim3A_103 : vector<16xi1>, vector<16xf32>
        %add3A_105 = arith.addf %add3A_88, %select_n3A_104 : vector<16xf32>
        %add3A_106 = arith.constant 80 : i32
        %add3A_107 = vector.broadcast %add3A_106 : i32 to vector<16xi32>
        %add3A_108 = arith.addi %iota3A, %add3A_107 : vector<16xi32>
        %lt3A_109 = arith.constant 126 : i32
        %lt3A_110 = vector.broadcast %lt3A_109 : i32 to vector<16xi32>
        %lt3A_111 = arith.cmpi slt, %add3A_108, %lt3A_110 : vector<16xi32>
        %add3A_112 = arith.constant 1 : i32
        %add3A_113 = vector.broadcast %add3A_112 : i32 to vector<16xi32>
        %add3A_114 = arith.addi %add3A_108, %add3A_113 : vector<16xi32>
        %min3A_115 = arith.constant 127 : i32
        %min3A_116 = vector.broadcast %min3A_115 : i32 to vector<16xi32>
        %min3A_117 = arith.minsi %add3A_114, %min3A_116 : vector<16xi32>
        %gather3A_118 = tpu.vector_load_idx %arg7[%broadcast_in_dim3A, %min3A_117] : memref<8x128xf32, #tpu.memory_space<vmem>>[vector<16xi32>, vector<16xi32>], vector<16xf32>,
        %jit3A_119 = arith.constant 0.000000e+00 : f32
        %broadcast_in_dim3A_120 = vector.broadcast %jit3A_119 : f32 to vector<16xf32>
        %select_n3A_121 = arith.select %lt3A_111, %gather3A_118, %broadcast_in_dim3A_120 : vector<16xi1>, vector<16xf32>
        %add3A_122 = arith.addf %add3A_105, %select_n3A_121 : vector<16xf32>
        %add3A_123 = arith.constant 96 : i32
        %add3A_124 = vector.broadcast %add3A_123 : i32 to vector<16xi32>
        %add3A_125 = arith.addi %iota3A, %add3A_124 : vector<16xi32>
        %lt3A_126 = arith.constant 126 : i32
        %lt3A_127 = vector.broadcast %lt3A_126 : i32 to vector<16xi32>
        %lt3A_128 = arith.cmpi slt, %add3A_125, %lt3A_127 : vector<16xi32>
        %add3A_129 = arith.constant 1 : i32
        %add3A_130 = vector.broadcast %add3A_129 : i32 to vector<16xi32>
        %add3A_131 = arith.addi %add3A_125, %add3A_130 : vector<16xi32>
        %min3A_132 = arith.constant 127 : i32
        %min3A_133 = vector.broadcast %min3A_132 : i32 to vector<16xi32>
        %min3A_134 = arith.minsi %add3A_131, %min3A_133 : vector<16xi32>
        %gather3A_135 = tpu.vector_load_idx %arg7[%broadcast_in_dim3A, %min3A_134] : memref<8x128xf32, #tpu.memory_space<vmem>>[vector<16xi32>, vector<16xi32>], vector<16xf32>,
        %jit3A_136 = arith.constant 0.000000e+00 : f32
        %broadcast_in_dim3A_137 = vector.broadcast %jit3A_136 : f32 to vector<16xf32>
        %select_n3A_138 = arith.select %lt3A_128, %gather3A_135, %broadcast_in_dim3A_137 : vector<16xi1>, vector<16xf32>
        %add3A_139 = arith.addf %add3A_122, %select_n3A_138 : vector<16xf32>
        %add3A_140 = arith.constant 112 : i32
        %add3A_141 = vector.broadcast %add3A_140 : i32 to vector<16xi32>
        %add3A_142 = arith.addi %iota3A, %add3A_141 : vector<16xi32>
        %lt3A_143 = arith.constant 126 : i32
        %lt3A_144 = vector.broadcast %lt3A_143 : i32 to vector<16xi32>
        %lt3A_145 = arith.cmpi slt, %add3A_142, %lt3A_144 : vector<16xi32>
        %add3A_146 = arith.constant 1 : i32
        %add3A_147 = vector.broadcast %add3A_146 : i32 to vector<16xi32>
        %add3A_148 = arith.addi %add3A_142, %add3A_147 : vector<16xi32>
        %min3A_149 = arith.constant 127 : i32
        %min3A_150 = vector.broadcast %min3A_149 : i32 to vector<16xi32>
        %min3A_151 = arith.minsi %add3A_148, %min3A_150 : vector<16xi32>
        %gather3A_152 = tpu.vector_load_idx %arg7[%broadcast_in_dim3A, %min3A_151] : memref<8x128xf32, #tpu.memory_space<vmem>>[vector<16xi32>, vector<16xi32>], vector<16xf32>,
        %jit3A_153 = arith.constant 0.000000e+00 : f32
        %broadcast_in_dim3A_154 = vector.broadcast %jit3A_153 : f32 to vector<16xf32>
        %select_n3A_155 = arith.select %lt3A_145, %gather3A_152, %broadcast_in_dim3A_154 : vector<16xi1>, vector<16xf32>
        %add3A_156 = arith.addf %add3A_139, %select_n3A_155 : vector<16xf32>
        %reduce_sum3A = arith.constant true
        %reduce_sum3A_157 = vector.broadcast %reduce_sum3A : i1 to vector<16xi1>
        %reduce_sum3A_158 = tpu.scan <sum>, %add3A_156 masked %reduce_sum3A_157 : vector<16xf32>, vector<16xi1> -> vector<16xf32>
        %reduce_sum3A_159 = vector.extract %reduce_sum3A_158[15] : f32 from vector<16xf32>
        %add3A_160 = arith.constant 1.260000e-03 : f32
        %add3A_161 = arith.addf %reduce_sum3A_159, %add3A_160 : f32
        %broadcast_in_dim3A_162 = vector.broadcast %add3A_161 : f32 to vector<16xf32>
        %broadcast_in_dim3A_163 = arith.constant 0.000000e+00 : f32
        %broadcast_in_dim3A_164 = vector.broadcast %broadcast_in_dim3A_163 : f32 to vector<16xf32>
        %add3A_165 = arith.constant 0 : i32
        %add3A_166 = vector.broadcast %add3A_165 : i32 to vector<16xi32>
        %add3A_167 = arith.addi %iota3A, %add3A_166 : vector<16xi32>
        %lt3A_168 = arith.constant 126 : i32
        %lt3A_169 = vector.broadcast %lt3A_168 : i32 to vector<16xi32>
        %lt3A_170 = arith.cmpi slt, %add3A_167, %lt3A_169 : vector<16xi32>
        %add3A_171 = arith.constant 1 : i32
        %add3A_172 = vector.broadcast %add3A_171 : i32 to vector<16xi32>
        %add3A_173 = arith.addi %add3A_167, %add3A_172 : vector<16xi32>
        %min3A_174 = arith.constant 127 : i32
        %min3A_175 = vector.broadcast %min3A_174 : i32 to vector<16xi32>
        %min3A_176 = arith.minsi %add3A_173, %min3A_175 : vector<16xi32>
        %gather3A_177 = tpu.vector_load_idx %arg7[%broadcast_in_dim3A, %min3A_176] : memref<8x128xf32, #tpu.memory_space<vmem>>[vector<16xi32>, vector<16xi32>], vector<16xf32>,
        %add3A_178 = arith.constant 9.99999974E-6 : f32
        %add3A_179 = vector.broadcast %add3A_178 : f32 to vector<16xf32>
        %add3A_180 = arith.addf %gather3A_177, %add3A_179 : vector<16xf32>
        %div3A = arith.divf %add3A_180, %broadcast_in_dim3A_162 : vector<16xf32>
        %jit3A_181 = arith.constant 0.000000e+00 : f32
        %broadcast_in_dim3A_182 = vector.broadcast %jit3A_181 : f32 to vector<16xf32>
        %select_n3A_183 = arith.select %lt3A_170, %div3A, %broadcast_in_dim3A_182 : vector<16xi1>, vector<16xf32>
        %broadcast_in_dim3A_184 = arith.constant true
        %broadcast_in_dim3A_185 = vector.broadcast %broadcast_in_dim3A_184 : i1 to vector<16xi1>
        %masked_cumsum3A = tpu.scan <sum>, %select_n3A_183 masked %broadcast_in_dim3A_185 : vector<16xf32>, vector<16xi1> -> vector<16xf32>
        %add3A_186 = arith.addf %masked_cumsum3A, %broadcast_in_dim3A_164 : vector<16xf32>
        %swap3A = arith.constant 0 : index
        %swap3A_187 = tpu.vector_load %arg9[%swap3A] {strides = array<i32>} : memref<128xf32, #tpu.memory_space<vmem>>, vector<16xf32>,
        tpu.vector_store %arg9[%swap3A], %add3A_186 {strides = array<i32>} : memref<128xf32, #tpu.memory_space<vmem>>, vector<16xf32>,
        %reduce_max3A = arith.constant true
        %reduce_max3A_188 = vector.broadcast %reduce_max3A : i1 to vector<16xi1>
        %reduce_max3A_189 = tpu.scan <max>, %add3A_186 masked %reduce_max3A_188 : vector<16xf32>, vector<16xi1> -> vector<16xf32>
        %reduce_max3A_190 = vector.extract %reduce_max3A_189[15] : f32 from vector<16xf32>
        %broadcast_in_dim3A_191 = vector.broadcast %reduce_max3A_190 : f32 to vector<16xf32>
        %add3A_192 = arith.constant 16 : i32
        %add3A_193 = vector.broadcast %add3A_192 : i32 to vector<16xi32>
        %add3A_194 = arith.addi %iota3A, %add3A_193 : vector<16xi32>
        %lt3A_195 = arith.constant 126 : i32
        %lt3A_196 = vector.broadcast %lt3A_195 : i32 to vector<16xi32>
        %lt3A_197 = arith.cmpi slt, %add3A_194, %lt3A_196 : vector<16xi32>
        %add3A_198 = arith.constant 1 : i32
        %add3A_199 = vector.broadcast %add3A_198 : i32 to vector<16xi32>
        %add3A_200 = arith.addi %add3A_194, %add3A_199 : vector<16xi32>
        %min3A_201 = arith.constant 127 : i32
        %min3A_202 = vector.broadcast %min3A_201 : i32 to vector<16xi32>
        %min3A_203 = arith.minsi %add3A_200, %min3A_202 : vector<16xi32>
        %gather3A_204 = tpu.vector_load_idx %arg7[%broadcast_in_dim3A, %min3A_203] : memref<8x128xf32, #tpu.memory_space<vmem>>[vector<16xi32>, vector<16xi32>], vector<16xf32>,
        %add3A_205 = arith.constant 9.99999974E-6 : f32
        %add3A_206 = vector.broadcast %add3A_205 : f32 to vector<16xf32>
        %add3A_207 = arith.addf %gather3A_204, %add3A_206 : vector<16xf32>
        %div3A_208 = arith.divf %add3A_207, %broadcast_in_dim3A_162 : vector<16xf32>
        %jit3A_209 = arith.constant 0.000000e+00 : f32
        %broadcast_in_dim3A_210 = vector.broadcast %jit3A_209 : f32 to vector<16xf32>
        %select_n3A_211 = arith.select %lt3A_197, %div3A_208, %broadcast_in_dim3A_210 : vector<16xi1>, vector<16xf32>
        %broadcast_in_dim3A_212 = arith.constant true
        %broadcast_in_dim3A_213 = vector.broadcast %broadcast_in_dim3A_212 : i1 to vector<16xi1>
        %masked_cumsum3A_214 = tpu.scan <sum>, %select_n3A_211 masked %broadcast_in_dim3A_213 : vector<16xf32>, vector<16xi1> -> vector<16xf32>
        %add3A_215 = arith.addf %masked_cumsum3A_214, %broadcast_in_dim3A_191 : vector<16xf32>
        %swap3A_216 = arith.constant 16 : index
        %swap3A_217 = tpu.vector_load %arg9[%swap3A_216] {strides = array<i32>} : memref<128xf32, #tpu.memory_space<vmem>>, vector<16xf32>,
        tpu.vector_store %arg9[%swap3A_216], %add3A_215 {strides = array<i32>} : memref<128xf32, #tpu.memory_space<vmem>>, vector<16xf32>,
        %reduce_max3A_218 = arith.constant true
        %reduce_max3A_219 = vector.broadcast %reduce_max3A_218 : i1 to vector<16xi1>
        %reduce_max3A_220 = tpu.scan <max>, %add3A_215 masked %reduce_max3A_219 : vector<16xf32>, vector<16xi1> -> vector<16xf32>
        %reduce_max3A_221 = vector.extract %reduce_max3A_220[15] : f32 from vector<16xf32>
        %broadcast_in_dim3A_222 = vector.broadcast %reduce_max3A_221 : f32 to vector<16xf32>
        %add3A_223 = arith.constant 32 : i32
        %add3A_224 = vector.broadcast %add3A_223 : i32 to vector<16xi32>
        %add3A_225 = arith.addi %iota3A, %add3A_224 : vector<16xi32>
        %lt3A_226 = arith.constant 126 : i32
        %lt3A_227 = vector.broadcast %lt3A_226 : i32 to vector<16xi32>
        %lt3A_228 = arith.cmpi slt, %add3A_225, %lt3A_227 : vector<16xi32>
        %add3A_229 = arith.constant 1 : i32
        %add3A_230 = vector.broadcast %add3A_229 : i32 to vector<16xi32>
        %add3A_231 = arith.addi %add3A_225, %add3A_230 : vector<16xi32>
        %min3A_232 = arith.constant 127 : i32
        %min3A_233 = vector.broadcast %min3A_232 : i32 to vector<16xi32>
        %min3A_234 = arith.minsi %add3A_231, %min3A_233 : vector<16xi32>
        %gather3A_235 = tpu.vector_load_idx %arg7[%broadcast_in_dim3A, %min3A_234] : memref<8x128xf32, #tpu.memory_space<vmem>>[vector<16xi32>, vector<16xi32>], vector<16xf32>,
        %add3A_236 = arith.constant 9.99999974E-6 : f32
        %add3A_237 = vector.broadcast %add3A_236 : f32 to vector<16xf32>
        %add3A_238 = arith.addf %gather3A_235, %add3A_237 : vector<16xf32>
        %div3A_239 = arith.divf %add3A_238, %broadcast_in_dim3A_162 : vector<16xf32>
        %jit3A_240 = arith.constant 0.000000e+00 : f32
        %broadcast_in_dim3A_241 = vector.broadcast %jit3A_240 : f32 to vector<16xf32>
        %select_n3A_242 = arith.select %lt3A_228, %div3A_239, %broadcast_in_dim3A_241 : vector<16xi1>, vector<16xf32>
        %broadcast_in_dim3A_243 = arith.constant true
        %broadcast_in_dim3A_244 = vector.broadcast %broadcast_in_dim3A_243 : i1 to vector<16xi1>
        %masked_cumsum3A_245 = tpu.scan <sum>, %select_n3A_242 masked %broadcast_in_dim3A_244 : vector<16xf32>, vector<16xi1> -> vector<16xf32>
        %add3A_246 = arith.addf %masked_cumsum3A_245, %broadcast_in_dim3A_222 : vector<16xf32>
        %swap3A_247 = arith.constant 32 : index
        %swap3A_248 = tpu.vector_load %arg9[%swap3A_247] {strides = array<i32>} : memref<128xf32, #tpu.memory_space<vmem>>, vector<16xf32>,
        tpu.vector_store %arg9[%swap3A_247], %add3A_246 {strides = array<i32>} : memref<128xf32, #tpu.memory_space<vmem>>, vector<16xf32>,
        %reduce_max3A_249 = arith.constant true
        %reduce_max3A_250 = vector.broadcast %reduce_max3A_249 : i1 to vector<16xi1>
        %reduce_max3A_251 = tpu.scan <max>, %add3A_246 masked %reduce_max3A_250 : vector<16xf32>, vector<16xi1> -> vector<16xf32>
        %reduce_max3A_252 = vector.extract %reduce_max3A_251[15] : f32 from vector<16xf32>
        %broadcast_in_dim3A_253 = vector.broadcast %reduce_max3A_252 : f32 to vector<16xf32>
        %add3A_254 = arith.constant 48 : i32
        %add3A_255 = vector.broadcast %add3A_254 : i32 to vector<16xi32>
        %add3A_256 = arith.addi %iota3A, %add3A_255 : vector<16xi32>
        %lt3A_257 = arith.constant 126 : i32
        %lt3A_258 = vector.broadcast %lt3A_257 : i32 to vector<16xi32>
        %lt3A_259 = arith.cmpi slt, %add3A_256, %lt3A_258 : vector<16xi32>
        %add3A_260 = arith.constant 1 : i32
        %add3A_261 = vector.broadcast %add3A_260 : i32 to vector<16xi32>
        %add3A_262 = arith.addi %add3A_256, %add3A_261 : vector<16xi32>
        %min3A_263 = arith.constant 127 : i32
        %min3A_264 = vector.broadcast %min3A_263 : i32 to vector<16xi32>
        %min3A_265 = arith.minsi %add3A_262, %min3A_264 : vector<16xi32>
        %gather3A_266 = tpu.vector_load_idx %arg7[%broadcast_in_dim3A, %min3A_265] : memref<8x128xf32, #tpu.memory_space<vmem>>[vector<16xi32>, vector<16xi32>], vector<16xf32>,
        %add3A_267 = arith.constant 9.99999974E-6 : f32
        %add3A_268 = vector.broadcast %add3A_267 : f32 to vector<16xf32>
        %add3A_269 = arith.addf %gather3A_266, %add3A_268 : vector<16xf32>
        %div3A_270 = arith.divf %add3A_269, %broadcast_in_dim3A_162 : vector<16xf32>
        %jit3A_271 = arith.constant 0.000000e+00 : f32
        %broadcast_in_dim3A_272 = vector.broadcast %jit3A_271 : f32 to vector<16xf32>
        %select_n3A_273 = arith.select %lt3A_259, %div3A_270, %broadcast_in_dim3A_272 : vector<16xi1>, vector<16xf32>
        %broadcast_in_dim3A_274 = arith.constant true
        %broadcast_in_dim3A_275 = vector.broadcast %broadcast_in_dim3A_274 : i1 to vector<16xi1>
        %masked_cumsum3A_276 = tpu.scan <sum>, %select_n3A_273 masked %broadcast_in_dim3A_275 : vector<16xf32>, vector<16xi1> -> vector<16xf32>
        %add3A_277 = arith.addf %masked_cumsum3A_276, %broadcast_in_dim3A_253 : vector<16xf32>
        %swap3A_278 = arith.constant 48 : index
        %swap3A_279 = tpu.vector_load %arg9[%swap3A_278] {strides = array<i32>} : memref<128xf32, #tpu.memory_space<vmem>>, vector<16xf32>,
        tpu.vector_store %arg9[%swap3A_278], %add3A_277 {strides = array<i32>} : memref<128xf32, #tpu.memory_space<vmem>>, vector<16xf32>,
        %reduce_max3A_280 = arith.constant true
        %reduce_max3A_281 = vector.broadcast %reduce_max3A_280 : i1 to vector<16xi1>
        %reduce_max3A_282 = tpu.scan <max>, %add3A_277 masked %reduce_max3A_281 : vector<16xf32>, vector<16xi1> -> vector<16xf32>
        %reduce_max3A_283 = vector.extract %reduce_max3A_282[15] : f32 from vector<16xf32>
        %broadcast_in_dim3A_284 = vector.broadcast %reduce_max3A_283 : f32 to vector<16xf32>
        %add3A_285 = arith.constant 64 : i32
        %add3A_286 = vector.broadcast %add3A_285 : i32 to vector<16xi32>
        %add3A_287 = arith.addi %iota3A, %add3A_286 : vector<16xi32>
        %lt3A_288 = arith.constant 126 : i32
        %lt3A_289 = vector.broadcast %lt3A_288 : i32 to vector<16xi32>
        %lt3A_290 = arith.cmpi slt, %add3A_287, %lt3A_289 : vector<16xi32>
        %add3A_291 = arith.constant 1 : i32
        %add3A_292 = vector.broadcast %add3A_291 : i32 to vector<16xi32>
        %add3A_293 = arith.addi %add3A_287, %add3A_292 : vector<16xi32>
        %min3A_294 = arith.constant 127 : i32
        %min3A_295 = vector.broadcast %min3A_294 : i32 to vector<16xi32>
        %min3A_296 = arith.minsi %add3A_293, %min3A_295 : vector<16xi32>
        %gather3A_297 = tpu.vector_load_idx %arg7[%broadcast_in_dim3A, %min3A_296] : memref<8x128xf32, #tpu.memory_space<vmem>>[vector<16xi32>, vector<16xi32>], vector<16xf32>,
        %add3A_298 = arith.constant 9.99999974E-6 : f32
        %add3A_299 = vector.broadcast %add3A_298 : f32 to vector<16xf32>
        %add3A_300 = arith.addf %gather3A_297, %add3A_299 : vector<16xf32>
        %div3A_301 = arith.divf %add3A_300, %broadcast_in_dim3A_162 : vector<16xf32>
        %jit3A_302 = arith.constant 0.000000e+00 : f32
        %broadcast_in_dim3A_303 = vector.broadcast %jit3A_302 : f32 to vector<16xf32>
        %select_n3A_304 = arith.select %lt3A_290, %div3A_301, %broadcast_in_dim3A_303 : vector<16xi1>, vector<16xf32>
        %broadcast_in_dim3A_305 = arith.constant true
        %broadcast_in_dim3A_306 = vector.broadcast %broadcast_in_dim3A_305 : i1 to vector<16xi1>
        %masked_cumsum3A_307 = tpu.scan <sum>, %select_n3A_304 masked %broadcast_in_dim3A_306 : vector<16xf32>, vector<16xi1> -> vector<16xf32>
        %add3A_308 = arith.addf %masked_cumsum3A_307, %broadcast_in_dim3A_284 : vector<16xf32>
        %swap3A_309 = arith.constant 64 : index
        %swap3A_310 = tpu.vector_load %arg9[%swap3A_309] {strides = array<i32>} : memref<128xf32, #tpu.memory_space<vmem>>, vector<16xf32>,
        tpu.vector_store %arg9[%swap3A_309], %add3A_308 {strides = array<i32>} : memref<128xf32, #tpu.memory_space<vmem>>, vector<16xf32>,
        %reduce_max3A_311 = arith.constant true
        %reduce_max3A_312 = vector.broadcast %reduce_max3A_311 : i1 to vector<16xi1>
        %reduce_max3A_313 = tpu.scan <max>, %add3A_308 masked %reduce_max3A_312 : vector<16xf32>, vector<16xi1> -> vector<16xf32>
        %reduce_max3A_314 = vector.extract %reduce_max3A_313[15] : f32 from vector<16xf32>
        %broadcast_in_dim3A_315 = vector.broadcast %reduce_max3A_314 : f32 to vector<16xf32>
        %add3A_316 = arith.constant 80 : i32
        %add3A_317 = vector.broadcast %add3A_316 : i32 to vector<16xi32>
        %add3A_318 = arith.addi %iota3A, %add3A_317 : vector<16xi32>
        %lt3A_319 = arith.constant 126 : i32
        %lt3A_320 = vector.broadcast %lt3A_319 : i32 to vector<16xi32>
        %lt3A_321 = arith.cmpi slt, %add3A_318, %lt3A_320 : vector<16xi32>
        %add3A_322 = arith.constant 1 : i32
        %add3A_323 = vector.broadcast %add3A_322 : i32 to vector<16xi32>
        %add3A_324 = arith.addi %add3A_318, %add3A_323 : vector<16xi32>
        %min3A_325 = arith.constant 127 : i32
        %min3A_326 = vector.broadcast %min3A_325 : i32 to vector<16xi32>
        %min3A_327 = arith.minsi %add3A_324, %min3A_326 : vector<16xi32>
        %gather3A_328 = tpu.vector_load_idx %arg7[%broadcast_in_dim3A, %min3A_327] : memref<8x128xf32, #tpu.memory_space<vmem>>[vector<16xi32>, vector<16xi32>], vector<16xf32>,
        %add3A_329 = arith.constant 9.99999974E-6 : f32
        %add3A_330 = vector.broadcast %add3A_329 : f32 to vector<16xf32>
        %add3A_331 = arith.addf %gather3A_328, %add3A_330 : vector<16xf32>
        %div3A_332 = arith.divf %add3A_331, %broadcast_in_dim3A_162 : vector<16xf32>
        %jit3A_333 = arith.constant 0.000000e+00 : f32
        %broadcast_in_dim3A_334 = vector.broadcast %jit3A_333 : f32 to vector<16xf32>
        %select_n3A_335 = arith.select %lt3A_321, %div3A_332, %broadcast_in_dim3A_334 : vector<16xi1>, vector<16xf32>
        %broadcast_in_dim3A_336 = arith.constant true
        %broadcast_in_dim3A_337 = vector.broadcast %broadcast_in_dim3A_336 : i1 to vector<16xi1>
        %masked_cumsum3A_338 = tpu.scan <sum>, %select_n3A_335 masked %broadcast_in_dim3A_337 : vector<16xf32>, vector<16xi1> -> vector<16xf32>
        %add3A_339 = arith.addf %masked_cumsum3A_338, %broadcast_in_dim3A_315 : vector<16xf32>
        %swap3A_340 = arith.constant 80 : index
        %swap3A_341 = tpu.vector_load %arg9[%swap3A_340] {strides = array<i32>} : memref<128xf32, #tpu.memory_space<vmem>>, vector<16xf32>,
        tpu.vector_store %arg9[%swap3A_340], %add3A_339 {strides = array<i32>} : memref<128xf32, #tpu.memory_space<vmem>>, vector<16xf32>,
        %reduce_max3A_342 = arith.constant true
        %reduce_max3A_343 = vector.broadcast %reduce_max3A_342 : i1 to vector<16xi1>
        %reduce_max3A_344 = tpu.scan <max>, %add3A_339 masked %reduce_max3A_343 : vector<16xf32>, vector<16xi1> -> vector<16xf32>
        %reduce_max3A_345 = vector.extract %reduce_max3A_344[15] : f32 from vector<16xf32>
        %broadcast_in_dim3A_346 = vector.broadcast %reduce_max3A_345 : f32 to vector<16xf32>
        %add3A_347 = arith.constant 96 : i32
        %add3A_348 = vector.broadcast %add3A_347 : i32 to vector<16xi32>
        %add3A_349 = arith.addi %iota3A, %add3A_348 : vector<16xi32>
        %lt3A_350 = arith.constant 126 : i32
        %lt3A_351 = vector.broadcast %lt3A_350 : i32 to vector<16xi32>
        %lt3A_352 = arith.cmpi slt, %add3A_349, %lt3A_351 : vector<16xi32>
        %add3A_353 = arith.constant 1 : i32
        %add3A_354 = vector.broadcast %add3A_353 : i32 to vector<16xi32>
        %add3A_355 = arith.addi %add3A_349, %add3A_354 : vector<16xi32>
        %min3A_356 = arith.constant 127 : i32
        %min3A_357 = vector.broadcast %min3A_356 : i32 to vector<16xi32>
        %min3A_358 = arith.minsi %add3A_355, %min3A_357 : vector<16xi32>
        %gather3A_359 = tpu.vector_load_idx %arg7[%broadcast_in_dim3A, %min3A_358] : memref<8x128xf32, #tpu.memory_space<vmem>>[vector<16xi32>, vector<16xi32>], vector<16xf32>,
        %add3A_360 = arith.constant 9.99999974E-6 : f32
        %add3A_361 = vector.broadcast %add3A_360 : f32 to vector<16xf32>
        %add3A_362 = arith.addf %gather3A_359, %add3A_361 : vector<16xf32>
        %div3A_363 = arith.divf %add3A_362, %broadcast_in_dim3A_162 : vector<16xf32>
        %jit3A_364 = arith.constant 0.000000e+00 : f32
        %broadcast_in_dim3A_365 = vector.broadcast %jit3A_364 : f32 to vector<16xf32>
        %select_n3A_366 = arith.select %lt3A_352, %div3A_363, %broadcast_in_dim3A_365 : vector<16xi1>, vector<16xf32>
        %broadcast_in_dim3A_367 = arith.constant true
        %broadcast_in_dim3A_368 = vector.broadcast %broadcast_in_dim3A_367 : i1 to vector<16xi1>
        %masked_cumsum3A_369 = tpu.scan <sum>, %select_n3A_366 masked %broadcast_in_dim3A_368 : vector<16xf32>, vector<16xi1> -> vector<16xf32>
        %add3A_370 = arith.addf %masked_cumsum3A_369, %broadcast_in_dim3A_346 : vector<16xf32>
        %swap3A_371 = arith.constant 96 : index
        %swap3A_372 = tpu.vector_load %arg9[%swap3A_371] {strides = array<i32>} : memref<128xf32, #tpu.memory_space<vmem>>, vector<16xf32>,
        tpu.vector_store %arg9[%swap3A_371], %add3A_370 {strides = array<i32>} : memref<128xf32, #tpu.memory_space<vmem>>, vector<16xf32>,
        %reduce_max3A_373 = arith.constant true
        %reduce_max3A_374 = vector.broadcast %reduce_max3A_373 : i1 to vector<16xi1>
        %reduce_max3A_375 = tpu.scan <max>, %add3A_370 masked %reduce_max3A_374 : vector<16xf32>, vector<16xi1> -> vector<16xf32>
        %reduce_max3A_376 = vector.extract %reduce_max3A_375[15] : f32 from vector<16xf32>
        %broadcast_in_dim3A_377 = vector.broadcast %reduce_max3A_376 : f32 to vector<16xf32>
        %add3A_378 = arith.constant 112 : i32
        %add3A_379 = vector.broadcast %add3A_378 : i32 to vector<16xi32>
        %add3A_380 = arith.addi %iota3A, %add3A_379 : vector<16xi32>
        %lt3A_381 = arith.constant 126 : i32
        %lt3A_382 = vector.broadcast %lt3A_381 : i32 to vector<16xi32>
        %lt3A_383 = arith.cmpi slt, %add3A_380, %lt3A_382 : vector<16xi32>
        %add3A_384 = arith.constant 1 : i32
        %add3A_385 = vector.broadcast %add3A_384 : i32 to vector<16xi32>
        %add3A_386 = arith.addi %add3A_380, %add3A_385 : vector<16xi32>
        %min3A_387 = arith.constant 127 : i32
        %min3A_388 = vector.broadcast %min3A_387 : i32 to vector<16xi32>
        %min3A_389 = arith.minsi %add3A_386, %min3A_388 : vector<16xi32>
        %gather3A_390 = tpu.vector_load_idx %arg7[%broadcast_in_dim3A, %min3A_389] : memref<8x128xf32, #tpu.memory_space<vmem>>[vector<16xi32>, vector<16xi32>], vector<16xf32>,
        %add3A_391 = arith.constant 9.99999974E-6 : f32
        %add3A_392 = vector.broadcast %add3A_391 : f32 to vector<16xf32>
        %add3A_393 = arith.addf %gather3A_390, %add3A_392 : vector<16xf32>
        %div3A_394 = arith.divf %add3A_393, %broadcast_in_dim3A_162 : vector<16xf32>
        %jit3A_395 = arith.constant 0.000000e+00 : f32
        %broadcast_in_dim3A_396 = vector.broadcast %jit3A_395 : f32 to vector<16xf32>
        %select_n3A_397 = arith.select %lt3A_383, %div3A_394, %broadcast_in_dim3A_396 : vector<16xi1>, vector<16xf32>
        %broadcast_in_dim3A_398 = arith.constant true
        %broadcast_in_dim3A_399 = vector.broadcast %broadcast_in_dim3A_398 : i1 to vector<16xi1>
        %masked_cumsum3A_400 = tpu.scan <sum>, %select_n3A_397 masked %broadcast_in_dim3A_399 : vector<16xf32>, vector<16xi1> -> vector<16xf32>
        %add3A_401 = arith.addf %masked_cumsum3A_400, %broadcast_in_dim3A_377 : vector<16xf32>
        %swap3A_402 = arith.constant 112 : index
        %swap3A_403 = tpu.vector_load %arg9[%swap3A_402] {strides = array<i32>} : memref<128xf32, #tpu.memory_space<vmem>>, vector<16xf32>,
        tpu.vector_store %arg9[%swap3A_402], %add3A_401 {strides = array<i32>} : memref<128xf32, #tpu.memory_space<vmem>>, vector<16xf32>,
        %reduce_max3A_404 = arith.constant true
        %reduce_max3A_405 = vector.broadcast %reduce_max3A_404 : i1 to vector<16xi1>
        %reduce_max3A_406 = tpu.scan <max>, %add3A_401 masked %reduce_max3A_405 : vector<16xf32>, vector<16xi1> -> vector<16xf32>
        %reduce_max3A_407 = vector.extract %reduce_max3A_406[15] : f32 from vector<16xf32>
        %broadcast_in_dim3A_408 = vector.broadcast %reduce_max3A_407 : f32 to vector<16xf32>
        %add3A_409 = arith.constant 0 : i32
        %add3A_410 = vector.broadcast %add3A_409 : i32 to vector<16xi32>
        %add3A_411 = arith.addi %iota3A, %add3A_410 : vector<16xi32>
        %gather3A_412 = tpu.vector_load_idx %arg8[%broadcast_in_dim3A, %add3A_411] : memref<8x256xf32, #tpu.memory_space<vmem>>[vector<16xi32>, vector<16xi32>], vector<16xf32>,
        %broadcast_in_dim3A_413 = arith.constant 0 : i32
        %broadcast_in_dim3A_414 = vector.broadcast %broadcast_in_dim3A_413 : i32 to vector<16xi32>
        %add3A_415 = arith.constant 64 : i32
        %add3A_416 = vector.broadcast %add3A_415 : i32 to vector<16xi32>
        %add3A_417 = arith.addi %broadcast_in_dim3A_414, %add3A_416 : vector<16xi32>
        %sub3A = arith.constant 1 : i32
        %sub3A_418 = vector.broadcast %sub3A : i32 to vector<16xi32>
        %sub3A_419 = arith.subi %add3A_417, %sub3A_418 : vector<16xi32>
        %gather3A_420 = tpu.vector_load_idx %arg9[%sub3A_419] : memref<128xf32, #tpu.memory_space<vmem>>[vector<16xi32>], vector<16xf32>,
        %le3A = arith.cmpf ole, %gather3A_420, %gather3A_412 : vector<16xf32>
        %le3A_421 = arith.constant 126 : i32
        %le3A_422 = vector.broadcast %le3A_421 : i32 to vector<16xi32>
        %le3A_423 = arith.cmpi sle, %add3A_417, %le3A_422 : vector<16xi32>
        %and3A = arith.andi %le3A, %le3A_423 : vector<16xi1>
        %select_n3A_424 = arith.select %and3A, %add3A_417, %broadcast_in_dim3A_414 : vector<16xi1>, vector<16xi32>
        %add3A_425 = arith.constant 32 : i32
        %add3A_426 = vector.broadcast %add3A_425 : i32 to vector<16xi32>
        %add3A_427 = arith.addi %select_n3A_424, %add3A_426 : vector<16xi32>
        %sub3A_428 = arith.constant 1 : i32
        %sub3A_429 = vector.broadcast %sub3A_428 : i32 to vector<16xi32>
        %sub3A_430 = arith.subi %add3A_427, %sub3A_429 : vector<16xi32>
        %gather3A_431 = tpu.vector_load_idx %arg9[%sub3A_430] : memref<128xf32, #tpu.memory_space<vmem>>[vector<16xi32>], vector<16xf32>,
        %le3A_432 = arith.cmpf ole, %gather3A_431, %gather3A_412 : vector<16xf32>
        %le3A_433 = arith.constant 126 : i32
        %le3A_434 = vector.broadcast %le3A_433 : i32 to vector<16xi32>
        %le3A_435 = arith.cmpi sle, %add3A_427, %le3A_434 : vector<16xi32>
        %and3A_436 = arith.andi %le3A_432, %le3A_435 : vector<16xi1>
        %select_n3A_437 = arith.select %and3A_436, %add3A_427, %select_n3A_424 : vector<16xi1>, vector<16xi32>
        %add3A_438 = arith.constant 16 : i32
        %add3A_439 = vector.broadcast %add3A_438 : i32 to vector<16xi32>
        %add3A_440 = arith.addi %select_n3A_437, %add3A_439 : vector<16xi32>
        %sub3A_441 = arith.constant 1 : i32
        %sub3A_442 = vector.broadcast %sub3A_441 : i32 to vector<16xi32>
        %sub3A_443 = arith.subi %add3A_440, %sub3A_442 : vector<16xi32>
        %gather3A_444 = tpu.vector_load_idx %arg9[%sub3A_443] : memref<128xf32, #tpu.memory_space<vmem>>[vector<16xi32>], vector<16xf32>,
        %le3A_445 = arith.cmpf ole, %gather3A_444, %gather3A_412 : vector<16xf32>
        %le3A_446 = arith.constant 126 : i32
        %le3A_447 = vector.broadcast %le3A_446 : i32 to vector<16xi32>
        %le3A_448 = arith.cmpi sle, %add3A_440, %le3A_447 : vector<16xi32>
        %and3A_449 = arith.andi %le3A_445, %le3A_448 : vector<16xi1>
        %select_n3A_450 = arith.select %and3A_449, %add3A_440, %select_n3A_437 : vector<16xi1>, vector<16xi32>
        %add3A_451 = arith.constant 8 : i32
        %add3A_452 = vector.broadcast %add3A_451 : i32 to vector<16xi32>
        %add3A_453 = arith.addi %select_n3A_450, %add3A_452 : vector<16xi32>
        %sub3A_454 = arith.constant 1 : i32
        %sub3A_455 = vector.broadcast %sub3A_454 : i32 to vector<16xi32>
        %sub3A_456 = arith.subi %add3A_453, %sub3A_455 : vector<16xi32>
        %gather3A_457 = tpu.vector_load_idx %arg9[%sub3A_456] : memref<128xf32, #tpu.memory_space<vmem>>[vector<16xi32>], vector<16xf32>,
        %le3A_458 = arith.cmpf ole, %gather3A_457, %gather3A_412 : vector<16xf32>
        %le3A_459 = arith.constant 126 : i32
        %le3A_460 = vector.broadcast %le3A_459 : i32 to vector<16xi32>
        %le3A_461 = arith.cmpi sle, %add3A_453, %le3A_460 : vector<16xi32>
        %and3A_462 = arith.andi %le3A_458, %le3A_461 : vector<16xi1>
        %select_n3A_463 = arith.select %and3A_462, %add3A_453, %select_n3A_450 : vector<16xi1>, vector<16xi32>
        %add3A_464 = arith.constant 4 : i32
        %add3A_465 = vector.broadcast %add3A_464 : i32 to vector<16xi32>
        %add3A_466 = arith.addi %select_n3A_463, %add3A_465 : vector<16xi32>
        %sub3A_467 = arith.constant 1 : i32
        %sub3A_468 = vector.broadcast %sub3A_467 : i32 to vector<16xi32>
        %sub3A_469 = arith.subi %add3A_466, %sub3A_468 : vector<16xi32>
        %gather3A_470 = tpu.vector_load_idx %arg9[%sub3A_469] : memref<128xf32, #tpu.memory_space<vmem>>[vector<16xi32>], vector<16xf32>,
        %le3A_471 = arith.cmpf ole, %gather3A_470, %gather3A_412 : vector<16xf32>
        %le3A_472 = arith.constant 126 : i32
        %le3A_473 = vector.broadcast %le3A_472 : i32 to vector<16xi32>
        %le3A_474 = arith.cmpi sle, %add3A_466, %le3A_473 : vector<16xi32>
        %and3A_475 = arith.andi %le3A_471, %le3A_474 : vector<16xi1>
        %select_n3A_476 = arith.select %and3A_475, %add3A_466, %select_n3A_463 : vector<16xi1>, vector<16xi32>
        %add3A_477 = arith.constant 2 : i32
        %add3A_478 = vector.broadcast %add3A_477 : i32 to vector<16xi32>
        %add3A_479 = arith.addi %select_n3A_476, %add3A_478 : vector<16xi32>
        %sub3A_480 = arith.constant 1 : i32
        %sub3A_481 = vector.broadcast %sub3A_480 : i32 to vector<16xi32>
        %sub3A_482 = arith.subi %add3A_479, %sub3A_481 : vector<16xi32>
        %gather3A_483 = tpu.vector_load_idx %arg9[%sub3A_482] : memref<128xf32, #tpu.memory_space<vmem>>[vector<16xi32>], vector<16xf32>,
        %le3A_484 = arith.cmpf ole, %gather3A_483, %gather3A_412 : vector<16xf32>
        %le3A_485 = arith.constant 126 : i32
        %le3A_486 = vector.broadcast %le3A_485 : i32 to vector<16xi32>
        %le3A_487 = arith.cmpi sle, %add3A_479, %le3A_486 : vector<16xi32>
        %and3A_488 = arith.andi %le3A_484, %le3A_487 : vector<16xi1>
        %select_n3A_489 = arith.select %and3A_488, %add3A_479, %select_n3A_476 : vector<16xi1>, vector<16xi32>
        %add3A_490 = arith.constant 1 : i32
        %add3A_491 = vector.broadcast %add3A_490 : i32 to vector<16xi32>
        %add3A_492 = arith.addi %select_n3A_489, %add3A_491 : vector<16xi32>
        %sub3A_493 = arith.constant 1 : i32
        %sub3A_494 = vector.broadcast %sub3A_493 : i32 to vector<16xi32>
        %sub3A_495 = arith.subi %add3A_492, %sub3A_494 : vector<16xi32>
        %gather3A_496 = tpu.vector_load_idx %arg9[%sub3A_495] : memref<128xf32, #tpu.memory_space<vmem>>[vector<16xi32>], vector<16xf32>,
        %le3A_497 = arith.cmpf ole, %gather3A_496, %gather3A_412 : vector<16xf32>
        %le3A_498 = arith.constant 126 : i32
        %le3A_499 = vector.broadcast %le3A_498 : i32 to vector<16xi32>
        %le3A_500 = arith.cmpi sle, %add3A_492, %le3A_499 : vector<16xi32>
        %and3A_501 = arith.andi %le3A_497, %le3A_500 : vector<16xi1>
        %select_n3A_502 = arith.select %and3A_501, %add3A_492, %select_n3A_489 : vector<16xi1>, vector<16xi32>
        %add3A_503 = arith.constant 1 : i32
        %add3A_504 = vector.broadcast %add3A_503 : i32 to vector<16xi32>
        %add3A_505 = arith.addi %select_n3A_502, %add3A_504 : vector<16xi32>
        %min3A_506 = arith.constant 126 : i32
        %min3A_507 = vector.broadcast %min3A_506 : i32 to vector<16xi32>
        %min3A_508 = arith.minsi %add3A_505, %min3A_507 : vector<16xi32>
        %sub3A_509 = arith.constant 1 : i32
        %sub3A_510 = vector.broadcast %sub3A_509 : i32 to vector<16xi32>
        %sub3A_511 = arith.subi %select_n3A_502, %sub3A_510 : vector<16xi32>
        %max3A = arith.constant 0 : i32
        %max3A_512 = vector.broadcast %max3A : i32 to vector<16xi32>
        %max3A_513 = arith.maxsi %sub3A_511, %max3A_512 : vector<16xi32>
        %gather3A_514 = tpu.vector_load_idx %arg9[%max3A_513] : memref<128xf32, #tpu.memory_space<vmem>>[vector<16xi32>], vector<16xf32>,
        %eq3A = arith.constant 0 : i32
        %eq3A_515 = vector.broadcast %eq3A : i32 to vector<16xi32>
        %eq3A_516 = arith.cmpi eq, %select_n3A_502, %eq3A_515 : vector<16xi32>
        %jit3A_517 = arith.constant 0.000000e+00 : f32
        %broadcast_in_dim3A_518 = vector.broadcast %jit3A_517 : f32 to vector<16xf32>
        %select_n3A_519 = arith.select %eq3A_516, %broadcast_in_dim3A_518, %gather3A_514 : vector<16xi1>, vector<16xf32>
        %sub3A_520 = arith.constant 1 : i32
        %sub3A_521 = vector.broadcast %sub3A_520 : i32 to vector<16xi32>
        %sub3A_522 = arith.subi %min3A_508, %sub3A_521 : vector<16xi32>
        %gather3A_523 = tpu.vector_load_idx %arg9[%sub3A_522] : memref<128xf32, #tpu.memory_space<vmem>>[vector<16xi32>], vector<16xf32>,
        %gather3A_524 = tpu.vector_load_idx %arg6[%broadcast_in_dim3A, %select_n3A_502] : memref<8x128xf32, #tpu.memory_space<vmem>>[vector<16xi32>, vector<16xi32>], vector<16xf32>,
        %add3A_525 = arith.constant 1 : i32
        %add3A_526 = vector.broadcast %add3A_525 : i32 to vector<16xi32>
        %add3A_527 = arith.addi %select_n3A_502, %add3A_526 : vector<16xi32>
        %gather3A_528 = tpu.vector_load_idx %arg6[%broadcast_in_dim3A, %add3A_527] : memref<8x128xf32, #tpu.memory_space<vmem>>[vector<16xi32>, vector<16xi32>], vector<16xf32>,
        %gather3A_529 = tpu.vector_load_idx %arg6[%broadcast_in_dim3A, %min3A_508] : memref<8x128xf32, #tpu.memory_space<vmem>>[vector<16xi32>, vector<16xi32>], vector<16xf32>,
        %add3A_530 = arith.constant 1 : i32
        %add3A_531 = vector.broadcast %add3A_530 : i32 to vector<16xi32>
        %add3A_532 = arith.addi %min3A_508, %add3A_531 : vector<16xi32>
        %gather3A_533 = tpu.vector_load_idx %arg6[%broadcast_in_dim3A, %add3A_532] : memref<8x128xf32, #tpu.memory_space<vmem>>[vector<16xi32>, vector<16xi32>], vector<16xf32>,
        %add3A_534 = arith.addf %gather3A_524, %gather3A_528 : vector<16xf32>
        %mul3A_535 = arith.constant 5.000000e-01 : f32
        %mul3A_536 = vector.broadcast %mul3A_535 : f32 to vector<16xf32>
        %mul3A_537 = arith.mulf %mul3A_536, %add3A_534 : vector<16xf32>
        %add3A_538 = arith.addf %gather3A_529, %gather3A_533 : vector<16xf32>
        %mul3A_539 = arith.constant 5.000000e-01 : f32
        %mul3A_540 = vector.broadcast %mul3A_539 : f32 to vector<16xf32>
        %mul3A_541 = arith.mulf %mul3A_540, %add3A_538 : vector<16xf32>
        %sub3A_542 = arith.subf %gather3A_523, %select_n3A_519 : vector<16xf32>
        %lt3A_543 = arith.constant 9.99999974E-6 : f32
        %lt3A_544 = vector.broadcast %lt3A_543 : f32 to vector<16xf32>
        %lt3A_545 = arith.cmpf olt, %sub3A_542, %lt3A_544 : vector<16xf32>
        %jit3A_546 = arith.constant 1.000000e+00 : f32
        %broadcast_in_dim3A_547 = vector.broadcast %jit3A_546 : f32 to vector<16xf32>
        %select_n3A_548 = arith.select %lt3A_545, %broadcast_in_dim3A_547, %sub3A_542 : vector<16xi1>, vector<16xf32>
        %sub3A_549 = arith.subf %gather3A_412, %select_n3A_519 : vector<16xf32>
        %div3A_550 = arith.divf %sub3A_549, %select_n3A_548 : vector<16xf32>
        %sub3A_551 = arith.subf %mul3A_541, %mul3A_537 : vector<16xf32>
        %mul3A_552 = arith.mulf %div3A_550, %sub3A_551 : vector<16xf32>
        %add3A_553 = arith.addf %mul3A_537, %mul3A_552 : vector<16xf32>
        %swap3A_554 = arith.index_cast %scan3A_22 : i32 to index
        %swap3A_555 = arith.constant 0 : index
        %swap3A_556 = tpu.vector_load %arg10[%swap3A_554, %swap3A_555] {strides = array<i32>} : memref<8x256xf32, #tpu.memory_space<vmem>>, vector<16xf32>,
        tpu.vector_store %arg10[%swap3A_554, %swap3A_555], %add3A_553 {strides = array<i32>} : memref<8x256xf32, #tpu.memory_space<vmem>>, vector<16xf32>,
        %add3A_557 = arith.constant 16 : i32
        %add3A_558 = vector.broadcast %add3A_557 : i32 to vector<16xi32>
        %add3A_559 = arith.addi %iota3A, %add3A_558 : vector<16xi32>
        %gather3A_560 = tpu.vector_load_idx %arg8[%broadcast_in_dim3A, %add3A_559] : memref<8x256xf32, #tpu.memory_space<vmem>>[vector<16xi32>, vector<16xi32>], vector<16xf32>,
        %broadcast_in_dim3A_561 = arith.constant 0 : i32
        %broadcast_in_dim3A_562 = vector.broadcast %broadcast_in_dim3A_561 : i32 to vector<16xi32>
        %add3A_563 = arith.constant 64 : i32
        %add3A_564 = vector.broadcast %add3A_563 : i32 to vector<16xi32>
        %add3A_565 = arith.addi %broadcast_in_dim3A_562, %add3A_564 : vector<16xi32>
        %sub3A_566 = arith.constant 1 : i32
        %sub3A_567 = vector.broadcast %sub3A_566 : i32 to vector<16xi32>
        %sub3A_568 = arith.subi %add3A_565, %sub3A_567 : vector<16xi32>
        %gather3A_569 = tpu.vector_load_idx %arg9[%sub3A_568] : memref<128xf32, #tpu.memory_space<vmem>>[vector<16xi32>], vector<16xf32>,
        %le3A_570 = arith.cmpf ole, %gather3A_569, %gather3A_560 : vector<16xf32>
        %le3A_571 = arith.constant 126 : i32
        %le3A_572 = vector.broadcast %le3A_571 : i32 to vector<16xi32>
        %le3A_573 = arith.cmpi sle, %add3A_565, %le3A_572 : vector<16xi32>
        %and3A_574 = arith.andi %le3A_570, %le3A_573 : vector<16xi1>
        %select_n3A_575 = arith.select %and3A_574, %add3A_565, %broadcast_in_dim3A_562 : vector<16xi1>, vector<16xi32>
        %add3A_576 = arith.constant 32 : i32
        %add3A_577 = vector.broadcast %add3A_576 : i32 to vector<16xi32>
        %add3A_578 = arith.addi %select_n3A_575, %add3A_577 : vector<16xi32>
        %sub3A_579 = arith.constant 1 : i32
        %sub3A_580 = vector.broadcast %sub3A_579 : i32 to vector<16xi32>
        %sub3A_581 = arith.subi %add3A_578, %sub3A_580 : vector<16xi32>
        %gather3A_582 = tpu.vector_load_idx %arg9[%sub3A_581] : memref<128xf32, #tpu.memory_space<vmem>>[vector<16xi32>], vector<16xf32>,
        %le3A_583 = arith.cmpf ole, %gather3A_582, %gather3A_560 : vector<16xf32>
        %le3A_584 = arith.constant 126 : i32
        %le3A_585 = vector.broadcast %le3A_584 : i32 to vector<16xi32>
        %le3A_586 = arith.cmpi sle, %add3A_578, %le3A_585 : vector<16xi32>
        %and3A_587 = arith.andi %le3A_583, %le3A_586 : vector<16xi1>
        %select_n3A_588 = arith.select %and3A_587, %add3A_578, %select_n3A_575 : vector<16xi1>, vector<16xi32>
        %add3A_589 = arith.constant 16 : i32
        %add3A_590 = vector.broadcast %add3A_589 : i32 to vector<16xi32>
        %add3A_591 = arith.addi %select_n3A_588, %add3A_590 : vector<16xi32>
        %sub3A_592 = arith.constant 1 : i32
        %sub3A_593 = vector.broadcast %sub3A_592 : i32 to vector<16xi32>
        %sub3A_594 = arith.subi %add3A_591, %sub3A_593 : vector<16xi32>
        %gather3A_595 = tpu.vector_load_idx %arg9[%sub3A_594] : memref<128xf32, #tpu.memory_space<vmem>>[vector<16xi32>], vector<16xf32>,
        %le3A_596 = arith.cmpf ole, %gather3A_595, %gather3A_560 : vector<16xf32>
        %le3A_597 = arith.constant 126 : i32
        %le3A_598 = vector.broadcast %le3A_597 : i32 to vector<16xi32>
        %le3A_599 = arith.cmpi sle, %add3A_591, %le3A_598 : vector<16xi32>
        %and3A_600 = arith.andi %le3A_596, %le3A_599 : vector<16xi1>
        %select_n3A_601 = arith.select %and3A_600, %add3A_591, %select_n3A_588 : vector<16xi1>, vector<16xi32>
        %add3A_602 = arith.constant 8 : i32
        %add3A_603 = vector.broadcast %add3A_602 : i32 to vector<16xi32>
        %add3A_604 = arith.addi %select_n3A_601, %add3A_603 : vector<16xi32>
        %sub3A_605 = arith.constant 1 : i32
        %sub3A_606 = vector.broadcast %sub3A_605 : i32 to vector<16xi32>
        %sub3A_607 = arith.subi %add3A_604, %sub3A_606 : vector<16xi32>
        %gather3A_608 = tpu.vector_load_idx %arg9[%sub3A_607] : memref<128xf32, #tpu.memory_space<vmem>>[vector<16xi32>], vector<16xf32>,
        %le3A_609 = arith.cmpf ole, %gather3A_608, %gather3A_560 : vector<16xf32>
        %le3A_610 = arith.constant 126 : i32
        %le3A_611 = vector.broadcast %le3A_610 : i32 to vector<16xi32>
        %le3A_612 = arith.cmpi sle, %add3A_604, %le3A_611 : vector<16xi32>
        %and3A_613 = arith.andi %le3A_609, %le3A_612 : vector<16xi1>
        %select_n3A_614 = arith.select %and3A_613, %add3A_604, %select_n3A_601 : vector<16xi1>, vector<16xi32>
        %add3A_615 = arith.constant 4 : i32
        %add3A_616 = vector.broadcast %add3A_615 : i32 to vector<16xi32>
        %add3A_617 = arith.addi %select_n3A_614, %add3A_616 : vector<16xi32>
        %sub3A_618 = arith.constant 1 : i32
        %sub3A_619 = vector.broadcast %sub3A_618 : i32 to vector<16xi32>
        %sub3A_620 = arith.subi %add3A_617, %sub3A_619 : vector<16xi32>
        %gather3A_621 = tpu.vector_load_idx %arg9[%sub3A_620] : memref<128xf32, #tpu.memory_space<vmem>>[vector<16xi32>], vector<16xf32>,
        %le3A_622 = arith.cmpf ole, %gather3A_621, %gather3A_560 : vector<16xf32>
        %le3A_623 = arith.constant 126 : i32
        %le3A_624 = vector.broadcast %le3A_623 : i32 to vector<16xi32>
        %le3A_625 = arith.cmpi sle, %add3A_617, %le3A_624 : vector<16xi32>
        %and3A_626 = arith.andi %le3A_622, %le3A_625 : vector<16xi1>
        %select_n3A_627 = arith.select %and3A_626, %add3A_617, %select_n3A_614 : vector<16xi1>, vector<16xi32>
        %add3A_628 = arith.constant 2 : i32
        %add3A_629 = vector.broadcast %add3A_628 : i32 to vector<16xi32>
        %add3A_630 = arith.addi %select_n3A_627, %add3A_629 : vector<16xi32>
        %sub3A_631 = arith.constant 1 : i32
        %sub3A_632 = vector.broadcast %sub3A_631 : i32 to vector<16xi32>
        %sub3A_633 = arith.subi %add3A_630, %sub3A_632 : vector<16xi32>
        %gather3A_634 = tpu.vector_load_idx %arg9[%sub3A_633] : memref<128xf32, #tpu.memory_space<vmem>>[vector<16xi32>], vector<16xf32>,
        %le3A_635 = arith.cmpf ole, %gather3A_634, %gather3A_560 : vector<16xf32>
        %le3A_636 = arith.constant 126 : i32
        %le3A_637 = vector.broadcast %le3A_636 : i32 to vector<16xi32>
        %le3A_638 = arith.cmpi sle, %add3A_630, %le3A_637 : vector<16xi32>
        %and3A_639 = arith.andi %le3A_635, %le3A_638 : vector<16xi1>
        %select_n3A_640 = arith.select %and3A_639, %add3A_630, %select_n3A_627 : vector<16xi1>, vector<16xi32>
        %add3A_641 = arith.constant 1 : i32
        %add3A_642 = vector.broadcast %add3A_641 : i32 to vector<16xi32>
        %add3A_643 = arith.addi %select_n3A_640, %add3A_642 : vector<16xi32>
        %sub3A_644 = arith.constant 1 : i32
        %sub3A_645 = vector.broadcast %sub3A_644 : i32 to vector<16xi32>
        %sub3A_646 = arith.subi %add3A_643, %sub3A_645 : vector<16xi32>
        %gather3A_647 = tpu.vector_load_idx %arg9[%sub3A_646] : memref<128xf32, #tpu.memory_space<vmem>>[vector<16xi32>], vector<16xf32>,
        %le3A_648 = arith.cmpf ole, %gather3A_647, %gather3A_560 : vector<16xf32>
        %le3A_649 = arith.constant 126 : i32
        %le3A_650 = vector.broadcast %le3A_649 : i32 to vector<16xi32>
        %le3A_651 = arith.cmpi sle, %add3A_643, %le3A_650 : vector<16xi32>
        %and3A_652 = arith.andi %le3A_648, %le3A_651 : vector<16xi1>
        %select_n3A_653 = arith.select %and3A_652, %add3A_643, %select_n3A_640 : vector<16xi1>, vector<16xi32>
        %add3A_654 = arith.constant 1 : i32
        %add3A_655 = vector.broadcast %add3A_654 : i32 to vector<16xi32>
        %add3A_656 = arith.addi %select_n3A_653, %add3A_655 : vector<16xi32>
        %min3A_657 = arith.constant 126 : i32
        %min3A_658 = vector.broadcast %min3A_657 : i32 to vector<16xi32>
        %min3A_659 = arith.minsi %add3A_656, %min3A_658 : vector<16xi32>
        %sub3A_660 = arith.constant 1 : i32
        %sub3A_661 = vector.broadcast %sub3A_660 : i32 to vector<16xi32>
        %sub3A_662 = arith.subi %select_n3A_653, %sub3A_661 : vector<16xi32>
        %max3A_663 = arith.constant 0 : i32
        %max3A_664 = vector.broadcast %max3A_663 : i32 to vector<16xi32>
        %max3A_665 = arith.maxsi %sub3A_662, %max3A_664 : vector<16xi32>
        %gather3A_666 = tpu.vector_load_idx %arg9[%max3A_665] : memref<128xf32, #tpu.memory_space<vmem>>[vector<16xi32>], vector<16xf32>,
        %eq3A_667 = arith.constant 0 : i32
        %eq3A_668 = vector.broadcast %eq3A_667 : i32 to vector<16xi32>
        %eq3A_669 = arith.cmpi eq, %select_n3A_653, %eq3A_668 : vector<16xi32>
        %jit3A_670 = arith.constant 0.000000e+00 : f32
        %broadcast_in_dim3A_671 = vector.broadcast %jit3A_670 : f32 to vector<16xf32>
        %select_n3A_672 = arith.select %eq3A_669, %broadcast_in_dim3A_671, %gather3A_666 : vector<16xi1>, vector<16xf32>
        %sub3A_673 = arith.constant 1 : i32
        %sub3A_674 = vector.broadcast %sub3A_673 : i32 to vector<16xi32>
        %sub3A_675 = arith.subi %min3A_659, %sub3A_674 : vector<16xi32>
        %gather3A_676 = tpu.vector_load_idx %arg9[%sub3A_675] : memref<128xf32, #tpu.memory_space<vmem>>[vector<16xi32>], vector<16xf32>,
        %gather3A_677 = tpu.vector_load_idx %arg6[%broadcast_in_dim3A, %select_n3A_653] : memref<8x128xf32, #tpu.memory_space<vmem>>[vector<16xi32>, vector<16xi32>], vector<16xf32>,
        %add3A_678 = arith.constant 1 : i32
        %add3A_679 = vector.broadcast %add3A_678 : i32 to vector<16xi32>
        %add3A_680 = arith.addi %select_n3A_653, %add3A_679 : vector<16xi32>
        %gather3A_681 = tpu.vector_load_idx %arg6[%broadcast_in_dim3A, %add3A_680] : memref<8x128xf32, #tpu.memory_space<vmem>>[vector<16xi32>, vector<16xi32>], vector<16xf32>,
        %gather3A_682 = tpu.vector_load_idx %arg6[%broadcast_in_dim3A, %min3A_659] : memref<8x128xf32, #tpu.memory_space<vmem>>[vector<16xi32>, vector<16xi32>], vector<16xf32>,
        %add3A_683 = arith.constant 1 : i32
        %add3A_684 = vector.broadcast %add3A_683 : i32 to vector<16xi32>
        %add3A_685 = arith.addi %min3A_659, %add3A_684 : vector<16xi32>
        %gather3A_686 = tpu.vector_load_idx %arg6[%broadcast_in_dim3A, %add3A_685] : memref<8x128xf32, #tpu.memory_space<vmem>>[vector<16xi32>, vector<16xi32>], vector<16xf32>,
        %add3A_687 = arith.addf %gather3A_677, %gather3A_681 : vector<16xf32>
        %mul3A_688 = arith.constant 5.000000e-01 : f32
        %mul3A_689 = vector.broadcast %mul3A_688 : f32 to vector<16xf32>
        %mul3A_690 = arith.mulf %mul3A_689, %add3A_687 : vector<16xf32>
        %add3A_691 = arith.addf %gather3A_682, %gather3A_686 : vector<16xf32>
        %mul3A_692 = arith.constant 5.000000e-01 : f32
        %mul3A_693 = vector.broadcast %mul3A_692 : f32 to vector<16xf32>
        %mul3A_694 = arith.mulf %mul3A_693, %add3A_691 : vector<16xf32>
        %sub3A_695 = arith.subf %gather3A_676, %select_n3A_672 : vector<16xf32>
        %lt3A_696 = arith.constant 9.99999974E-6 : f32
        %lt3A_697 = vector.broadcast %lt3A_696 : f32 to vector<16xf32>
        %lt3A_698 = arith.cmpf olt, %sub3A_695, %lt3A_697 : vector<16xf32>
        %jit3A_699 = arith.constant 1.000000e+00 : f32
        %broadcast_in_dim3A_700 = vector.broadcast %jit3A_699 : f32 to vector<16xf32>
        %select_n3A_701 = arith.select %lt3A_698, %broadcast_in_dim3A_700, %sub3A_695 : vector<16xi1>, vector<16xf32>
        %sub3A_702 = arith.subf %gather3A_560, %select_n3A_672 : vector<16xf32>
        %div3A_703 = arith.divf %sub3A_702, %select_n3A_701 : vector<16xf32>
        %sub3A_704 = arith.subf %mul3A_694, %mul3A_690 : vector<16xf32>
        %mul3A_705 = arith.mulf %div3A_703, %sub3A_704 : vector<16xf32>
        %add3A_706 = arith.addf %mul3A_690, %mul3A_705 : vector<16xf32>
        %swap3A_707 = arith.index_cast %scan3A_22 : i32 to index
        %swap3A_708 = arith.constant 16 : index
        %swap3A_709 = tpu.vector_load %arg10[%swap3A_707, %swap3A_708] {strides = array<i32>} : memref<8x256xf32, #tpu.memory_space<vmem>>, vector<16xf32>,
        tpu.vector_store %arg10[%swap3A_707, %swap3A_708], %add3A_706 {strides = array<i32>} : memref<8x256xf32, #tpu.memory_space<vmem>>, vector<16xf32>,
        %add3A_710 = arith.constant 32 : i32
        %add3A_711 = vector.broadcast %add3A_710 : i32 to vector<16xi32>
        %add3A_712 = arith.addi %iota3A, %add3A_711 : vector<16xi32>
        %gather3A_713 = tpu.vector_load_idx %arg8[%broadcast_in_dim3A, %add3A_712] : memref<8x256xf32, #tpu.memory_space<vmem>>[vector<16xi32>, vector<16xi32>], vector<16xf32>,
        %broadcast_in_dim3A_714 = arith.constant 0 : i32
        %broadcast_in_dim3A_715 = vector.broadcast %broadcast_in_dim3A_714 : i32 to vector<16xi32>
        %add3A_716 = arith.constant 64 : i32
        %add3A_717 = vector.broadcast %add3A_716 : i32 to vector<16xi32>
        %add3A_718 = arith.addi %broadcast_in_dim3A_715, %add3A_717 : vector<16xi32>
        %sub3A_719 = arith.constant 1 : i32
        %sub3A_720 = vector.broadcast %sub3A_719 : i32 to vector<16xi32>
        %sub3A_721 = arith.subi %add3A_718, %sub3A_720 : vector<16xi32>
        %gather3A_722 = tpu.vector_load_idx %arg9[%sub3A_721] : memref<128xf32, #tpu.memory_space<vmem>>[vector<16xi32>], vector<16xf32>,
        %le3A_723 = arith.cmpf ole, %gather3A_722, %gather3A_713 : vector<16xf32>
        %le3A_724 = arith.constant 126 : i32
        %le3A_725 = vector.broadcast %le3A_724 : i32 to vector<16xi32>
        %le3A_726 = arith.cmpi sle, %add3A_718, %le3A_725 : vector<16xi32>
        %and3A_727 = arith.andi %le3A_723, %le3A_726 : vector<16xi1>
        %select_n3A_728 = arith.select %and3A_727, %add3A_718, %broadcast_in_dim3A_715 : vector<16xi1>, vector<16xi32>
        %add3A_729 = arith.constant 32 : i32
        %add3A_730 = vector.broadcast %add3A_729 : i32 to vector<16xi32>
        %add3A_731 = arith.addi %select_n3A_728, %add3A_730 : vector<16xi32>
        %sub3A_732 = arith.constant 1 : i32
        %sub3A_733 = vector.broadcast %sub3A_732 : i32 to vector<16xi32>
        %sub3A_734 = arith.subi %add3A_731, %sub3A_733 : vector<16xi32>
        %gather3A_735 = tpu.vector_load_idx %arg9[%sub3A_734] : memref<128xf32, #tpu.memory_space<vmem>>[vector<16xi32>], vector<16xf32>,
        %le3A_736 = arith.cmpf ole, %gather3A_735, %gather3A_713 : vector<16xf32>
        %le3A_737 = arith.constant 126 : i32
        %le3A_738 = vector.broadcast %le3A_737 : i32 to vector<16xi32>
        %le3A_739 = arith.cmpi sle, %add3A_731, %le3A_738 : vector<16xi32>
        %and3A_740 = arith.andi %le3A_736, %le3A_739 : vector<16xi1>
        %select_n3A_741 = arith.select %and3A_740, %add3A_731, %select_n3A_728 : vector<16xi1>, vector<16xi32>
        %add3A_742 = arith.constant 16 : i32
        %add3A_743 = vector.broadcast %add3A_742 : i32 to vector<16xi32>
        %add3A_744 = arith.addi %select_n3A_741, %add3A_743 : vector<16xi32>
        %sub3A_745 = arith.constant 1 : i32
        %sub3A_746 = vector.broadcast %sub3A_745 : i32 to vector<16xi32>
        %sub3A_747 = arith.subi %add3A_744, %sub3A_746 : vector<16xi32>
        %gather3A_748 = tpu.vector_load_idx %arg9[%sub3A_747] : memref<128xf32, #tpu.memory_space<vmem>>[vector<16xi32>], vector<16xf32>,
        %le3A_749 = arith.cmpf ole, %gather3A_748, %gather3A_713 : vector<16xf32>
        %le3A_750 = arith.constant 126 : i32
        %le3A_751 = vector.broadcast %le3A_750 : i32 to vector<16xi32>
        %le3A_752 = arith.cmpi sle, %add3A_744, %le3A_751 : vector<16xi32>
        %and3A_753 = arith.andi %le3A_749, %le3A_752 : vector<16xi1>
        %select_n3A_754 = arith.select %and3A_753, %add3A_744, %select_n3A_741 : vector<16xi1>, vector<16xi32>
        %add3A_755 = arith.constant 8 : i32
        %add3A_756 = vector.broadcast %add3A_755 : i32 to vector<16xi32>
        %add3A_757 = arith.addi %select_n3A_754, %add3A_756 : vector<16xi32>
        %sub3A_758 = arith.constant 1 : i32
        %sub3A_759 = vector.broadcast %sub3A_758 : i32 to vector<16xi32>
        %sub3A_760 = arith.subi %add3A_757, %sub3A_759 : vector<16xi32>
        %gather3A_761 = tpu.vector_load_idx %arg9[%sub3A_760] : memref<128xf32, #tpu.memory_space<vmem>>[vector<16xi32>], vector<16xf32>,
        %le3A_762 = arith.cmpf ole, %gather3A_761, %gather3A_713 : vector<16xf32>
        %le3A_763 = arith.constant 126 : i32
        %le3A_764 = vector.broadcast %le3A_763 : i32 to vector<16xi32>
        %le3A_765 = arith.cmpi sle, %add3A_757, %le3A_764 : vector<16xi32>
        %and3A_766 = arith.andi %le3A_762, %le3A_765 : vector<16xi1>
        %select_n3A_767 = arith.select %and3A_766, %add3A_757, %select_n3A_754 : vector<16xi1>, vector<16xi32>
        %add3A_768 = arith.constant 4 : i32
        %add3A_769 = vector.broadcast %add3A_768 : i32 to vector<16xi32>
        %add3A_770 = arith.addi %select_n3A_767, %add3A_769 : vector<16xi32>
        %sub3A_771 = arith.constant 1 : i32
        %sub3A_772 = vector.broadcast %sub3A_771 : i32 to vector<16xi32>
        %sub3A_773 = arith.subi %add3A_770, %sub3A_772 : vector<16xi32>
        %gather3A_774 = tpu.vector_load_idx %arg9[%sub3A_773] : memref<128xf32, #tpu.memory_space<vmem>>[vector<16xi32>], vector<16xf32>,
        %le3A_775 = arith.cmpf ole, %gather3A_774, %gather3A_713 : vector<16xf32>
        %le3A_776 = arith.constant 126 : i32
        %le3A_777 = vector.broadcast %le3A_776 : i32 to vector<16xi32>
        %le3A_778 = arith.cmpi sle, %add3A_770, %le3A_777 : vector<16xi32>
        %and3A_779 = arith.andi %le3A_775, %le3A_778 : vector<16xi1>
        %select_n3A_780 = arith.select %and3A_779, %add3A_770, %select_n3A_767 : vector<16xi1>, vector<16xi32>
        %add3A_781 = arith.constant 2 : i32
        %add3A_782 = vector.broadcast %add3A_781 : i32 to vector<16xi32>
        %add3A_783 = arith.addi %select_n3A_780, %add3A_782 : vector<16xi32>
        %sub3A_784 = arith.constant 1 : i32
        %sub3A_785 = vector.broadcast %sub3A_784 : i32 to vector<16xi32>
        %sub3A_786 = arith.subi %add3A_783, %sub3A_785 : vector<16xi32>
        %gather3A_787 = tpu.vector_load_idx %arg9[%sub3A_786] : memref<128xf32, #tpu.memory_space<vmem>>[vector<16xi32>], vector<16xf32>,
        %le3A_788 = arith.cmpf ole, %gather3A_787, %gather3A_713 : vector<16xf32>
        %le3A_789 = arith.constant 126 : i32
        %le3A_790 = vector.broadcast %le3A_789 : i32 to vector<16xi32>
        %le3A_791 = arith.cmpi sle, %add3A_783, %le3A_790 : vector<16xi32>
        %and3A_792 = arith.andi %le3A_788, %le3A_791 : vector<16xi1>
        %select_n3A_793 = arith.select %and3A_792, %add3A_783, %select_n3A_780 : vector<16xi1>, vector<16xi32>
        %add3A_794 = arith.constant 1 : i32
        %add3A_795 = vector.broadcast %add3A_794 : i32 to vector<16xi32>
        %add3A_796 = arith.addi %select_n3A_793, %add3A_795 : vector<16xi32>
        %sub3A_797 = arith.constant 1 : i32
        %sub3A_798 = vector.broadcast %sub3A_797 : i32 to vector<16xi32>
        %sub3A_799 = arith.subi %add3A_796, %sub3A_798 : vector<16xi32>
        %gather3A_800 = tpu.vector_load_idx %arg9[%sub3A_799] : memref<128xf32, #tpu.memory_space<vmem>>[vector<16xi32>], vector<16xf32>,
        %le3A_801 = arith.cmpf ole, %gather3A_800, %gather3A_713 : vector<16xf32>
        %le3A_802 = arith.constant 126 : i32
        %le3A_803 = vector.broadcast %le3A_802 : i32 to vector<16xi32>
        %le3A_804 = arith.cmpi sle, %add3A_796, %le3A_803 : vector<16xi32>
        %and3A_805 = arith.andi %le3A_801, %le3A_804 : vector<16xi1>
        %select_n3A_806 = arith.select %and3A_805, %add3A_796, %select_n3A_793 : vector<16xi1>, vector<16xi32>
        %add3A_807 = arith.constant 1 : i32
        %add3A_808 = vector.broadcast %add3A_807 : i32 to vector<16xi32>
        %add3A_809 = arith.addi %select_n3A_806, %add3A_808 : vector<16xi32>
        %min3A_810 = arith.constant 126 : i32
        %min3A_811 = vector.broadcast %min3A_810 : i32 to vector<16xi32>
        %min3A_812 = arith.minsi %add3A_809, %min3A_811 : vector<16xi32>
        %sub3A_813 = arith.constant 1 : i32
        %sub3A_814 = vector.broadcast %sub3A_813 : i32 to vector<16xi32>
        %sub3A_815 = arith.subi %select_n3A_806, %sub3A_814 : vector<16xi32>
        %max3A_816 = arith.constant 0 : i32
        %max3A_817 = vector.broadcast %max3A_816 : i32 to vector<16xi32>
        %max3A_818 = arith.maxsi %sub3A_815, %max3A_817 : vector<16xi32>
        %gather3A_819 = tpu.vector_load_idx %arg9[%max3A_818] : memref<128xf32, #tpu.memory_space<vmem>>[vector<16xi32>], vector<16xf32>,
        %eq3A_820 = arith.constant 0 : i32
        %eq3A_821 = vector.broadcast %eq3A_820 : i32 to vector<16xi32>
        %eq3A_822 = arith.cmpi eq, %select_n3A_806, %eq3A_821 : vector<16xi32>
        %jit3A_823 = arith.constant 0.000000e+00 : f32
        %broadcast_in_dim3A_824 = vector.broadcast %jit3A_823 : f32 to vector<16xf32>
        %select_n3A_825 = arith.select %eq3A_822, %broadcast_in_dim3A_824, %gather3A_819 : vector<16xi1>, vector<16xf32>
        %sub3A_826 = arith.constant 1 : i32
        %sub3A_827 = vector.broadcast %sub3A_826 : i32 to vector<16xi32>
        %sub3A_828 = arith.subi %min3A_812, %sub3A_827 : vector<16xi32>
        %gather3A_829 = tpu.vector_load_idx %arg9[%sub3A_828] : memref<128xf32, #tpu.memory_space<vmem>>[vector<16xi32>], vector<16xf32>,
        %gather3A_830 = tpu.vector_load_idx %arg6[%broadcast_in_dim3A, %select_n3A_806] : memref<8x128xf32, #tpu.memory_space<vmem>>[vector<16xi32>, vector<16xi32>], vector<16xf32>,
        %add3A_831 = arith.constant 1 : i32
        %add3A_832 = vector.broadcast %add3A_831 : i32 to vector<16xi32>
        %add3A_833 = arith.addi %select_n3A_806, %add3A_832 : vector<16xi32>
        %gather3A_834 = tpu.vector_load_idx %arg6[%broadcast_in_dim3A, %add3A_833] : memref<8x128xf32, #tpu.memory_space<vmem>>[vector<16xi32>, vector<16xi32>], vector<16xf32>,
        %gather3A_835 = tpu.vector_load_idx %arg6[%broadcast_in_dim3A, %min3A_812] : memref<8x128xf32, #tpu.memory_space<vmem>>[vector<16xi32>, vector<16xi32>], vector<16xf32>,
        %add3A_836 = arith.constant 1 : i32
        %add3A_837 = vector.broadcast %add3A_836 : i32 to vector<16xi32>
        %add3A_838 = arith.addi %min3A_812, %add3A_837 : vector<16xi32>
        %gather3A_839 = tpu.vector_load_idx %arg6[%broadcast_in_dim3A, %add3A_838] : memref<8x128xf32, #tpu.memory_space<vmem>>[vector<16xi32>, vector<16xi32>], vector<16xf32>,
        %add3A_840 = arith.addf %gather3A_830, %gather3A_834 : vector<16xf32>
        %mul3A_841 = arith.constant 5.000000e-01 : f32
        %mul3A_842 = vector.broadcast %mul3A_841 : f32 to vector<16xf32>
        %mul3A_843 = arith.mulf %mul3A_842, %add3A_840 : vector<16xf32>
        %add3A_844 = arith.addf %gather3A_835, %gather3A_839 : vector<16xf32>
        %mul3A_845 = arith.constant 5.000000e-01 : f32
        %mul3A_846 = vector.broadcast %mul3A_845 : f32 to vector<16xf32>
        %mul3A_847 = arith.mulf %mul3A_846, %add3A_844 : vector<16xf32>
        %sub3A_848 = arith.subf %gather3A_829, %select_n3A_825 : vector<16xf32>
        %lt3A_849 = arith.constant 9.99999974E-6 : f32
        %lt3A_850 = vector.broadcast %lt3A_849 : f32 to vector<16xf32>
        %lt3A_851 = arith.cmpf olt, %sub3A_848, %lt3A_850 : vector<16xf32>
        %jit3A_852 = arith.constant 1.000000e+00 : f32
        %broadcast_in_dim3A_853 = vector.broadcast %jit3A_852 : f32 to vector<16xf32>
        %select_n3A_854 = arith.select %lt3A_851, %broadcast_in_dim3A_853, %sub3A_848 : vector<16xi1>, vector<16xf32>
        %sub3A_855 = arith.subf %gather3A_713, %select_n3A_825 : vector<16xf32>
        %div3A_856 = arith.divf %sub3A_855, %select_n3A_854 : vector<16xf32>
        %sub3A_857 = arith.subf %mul3A_847, %mul3A_843 : vector<16xf32>
        %mul3A_858 = arith.mulf %div3A_856, %sub3A_857 : vector<16xf32>
        %add3A_859 = arith.addf %mul3A_843, %mul3A_858 : vector<16xf32>
        %swap3A_860 = arith.index_cast %scan3A_22 : i32 to index
        %swap3A_861 = arith.constant 32 : index
        %swap3A_862 = tpu.vector_load %arg10[%swap3A_860, %swap3A_861] {strides = array<i32>} : memref<8x256xf32, #tpu.memory_space<vmem>>, vector<16xf32>,
        tpu.vector_store %arg10[%swap3A_860, %swap3A_861], %add3A_859 {strides = array<i32>} : memref<8x256xf32, #tpu.memory_space<vmem>>, vector<16xf32>,
        %add3A_863 = arith.constant 48 : i32
        %add3A_864 = vector.broadcast %add3A_863 : i32 to vector<16xi32>
        %add3A_865 = arith.addi %iota3A, %add3A_864 : vector<16xi32>
        %gather3A_866 = tpu.vector_load_idx %arg8[%broadcast_in_dim3A, %add3A_865] : memref<8x256xf32, #tpu.memory_space<vmem>>[vector<16xi32>, vector<16xi32>], vector<16xf32>,
        %broadcast_in_dim3A_867 = arith.constant 0 : i32
        %broadcast_in_dim3A_868 = vector.broadcast %broadcast_in_dim3A_867 : i32 to vector<16xi32>
        %add3A_869 = arith.constant 64 : i32
        %add3A_870 = vector.broadcast %add3A_869 : i32 to vector<16xi32>
        %add3A_871 = arith.addi %broadcast_in_dim3A_868, %add3A_870 : vector<16xi32>
        %sub3A_872 = arith.constant 1 : i32
        %sub3A_873 = vector.broadcast %sub3A_872 : i32 to vector<16xi32>
        %sub3A_874 = arith.subi %add3A_871, %sub3A_873 : vector<16xi32>
        %gather3A_875 = tpu.vector_load_idx %arg9[%sub3A_874] : memref<128xf32, #tpu.memory_space<vmem>>[vector<16xi32>], vector<16xf32>,
        %le3A_876 = arith.cmpf ole, %gather3A_875, %gather3A_866 : vector<16xf32>
        %le3A_877 = arith.constant 126 : i32
        %le3A_878 = vector.broadcast %le3A_877 : i32 to vector<16xi32>
        %le3A_879 = arith.cmpi sle, %add3A_871, %le3A_878 : vector<16xi32>
        %and3A_880 = arith.andi %le3A_876, %le3A_879 : vector<16xi1>
        %select_n3A_881 = arith.select %and3A_880, %add3A_871, %broadcast_in_dim3A_868 : vector<16xi1>, vector<16xi32>
        %add3A_882 = arith.constant 32 : i32
        %add3A_883 = vector.broadcast %add3A_882 : i32 to vector<16xi32>
        %add3A_884 = arith.addi %select_n3A_881, %add3A_883 : vector<16xi32>
        %sub3A_885 = arith.constant 1 : i32
        %sub3A_886 = vector.broadcast %sub3A_885 : i32 to vector<16xi32>
        %sub3A_887 = arith.subi %add3A_884, %sub3A_886 : vector<16xi32>
        %gather3A_888 = tpu.vector_load_idx %arg9[%sub3A_887] : memref<128xf32, #tpu.memory_space<vmem>>[vector<16xi32>], vector<16xf32>,
        %le3A_889 = arith.cmpf ole, %gather3A_888, %gather3A_866 : vector<16xf32>
        %le3A_890 = arith.constant 126 : i32
        %le3A_891 = vector.broadcast %le3A_890 : i32 to vector<16xi32>
        %le3A_892 = arith.cmpi sle, %add3A_884, %le3A_891 : vector<16xi32>
        %and3A_893 = arith.andi %le3A_889, %le3A_892 : vector<16xi1>
        %select_n3A_894 = arith.select %and3A_893, %add3A_884, %select_n3A_881 : vector<16xi1>, vector<16xi32>
        %add3A_895 = arith.constant 16 : i32
        %add3A_896 = vector.broadcast %add3A_895 : i32 to vector<16xi32>
        %add3A_897 = arith.addi %select_n3A_894, %add3A_896 : vector<16xi32>
        %sub3A_898 = arith.constant 1 : i32
        %sub3A_899 = vector.broadcast %sub3A_898 : i32 to vector<16xi32>
        %sub3A_900 = arith.subi %add3A_897, %sub3A_899 : vector<16xi32>
        %gather3A_901 = tpu.vector_load_idx %arg9[%sub3A_900] : memref<128xf32, #tpu.memory_space<vmem>>[vector<16xi32>], vector<16xf32>,
        %le3A_902 = arith.cmpf ole, %gather3A_901, %gather3A_866 : vector<16xf32>
        %le3A_903 = arith.constant 126 : i32
        %le3A_904 = vector.broadcast %le3A_903 : i32 to vector<16xi32>
        %le3A_905 = arith.cmpi sle, %add3A_897, %le3A_904 : vector<16xi32>
        %and3A_906 = arith.andi %le3A_902, %le3A_905 : vector<16xi1>
        %select_n3A_907 = arith.select %and3A_906, %add3A_897, %select_n3A_894 : vector<16xi1>, vector<16xi32>
        %add3A_908 = arith.constant 8 : i32
        %add3A_909 = vector.broadcast %add3A_908 : i32 to vector<16xi32>
        %add3A_910 = arith.addi %select_n3A_907, %add3A_909 : vector<16xi32>
        %sub3A_911 = arith.constant 1 : i32
        %sub3A_912 = vector.broadcast %sub3A_911 : i32 to vector<16xi32>
        %sub3A_913 = arith.subi %add3A_910, %sub3A_912 : vector<16xi32>
        %gather3A_914 = tpu.vector_load_idx %arg9[%sub3A_913] : memref<128xf32, #tpu.memory_space<vmem>>[vector<16xi32>], vector<16xf32>,
        %le3A_915 = arith.cmpf ole, %gather3A_914, %gather3A_866 : vector<16xf32>
        %le3A_916 = arith.constant 126 : i32
        %le3A_917 = vector.broadcast %le3A_916 : i32 to vector<16xi32>
        %le3A_918 = arith.cmpi sle, %add3A_910, %le3A_917 : vector<16xi32>
        %and3A_919 = arith.andi %le3A_915, %le3A_918 : vector<16xi1>
        %select_n3A_920 = arith.select %and3A_919, %add3A_910, %select_n3A_907 : vector<16xi1>, vector<16xi32>
        %add3A_921 = arith.constant 4 : i32
        %add3A_922 = vector.broadcast %add3A_921 : i32 to vector<16xi32>
        %add3A_923 = arith.addi %select_n3A_920, %add3A_922 : vector<16xi32>
        %sub3A_924 = arith.constant 1 : i32
        %sub3A_925 = vector.broadcast %sub3A_924 : i32 to vector<16xi32>
        %sub3A_926 = arith.subi %add3A_923, %sub3A_925 : vector<16xi32>
        %gather3A_927 = tpu.vector_load_idx %arg9[%sub3A_926] : memref<128xf32, #tpu.memory_space<vmem>>[vector<16xi32>], vector<16xf32>,
        %le3A_928 = arith.cmpf ole, %gather3A_927, %gather3A_866 : vector<16xf32>
        %le3A_929 = arith.constant 126 : i32
        %le3A_930 = vector.broadcast %le3A_929 : i32 to vector<16xi32>
        %le3A_931 = arith.cmpi sle, %add3A_923, %le3A_930 : vector<16xi32>
        %and3A_932 = arith.andi %le3A_928, %le3A_931 : vector<16xi1>
        %select_n3A_933 = arith.select %and3A_932, %add3A_923, %select_n3A_920 : vector<16xi1>, vector<16xi32>
        %add3A_934 = arith.constant 2 : i32
        %add3A_935 = vector.broadcast %add3A_934 : i32 to vector<16xi32>
        %add3A_936 = arith.addi %select_n3A_933, %add3A_935 : vector<16xi32>
        %sub3A_937 = arith.constant 1 : i32
        %sub3A_938 = vector.broadcast %sub3A_937 : i32 to vector<16xi32>
        %sub3A_939 = arith.subi %add3A_936, %sub3A_938 : vector<16xi32>
        %gather3A_940 = tpu.vector_load_idx %arg9[%sub3A_939] : memref<128xf32, #tpu.memory_space<vmem>>[vector<16xi32>], vector<16xf32>,
        %le3A_941 = arith.cmpf ole, %gather3A_940, %gather3A_866 : vector<16xf32>
        %le3A_942 = arith.constant 126 : i32
        %le3A_943 = vector.broadcast %le3A_942 : i32 to vector<16xi32>
        %le3A_944 = arith.cmpi sle, %add3A_936, %le3A_943 : vector<16xi32>
        %and3A_945 = arith.andi %le3A_941, %le3A_944 : vector<16xi1>
        %select_n3A_946 = arith.select %and3A_945, %add3A_936, %select_n3A_933 : vector<16xi1>, vector<16xi32>
        %add3A_947 = arith.constant 1 : i32
        %add3A_948 = vector.broadcast %add3A_947 : i32 to vector<16xi32>
        %add3A_949 = arith.addi %select_n3A_946, %add3A_948 : vector<16xi32>
        %sub3A_950 = arith.constant 1 : i32
        %sub3A_951 = vector.broadcast %sub3A_950 : i32 to vector<16xi32>
        %sub3A_952 = arith.subi %add3A_949, %sub3A_951 : vector<16xi32>
        %gather3A_953 = tpu.vector_load_idx %arg9[%sub3A_952] : memref<128xf32, #tpu.memory_space<vmem>>[vector<16xi32>], vector<16xf32>,
        %le3A_954 = arith.cmpf ole, %gather3A_953, %gather3A_866 : vector<16xf32>
        %le3A_955 = arith.constant 126 : i32
        %le3A_956 = vector.broadcast %le3A_955 : i32 to vector<16xi32>
        %le3A_957 = arith.cmpi sle, %add3A_949, %le3A_956 : vector<16xi32>
        %and3A_958 = arith.andi %le3A_954, %le3A_957 : vector<16xi1>
        %select_n3A_959 = arith.select %and3A_958, %add3A_949, %select_n3A_946 : vector<16xi1>, vector<16xi32>
        %add3A_960 = arith.constant 1 : i32
        %add3A_961 = vector.broadcast %add3A_960 : i32 to vector<16xi32>
        %add3A_962 = arith.addi %select_n3A_959, %add3A_961 : vector<16xi32>
        %min3A_963 = arith.constant 126 : i32
        %min3A_964 = vector.broadcast %min3A_963 : i32 to vector<16xi32>
        %min3A_965 = arith.minsi %add3A_962, %min3A_964 : vector<16xi32>
        %sub3A_966 = arith.constant 1 : i32
        %sub3A_967 = vector.broadcast %sub3A_966 : i32 to vector<16xi32>
        %sub3A_968 = arith.subi %select_n3A_959, %sub3A_967 : vector<16xi32>
        %max3A_969 = arith.constant 0 : i32
        %max3A_970 = vector.broadcast %max3A_969 : i32 to vector<16xi32>
        %max3A_971 = arith.maxsi %sub3A_968, %max3A_970 : vector<16xi32>
        %gather3A_972 = tpu.vector_load_idx %arg9[%max3A_971] : memref<128xf32, #tpu.memory_space<vmem>>[vector<16xi32>], vector<16xf32>,
        %eq3A_973 = arith.constant 0 : i32
        %eq3A_974 = vector.broadcast %eq3A_973 : i32 to vector<16xi32>
        %eq3A_975 = arith.cmpi eq, %select_n3A_959, %eq3A_974 : vector<16xi32>
        %jit3A_976 = arith.constant 0.000000e+00 : f32
        %broadcast_in_dim3A_977 = vector.broadcast %jit3A_976 : f32 to vector<16xf32>
        %select_n3A_978 = arith.select %eq3A_975, %broadcast_in_dim3A_977, %gather3A_972 : vector<16xi1>, vector<16xf32>
        %sub3A_979 = arith.constant 1 : i32
        %sub3A_980 = vector.broadcast %sub3A_979 : i32 to vector<16xi32>
        %sub3A_981 = arith.subi %min3A_965, %sub3A_980 : vector<16xi32>
        %gather3A_982 = tpu.vector_load_idx %arg9[%sub3A_981] : memref<128xf32, #tpu.memory_space<vmem>>[vector<16xi32>], vector<16xf32>,
        %gather3A_983 = tpu.vector_load_idx %arg6[%broadcast_in_dim3A, %select_n3A_959] : memref<8x128xf32, #tpu.memory_space<vmem>>[vector<16xi32>, vector<16xi32>], vector<16xf32>,
        %add3A_984 = arith.constant 1 : i32
        %add3A_985 = vector.broadcast %add3A_984 : i32 to vector<16xi32>
        %add3A_986 = arith.addi %select_n3A_959, %add3A_985 : vector<16xi32>
        %gather3A_987 = tpu.vector_load_idx %arg6[%broadcast_in_dim3A, %add3A_986] : memref<8x128xf32, #tpu.memory_space<vmem>>[vector<16xi32>, vector<16xi32>], vector<16xf32>,
        %gather3A_988 = tpu.vector_load_idx %arg6[%broadcast_in_dim3A, %min3A_965] : memref<8x128xf32, #tpu.memory_space<vmem>>[vector<16xi32>, vector<16xi32>], vector<16xf32>,
        %add3A_989 = arith.constant 1 : i32
        %add3A_990 = vector.broadcast %add3A_989 : i32 to vector<16xi32>
        %add3A_991 = arith.addi %min3A_965, %add3A_990 : vector<16xi32>
        %gather3A_992 = tpu.vector_load_idx %arg6[%broadcast_in_dim3A, %add3A_991] : memref<8x128xf32, #tpu.memory_space<vmem>>[vector<16xi32>, vector<16xi32>], vector<16xf32>,
        %add3A_993 = arith.addf %gather3A_983, %gather3A_987 : vector<16xf32>
        %mul3A_994 = arith.constant 5.000000e-01 : f32
        %mul3A_995 = vector.broadcast %mul3A_994 : f32 to vector<16xf32>
        %mul3A_996 = arith.mulf %mul3A_995, %add3A_993 : vector<16xf32>
        %add3A_997 = arith.addf %gather3A_988, %gather3A_992 : vector<16xf32>
        %mul3A_998 = arith.constant 5.000000e-01 : f32
        %mul3A_999 = vector.broadcast %mul3A_998 : f32 to vector<16xf32>
        %mul3A_1000 = arith.mulf %mul3A_999, %add3A_997 : vector<16xf32>
        %sub3A_1001 = arith.subf %gather3A_982, %select_n3A_978 : vector<16xf32>
        %lt3A_1002 = arith.constant 9.99999974E-6 : f32
        %lt3A_1003 = vector.broadcast %lt3A_1002 : f32 to vector<16xf32>
        %lt3A_1004 = arith.cmpf olt, %sub3A_1001, %lt3A_1003 : vector<16xf32>
        %jit3A_1005 = arith.constant 1.000000e+00 : f32
        %broadcast_in_dim3A_1006 = vector.broadcast %jit3A_1005 : f32 to vector<16xf32>
        %select_n3A_1007 = arith.select %lt3A_1004, %broadcast_in_dim3A_1006, %sub3A_1001 : vector<16xi1>, vector<16xf32>
        %sub3A_1008 = arith.subf %gather3A_866, %select_n3A_978 : vector<16xf32>
        %div3A_1009 = arith.divf %sub3A_1008, %select_n3A_1007 : vector<16xf32>
        %sub3A_1010 = arith.subf %mul3A_1000, %mul3A_996 : vector<16xf32>
        %mul3A_1011 = arith.mulf %div3A_1009, %sub3A_1010 : vector<16xf32>
        %add3A_1012 = arith.addf %mul3A_996, %mul3A_1011 : vector<16xf32>
        %swap3A_1013 = arith.index_cast %scan3A_22 : i32 to index
        %swap3A_1014 = arith.constant 48 : index
        %swap3A_1015 = tpu.vector_load %arg10[%swap3A_1013, %swap3A_1014] {strides = array<i32>} : memref<8x256xf32, #tpu.memory_space<vmem>>, vector<16xf32>,
        tpu.vector_store %arg10[%swap3A_1013, %swap3A_1014], %add3A_1012 {strides = array<i32>} : memref<8x256xf32, #tpu.memory_space<vmem>>, vector<16xf32>,
        %add3A_1016 = arith.constant 64 : i32
        %add3A_1017 = vector.broadcast %add3A_1016 : i32 to vector<16xi32>
        %add3A_1018 = arith.addi %iota3A, %add3A_1017 : vector<16xi32>
        %gather3A_1019 = tpu.vector_load_idx %arg8[%broadcast_in_dim3A, %add3A_1018] : memref<8x256xf32, #tpu.memory_space<vmem>>[vector<16xi32>, vector<16xi32>], vector<16xf32>,
        %broadcast_in_dim3A_1020 = arith.constant 0 : i32
        %broadcast_in_dim3A_1021 = vector.broadcast %broadcast_in_dim3A_1020 : i32 to vector<16xi32>
        %add3A_1022 = arith.constant 64 : i32
        %add3A_1023 = vector.broadcast %add3A_1022 : i32 to vector<16xi32>
        %add3A_1024 = arith.addi %broadcast_in_dim3A_1021, %add3A_1023 : vector<16xi32>
        %sub3A_1025 = arith.constant 1 : i32
        %sub3A_1026 = vector.broadcast %sub3A_1025 : i32 to vector<16xi32>
        %sub3A_1027 = arith.subi %add3A_1024, %sub3A_1026 : vector<16xi32>
        %gather3A_1028 = tpu.vector_load_idx %arg9[%sub3A_1027] : memref<128xf32, #tpu.memory_space<vmem>>[vector<16xi32>], vector<16xf32>,
        %le3A_1029 = arith.cmpf ole, %gather3A_1028, %gather3A_1019 : vector<16xf32>
        %le3A_1030 = arith.constant 126 : i32
        %le3A_1031 = vector.broadcast %le3A_1030 : i32 to vector<16xi32>
        %le3A_1032 = arith.cmpi sle, %add3A_1024, %le3A_1031 : vector<16xi32>
        %and3A_1033 = arith.andi %le3A_1029, %le3A_1032 : vector<16xi1>
        %select_n3A_1034 = arith.select %and3A_1033, %add3A_1024, %broadcast_in_dim3A_1021 : vector<16xi1>, vector<16xi32>
        %add3A_1035 = arith.constant 32 : i32
        %add3A_1036 = vector.broadcast %add3A_1035 : i32 to vector<16xi32>
        %add3A_1037 = arith.addi %select_n3A_1034, %add3A_1036 : vector<16xi32>
        %sub3A_1038 = arith.constant 1 : i32
        %sub3A_1039 = vector.broadcast %sub3A_1038 : i32 to vector<16xi32>
        %sub3A_1040 = arith.subi %add3A_1037, %sub3A_1039 : vector<16xi32>
        %gather3A_1041 = tpu.vector_load_idx %arg9[%sub3A_1040] : memref<128xf32, #tpu.memory_space<vmem>>[vector<16xi32>], vector<16xf32>,
        %le3A_1042 = arith.cmpf ole, %gather3A_1041, %gather3A_1019 : vector<16xf32>
        %le3A_1043 = arith.constant 126 : i32
        %le3A_1044 = vector.broadcast %le3A_1043 : i32 to vector<16xi32>
        %le3A_1045 = arith.cmpi sle, %add3A_1037, %le3A_1044 : vector<16xi32>
        %and3A_1046 = arith.andi %le3A_1042, %le3A_1045 : vector<16xi1>
        %select_n3A_1047 = arith.select %and3A_1046, %add3A_1037, %select_n3A_1034 : vector<16xi1>, vector<16xi32>
        %add3A_1048 = arith.constant 16 : i32
        %add3A_1049 = vector.broadcast %add3A_1048 : i32 to vector<16xi32>
        %add3A_1050 = arith.addi %select_n3A_1047, %add3A_1049 : vector<16xi32>
        %sub3A_1051 = arith.constant 1 : i32
        %sub3A_1052 = vector.broadcast %sub3A_1051 : i32 to vector<16xi32>
        %sub3A_1053 = arith.subi %add3A_1050, %sub3A_1052 : vector<16xi32>
        %gather3A_1054 = tpu.vector_load_idx %arg9[%sub3A_1053] : memref<128xf32, #tpu.memory_space<vmem>>[vector<16xi32>], vector<16xf32>,
        %le3A_1055 = arith.cmpf ole, %gather3A_1054, %gather3A_1019 : vector<16xf32>
        %le3A_1056 = arith.constant 126 : i32
        %le3A_1057 = vector.broadcast %le3A_1056 : i32 to vector<16xi32>
        %le3A_1058 = arith.cmpi sle, %add3A_1050, %le3A_1057 : vector<16xi32>
        %and3A_1059 = arith.andi %le3A_1055, %le3A_1058 : vector<16xi1>
        %select_n3A_1060 = arith.select %and3A_1059, %add3A_1050, %select_n3A_1047 : vector<16xi1>, vector<16xi32>
        %add3A_1061 = arith.constant 8 : i32
        %add3A_1062 = vector.broadcast %add3A_1061 : i32 to vector<16xi32>
        %add3A_1063 = arith.addi %select_n3A_1060, %add3A_1062 : vector<16xi32>
        %sub3A_1064 = arith.constant 1 : i32
        %sub3A_1065 = vector.broadcast %sub3A_1064 : i32 to vector<16xi32>
        %sub3A_1066 = arith.subi %add3A_1063, %sub3A_1065 : vector<16xi32>
        %gather3A_1067 = tpu.vector_load_idx %arg9[%sub3A_1066] : memref<128xf32, #tpu.memory_space<vmem>>[vector<16xi32>], vector<16xf32>,
        %le3A_1068 = arith.cmpf ole, %gather3A_1067, %gather3A_1019 : vector<16xf32>
        %le3A_1069 = arith.constant 126 : i32
        %le3A_1070 = vector.broadcast %le3A_1069 : i32 to vector<16xi32>
        %le3A_1071 = arith.cmpi sle, %add3A_1063, %le3A_1070 : vector<16xi32>
        %and3A_1072 = arith.andi %le3A_1068, %le3A_1071 : vector<16xi1>
        %select_n3A_1073 = arith.select %and3A_1072, %add3A_1063, %select_n3A_1060 : vector<16xi1>, vector<16xi32>
        %add3A_1074 = arith.constant 4 : i32
        %add3A_1075 = vector.broadcast %add3A_1074 : i32 to vector<16xi32>
        %add3A_1076 = arith.addi %select_n3A_1073, %add3A_1075 : vector<16xi32>
        %sub3A_1077 = arith.constant 1 : i32
        %sub3A_1078 = vector.broadcast %sub3A_1077 : i32 to vector<16xi32>
        %sub3A_1079 = arith.subi %add3A_1076, %sub3A_1078 : vector<16xi32>
        %gather3A_1080 = tpu.vector_load_idx %arg9[%sub3A_1079] : memref<128xf32, #tpu.memory_space<vmem>>[vector<16xi32>], vector<16xf32>,
        %le3A_1081 = arith.cmpf ole, %gather3A_1080, %gather3A_1019 : vector<16xf32>
        %le3A_1082 = arith.constant 126 : i32
        %le3A_1083 = vector.broadcast %le3A_1082 : i32 to vector<16xi32>
        %le3A_1084 = arith.cmpi sle, %add3A_1076, %le3A_1083 : vector<16xi32>
        %and3A_1085 = arith.andi %le3A_1081, %le3A_1084 : vector<16xi1>
        %select_n3A_1086 = arith.select %and3A_1085, %add3A_1076, %select_n3A_1073 : vector<16xi1>, vector<16xi32>
        %add3A_1087 = arith.constant 2 : i32
        %add3A_1088 = vector.broadcast %add3A_1087 : i32 to vector<16xi32>
        %add3A_1089 = arith.addi %select_n3A_1086, %add3A_1088 : vector<16xi32>
        %sub3A_1090 = arith.constant 1 : i32
        %sub3A_1091 = vector.broadcast %sub3A_1090 : i32 to vector<16xi32>
        %sub3A_1092 = arith.subi %add3A_1089, %sub3A_1091 : vector<16xi32>
        %gather3A_1093 = tpu.vector_load_idx %arg9[%sub3A_1092] : memref<128xf32, #tpu.memory_space<vmem>>[vector<16xi32>], vector<16xf32>,
        %le3A_1094 = arith.cmpf ole, %gather3A_1093, %gather3A_1019 : vector<16xf32>
        %le3A_1095 = arith.constant 126 : i32
        %le3A_1096 = vector.broadcast %le3A_1095 : i32 to vector<16xi32>
        %le3A_1097 = arith.cmpi sle, %add3A_1089, %le3A_1096 : vector<16xi32>
        %and3A_1098 = arith.andi %le3A_1094, %le3A_1097 : vector<16xi1>
        %select_n3A_1099 = arith.select %and3A_1098, %add3A_1089, %select_n3A_1086 : vector<16xi1>, vector<16xi32>
        %add3A_1100 = arith.constant 1 : i32
        %add3A_1101 = vector.broadcast %add3A_1100 : i32 to vector<16xi32>
        %add3A_1102 = arith.addi %select_n3A_1099, %add3A_1101 : vector<16xi32>
        %sub3A_1103 = arith.constant 1 : i32
        %sub3A_1104 = vector.broadcast %sub3A_1103 : i32 to vector<16xi32>
        %sub3A_1105 = arith.subi %add3A_1102, %sub3A_1104 : vector<16xi32>
        %gather3A_1106 = tpu.vector_load_idx %arg9[%sub3A_1105] : memref<128xf32, #tpu.memory_space<vmem>>[vector<16xi32>], vector<16xf32>,
        %le3A_1107 = arith.cmpf ole, %gather3A_1106, %gather3A_1019 : vector<16xf32>
        %le3A_1108 = arith.constant 126 : i32
        %le3A_1109 = vector.broadcast %le3A_1108 : i32 to vector<16xi32>
        %le3A_1110 = arith.cmpi sle, %add3A_1102, %le3A_1109 : vector<16xi32>
        %and3A_1111 = arith.andi %le3A_1107, %le3A_1110 : vector<16xi1>
        %select_n3A_1112 = arith.select %and3A_1111, %add3A_1102, %select_n3A_1099 : vector<16xi1>, vector<16xi32>
        %add3A_1113 = arith.constant 1 : i32
        %add3A_1114 = vector.broadcast %add3A_1113 : i32 to vector<16xi32>
        %add3A_1115 = arith.addi %select_n3A_1112, %add3A_1114 : vector<16xi32>
        %min3A_1116 = arith.constant 126 : i32
        %min3A_1117 = vector.broadcast %min3A_1116 : i32 to vector<16xi32>
        %min3A_1118 = arith.minsi %add3A_1115, %min3A_1117 : vector<16xi32>
        %sub3A_1119 = arith.constant 1 : i32
        %sub3A_1120 = vector.broadcast %sub3A_1119 : i32 to vector<16xi32>
        %sub3A_1121 = arith.subi %select_n3A_1112, %sub3A_1120 : vector<16xi32>
        %max3A_1122 = arith.constant 0 : i32
        %max3A_1123 = vector.broadcast %max3A_1122 : i32 to vector<16xi32>
        %max3A_1124 = arith.maxsi %sub3A_1121, %max3A_1123 : vector<16xi32>
        %gather3A_1125 = tpu.vector_load_idx %arg9[%max3A_1124] : memref<128xf32, #tpu.memory_space<vmem>>[vector<16xi32>], vector<16xf32>,
        %eq3A_1126 = arith.constant 0 : i32
        %eq3A_1127 = vector.broadcast %eq3A_1126 : i32 to vector<16xi32>
        %eq3A_1128 = arith.cmpi eq, %select_n3A_1112, %eq3A_1127 : vector<16xi32>
        %jit3A_1129 = arith.constant 0.000000e+00 : f32
        %broadcast_in_dim3A_1130 = vector.broadcast %jit3A_1129 : f32 to vector<16xf32>
        %select_n3A_1131 = arith.select %eq3A_1128, %broadcast_in_dim3A_1130, %gather3A_1125 : vector<16xi1>, vector<16xf32>
        %sub3A_1132 = arith.constant 1 : i32
        %sub3A_1133 = vector.broadcast %sub3A_1132 : i32 to vector<16xi32>
        %sub3A_1134 = arith.subi %min3A_1118, %sub3A_1133 : vector<16xi32>
        %gather3A_1135 = tpu.vector_load_idx %arg9[%sub3A_1134] : memref<128xf32, #tpu.memory_space<vmem>>[vector<16xi32>], vector<16xf32>,
        %gather3A_1136 = tpu.vector_load_idx %arg6[%broadcast_in_dim3A, %select_n3A_1112] : memref<8x128xf32, #tpu.memory_space<vmem>>[vector<16xi32>, vector<16xi32>], vector<16xf32>,
        %add3A_1137 = arith.constant 1 : i32
        %add3A_1138 = vector.broadcast %add3A_1137 : i32 to vector<16xi32>
        %add3A_1139 = arith.addi %select_n3A_1112, %add3A_1138 : vector<16xi32>
        %gather3A_1140 = tpu.vector_load_idx %arg6[%broadcast_in_dim3A, %add3A_1139] : memref<8x128xf32, #tpu.memory_space<vmem>>[vector<16xi32>, vector<16xi32>], vector<16xf32>,
        %gather3A_1141 = tpu.vector_load_idx %arg6[%broadcast_in_dim3A, %min3A_1118] : memref<8x128xf32, #tpu.memory_space<vmem>>[vector<16xi32>, vector<16xi32>], vector<16xf32>,
        %add3A_1142 = arith.constant 1 : i32
        %add3A_1143 = vector.broadcast %add3A_1142 : i32 to vector<16xi32>
        %add3A_1144 = arith.addi %min3A_1118, %add3A_1143 : vector<16xi32>
        %gather3A_1145 = tpu.vector_load_idx %arg6[%broadcast_in_dim3A, %add3A_1144] : memref<8x128xf32, #tpu.memory_space<vmem>>[vector<16xi32>, vector<16xi32>], vector<16xf32>,
        %add3A_1146 = arith.addf %gather3A_1136, %gather3A_1140 : vector<16xf32>
        %mul3A_1147 = arith.constant 5.000000e-01 : f32
        %mul3A_1148 = vector.broadcast %mul3A_1147 : f32 to vector<16xf32>
        %mul3A_1149 = arith.mulf %mul3A_1148, %add3A_1146 : vector<16xf32>
        %add3A_1150 = arith.addf %gather3A_1141, %gather3A_1145 : vector<16xf32>
        %mul3A_1151 = arith.constant 5.000000e-01 : f32
        %mul3A_1152 = vector.broadcast %mul3A_1151 : f32 to vector<16xf32>
        %mul3A_1153 = arith.mulf %mul3A_1152, %add3A_1150 : vector<16xf32>
        %sub3A_1154 = arith.subf %gather3A_1135, %select_n3A_1131 : vector<16xf32>
        %lt3A_1155 = arith.constant 9.99999974E-6 : f32
        %lt3A_1156 = vector.broadcast %lt3A_1155 : f32 to vector<16xf32>
        %lt3A_1157 = arith.cmpf olt, %sub3A_1154, %lt3A_1156 : vector<16xf32>
        %jit3A_1158 = arith.constant 1.000000e+00 : f32
        %broadcast_in_dim3A_1159 = vector.broadcast %jit3A_1158 : f32 to vector<16xf32>
        %select_n3A_1160 = arith.select %lt3A_1157, %broadcast_in_dim3A_1159, %sub3A_1154 : vector<16xi1>, vector<16xf32>
        %sub3A_1161 = arith.subf %gather3A_1019, %select_n3A_1131 : vector<16xf32>
        %div3A_1162 = arith.divf %sub3A_1161, %select_n3A_1160 : vector<16xf32>
        %sub3A_1163 = arith.subf %mul3A_1153, %mul3A_1149 : vector<16xf32>
        %mul3A_1164 = arith.mulf %div3A_1162, %sub3A_1163 : vector<16xf32>
        %add3A_1165 = arith.addf %mul3A_1149, %mul3A_1164 : vector<16xf32>
        %swap3A_1166 = arith.index_cast %scan3A_22 : i32 to index
        %swap3A_1167 = arith.constant 64 : index
        %swap3A_1168 = tpu.vector_load %arg10[%swap3A_1166, %swap3A_1167] {strides = array<i32>} : memref<8x256xf32, #tpu.memory_space<vmem>>, vector<16xf32>,
        tpu.vector_store %arg10[%swap3A_1166, %swap3A_1167], %add3A_1165 {strides = array<i32>} : memref<8x256xf32, #tpu.memory_space<vmem>>, vector<16xf32>,
        %add3A_1169 = arith.constant 80 : i32
        %add3A_1170 = vector.broadcast %add3A_1169 : i32 to vector<16xi32>
        %add3A_1171 = arith.addi %iota3A, %add3A_1170 : vector<16xi32>
        %gather3A_1172 = tpu.vector_load_idx %arg8[%broadcast_in_dim3A, %add3A_1171] : memref<8x256xf32, #tpu.memory_space<vmem>>[vector<16xi32>, vector<16xi32>], vector<16xf32>,
        %broadcast_in_dim3A_1173 = arith.constant 0 : i32
        %broadcast_in_dim3A_1174 = vector.broadcast %broadcast_in_dim3A_1173 : i32 to vector<16xi32>
        %add3A_1175 = arith.constant 64 : i32
        %add3A_1176 = vector.broadcast %add3A_1175 : i32 to vector<16xi32>
        %add3A_1177 = arith.addi %broadcast_in_dim3A_1174, %add3A_1176 : vector<16xi32>
        %sub3A_1178 = arith.constant 1 : i32
        %sub3A_1179 = vector.broadcast %sub3A_1178 : i32 to vector<16xi32>
        %sub3A_1180 = arith.subi %add3A_1177, %sub3A_1179 : vector<16xi32>
        %gather3A_1181 = tpu.vector_load_idx %arg9[%sub3A_1180] : memref<128xf32, #tpu.memory_space<vmem>>[vector<16xi32>], vector<16xf32>,
        %le3A_1182 = arith.cmpf ole, %gather3A_1181, %gather3A_1172 : vector<16xf32>
        %le3A_1183 = arith.constant 126 : i32
        %le3A_1184 = vector.broadcast %le3A_1183 : i32 to vector<16xi32>
        %le3A_1185 = arith.cmpi sle, %add3A_1177, %le3A_1184 : vector<16xi32>
        %and3A_1186 = arith.andi %le3A_1182, %le3A_1185 : vector<16xi1>
        %select_n3A_1187 = arith.select %and3A_1186, %add3A_1177, %broadcast_in_dim3A_1174 : vector<16xi1>, vector<16xi32>
        %add3A_1188 = arith.constant 32 : i32
        %add3A_1189 = vector.broadcast %add3A_1188 : i32 to vector<16xi32>
        %add3A_1190 = arith.addi %select_n3A_1187, %add3A_1189 : vector<16xi32>
        %sub3A_1191 = arith.constant 1 : i32
        %sub3A_1192 = vector.broadcast %sub3A_1191 : i32 to vector<16xi32>
        %sub3A_1193 = arith.subi %add3A_1190, %sub3A_1192 : vector<16xi32>
        %gather3A_1194 = tpu.vector_load_idx %arg9[%sub3A_1193] : memref<128xf32, #tpu.memory_space<vmem>>[vector<16xi32>], vector<16xf32>,
        %le3A_1195 = arith.cmpf ole, %gather3A_1194, %gather3A_1172 : vector<16xf32>
        %le3A_1196 = arith.constant 126 : i32
        %le3A_1197 = vector.broadcast %le3A_1196 : i32 to vector<16xi32>
        %le3A_1198 = arith.cmpi sle, %add3A_1190, %le3A_1197 : vector<16xi32>
        %and3A_1199 = arith.andi %le3A_1195, %le3A_1198 : vector<16xi1>
        %select_n3A_1200 = arith.select %and3A_1199, %add3A_1190, %select_n3A_1187 : vector<16xi1>, vector<16xi32>
        %add3A_1201 = arith.constant 16 : i32
        %add3A_1202 = vector.broadcast %add3A_1201 : i32 to vector<16xi32>
        %add3A_1203 = arith.addi %select_n3A_1200, %add3A_1202 : vector<16xi32>
        %sub3A_1204 = arith.constant 1 : i32
        %sub3A_1205 = vector.broadcast %sub3A_1204 : i32 to vector<16xi32>
        %sub3A_1206 = arith.subi %add3A_1203, %sub3A_1205 : vector<16xi32>
        %gather3A_1207 = tpu.vector_load_idx %arg9[%sub3A_1206] : memref<128xf32, #tpu.memory_space<vmem>>[vector<16xi32>], vector<16xf32>,
        %le3A_1208 = arith.cmpf ole, %gather3A_1207, %gather3A_1172 : vector<16xf32>
        %le3A_1209 = arith.constant 126 : i32
        %le3A_1210 = vector.broadcast %le3A_1209 : i32 to vector<16xi32>
        %le3A_1211 = arith.cmpi sle, %add3A_1203, %le3A_1210 : vector<16xi32>
        %and3A_1212 = arith.andi %le3A_1208, %le3A_1211 : vector<16xi1>
        %select_n3A_1213 = arith.select %and3A_1212, %add3A_1203, %select_n3A_1200 : vector<16xi1>, vector<16xi32>
        %add3A_1214 = arith.constant 8 : i32
        %add3A_1215 = vector.broadcast %add3A_1214 : i32 to vector<16xi32>
        %add3A_1216 = arith.addi %select_n3A_1213, %add3A_1215 : vector<16xi32>
        %sub3A_1217 = arith.constant 1 : i32
        %sub3A_1218 = vector.broadcast %sub3A_1217 : i32 to vector<16xi32>
        %sub3A_1219 = arith.subi %add3A_1216, %sub3A_1218 : vector<16xi32>
        %gather3A_1220 = tpu.vector_load_idx %arg9[%sub3A_1219] : memref<128xf32, #tpu.memory_space<vmem>>[vector<16xi32>], vector<16xf32>,
        %le3A_1221 = arith.cmpf ole, %gather3A_1220, %gather3A_1172 : vector<16xf32>
        %le3A_1222 = arith.constant 126 : i32
        %le3A_1223 = vector.broadcast %le3A_1222 : i32 to vector<16xi32>
        %le3A_1224 = arith.cmpi sle, %add3A_1216, %le3A_1223 : vector<16xi32>
        %and3A_1225 = arith.andi %le3A_1221, %le3A_1224 : vector<16xi1>
        %select_n3A_1226 = arith.select %and3A_1225, %add3A_1216, %select_n3A_1213 : vector<16xi1>, vector<16xi32>
        %add3A_1227 = arith.constant 4 : i32
        %add3A_1228 = vector.broadcast %add3A_1227 : i32 to vector<16xi32>
        %add3A_1229 = arith.addi %select_n3A_1226, %add3A_1228 : vector<16xi32>
        %sub3A_1230 = arith.constant 1 : i32
        %sub3A_1231 = vector.broadcast %sub3A_1230 : i32 to vector<16xi32>
        %sub3A_1232 = arith.subi %add3A_1229, %sub3A_1231 : vector<16xi32>
        %gather3A_1233 = tpu.vector_load_idx %arg9[%sub3A_1232] : memref<128xf32, #tpu.memory_space<vmem>>[vector<16xi32>], vector<16xf32>,
        %le3A_1234 = arith.cmpf ole, %gather3A_1233, %gather3A_1172 : vector<16xf32>
        %le3A_1235 = arith.constant 126 : i32
        %le3A_1236 = vector.broadcast %le3A_1235 : i32 to vector<16xi32>
        %le3A_1237 = arith.cmpi sle, %add3A_1229, %le3A_1236 : vector<16xi32>
        %and3A_1238 = arith.andi %le3A_1234, %le3A_1237 : vector<16xi1>
        %select_n3A_1239 = arith.select %and3A_1238, %add3A_1229, %select_n3A_1226 : vector<16xi1>, vector<16xi32>
        %add3A_1240 = arith.constant 2 : i32
        %add3A_1241 = vector.broadcast %add3A_1240 : i32 to vector<16xi32>
        %add3A_1242 = arith.addi %select_n3A_1239, %add3A_1241 : vector<16xi32>
        %sub3A_1243 = arith.constant 1 : i32
        %sub3A_1244 = vector.broadcast %sub3A_1243 : i32 to vector<16xi32>
        %sub3A_1245 = arith.subi %add3A_1242, %sub3A_1244 : vector<16xi32>
        %gather3A_1246 = tpu.vector_load_idx %arg9[%sub3A_1245] : memref<128xf32, #tpu.memory_space<vmem>>[vector<16xi32>], vector<16xf32>,
        %le3A_1247 = arith.cmpf ole, %gather3A_1246, %gather3A_1172 : vector<16xf32>
        %le3A_1248 = arith.constant 126 : i32
        %le3A_1249 = vector.broadcast %le3A_1248 : i32 to vector<16xi32>
        %le3A_1250 = arith.cmpi sle, %add3A_1242, %le3A_1249 : vector<16xi32>
        %and3A_1251 = arith.andi %le3A_1247, %le3A_1250 : vector<16xi1>
        %select_n3A_1252 = arith.select %and3A_1251, %add3A_1242, %select_n3A_1239 : vector<16xi1>, vector<16xi32>
        %add3A_1253 = arith.constant 1 : i32
        %add3A_1254 = vector.broadcast %add3A_1253 : i32 to vector<16xi32>
        %add3A_1255 = arith.addi %select_n3A_1252, %add3A_1254 : vector<16xi32>
        %sub3A_1256 = arith.constant 1 : i32
        %sub3A_1257 = vector.broadcast %sub3A_1256 : i32 to vector<16xi32>
        %sub3A_1258 = arith.subi %add3A_1255, %sub3A_1257 : vector<16xi32>
        %gather3A_1259 = tpu.vector_load_idx %arg9[%sub3A_1258] : memref<128xf32, #tpu.memory_space<vmem>>[vector<16xi32>], vector<16xf32>,
        %le3A_1260 = arith.cmpf ole, %gather3A_1259, %gather3A_1172 : vector<16xf32>
        %le3A_1261 = arith.constant 126 : i32
        %le3A_1262 = vector.broadcast %le3A_1261 : i32 to vector<16xi32>
        %le3A_1263 = arith.cmpi sle, %add3A_1255, %le3A_1262 : vector<16xi32>
        %and3A_1264 = arith.andi %le3A_1260, %le3A_1263 : vector<16xi1>
        %select_n3A_1265 = arith.select %and3A_1264, %add3A_1255, %select_n3A_1252 : vector<16xi1>, vector<16xi32>
        %add3A_1266 = arith.constant 1 : i32
        %add3A_1267 = vector.broadcast %add3A_1266 : i32 to vector<16xi32>
        %add3A_1268 = arith.addi %select_n3A_1265, %add3A_1267 : vector<16xi32>
        %min3A_1269 = arith.constant 126 : i32
        %min3A_1270 = vector.broadcast %min3A_1269 : i32 to vector<16xi32>
        %min3A_1271 = arith.minsi %add3A_1268, %min3A_1270 : vector<16xi32>
        %sub3A_1272 = arith.constant 1 : i32
        %sub3A_1273 = vector.broadcast %sub3A_1272 : i32 to vector<16xi32>
        %sub3A_1274 = arith.subi %select_n3A_1265, %sub3A_1273 : vector<16xi32>
        %max3A_1275 = arith.constant 0 : i32
        %max3A_1276 = vector.broadcast %max3A_1275 : i32 to vector<16xi32>
        %max3A_1277 = arith.maxsi %sub3A_1274, %max3A_1276 : vector<16xi32>
        %gather3A_1278 = tpu.vector_load_idx %arg9[%max3A_1277] : memref<128xf32, #tpu.memory_space<vmem>>[vector<16xi32>], vector<16xf32>,
        %eq3A_1279 = arith.constant 0 : i32
        %eq3A_1280 = vector.broadcast %eq3A_1279 : i32 to vector<16xi32>
        %eq3A_1281 = arith.cmpi eq, %select_n3A_1265, %eq3A_1280 : vector<16xi32>
        %jit3A_1282 = arith.constant 0.000000e+00 : f32
        %broadcast_in_dim3A_1283 = vector.broadcast %jit3A_1282 : f32 to vector<16xf32>
        %select_n3A_1284 = arith.select %eq3A_1281, %broadcast_in_dim3A_1283, %gather3A_1278 : vector<16xi1>, vector<16xf32>
        %sub3A_1285 = arith.constant 1 : i32
        %sub3A_1286 = vector.broadcast %sub3A_1285 : i32 to vector<16xi32>
        %sub3A_1287 = arith.subi %min3A_1271, %sub3A_1286 : vector<16xi32>
        %gather3A_1288 = tpu.vector_load_idx %arg9[%sub3A_1287] : memref<128xf32, #tpu.memory_space<vmem>>[vector<16xi32>], vector<16xf32>,
        %gather3A_1289 = tpu.vector_load_idx %arg6[%broadcast_in_dim3A, %select_n3A_1265] : memref<8x128xf32, #tpu.memory_space<vmem>>[vector<16xi32>, vector<16xi32>], vector<16xf32>,
        %add3A_1290 = arith.constant 1 : i32
        %add3A_1291 = vector.broadcast %add3A_1290 : i32 to vector<16xi32>
        %add3A_1292 = arith.addi %select_n3A_1265, %add3A_1291 : vector<16xi32>
        %gather3A_1293 = tpu.vector_load_idx %arg6[%broadcast_in_dim3A, %add3A_1292] : memref<8x128xf32, #tpu.memory_space<vmem>>[vector<16xi32>, vector<16xi32>], vector<16xf32>,
        %gather3A_1294 = tpu.vector_load_idx %arg6[%broadcast_in_dim3A, %min3A_1271] : memref<8x128xf32, #tpu.memory_space<vmem>>[vector<16xi32>, vector<16xi32>], vector<16xf32>,
        %add3A_1295 = arith.constant 1 : i32
        %add3A_1296 = vector.broadcast %add3A_1295 : i32 to vector<16xi32>
        %add3A_1297 = arith.addi %min3A_1271, %add3A_1296 : vector<16xi32>
        %gather3A_1298 = tpu.vector_load_idx %arg6[%broadcast_in_dim3A, %add3A_1297] : memref<8x128xf32, #tpu.memory_space<vmem>>[vector<16xi32>, vector<16xi32>], vector<16xf32>,
        %add3A_1299 = arith.addf %gather3A_1289, %gather3A_1293 : vector<16xf32>
        %mul3A_1300 = arith.constant 5.000000e-01 : f32
        %mul3A_1301 = vector.broadcast %mul3A_1300 : f32 to vector<16xf32>
        %mul3A_1302 = arith.mulf %mul3A_1301, %add3A_1299 : vector<16xf32>
        %add3A_1303 = arith.addf %gather3A_1294, %gather3A_1298 : vector<16xf32>
        %mul3A_1304 = arith.constant 5.000000e-01 : f32
        %mul3A_1305 = vector.broadcast %mul3A_1304 : f32 to vector<16xf32>
        %mul3A_1306 = arith.mulf %mul3A_1305, %add3A_1303 : vector<16xf32>
        %sub3A_1307 = arith.subf %gather3A_1288, %select_n3A_1284 : vector<16xf32>
        %lt3A_1308 = arith.constant 9.99999974E-6 : f32
        %lt3A_1309 = vector.broadcast %lt3A_1308 : f32 to vector<16xf32>
        %lt3A_1310 = arith.cmpf olt, %sub3A_1307, %lt3A_1309 : vector<16xf32>
        %jit3A_1311 = arith.constant 1.000000e+00 : f32
        %broadcast_in_dim3A_1312 = vector.broadcast %jit3A_1311 : f32 to vector<16xf32>
        %select_n3A_1313 = arith.select %lt3A_1310, %broadcast_in_dim3A_1312, %sub3A_1307 : vector<16xi1>, vector<16xf32>
        %sub3A_1314 = arith.subf %gather3A_1172, %select_n3A_1284 : vector<16xf32>
        %div3A_1315 = arith.divf %sub3A_1314, %select_n3A_1313 : vector<16xf32>
        %sub3A_1316 = arith.subf %mul3A_1306, %mul3A_1302 : vector<16xf32>
        %mul3A_1317 = arith.mulf %div3A_1315, %sub3A_1316 : vector<16xf32>
        %add3A_1318 = arith.addf %mul3A_1302, %mul3A_1317 : vector<16xf32>
        %swap3A_1319 = arith.index_cast %scan3A_22 : i32 to index
        %swap3A_1320 = arith.constant 80 : index
        %swap3A_1321 = tpu.vector_load %arg10[%swap3A_1319, %swap3A_1320] {strides = array<i32>} : memref<8x256xf32, #tpu.memory_space<vmem>>, vector<16xf32>,
        tpu.vector_store %arg10[%swap3A_1319, %swap3A_1320], %add3A_1318 {strides = array<i32>} : memref<8x256xf32, #tpu.memory_space<vmem>>, vector<16xf32>,
        %add3A_1322 = arith.constant 96 : i32
        %add3A_1323 = vector.broadcast %add3A_1322 : i32 to vector<16xi32>
        %add3A_1324 = arith.addi %iota3A, %add3A_1323 : vector<16xi32>
        %gather3A_1325 = tpu.vector_load_idx %arg8[%broadcast_in_dim3A, %add3A_1324] : memref<8x256xf32, #tpu.memory_space<vmem>>[vector<16xi32>, vector<16xi32>], vector<16xf32>,
        %broadcast_in_dim3A_1326 = arith.constant 0 : i32
        %broadcast_in_dim3A_1327 = vector.broadcast %broadcast_in_dim3A_1326 : i32 to vector<16xi32>
        %add3A_1328 = arith.constant 64 : i32
        %add3A_1329 = vector.broadcast %add3A_1328 : i32 to vector<16xi32>
        %add3A_1330 = arith.addi %broadcast_in_dim3A_1327, %add3A_1329 : vector<16xi32>
        %sub3A_1331 = arith.constant 1 : i32
        %sub3A_1332 = vector.broadcast %sub3A_1331 : i32 to vector<16xi32>
        %sub3A_1333 = arith.subi %add3A_1330, %sub3A_1332 : vector<16xi32>
        %gather3A_1334 = tpu.vector_load_idx %arg9[%sub3A_1333] : memref<128xf32, #tpu.memory_space<vmem>>[vector<16xi32>], vector<16xf32>,
        %le3A_1335 = arith.cmpf ole, %gather3A_1334, %gather3A_1325 : vector<16xf32>
        %le3A_1336 = arith.constant 126 : i32
        %le3A_1337 = vector.broadcast %le3A_1336 : i32 to vector<16xi32>
        %le3A_1338 = arith.cmpi sle, %add3A_1330, %le3A_1337 : vector<16xi32>
        %and3A_1339 = arith.andi %le3A_1335, %le3A_1338 : vector<16xi1>
        %select_n3A_1340 = arith.select %and3A_1339, %add3A_1330, %broadcast_in_dim3A_1327 : vector<16xi1>, vector<16xi32>
        %add3A_1341 = arith.constant 32 : i32
        %add3A_1342 = vector.broadcast %add3A_1341 : i32 to vector<16xi32>
        %add3A_1343 = arith.addi %select_n3A_1340, %add3A_1342 : vector<16xi32>
        %sub3A_1344 = arith.constant 1 : i32
        %sub3A_1345 = vector.broadcast %sub3A_1344 : i32 to vector<16xi32>
        %sub3A_1346 = arith.subi %add3A_1343, %sub3A_1345 : vector<16xi32>
        %gather3A_1347 = tpu.vector_load_idx %arg9[%sub3A_1346] : memref<128xf32, #tpu.memory_space<vmem>>[vector<16xi32>], vector<16xf32>,
        %le3A_1348 = arith.cmpf ole, %gather3A_1347, %gather3A_1325 : vector<16xf32>
        %le3A_1349 = arith.constant 126 : i32
        %le3A_1350 = vector.broadcast %le3A_1349 : i32 to vector<16xi32>
        %le3A_1351 = arith.cmpi sle, %add3A_1343, %le3A_1350 : vector<16xi32>
        %and3A_1352 = arith.andi %le3A_1348, %le3A_1351 : vector<16xi1>
        %select_n3A_1353 = arith.select %and3A_1352, %add3A_1343, %select_n3A_1340 : vector<16xi1>, vector<16xi32>
        %add3A_1354 = arith.constant 16 : i32
        %add3A_1355 = vector.broadcast %add3A_1354 : i32 to vector<16xi32>
        %add3A_1356 = arith.addi %select_n3A_1353, %add3A_1355 : vector<16xi32>
        %sub3A_1357 = arith.constant 1 : i32
        %sub3A_1358 = vector.broadcast %sub3A_1357 : i32 to vector<16xi32>
        %sub3A_1359 = arith.subi %add3A_1356, %sub3A_1358 : vector<16xi32>
        %gather3A_1360 = tpu.vector_load_idx %arg9[%sub3A_1359] : memref<128xf32, #tpu.memory_space<vmem>>[vector<16xi32>], vector<16xf32>,
        %le3A_1361 = arith.cmpf ole, %gather3A_1360, %gather3A_1325 : vector<16xf32>
        %le3A_1362 = arith.constant 126 : i32
        %le3A_1363 = vector.broadcast %le3A_1362 : i32 to vector<16xi32>
        %le3A_1364 = arith.cmpi sle, %add3A_1356, %le3A_1363 : vector<16xi32>
        %and3A_1365 = arith.andi %le3A_1361, %le3A_1364 : vector<16xi1>
        %select_n3A_1366 = arith.select %and3A_1365, %add3A_1356, %select_n3A_1353 : vector<16xi1>, vector<16xi32>
        %add3A_1367 = arith.constant 8 : i32
        %add3A_1368 = vector.broadcast %add3A_1367 : i32 to vector<16xi32>
        %add3A_1369 = arith.addi %select_n3A_1366, %add3A_1368 : vector<16xi32>
        %sub3A_1370 = arith.constant 1 : i32
        %sub3A_1371 = vector.broadcast %sub3A_1370 : i32 to vector<16xi32>
        %sub3A_1372 = arith.subi %add3A_1369, %sub3A_1371 : vector<16xi32>
        %gather3A_1373 = tpu.vector_load_idx %arg9[%sub3A_1372] : memref<128xf32, #tpu.memory_space<vmem>>[vector<16xi32>], vector<16xf32>,
        %le3A_1374 = arith.cmpf ole, %gather3A_1373, %gather3A_1325 : vector<16xf32>
        %le3A_1375 = arith.constant 126 : i32
        %le3A_1376 = vector.broadcast %le3A_1375 : i32 to vector<16xi32>
        %le3A_1377 = arith.cmpi sle, %add3A_1369, %le3A_1376 : vector<16xi32>
        %and3A_1378 = arith.andi %le3A_1374, %le3A_1377 : vector<16xi1>
        %select_n3A_1379 = arith.select %and3A_1378, %add3A_1369, %select_n3A_1366 : vector<16xi1>, vector<16xi32>
        %add3A_1380 = arith.constant 4 : i32
        %add3A_1381 = vector.broadcast %add3A_1380 : i32 to vector<16xi32>
        %add3A_1382 = arith.addi %select_n3A_1379, %add3A_1381 : vector<16xi32>
        %sub3A_1383 = arith.constant 1 : i32
        %sub3A_1384 = vector.broadcast %sub3A_1383 : i32 to vector<16xi32>
        %sub3A_1385 = arith.subi %add3A_1382, %sub3A_1384 : vector<16xi32>
        %gather3A_1386 = tpu.vector_load_idx %arg9[%sub3A_1385] : memref<128xf32, #tpu.memory_space<vmem>>[vector<16xi32>], vector<16xf32>,
        %le3A_1387 = arith.cmpf ole, %gather3A_1386, %gather3A_1325 : vector<16xf32>
        %le3A_1388 = arith.constant 126 : i32
        %le3A_1389 = vector.broadcast %le3A_1388 : i32 to vector<16xi32>
        %le3A_1390 = arith.cmpi sle, %add3A_1382, %le3A_1389 : vector<16xi32>
        %and3A_1391 = arith.andi %le3A_1387, %le3A_1390 : vector<16xi1>
        %select_n3A_1392 = arith.select %and3A_1391, %add3A_1382, %select_n3A_1379 : vector<16xi1>, vector<16xi32>
        %add3A_1393 = arith.constant 2 : i32
        %add3A_1394 = vector.broadcast %add3A_1393 : i32 to vector<16xi32>
        %add3A_1395 = arith.addi %select_n3A_1392, %add3A_1394 : vector<16xi32>
        %sub3A_1396 = arith.constant 1 : i32
        %sub3A_1397 = vector.broadcast %sub3A_1396 : i32 to vector<16xi32>
        %sub3A_1398 = arith.subi %add3A_1395, %sub3A_1397 : vector<16xi32>
        %gather3A_1399 = tpu.vector_load_idx %arg9[%sub3A_1398] : memref<128xf32, #tpu.memory_space<vmem>>[vector<16xi32>], vector<16xf32>,
        %le3A_1400 = arith.cmpf ole, %gather3A_1399, %gather3A_1325 : vector<16xf32>
        %le3A_1401 = arith.constant 126 : i32
        %le3A_1402 = vector.broadcast %le3A_1401 : i32 to vector<16xi32>
        %le3A_1403 = arith.cmpi sle, %add3A_1395, %le3A_1402 : vector<16xi32>
        %and3A_1404 = arith.andi %le3A_1400, %le3A_1403 : vector<16xi1>
        %select_n3A_1405 = arith.select %and3A_1404, %add3A_1395, %select_n3A_1392 : vector<16xi1>, vector<16xi32>
        %add3A_1406 = arith.constant 1 : i32
        %add3A_1407 = vector.broadcast %add3A_1406 : i32 to vector<16xi32>
        %add3A_1408 = arith.addi %select_n3A_1405, %add3A_1407 : vector<16xi32>
        %sub3A_1409 = arith.constant 1 : i32
        %sub3A_1410 = vector.broadcast %sub3A_1409 : i32 to vector<16xi32>
        %sub3A_1411 = arith.subi %add3A_1408, %sub3A_1410 : vector<16xi32>
        %gather3A_1412 = tpu.vector_load_idx %arg9[%sub3A_1411] : memref<128xf32, #tpu.memory_space<vmem>>[vector<16xi32>], vector<16xf32>,
        %le3A_1413 = arith.cmpf ole, %gather3A_1412, %gather3A_1325 : vector<16xf32>
        %le3A_1414 = arith.constant 126 : i32
        %le3A_1415 = vector.broadcast %le3A_1414 : i32 to vector<16xi32>
        %le3A_1416 = arith.cmpi sle, %add3A_1408, %le3A_1415 : vector<16xi32>
        %and3A_1417 = arith.andi %le3A_1413, %le3A_1416 : vector<16xi1>
        %select_n3A_1418 = arith.select %and3A_1417, %add3A_1408, %select_n3A_1405 : vector<16xi1>, vector<16xi32>
        %add3A_1419 = arith.constant 1 : i32
        %add3A_1420 = vector.broadcast %add3A_1419 : i32 to vector<16xi32>
        %add3A_1421 = arith.addi %select_n3A_1418, %add3A_1420 : vector<16xi32>
        %min3A_1422 = arith.constant 126 : i32
        %min3A_1423 = vector.broadcast %min3A_1422 : i32 to vector<16xi32>
        %min3A_1424 = arith.minsi %add3A_1421, %min3A_1423 : vector<16xi32>
        %sub3A_1425 = arith.constant 1 : i32
        %sub3A_1426 = vector.broadcast %sub3A_1425 : i32 to vector<16xi32>
        %sub3A_1427 = arith.subi %select_n3A_1418, %sub3A_1426 : vector<16xi32>
        %max3A_1428 = arith.constant 0 : i32
        %max3A_1429 = vector.broadcast %max3A_1428 : i32 to vector<16xi32>
        %max3A_1430 = arith.maxsi %sub3A_1427, %max3A_1429 : vector<16xi32>
        %gather3A_1431 = tpu.vector_load_idx %arg9[%max3A_1430] : memref<128xf32, #tpu.memory_space<vmem>>[vector<16xi32>], vector<16xf32>,
        %eq3A_1432 = arith.constant 0 : i32
        %eq3A_1433 = vector.broadcast %eq3A_1432 : i32 to vector<16xi32>
        %eq3A_1434 = arith.cmpi eq, %select_n3A_1418, %eq3A_1433 : vector<16xi32>
        %jit3A_1435 = arith.constant 0.000000e+00 : f32
        %broadcast_in_dim3A_1436 = vector.broadcast %jit3A_1435 : f32 to vector<16xf32>
        %select_n3A_1437 = arith.select %eq3A_1434, %broadcast_in_dim3A_1436, %gather3A_1431 : vector<16xi1>, vector<16xf32>
        %sub3A_1438 = arith.constant 1 : i32
        %sub3A_1439 = vector.broadcast %sub3A_1438 : i32 to vector<16xi32>
        %sub3A_1440 = arith.subi %min3A_1424, %sub3A_1439 : vector<16xi32>
        %gather3A_1441 = tpu.vector_load_idx %arg9[%sub3A_1440] : memref<128xf32, #tpu.memory_space<vmem>>[vector<16xi32>], vector<16xf32>,
        %gather3A_1442 = tpu.vector_load_idx %arg6[%broadcast_in_dim3A, %select_n3A_1418] : memref<8x128xf32, #tpu.memory_space<vmem>>[vector<16xi32>, vector<16xi32>], vector<16xf32>,
        %add3A_1443 = arith.constant 1 : i32
        %add3A_1444 = vector.broadcast %add3A_1443 : i32 to vector<16xi32>
        %add3A_1445 = arith.addi %select_n3A_1418, %add3A_1444 : vector<16xi32>
        %gather3A_1446 = tpu.vector_load_idx %arg6[%broadcast_in_dim3A, %add3A_1445] : memref<8x128xf32, #tpu.memory_space<vmem>>[vector<16xi32>, vector<16xi32>], vector<16xf32>,
        %gather3A_1447 = tpu.vector_load_idx %arg6[%broadcast_in_dim3A, %min3A_1424] : memref<8x128xf32, #tpu.memory_space<vmem>>[vector<16xi32>, vector<16xi32>], vector<16xf32>,
        %add3A_1448 = arith.constant 1 : i32
        %add3A_1449 = vector.broadcast %add3A_1448 : i32 to vector<16xi32>
        %add3A_1450 = arith.addi %min3A_1424, %add3A_1449 : vector<16xi32>
        %gather3A_1451 = tpu.vector_load_idx %arg6[%broadcast_in_dim3A, %add3A_1450] : memref<8x128xf32, #tpu.memory_space<vmem>>[vector<16xi32>, vector<16xi32>], vector<16xf32>,
        %add3A_1452 = arith.addf %gather3A_1442, %gather3A_1446 : vector<16xf32>
        %mul3A_1453 = arith.constant 5.000000e-01 : f32
        %mul3A_1454 = vector.broadcast %mul3A_1453 : f32 to vector<16xf32>
        %mul3A_1455 = arith.mulf %mul3A_1454, %add3A_1452 : vector<16xf32>
        %add3A_1456 = arith.addf %gather3A_1447, %gather3A_1451 : vector<16xf32>
        %mul3A_1457 = arith.constant 5.000000e-01 : f32
        %mul3A_1458 = vector.broadcast %mul3A_1457 : f32 to vector<16xf32>
        %mul3A_1459 = arith.mulf %mul3A_1458, %add3A_1456 : vector<16xf32>
        %sub3A_1460 = arith.subf %gather3A_1441, %select_n3A_1437 : vector<16xf32>
        %lt3A_1461 = arith.constant 9.99999974E-6 : f32
        %lt3A_1462 = vector.broadcast %lt3A_1461 : f32 to vector<16xf32>
        %lt3A_1463 = arith.cmpf olt, %sub3A_1460, %lt3A_1462 : vector<16xf32>
        %jit3A_1464 = arith.constant 1.000000e+00 : f32
        %broadcast_in_dim3A_1465 = vector.broadcast %jit3A_1464 : f32 to vector<16xf32>
        %select_n3A_1466 = arith.select %lt3A_1463, %broadcast_in_dim3A_1465, %sub3A_1460 : vector<16xi1>, vector<16xf32>
        %sub3A_1467 = arith.subf %gather3A_1325, %select_n3A_1437 : vector<16xf32>
        %div3A_1468 = arith.divf %sub3A_1467, %select_n3A_1466 : vector<16xf32>
        %sub3A_1469 = arith.subf %mul3A_1459, %mul3A_1455 : vector<16xf32>
        %mul3A_1470 = arith.mulf %div3A_1468, %sub3A_1469 : vector<16xf32>
        %add3A_1471 = arith.addf %mul3A_1455, %mul3A_1470 : vector<16xf32>
        %swap3A_1472 = arith.index_cast %scan3A_22 : i32 to index
        %swap3A_1473 = arith.constant 96 : index
        %swap3A_1474 = tpu.vector_load %arg10[%swap3A_1472, %swap3A_1473] {strides = array<i32>} : memref<8x256xf32, #tpu.memory_space<vmem>>, vector<16xf32>,
        tpu.vector_store %arg10[%swap3A_1472, %swap3A_1473], %add3A_1471 {strides = array<i32>} : memref<8x256xf32, #tpu.memory_space<vmem>>, vector<16xf32>,
        %add3A_1475 = arith.constant 112 : i32
        %add3A_1476 = vector.broadcast %add3A_1475 : i32 to vector<16xi32>
        %add3A_1477 = arith.addi %iota3A, %add3A_1476 : vector<16xi32>
        %gather3A_1478 = tpu.vector_load_idx %arg8[%broadcast_in_dim3A, %add3A_1477] : memref<8x256xf32, #tpu.memory_space<vmem>>[vector<16xi32>, vector<16xi32>], vector<16xf32>,
        %broadcast_in_dim3A_1479 = arith.constant 0 : i32
        %broadcast_in_dim3A_1480 = vector.broadcast %broadcast_in_dim3A_1479 : i32 to vector<16xi32>
        %add3A_1481 = arith.constant 64 : i32
        %add3A_1482 = vector.broadcast %add3A_1481 : i32 to vector<16xi32>
        %add3A_1483 = arith.addi %broadcast_in_dim3A_1480, %add3A_1482 : vector<16xi32>
        %sub3A_1484 = arith.constant 1 : i32
        %sub3A_1485 = vector.broadcast %sub3A_1484 : i32 to vector<16xi32>
        %sub3A_1486 = arith.subi %add3A_1483, %sub3A_1485 : vector<16xi32>
        %gather3A_1487 = tpu.vector_load_idx %arg9[%sub3A_1486] : memref<128xf32, #tpu.memory_space<vmem>>[vector<16xi32>], vector<16xf32>,
        %le3A_1488 = arith.cmpf ole, %gather3A_1487, %gather3A_1478 : vector<16xf32>
        %le3A_1489 = arith.constant 126 : i32
        %le3A_1490 = vector.broadcast %le3A_1489 : i32 to vector<16xi32>
        %le3A_1491 = arith.cmpi sle, %add3A_1483, %le3A_1490 : vector<16xi32>
        %and3A_1492 = arith.andi %le3A_1488, %le3A_1491 : vector<16xi1>
        %select_n3A_1493 = arith.select %and3A_1492, %add3A_1483, %broadcast_in_dim3A_1480 : vector<16xi1>, vector<16xi32>
        %add3A_1494 = arith.constant 32 : i32
        %add3A_1495 = vector.broadcast %add3A_1494 : i32 to vector<16xi32>
        %add3A_1496 = arith.addi %select_n3A_1493, %add3A_1495 : vector<16xi32>
        %sub3A_1497 = arith.constant 1 : i32
        %sub3A_1498 = vector.broadcast %sub3A_1497 : i32 to vector<16xi32>
        %sub3A_1499 = arith.subi %add3A_1496, %sub3A_1498 : vector<16xi32>
        %gather3A_1500 = tpu.vector_load_idx %arg9[%sub3A_1499] : memref<128xf32, #tpu.memory_space<vmem>>[vector<16xi32>], vector<16xf32>,
        %le3A_1501 = arith.cmpf ole, %gather3A_1500, %gather3A_1478 : vector<16xf32>
        %le3A_1502 = arith.constant 126 : i32
        %le3A_1503 = vector.broadcast %le3A_1502 : i32 to vector<16xi32>
        %le3A_1504 = arith.cmpi sle, %add3A_1496, %le3A_1503 : vector<16xi32>
        %and3A_1505 = arith.andi %le3A_1501, %le3A_1504 : vector<16xi1>
        %select_n3A_1506 = arith.select %and3A_1505, %add3A_1496, %select_n3A_1493 : vector<16xi1>, vector<16xi32>
        %add3A_1507 = arith.constant 16 : i32
        %add3A_1508 = vector.broadcast %add3A_1507 : i32 to vector<16xi32>
        %add3A_1509 = arith.addi %select_n3A_1506, %add3A_1508 : vector<16xi32>
        %sub3A_1510 = arith.constant 1 : i32
        %sub3A_1511 = vector.broadcast %sub3A_1510 : i32 to vector<16xi32>
        %sub3A_1512 = arith.subi %add3A_1509, %sub3A_1511 : vector<16xi32>
        %gather3A_1513 = tpu.vector_load_idx %arg9[%sub3A_1512] : memref<128xf32, #tpu.memory_space<vmem>>[vector<16xi32>], vector<16xf32>,
        %le3A_1514 = arith.cmpf ole, %gather3A_1513, %gather3A_1478 : vector<16xf32>
        %le3A_1515 = arith.constant 126 : i32
        %le3A_1516 = vector.broadcast %le3A_1515 : i32 to vector<16xi32>
        %le3A_1517 = arith.cmpi sle, %add3A_1509, %le3A_1516 : vector<16xi32>
        %and3A_1518 = arith.andi %le3A_1514, %le3A_1517 : vector<16xi1>
        %select_n3A_1519 = arith.select %and3A_1518, %add3A_1509, %select_n3A_1506 : vector<16xi1>, vector<16xi32>
        %add3A_1520 = arith.constant 8 : i32
        %add3A_1521 = vector.broadcast %add3A_1520 : i32 to vector<16xi32>
        %add3A_1522 = arith.addi %select_n3A_1519, %add3A_1521 : vector<16xi32>
        %sub3A_1523 = arith.constant 1 : i32
        %sub3A_1524 = vector.broadcast %sub3A_1523 : i32 to vector<16xi32>
        %sub3A_1525 = arith.subi %add3A_1522, %sub3A_1524 : vector<16xi32>
        %gather3A_1526 = tpu.vector_load_idx %arg9[%sub3A_1525] : memref<128xf32, #tpu.memory_space<vmem>>[vector<16xi32>], vector<16xf32>,
        %le3A_1527 = arith.cmpf ole, %gather3A_1526, %gather3A_1478 : vector<16xf32>
        %le3A_1528 = arith.constant 126 : i32
        %le3A_1529 = vector.broadcast %le3A_1528 : i32 to vector<16xi32>
        %le3A_1530 = arith.cmpi sle, %add3A_1522, %le3A_1529 : vector<16xi32>
        %and3A_1531 = arith.andi %le3A_1527, %le3A_1530 : vector<16xi1>
        %select_n3A_1532 = arith.select %and3A_1531, %add3A_1522, %select_n3A_1519 : vector<16xi1>, vector<16xi32>
        %add3A_1533 = arith.constant 4 : i32
        %add3A_1534 = vector.broadcast %add3A_1533 : i32 to vector<16xi32>
        %add3A_1535 = arith.addi %select_n3A_1532, %add3A_1534 : vector<16xi32>
        %sub3A_1536 = arith.constant 1 : i32
        %sub3A_1537 = vector.broadcast %sub3A_1536 : i32 to vector<16xi32>
        %sub3A_1538 = arith.subi %add3A_1535, %sub3A_1537 : vector<16xi32>
        %gather3A_1539 = tpu.vector_load_idx %arg9[%sub3A_1538] : memref<128xf32, #tpu.memory_space<vmem>>[vector<16xi32>], vector<16xf32>,
        %le3A_1540 = arith.cmpf ole, %gather3A_1539, %gather3A_1478 : vector<16xf32>
        %le3A_1541 = arith.constant 126 : i32
        %le3A_1542 = vector.broadcast %le3A_1541 : i32 to vector<16xi32>
        %le3A_1543 = arith.cmpi sle, %add3A_1535, %le3A_1542 : vector<16xi32>
        %and3A_1544 = arith.andi %le3A_1540, %le3A_1543 : vector<16xi1>
        %select_n3A_1545 = arith.select %and3A_1544, %add3A_1535, %select_n3A_1532 : vector<16xi1>, vector<16xi32>
        %add3A_1546 = arith.constant 2 : i32
        %add3A_1547 = vector.broadcast %add3A_1546 : i32 to vector<16xi32>
        %add3A_1548 = arith.addi %select_n3A_1545, %add3A_1547 : vector<16xi32>
        %sub3A_1549 = arith.constant 1 : i32
        %sub3A_1550 = vector.broadcast %sub3A_1549 : i32 to vector<16xi32>
        %sub3A_1551 = arith.subi %add3A_1548, %sub3A_1550 : vector<16xi32>
        %gather3A_1552 = tpu.vector_load_idx %arg9[%sub3A_1551] : memref<128xf32, #tpu.memory_space<vmem>>[vector<16xi32>], vector<16xf32>,
        %le3A_1553 = arith.cmpf ole, %gather3A_1552, %gather3A_1478 : vector<16xf32>
        %le3A_1554 = arith.constant 126 : i32
        %le3A_1555 = vector.broadcast %le3A_1554 : i32 to vector<16xi32>
        %le3A_1556 = arith.cmpi sle, %add3A_1548, %le3A_1555 : vector<16xi32>
        %and3A_1557 = arith.andi %le3A_1553, %le3A_1556 : vector<16xi1>
        %select_n3A_1558 = arith.select %and3A_1557, %add3A_1548, %select_n3A_1545 : vector<16xi1>, vector<16xi32>
        %add3A_1559 = arith.constant 1 : i32
        %add3A_1560 = vector.broadcast %add3A_1559 : i32 to vector<16xi32>
        %add3A_1561 = arith.addi %select_n3A_1558, %add3A_1560 : vector<16xi32>
        %sub3A_1562 = arith.constant 1 : i32
        %sub3A_1563 = vector.broadcast %sub3A_1562 : i32 to vector<16xi32>
        %sub3A_1564 = arith.subi %add3A_1561, %sub3A_1563 : vector<16xi32>
        %gather3A_1565 = tpu.vector_load_idx %arg9[%sub3A_1564] : memref<128xf32, #tpu.memory_space<vmem>>[vector<16xi32>], vector<16xf32>,
        %le3A_1566 = arith.cmpf ole, %gather3A_1565, %gather3A_1478 : vector<16xf32>
        %le3A_1567 = arith.constant 126 : i32
        %le3A_1568 = vector.broadcast %le3A_1567 : i32 to vector<16xi32>
        %le3A_1569 = arith.cmpi sle, %add3A_1561, %le3A_1568 : vector<16xi32>
        %and3A_1570 = arith.andi %le3A_1566, %le3A_1569 : vector<16xi1>
        %select_n3A_1571 = arith.select %and3A_1570, %add3A_1561, %select_n3A_1558 : vector<16xi1>, vector<16xi32>
        %add3A_1572 = arith.constant 1 : i32
        %add3A_1573 = vector.broadcast %add3A_1572 : i32 to vector<16xi32>
        %add3A_1574 = arith.addi %select_n3A_1571, %add3A_1573 : vector<16xi32>
        %min3A_1575 = arith.constant 126 : i32
        %min3A_1576 = vector.broadcast %min3A_1575 : i32 to vector<16xi32>
        %min3A_1577 = arith.minsi %add3A_1574, %min3A_1576 : vector<16xi32>
        %sub3A_1578 = arith.constant 1 : i32
        %sub3A_1579 = vector.broadcast %sub3A_1578 : i32 to vector<16xi32>
        %sub3A_1580 = arith.subi %select_n3A_1571, %sub3A_1579 : vector<16xi32>
        %max3A_1581 = arith.constant 0 : i32
        %max3A_1582 = vector.broadcast %max3A_1581 : i32 to vector<16xi32>
        %max3A_1583 = arith.maxsi %sub3A_1580, %max3A_1582 : vector<16xi32>
        %gather3A_1584 = tpu.vector_load_idx %arg9[%max3A_1583] : memref<128xf32, #tpu.memory_space<vmem>>[vector<16xi32>], vector<16xf32>,
        %eq3A_1585 = arith.constant 0 : i32
        %eq3A_1586 = vector.broadcast %eq3A_1585 : i32 to vector<16xi32>
        %eq3A_1587 = arith.cmpi eq, %select_n3A_1571, %eq3A_1586 : vector<16xi32>
        %jit3A_1588 = arith.constant 0.000000e+00 : f32
        %broadcast_in_dim3A_1589 = vector.broadcast %jit3A_1588 : f32 to vector<16xf32>
        %select_n3A_1590 = arith.select %eq3A_1587, %broadcast_in_dim3A_1589, %gather3A_1584 : vector<16xi1>, vector<16xf32>
        %sub3A_1591 = arith.constant 1 : i32
        %sub3A_1592 = vector.broadcast %sub3A_1591 : i32 to vector<16xi32>
        %sub3A_1593 = arith.subi %min3A_1577, %sub3A_1592 : vector<16xi32>
        %gather3A_1594 = tpu.vector_load_idx %arg9[%sub3A_1593] : memref<128xf32, #tpu.memory_space<vmem>>[vector<16xi32>], vector<16xf32>,
        %gather3A_1595 = tpu.vector_load_idx %arg6[%broadcast_in_dim3A, %select_n3A_1571] : memref<8x128xf32, #tpu.memory_space<vmem>>[vector<16xi32>, vector<16xi32>], vector<16xf32>,
        %add3A_1596 = arith.constant 1 : i32
        %add3A_1597 = vector.broadcast %add3A_1596 : i32 to vector<16xi32>
        %add3A_1598 = arith.addi %select_n3A_1571, %add3A_1597 : vector<16xi32>
        %gather3A_1599 = tpu.vector_load_idx %arg6[%broadcast_in_dim3A, %add3A_1598] : memref<8x128xf32, #tpu.memory_space<vmem>>[vector<16xi32>, vector<16xi32>], vector<16xf32>,
        %gather3A_1600 = tpu.vector_load_idx %arg6[%broadcast_in_dim3A, %min3A_1577] : memref<8x128xf32, #tpu.memory_space<vmem>>[vector<16xi32>, vector<16xi32>], vector<16xf32>,
        %add3A_1601 = arith.constant 1 : i32
        %add3A_1602 = vector.broadcast %add3A_1601 : i32 to vector<16xi32>
        %add3A_1603 = arith.addi %min3A_1577, %add3A_1602 : vector<16xi32>
        %gather3A_1604 = tpu.vector_load_idx %arg6[%broadcast_in_dim3A, %add3A_1603] : memref<8x128xf32, #tpu.memory_space<vmem>>[vector<16xi32>, vector<16xi32>], vector<16xf32>,
        %add3A_1605 = arith.addf %gather3A_1595, %gather3A_1599 : vector<16xf32>
        %mul3A_1606 = arith.constant 5.000000e-01 : f32
        %mul3A_1607 = vector.broadcast %mul3A_1606 : f32 to vector<16xf32>
        %mul3A_1608 = arith.mulf %mul3A_1607, %add3A_1605 : vector<16xf32>
        %add3A_1609 = arith.addf %gather3A_1600, %gather3A_1604 : vector<16xf32>
        %mul3A_1610 = arith.constant 5.000000e-01 : f32
        %mul3A_1611 = vector.broadcast %mul3A_1610 : f32 to vector<16xf32>
        %mul3A_1612 = arith.mulf %mul3A_1611, %add3A_1609 : vector<16xf32>
        %sub3A_1613 = arith.subf %gather3A_1594, %select_n3A_1590 : vector<16xf32>
        %lt3A_1614 = arith.constant 9.99999974E-6 : f32
        %lt3A_1615 = vector.broadcast %lt3A_1614 : f32 to vector<16xf32>
        %lt3A_1616 = arith.cmpf olt, %sub3A_1613, %lt3A_1615 : vector<16xf32>
        %jit3A_1617 = arith.constant 1.000000e+00 : f32
        %broadcast_in_dim3A_1618 = vector.broadcast %jit3A_1617 : f32 to vector<16xf32>
        %select_n3A_1619 = arith.select %lt3A_1616, %broadcast_in_dim3A_1618, %sub3A_1613 : vector<16xi1>, vector<16xf32>
        %sub3A_1620 = arith.subf %gather3A_1478, %select_n3A_1590 : vector<16xf32>
        %div3A_1621 = arith.divf %sub3A_1620, %select_n3A_1619 : vector<16xf32>
        %sub3A_1622 = arith.subf %mul3A_1612, %mul3A_1608 : vector<16xf32>
        %mul3A_1623 = arith.mulf %div3A_1621, %sub3A_1622 : vector<16xf32>
        %add3A_1624 = arith.addf %mul3A_1608, %mul3A_1623 : vector<16xf32>
        %swap3A_1625 = arith.index_cast %scan3A_22 : i32 to index
        %swap3A_1626 = arith.constant 112 : index
        %swap3A_1627 = tpu.vector_load %arg10[%swap3A_1625, %swap3A_1626] {strides = array<i32>} : memref<8x256xf32, #tpu.memory_space<vmem>>, vector<16xf32>,
        tpu.vector_store %arg10[%swap3A_1625, %swap3A_1626], %add3A_1624 {strides = array<i32>} : memref<8x256xf32, #tpu.memory_space<vmem>>, vector<16xf32>,
        %add3A_1628 = arith.constant 128 : i32
        %add3A_1629 = vector.broadcast %add3A_1628 : i32 to vector<16xi32>
        %add3A_1630 = arith.addi %iota3A, %add3A_1629 : vector<16xi32>
        %gather3A_1631 = tpu.vector_load_idx %arg8[%broadcast_in_dim3A, %add3A_1630] : memref<8x256xf32, #tpu.memory_space<vmem>>[vector<16xi32>, vector<16xi32>], vector<16xf32>,
        %broadcast_in_dim3A_1632 = arith.constant 0 : i32
        %broadcast_in_dim3A_1633 = vector.broadcast %broadcast_in_dim3A_1632 : i32 to vector<16xi32>
        %add3A_1634 = arith.constant 64 : i32
        %add3A_1635 = vector.broadcast %add3A_1634 : i32 to vector<16xi32>
        %add3A_1636 = arith.addi %broadcast_in_dim3A_1633, %add3A_1635 : vector<16xi32>
        %sub3A_1637 = arith.constant 1 : i32
        %sub3A_1638 = vector.broadcast %sub3A_1637 : i32 to vector<16xi32>
        %sub3A_1639 = arith.subi %add3A_1636, %sub3A_1638 : vector<16xi32>
        %gather3A_1640 = tpu.vector_load_idx %arg9[%sub3A_1639] : memref<128xf32, #tpu.memory_space<vmem>>[vector<16xi32>], vector<16xf32>,
        %le3A_1641 = arith.cmpf ole, %gather3A_1640, %gather3A_1631 : vector<16xf32>
        %le3A_1642 = arith.constant 126 : i32
        %le3A_1643 = vector.broadcast %le3A_1642 : i32 to vector<16xi32>
        %le3A_1644 = arith.cmpi sle, %add3A_1636, %le3A_1643 : vector<16xi32>
        %and3A_1645 = arith.andi %le3A_1641, %le3A_1644 : vector<16xi1>
        %select_n3A_1646 = arith.select %and3A_1645, %add3A_1636, %broadcast_in_dim3A_1633 : vector<16xi1>, vector<16xi32>
        %add3A_1647 = arith.constant 32 : i32
        %add3A_1648 = vector.broadcast %add3A_1647 : i32 to vector<16xi32>
        %add3A_1649 = arith.addi %select_n3A_1646, %add3A_1648 : vector<16xi32>
        %sub3A_1650 = arith.constant 1 : i32
        %sub3A_1651 = vector.broadcast %sub3A_1650 : i32 to vector<16xi32>
        %sub3A_1652 = arith.subi %add3A_1649, %sub3A_1651 : vector<16xi32>
        %gather3A_1653 = tpu.vector_load_idx %arg9[%sub3A_1652] : memref<128xf32, #tpu.memory_space<vmem>>[vector<16xi32>], vector<16xf32>,
        %le3A_1654 = arith.cmpf ole, %gather3A_1653, %gather3A_1631 : vector<16xf32>
        %le3A_1655 = arith.constant 126 : i32
        %le3A_1656 = vector.broadcast %le3A_1655 : i32 to vector<16xi32>
        %le3A_1657 = arith.cmpi sle, %add3A_1649, %le3A_1656 : vector<16xi32>
        %and3A_1658 = arith.andi %le3A_1654, %le3A_1657 : vector<16xi1>
        %select_n3A_1659 = arith.select %and3A_1658, %add3A_1649, %select_n3A_1646 : vector<16xi1>, vector<16xi32>
        %add3A_1660 = arith.constant 16 : i32
        %add3A_1661 = vector.broadcast %add3A_1660 : i32 to vector<16xi32>
        %add3A_1662 = arith.addi %select_n3A_1659, %add3A_1661 : vector<16xi32>
        %sub3A_1663 = arith.constant 1 : i32
        %sub3A_1664 = vector.broadcast %sub3A_1663 : i32 to vector<16xi32>
        %sub3A_1665 = arith.subi %add3A_1662, %sub3A_1664 : vector<16xi32>
        %gather3A_1666 = tpu.vector_load_idx %arg9[%sub3A_1665] : memref<128xf32, #tpu.memory_space<vmem>>[vector<16xi32>], vector<16xf32>,
        %le3A_1667 = arith.cmpf ole, %gather3A_1666, %gather3A_1631 : vector<16xf32>
        %le3A_1668 = arith.constant 126 : i32
        %le3A_1669 = vector.broadcast %le3A_1668 : i32 to vector<16xi32>
        %le3A_1670 = arith.cmpi sle, %add3A_1662, %le3A_1669 : vector<16xi32>
        %and3A_1671 = arith.andi %le3A_1667, %le3A_1670 : vector<16xi1>
        %select_n3A_1672 = arith.select %and3A_1671, %add3A_1662, %select_n3A_1659 : vector<16xi1>, vector<16xi32>
        %add3A_1673 = arith.constant 8 : i32
        %add3A_1674 = vector.broadcast %add3A_1673 : i32 to vector<16xi32>
        %add3A_1675 = arith.addi %select_n3A_1672, %add3A_1674 : vector<16xi32>
        %sub3A_1676 = arith.constant 1 : i32
        %sub3A_1677 = vector.broadcast %sub3A_1676 : i32 to vector<16xi32>
        %sub3A_1678 = arith.subi %add3A_1675, %sub3A_1677 : vector<16xi32>
        %gather3A_1679 = tpu.vector_load_idx %arg9[%sub3A_1678] : memref<128xf32, #tpu.memory_space<vmem>>[vector<16xi32>], vector<16xf32>,
        %le3A_1680 = arith.cmpf ole, %gather3A_1679, %gather3A_1631 : vector<16xf32>
        %le3A_1681 = arith.constant 126 : i32
        %le3A_1682 = vector.broadcast %le3A_1681 : i32 to vector<16xi32>
        %le3A_1683 = arith.cmpi sle, %add3A_1675, %le3A_1682 : vector<16xi32>
        %and3A_1684 = arith.andi %le3A_1680, %le3A_1683 : vector<16xi1>
        %select_n3A_1685 = arith.select %and3A_1684, %add3A_1675, %select_n3A_1672 : vector<16xi1>, vector<16xi32>
        %add3A_1686 = arith.constant 4 : i32
        %add3A_1687 = vector.broadcast %add3A_1686 : i32 to vector<16xi32>
        %add3A_1688 = arith.addi %select_n3A_1685, %add3A_1687 : vector<16xi32>
        %sub3A_1689 = arith.constant 1 : i32
        %sub3A_1690 = vector.broadcast %sub3A_1689 : i32 to vector<16xi32>
        %sub3A_1691 = arith.subi %add3A_1688, %sub3A_1690 : vector<16xi32>
        %gather3A_1692 = tpu.vector_load_idx %arg9[%sub3A_1691] : memref<128xf32, #tpu.memory_space<vmem>>[vector<16xi32>], vector<16xf32>,
        %le3A_1693 = arith.cmpf ole, %gather3A_1692, %gather3A_1631 : vector<16xf32>
        %le3A_1694 = arith.constant 126 : i32
        %le3A_1695 = vector.broadcast %le3A_1694 : i32 to vector<16xi32>
        %le3A_1696 = arith.cmpi sle, %add3A_1688, %le3A_1695 : vector<16xi32>
        %and3A_1697 = arith.andi %le3A_1693, %le3A_1696 : vector<16xi1>
        %select_n3A_1698 = arith.select %and3A_1697, %add3A_1688, %select_n3A_1685 : vector<16xi1>, vector<16xi32>
        %add3A_1699 = arith.constant 2 : i32
        %add3A_1700 = vector.broadcast %add3A_1699 : i32 to vector<16xi32>
        %add3A_1701 = arith.addi %select_n3A_1698, %add3A_1700 : vector<16xi32>
        %sub3A_1702 = arith.constant 1 : i32
        %sub3A_1703 = vector.broadcast %sub3A_1702 : i32 to vector<16xi32>
        %sub3A_1704 = arith.subi %add3A_1701, %sub3A_1703 : vector<16xi32>
        %gather3A_1705 = tpu.vector_load_idx %arg9[%sub3A_1704] : memref<128xf32, #tpu.memory_space<vmem>>[vector<16xi32>], vector<16xf32>,
        %le3A_1706 = arith.cmpf ole, %gather3A_1705, %gather3A_1631 : vector<16xf32>
        %le3A_1707 = arith.constant 126 : i32
        %le3A_1708 = vector.broadcast %le3A_1707 : i32 to vector<16xi32>
        %le3A_1709 = arith.cmpi sle, %add3A_1701, %le3A_1708 : vector<16xi32>
        %and3A_1710 = arith.andi %le3A_1706, %le3A_1709 : vector<16xi1>
        %select_n3A_1711 = arith.select %and3A_1710, %add3A_1701, %select_n3A_1698 : vector<16xi1>, vector<16xi32>
        %add3A_1712 = arith.constant 1 : i32
        %add3A_1713 = vector.broadcast %add3A_1712 : i32 to vector<16xi32>
        %add3A_1714 = arith.addi %select_n3A_1711, %add3A_1713 : vector<16xi32>
        %sub3A_1715 = arith.constant 1 : i32
        %sub3A_1716 = vector.broadcast %sub3A_1715 : i32 to vector<16xi32>
        %sub3A_1717 = arith.subi %add3A_1714, %sub3A_1716 : vector<16xi32>
        %gather3A_1718 = tpu.vector_load_idx %arg9[%sub3A_1717] : memref<128xf32, #tpu.memory_space<vmem>>[vector<16xi32>], vector<16xf32>,
        %le3A_1719 = arith.cmpf ole, %gather3A_1718, %gather3A_1631 : vector<16xf32>
        %le3A_1720 = arith.constant 126 : i32
        %le3A_1721 = vector.broadcast %le3A_1720 : i32 to vector<16xi32>
        %le3A_1722 = arith.cmpi sle, %add3A_1714, %le3A_1721 : vector<16xi32>
        %and3A_1723 = arith.andi %le3A_1719, %le3A_1722 : vector<16xi1>
        %select_n3A_1724 = arith.select %and3A_1723, %add3A_1714, %select_n3A_1711 : vector<16xi1>, vector<16xi32>
        %add3A_1725 = arith.constant 1 : i32
        %add3A_1726 = vector.broadcast %add3A_1725 : i32 to vector<16xi32>
        %add3A_1727 = arith.addi %select_n3A_1724, %add3A_1726 : vector<16xi32>
        %min3A_1728 = arith.constant 126 : i32
        %min3A_1729 = vector.broadcast %min3A_1728 : i32 to vector<16xi32>
        %min3A_1730 = arith.minsi %add3A_1727, %min3A_1729 : vector<16xi32>
        %sub3A_1731 = arith.constant 1 : i32
        %sub3A_1732 = vector.broadcast %sub3A_1731 : i32 to vector<16xi32>
        %sub3A_1733 = arith.subi %select_n3A_1724, %sub3A_1732 : vector<16xi32>
        %max3A_1734 = arith.constant 0 : i32
        %max3A_1735 = vector.broadcast %max3A_1734 : i32 to vector<16xi32>
        %max3A_1736 = arith.maxsi %sub3A_1733, %max3A_1735 : vector<16xi32>
        %gather3A_1737 = tpu.vector_load_idx %arg9[%max3A_1736] : memref<128xf32, #tpu.memory_space<vmem>>[vector<16xi32>], vector<16xf32>,
        %eq3A_1738 = arith.constant 0 : i32
        %eq3A_1739 = vector.broadcast %eq3A_1738 : i32 to vector<16xi32>
        %eq3A_1740 = arith.cmpi eq, %select_n3A_1724, %eq3A_1739 : vector<16xi32>
        %jit3A_1741 = arith.constant 0.000000e+00 : f32
        %broadcast_in_dim3A_1742 = vector.broadcast %jit3A_1741 : f32 to vector<16xf32>
        %select_n3A_1743 = arith.select %eq3A_1740, %broadcast_in_dim3A_1742, %gather3A_1737 : vector<16xi1>, vector<16xf32>
        %sub3A_1744 = arith.constant 1 : i32
        %sub3A_1745 = vector.broadcast %sub3A_1744 : i32 to vector<16xi32>
        %sub3A_1746 = arith.subi %min3A_1730, %sub3A_1745 : vector<16xi32>
        %gather3A_1747 = tpu.vector_load_idx %arg9[%sub3A_1746] : memref<128xf32, #tpu.memory_space<vmem>>[vector<16xi32>], vector<16xf32>,
        %gather3A_1748 = tpu.vector_load_idx %arg6[%broadcast_in_dim3A, %select_n3A_1724] : memref<8x128xf32, #tpu.memory_space<vmem>>[vector<16xi32>, vector<16xi32>], vector<16xf32>,
        %add3A_1749 = arith.constant 1 : i32
        %add3A_1750 = vector.broadcast %add3A_1749 : i32 to vector<16xi32>
        %add3A_1751 = arith.addi %select_n3A_1724, %add3A_1750 : vector<16xi32>
        %gather3A_1752 = tpu.vector_load_idx %arg6[%broadcast_in_dim3A, %add3A_1751] : memref<8x128xf32, #tpu.memory_space<vmem>>[vector<16xi32>, vector<16xi32>], vector<16xf32>,
        %gather3A_1753 = tpu.vector_load_idx %arg6[%broadcast_in_dim3A, %min3A_1730] : memref<8x128xf32, #tpu.memory_space<vmem>>[vector<16xi32>, vector<16xi32>], vector<16xf32>,
        %add3A_1754 = arith.constant 1 : i32
        %add3A_1755 = vector.broadcast %add3A_1754 : i32 to vector<16xi32>
        %add3A_1756 = arith.addi %min3A_1730, %add3A_1755 : vector<16xi32>
        %gather3A_1757 = tpu.vector_load_idx %arg6[%broadcast_in_dim3A, %add3A_1756] : memref<8x128xf32, #tpu.memory_space<vmem>>[vector<16xi32>, vector<16xi32>], vector<16xf32>,
        %add3A_1758 = arith.addf %gather3A_1748, %gather3A_1752 : vector<16xf32>
        %mul3A_1759 = arith.constant 5.000000e-01 : f32
        %mul3A_1760 = vector.broadcast %mul3A_1759 : f32 to vector<16xf32>
        %mul3A_1761 = arith.mulf %mul3A_1760, %add3A_1758 : vector<16xf32>
        %add3A_1762 = arith.addf %gather3A_1753, %gather3A_1757 : vector<16xf32>
        %mul3A_1763 = arith.constant 5.000000e-01 : f32
        %mul3A_1764 = vector.broadcast %mul3A_1763 : f32 to vector<16xf32>
        %mul3A_1765 = arith.mulf %mul3A_1764, %add3A_1762 : vector<16xf32>
        %sub3A_1766 = arith.subf %gather3A_1747, %select_n3A_1743 : vector<16xf32>
        %lt3A_1767 = arith.constant 9.99999974E-6 : f32
        %lt3A_1768 = vector.broadcast %lt3A_1767 : f32 to vector<16xf32>
        %lt3A_1769 = arith.cmpf olt, %sub3A_1766, %lt3A_1768 : vector<16xf32>
        %jit3A_1770 = arith.constant 1.000000e+00 : f32
        %broadcast_in_dim3A_1771 = vector.broadcast %jit3A_1770 : f32 to vector<16xf32>
        %select_n3A_1772 = arith.select %lt3A_1769, %broadcast_in_dim3A_1771, %sub3A_1766 : vector<16xi1>, vector<16xf32>
        %sub3A_1773 = arith.subf %gather3A_1631, %select_n3A_1743 : vector<16xf32>
        %div3A_1774 = arith.divf %sub3A_1773, %select_n3A_1772 : vector<16xf32>
        %sub3A_1775 = arith.subf %mul3A_1765, %mul3A_1761 : vector<16xf32>
        %mul3A_1776 = arith.mulf %div3A_1774, %sub3A_1775 : vector<16xf32>
        %add3A_1777 = arith.addf %mul3A_1761, %mul3A_1776 : vector<16xf32>
        %swap3A_1778 = arith.index_cast %scan3A_22 : i32 to index
        %swap3A_1779 = arith.constant 128 : index
        %swap3A_1780 = tpu.vector_load %arg10[%swap3A_1778, %swap3A_1779] {strides = array<i32>} : memref<8x256xf32, #tpu.memory_space<vmem>>, vector<16xf32>,
        tpu.vector_store %arg10[%swap3A_1778, %swap3A_1779], %add3A_1777 {strides = array<i32>} : memref<8x256xf32, #tpu.memory_space<vmem>>, vector<16xf32>,
        %add3A_1781 = arith.constant 144 : i32
        %add3A_1782 = vector.broadcast %add3A_1781 : i32 to vector<16xi32>
        %add3A_1783 = arith.addi %iota3A, %add3A_1782 : vector<16xi32>
        %gather3A_1784 = tpu.vector_load_idx %arg8[%broadcast_in_dim3A, %add3A_1783] : memref<8x256xf32, #tpu.memory_space<vmem>>[vector<16xi32>, vector<16xi32>], vector<16xf32>,
        %broadcast_in_dim3A_1785 = arith.constant 0 : i32
        %broadcast_in_dim3A_1786 = vector.broadcast %broadcast_in_dim3A_1785 : i32 to vector<16xi32>
        %add3A_1787 = arith.constant 64 : i32
        %add3A_1788 = vector.broadcast %add3A_1787 : i32 to vector<16xi32>
        %add3A_1789 = arith.addi %broadcast_in_dim3A_1786, %add3A_1788 : vector<16xi32>
        %sub3A_1790 = arith.constant 1 : i32
        %sub3A_1791 = vector.broadcast %sub3A_1790 : i32 to vector<16xi32>
        %sub3A_1792 = arith.subi %add3A_1789, %sub3A_1791 : vector<16xi32>
        %gather3A_1793 = tpu.vector_load_idx %arg9[%sub3A_1792] : memref<128xf32, #tpu.memory_space<vmem>>[vector<16xi32>], vector<16xf32>,
        %le3A_1794 = arith.cmpf ole, %gather3A_1793, %gather3A_1784 : vector<16xf32>
        %le3A_1795 = arith.constant 126 : i32
        %le3A_1796 = vector.broadcast %le3A_1795 : i32 to vector<16xi32>
        %le3A_1797 = arith.cmpi sle, %add3A_1789, %le3A_1796 : vector<16xi32>
        %and3A_1798 = arith.andi %le3A_1794, %le3A_1797 : vector<16xi1>
        %select_n3A_1799 = arith.select %and3A_1798, %add3A_1789, %broadcast_in_dim3A_1786 : vector<16xi1>, vector<16xi32>
        %add3A_1800 = arith.constant 32 : i32
        %add3A_1801 = vector.broadcast %add3A_1800 : i32 to vector<16xi32>
        %add3A_1802 = arith.addi %select_n3A_1799, %add3A_1801 : vector<16xi32>
        %sub3A_1803 = arith.constant 1 : i32
        %sub3A_1804 = vector.broadcast %sub3A_1803 : i32 to vector<16xi32>
        %sub3A_1805 = arith.subi %add3A_1802, %sub3A_1804 : vector<16xi32>
        %gather3A_1806 = tpu.vector_load_idx %arg9[%sub3A_1805] : memref<128xf32, #tpu.memory_space<vmem>>[vector<16xi32>], vector<16xf32>,
        %le3A_1807 = arith.cmpf ole, %gather3A_1806, %gather3A_1784 : vector<16xf32>
        %le3A_1808 = arith.constant 126 : i32
        %le3A_1809 = vector.broadcast %le3A_1808 : i32 to vector<16xi32>
        %le3A_1810 = arith.cmpi sle, %add3A_1802, %le3A_1809 : vector<16xi32>
        %and3A_1811 = arith.andi %le3A_1807, %le3A_1810 : vector<16xi1>
        %select_n3A_1812 = arith.select %and3A_1811, %add3A_1802, %select_n3A_1799 : vector<16xi1>, vector<16xi32>
        %add3A_1813 = arith.constant 16 : i32
        %add3A_1814 = vector.broadcast %add3A_1813 : i32 to vector<16xi32>
        %add3A_1815 = arith.addi %select_n3A_1812, %add3A_1814 : vector<16xi32>
        %sub3A_1816 = arith.constant 1 : i32
        %sub3A_1817 = vector.broadcast %sub3A_1816 : i32 to vector<16xi32>
        %sub3A_1818 = arith.subi %add3A_1815, %sub3A_1817 : vector<16xi32>
        %gather3A_1819 = tpu.vector_load_idx %arg9[%sub3A_1818] : memref<128xf32, #tpu.memory_space<vmem>>[vector<16xi32>], vector<16xf32>,
        %le3A_1820 = arith.cmpf ole, %gather3A_1819, %gather3A_1784 : vector<16xf32>
        %le3A_1821 = arith.constant 126 : i32
        %le3A_1822 = vector.broadcast %le3A_1821 : i32 to vector<16xi32>
        %le3A_1823 = arith.cmpi sle, %add3A_1815, %le3A_1822 : vector<16xi32>
        %and3A_1824 = arith.andi %le3A_1820, %le3A_1823 : vector<16xi1>
        %select_n3A_1825 = arith.select %and3A_1824, %add3A_1815, %select_n3A_1812 : vector<16xi1>, vector<16xi32>
        %add3A_1826 = arith.constant 8 : i32
        %add3A_1827 = vector.broadcast %add3A_1826 : i32 to vector<16xi32>
        %add3A_1828 = arith.addi %select_n3A_1825, %add3A_1827 : vector<16xi32>
        %sub3A_1829 = arith.constant 1 : i32
        %sub3A_1830 = vector.broadcast %sub3A_1829 : i32 to vector<16xi32>
        %sub3A_1831 = arith.subi %add3A_1828, %sub3A_1830 : vector<16xi32>
        %gather3A_1832 = tpu.vector_load_idx %arg9[%sub3A_1831] : memref<128xf32, #tpu.memory_space<vmem>>[vector<16xi32>], vector<16xf32>,
        %le3A_1833 = arith.cmpf ole, %gather3A_1832, %gather3A_1784 : vector<16xf32>
        %le3A_1834 = arith.constant 126 : i32
        %le3A_1835 = vector.broadcast %le3A_1834 : i32 to vector<16xi32>
        %le3A_1836 = arith.cmpi sle, %add3A_1828, %le3A_1835 : vector<16xi32>
        %and3A_1837 = arith.andi %le3A_1833, %le3A_1836 : vector<16xi1>
        %select_n3A_1838 = arith.select %and3A_1837, %add3A_1828, %select_n3A_1825 : vector<16xi1>, vector<16xi32>
        %add3A_1839 = arith.constant 4 : i32
        %add3A_1840 = vector.broadcast %add3A_1839 : i32 to vector<16xi32>
        %add3A_1841 = arith.addi %select_n3A_1838, %add3A_1840 : vector<16xi32>
        %sub3A_1842 = arith.constant 1 : i32
        %sub3A_1843 = vector.broadcast %sub3A_1842 : i32 to vector<16xi32>
        %sub3A_1844 = arith.subi %add3A_1841, %sub3A_1843 : vector<16xi32>
        %gather3A_1845 = tpu.vector_load_idx %arg9[%sub3A_1844] : memref<128xf32, #tpu.memory_space<vmem>>[vector<16xi32>], vector<16xf32>,
        %le3A_1846 = arith.cmpf ole, %gather3A_1845, %gather3A_1784 : vector<16xf32>
        %le3A_1847 = arith.constant 126 : i32
        %le3A_1848 = vector.broadcast %le3A_1847 : i32 to vector<16xi32>
        %le3A_1849 = arith.cmpi sle, %add3A_1841, %le3A_1848 : vector<16xi32>
        %and3A_1850 = arith.andi %le3A_1846, %le3A_1849 : vector<16xi1>
        %select_n3A_1851 = arith.select %and3A_1850, %add3A_1841, %select_n3A_1838 : vector<16xi1>, vector<16xi32>
        %add3A_1852 = arith.constant 2 : i32
        %add3A_1853 = vector.broadcast %add3A_1852 : i32 to vector<16xi32>
        %add3A_1854 = arith.addi %select_n3A_1851, %add3A_1853 : vector<16xi32>
        %sub3A_1855 = arith.constant 1 : i32
        %sub3A_1856 = vector.broadcast %sub3A_1855 : i32 to vector<16xi32>
        %sub3A_1857 = arith.subi %add3A_1854, %sub3A_1856 : vector<16xi32>
        %gather3A_1858 = tpu.vector_load_idx %arg9[%sub3A_1857] : memref<128xf32, #tpu.memory_space<vmem>>[vector<16xi32>], vector<16xf32>,
        %le3A_1859 = arith.cmpf ole, %gather3A_1858, %gather3A_1784 : vector<16xf32>
        %le3A_1860 = arith.constant 126 : i32
        %le3A_1861 = vector.broadcast %le3A_1860 : i32 to vector<16xi32>
        %le3A_1862 = arith.cmpi sle, %add3A_1854, %le3A_1861 : vector<16xi32>
        %and3A_1863 = arith.andi %le3A_1859, %le3A_1862 : vector<16xi1>
        %select_n3A_1864 = arith.select %and3A_1863, %add3A_1854, %select_n3A_1851 : vector<16xi1>, vector<16xi32>
        %add3A_1865 = arith.constant 1 : i32
        %add3A_1866 = vector.broadcast %add3A_1865 : i32 to vector<16xi32>
        %add3A_1867 = arith.addi %select_n3A_1864, %add3A_1866 : vector<16xi32>
        %sub3A_1868 = arith.constant 1 : i32
        %sub3A_1869 = vector.broadcast %sub3A_1868 : i32 to vector<16xi32>
        %sub3A_1870 = arith.subi %add3A_1867, %sub3A_1869 : vector<16xi32>
        %gather3A_1871 = tpu.vector_load_idx %arg9[%sub3A_1870] : memref<128xf32, #tpu.memory_space<vmem>>[vector<16xi32>], vector<16xf32>,
        %le3A_1872 = arith.cmpf ole, %gather3A_1871, %gather3A_1784 : vector<16xf32>
        %le3A_1873 = arith.constant 126 : i32
        %le3A_1874 = vector.broadcast %le3A_1873 : i32 to vector<16xi32>
        %le3A_1875 = arith.cmpi sle, %add3A_1867, %le3A_1874 : vector<16xi32>
        %and3A_1876 = arith.andi %le3A_1872, %le3A_1875 : vector<16xi1>
        %select_n3A_1877 = arith.select %and3A_1876, %add3A_1867, %select_n3A_1864 : vector<16xi1>, vector<16xi32>
        %add3A_1878 = arith.constant 1 : i32
        %add3A_1879 = vector.broadcast %add3A_1878 : i32 to vector<16xi32>
        %add3A_1880 = arith.addi %select_n3A_1877, %add3A_1879 : vector<16xi32>
        %min3A_1881 = arith.constant 126 : i32
        %min3A_1882 = vector.broadcast %min3A_1881 : i32 to vector<16xi32>
        %min3A_1883 = arith.minsi %add3A_1880, %min3A_1882 : vector<16xi32>
        %sub3A_1884 = arith.constant 1 : i32
        %sub3A_1885 = vector.broadcast %sub3A_1884 : i32 to vector<16xi32>
        %sub3A_1886 = arith.subi %select_n3A_1877, %sub3A_1885 : vector<16xi32>
        %max3A_1887 = arith.constant 0 : i32
        %max3A_1888 = vector.broadcast %max3A_1887 : i32 to vector<16xi32>
        %max3A_1889 = arith.maxsi %sub3A_1886, %max3A_1888 : vector<16xi32>
        %gather3A_1890 = tpu.vector_load_idx %arg9[%max3A_1889] : memref<128xf32, #tpu.memory_space<vmem>>[vector<16xi32>], vector<16xf32>,
        %eq3A_1891 = arith.constant 0 : i32
        %eq3A_1892 = vector.broadcast %eq3A_1891 : i32 to vector<16xi32>
        %eq3A_1893 = arith.cmpi eq, %select_n3A_1877, %eq3A_1892 : vector<16xi32>
        %jit3A_1894 = arith.constant 0.000000e+00 : f32
        %broadcast_in_dim3A_1895 = vector.broadcast %jit3A_1894 : f32 to vector<16xf32>
        %select_n3A_1896 = arith.select %eq3A_1893, %broadcast_in_dim3A_1895, %gather3A_1890 : vector<16xi1>, vector<16xf32>
        %sub3A_1897 = arith.constant 1 : i32
        %sub3A_1898 = vector.broadcast %sub3A_1897 : i32 to vector<16xi32>
        %sub3A_1899 = arith.subi %min3A_1883, %sub3A_1898 : vector<16xi32>
        %gather3A_1900 = tpu.vector_load_idx %arg9[%sub3A_1899] : memref<128xf32, #tpu.memory_space<vmem>>[vector<16xi32>], vector<16xf32>,
        %gather3A_1901 = tpu.vector_load_idx %arg6[%broadcast_in_dim3A, %select_n3A_1877] : memref<8x128xf32, #tpu.memory_space<vmem>>[vector<16xi32>, vector<16xi32>], vector<16xf32>,
        %add3A_1902 = arith.constant 1 : i32
        %add3A_1903 = vector.broadcast %add3A_1902 : i32 to vector<16xi32>
        %add3A_1904 = arith.addi %select_n3A_1877, %add3A_1903 : vector<16xi32>
        %gather3A_1905 = tpu.vector_load_idx %arg6[%broadcast_in_dim3A, %add3A_1904] : memref<8x128xf32, #tpu.memory_space<vmem>>[vector<16xi32>, vector<16xi32>], vector<16xf32>,
        %gather3A_1906 = tpu.vector_load_idx %arg6[%broadcast_in_dim3A, %min3A_1883] : memref<8x128xf32, #tpu.memory_space<vmem>>[vector<16xi32>, vector<16xi32>], vector<16xf32>,
        %add3A_1907 = arith.constant 1 : i32
        %add3A_1908 = vector.broadcast %add3A_1907 : i32 to vector<16xi32>
        %add3A_1909 = arith.addi %min3A_1883, %add3A_1908 : vector<16xi32>
        %gather3A_1910 = tpu.vector_load_idx %arg6[%broadcast_in_dim3A, %add3A_1909] : memref<8x128xf32, #tpu.memory_space<vmem>>[vector<16xi32>, vector<16xi32>], vector<16xf32>,
        %add3A_1911 = arith.addf %gather3A_1901, %gather3A_1905 : vector<16xf32>
        %mul3A_1912 = arith.constant 5.000000e-01 : f32
        %mul3A_1913 = vector.broadcast %mul3A_1912 : f32 to vector<16xf32>
        %mul3A_1914 = arith.mulf %mul3A_1913, %add3A_1911 : vector<16xf32>
        %add3A_1915 = arith.addf %gather3A_1906, %gather3A_1910 : vector<16xf32>
        %mul3A_1916 = arith.constant 5.000000e-01 : f32
        %mul3A_1917 = vector.broadcast %mul3A_1916 : f32 to vector<16xf32>
        %mul3A_1918 = arith.mulf %mul3A_1917, %add3A_1915 : vector<16xf32>
        %sub3A_1919 = arith.subf %gather3A_1900, %select_n3A_1896 : vector<16xf32>
        %lt3A_1920 = arith.constant 9.99999974E-6 : f32
        %lt3A_1921 = vector.broadcast %lt3A_1920 : f32 to vector<16xf32>
        %lt3A_1922 = arith.cmpf olt, %sub3A_1919, %lt3A_1921 : vector<16xf32>
        %jit3A_1923 = arith.constant 1.000000e+00 : f32
        %broadcast_in_dim3A_1924 = vector.broadcast %jit3A_1923 : f32 to vector<16xf32>
        %select_n3A_1925 = arith.select %lt3A_1922, %broadcast_in_dim3A_1924, %sub3A_1919 : vector<16xi1>, vector<16xf32>
        %sub3A_1926 = arith.subf %gather3A_1784, %select_n3A_1896 : vector<16xf32>
        %div3A_1927 = arith.divf %sub3A_1926, %select_n3A_1925 : vector<16xf32>
        %sub3A_1928 = arith.subf %mul3A_1918, %mul3A_1914 : vector<16xf32>
        %mul3A_1929 = arith.mulf %div3A_1927, %sub3A_1928 : vector<16xf32>
        %add3A_1930 = arith.addf %mul3A_1914, %mul3A_1929 : vector<16xf32>
        %swap3A_1931 = arith.index_cast %scan3A_22 : i32 to index
        %swap3A_1932 = arith.constant 144 : index
        %swap3A_1933 = tpu.vector_load %arg10[%swap3A_1931, %swap3A_1932] {strides = array<i32>} : memref<8x256xf32, #tpu.memory_space<vmem>>, vector<16xf32>,
        tpu.vector_store %arg10[%swap3A_1931, %swap3A_1932], %add3A_1930 {strides = array<i32>} : memref<8x256xf32, #tpu.memory_space<vmem>>, vector<16xf32>,
        %add3A_1934 = arith.constant 160 : i32
        %add3A_1935 = vector.broadcast %add3A_1934 : i32 to vector<16xi32>
        %add3A_1936 = arith.addi %iota3A, %add3A_1935 : vector<16xi32>
        %gather3A_1937 = tpu.vector_load_idx %arg8[%broadcast_in_dim3A, %add3A_1936] : memref<8x256xf32, #tpu.memory_space<vmem>>[vector<16xi32>, vector<16xi32>], vector<16xf32>,
        %broadcast_in_dim3A_1938 = arith.constant 0 : i32
        %broadcast_in_dim3A_1939 = vector.broadcast %broadcast_in_dim3A_1938 : i32 to vector<16xi32>
        %add3A_1940 = arith.constant 64 : i32
        %add3A_1941 = vector.broadcast %add3A_1940 : i32 to vector<16xi32>
        %add3A_1942 = arith.addi %broadcast_in_dim3A_1939, %add3A_1941 : vector<16xi32>
        %sub3A_1943 = arith.constant 1 : i32
        %sub3A_1944 = vector.broadcast %sub3A_1943 : i32 to vector<16xi32>
        %sub3A_1945 = arith.subi %add3A_1942, %sub3A_1944 : vector<16xi32>
        %gather3A_1946 = tpu.vector_load_idx %arg9[%sub3A_1945] : memref<128xf32, #tpu.memory_space<vmem>>[vector<16xi32>], vector<16xf32>,
        %le3A_1947 = arith.cmpf ole, %gather3A_1946, %gather3A_1937 : vector<16xf32>
        %le3A_1948 = arith.constant 126 : i32
        %le3A_1949 = vector.broadcast %le3A_1948 : i32 to vector<16xi32>
        %le3A_1950 = arith.cmpi sle, %add3A_1942, %le3A_1949 : vector<16xi32>
        %and3A_1951 = arith.andi %le3A_1947, %le3A_1950 : vector<16xi1>
        %select_n3A_1952 = arith.select %and3A_1951, %add3A_1942, %broadcast_in_dim3A_1939 : vector<16xi1>, vector<16xi32>
        %add3A_1953 = arith.constant 32 : i32
        %add3A_1954 = vector.broadcast %add3A_1953 : i32 to vector<16xi32>
        %add3A_1955 = arith.addi %select_n3A_1952, %add3A_1954 : vector<16xi32>
        %sub3A_1956 = arith.constant 1 : i32
        %sub3A_1957 = vector.broadcast %sub3A_1956 : i32 to vector<16xi32>
        %sub3A_1958 = arith.subi %add3A_1955, %sub3A_1957 : vector<16xi32>
        %gather3A_1959 = tpu.vector_load_idx %arg9[%sub3A_1958] : memref<128xf32, #tpu.memory_space<vmem>>[vector<16xi32>], vector<16xf32>,
        %le3A_1960 = arith.cmpf ole, %gather3A_1959, %gather3A_1937 : vector<16xf32>
        %le3A_1961 = arith.constant 126 : i32
        %le3A_1962 = vector.broadcast %le3A_1961 : i32 to vector<16xi32>
        %le3A_1963 = arith.cmpi sle, %add3A_1955, %le3A_1962 : vector<16xi32>
        %and3A_1964 = arith.andi %le3A_1960, %le3A_1963 : vector<16xi1>
        %select_n3A_1965 = arith.select %and3A_1964, %add3A_1955, %select_n3A_1952 : vector<16xi1>, vector<16xi32>
        %add3A_1966 = arith.constant 16 : i32
        %add3A_1967 = vector.broadcast %add3A_1966 : i32 to vector<16xi32>
        %add3A_1968 = arith.addi %select_n3A_1965, %add3A_1967 : vector<16xi32>
        %sub3A_1969 = arith.constant 1 : i32
        %sub3A_1970 = vector.broadcast %sub3A_1969 : i32 to vector<16xi32>
        %sub3A_1971 = arith.subi %add3A_1968, %sub3A_1970 : vector<16xi32>
        %gather3A_1972 = tpu.vector_load_idx %arg9[%sub3A_1971] : memref<128xf32, #tpu.memory_space<vmem>>[vector<16xi32>], vector<16xf32>,
        %le3A_1973 = arith.cmpf ole, %gather3A_1972, %gather3A_1937 : vector<16xf32>
        %le3A_1974 = arith.constant 126 : i32
        %le3A_1975 = vector.broadcast %le3A_1974 : i32 to vector<16xi32>
        %le3A_1976 = arith.cmpi sle, %add3A_1968, %le3A_1975 : vector<16xi32>
        %and3A_1977 = arith.andi %le3A_1973, %le3A_1976 : vector<16xi1>
        %select_n3A_1978 = arith.select %and3A_1977, %add3A_1968, %select_n3A_1965 : vector<16xi1>, vector<16xi32>
        %add3A_1979 = arith.constant 8 : i32
        %add3A_1980 = vector.broadcast %add3A_1979 : i32 to vector<16xi32>
        %add3A_1981 = arith.addi %select_n3A_1978, %add3A_1980 : vector<16xi32>
        %sub3A_1982 = arith.constant 1 : i32
        %sub3A_1983 = vector.broadcast %sub3A_1982 : i32 to vector<16xi32>
        %sub3A_1984 = arith.subi %add3A_1981, %sub3A_1983 : vector<16xi32>
        %gather3A_1985 = tpu.vector_load_idx %arg9[%sub3A_1984] : memref<128xf32, #tpu.memory_space<vmem>>[vector<16xi32>], vector<16xf32>,
        %le3A_1986 = arith.cmpf ole, %gather3A_1985, %gather3A_1937 : vector<16xf32>
        %le3A_1987 = arith.constant 126 : i32
        %le3A_1988 = vector.broadcast %le3A_1987 : i32 to vector<16xi32>
        %le3A_1989 = arith.cmpi sle, %add3A_1981, %le3A_1988 : vector<16xi32>
        %and3A_1990 = arith.andi %le3A_1986, %le3A_1989 : vector<16xi1>
        %select_n3A_1991 = arith.select %and3A_1990, %add3A_1981, %select_n3A_1978 : vector<16xi1>, vector<16xi32>
        %add3A_1992 = arith.constant 4 : i32
        %add3A_1993 = vector.broadcast %add3A_1992 : i32 to vector<16xi32>
        %add3A_1994 = arith.addi %select_n3A_1991, %add3A_1993 : vector<16xi32>
        %sub3A_1995 = arith.constant 1 : i32
        %sub3A_1996 = vector.broadcast %sub3A_1995 : i32 to vector<16xi32>
        %sub3A_1997 = arith.subi %add3A_1994, %sub3A_1996 : vector<16xi32>
        %gather3A_1998 = tpu.vector_load_idx %arg9[%sub3A_1997] : memref<128xf32, #tpu.memory_space<vmem>>[vector<16xi32>], vector<16xf32>,
        %le3A_1999 = arith.cmpf ole, %gather3A_1998, %gather3A_1937 : vector<16xf32>
        %le3A_2000 = arith.constant 126 : i32
        %le3A_2001 = vector.broadcast %le3A_2000 : i32 to vector<16xi32>
        %le3A_2002 = arith.cmpi sle, %add3A_1994, %le3A_2001 : vector<16xi32>
        %and3A_2003 = arith.andi %le3A_1999, %le3A_2002 : vector<16xi1>
        %select_n3A_2004 = arith.select %and3A_2003, %add3A_1994, %select_n3A_1991 : vector<16xi1>, vector<16xi32>
        %add3A_2005 = arith.constant 2 : i32
        %add3A_2006 = vector.broadcast %add3A_2005 : i32 to vector<16xi32>
        %add3A_2007 = arith.addi %select_n3A_2004, %add3A_2006 : vector<16xi32>
        %sub3A_2008 = arith.constant 1 : i32
        %sub3A_2009 = vector.broadcast %sub3A_2008 : i32 to vector<16xi32>
        %sub3A_2010 = arith.subi %add3A_2007, %sub3A_2009 : vector<16xi32>
        %gather3A_2011 = tpu.vector_load_idx %arg9[%sub3A_2010] : memref<128xf32, #tpu.memory_space<vmem>>[vector<16xi32>], vector<16xf32>,
        %le3A_2012 = arith.cmpf ole, %gather3A_2011, %gather3A_1937 : vector<16xf32>
        %le3A_2013 = arith.constant 126 : i32
        %le3A_2014 = vector.broadcast %le3A_2013 : i32 to vector<16xi32>
        %le3A_2015 = arith.cmpi sle, %add3A_2007, %le3A_2014 : vector<16xi32>
        %and3A_2016 = arith.andi %le3A_2012, %le3A_2015 : vector<16xi1>
        %select_n3A_2017 = arith.select %and3A_2016, %add3A_2007, %select_n3A_2004 : vector<16xi1>, vector<16xi32>
        %add3A_2018 = arith.constant 1 : i32
        %add3A_2019 = vector.broadcast %add3A_2018 : i32 to vector<16xi32>
        %add3A_2020 = arith.addi %select_n3A_2017, %add3A_2019 : vector<16xi32>
        %sub3A_2021 = arith.constant 1 : i32
        %sub3A_2022 = vector.broadcast %sub3A_2021 : i32 to vector<16xi32>
        %sub3A_2023 = arith.subi %add3A_2020, %sub3A_2022 : vector<16xi32>
        %gather3A_2024 = tpu.vector_load_idx %arg9[%sub3A_2023] : memref<128xf32, #tpu.memory_space<vmem>>[vector<16xi32>], vector<16xf32>,
        %le3A_2025 = arith.cmpf ole, %gather3A_2024, %gather3A_1937 : vector<16xf32>
        %le3A_2026 = arith.constant 126 : i32
        %le3A_2027 = vector.broadcast %le3A_2026 : i32 to vector<16xi32>
        %le3A_2028 = arith.cmpi sle, %add3A_2020, %le3A_2027 : vector<16xi32>
        %and3A_2029 = arith.andi %le3A_2025, %le3A_2028 : vector<16xi1>
        %select_n3A_2030 = arith.select %and3A_2029, %add3A_2020, %select_n3A_2017 : vector<16xi1>, vector<16xi32>
        %add3A_2031 = arith.constant 1 : i32
        %add3A_2032 = vector.broadcast %add3A_2031 : i32 to vector<16xi32>
        %add3A_2033 = arith.addi %select_n3A_2030, %add3A_2032 : vector<16xi32>
        %min3A_2034 = arith.constant 126 : i32
        %min3A_2035 = vector.broadcast %min3A_2034 : i32 to vector<16xi32>
        %min3A_2036 = arith.minsi %add3A_2033, %min3A_2035 : vector<16xi32>
        %sub3A_2037 = arith.constant 1 : i32
        %sub3A_2038 = vector.broadcast %sub3A_2037 : i32 to vector<16xi32>
        %sub3A_2039 = arith.subi %select_n3A_2030, %sub3A_2038 : vector<16xi32>
        %max3A_2040 = arith.constant 0 : i32
        %max3A_2041 = vector.broadcast %max3A_2040 : i32 to vector<16xi32>
        %max3A_2042 = arith.maxsi %sub3A_2039, %max3A_2041 : vector<16xi32>
        %gather3A_2043 = tpu.vector_load_idx %arg9[%max3A_2042] : memref<128xf32, #tpu.memory_space<vmem>>[vector<16xi32>], vector<16xf32>,
        %eq3A_2044 = arith.constant 0 : i32
        %eq3A_2045 = vector.broadcast %eq3A_2044 : i32 to vector<16xi32>
        %eq3A_2046 = arith.cmpi eq, %select_n3A_2030, %eq3A_2045 : vector<16xi32>
        %jit3A_2047 = arith.constant 0.000000e+00 : f32
        %broadcast_in_dim3A_2048 = vector.broadcast %jit3A_2047 : f32 to vector<16xf32>
        %select_n3A_2049 = arith.select %eq3A_2046, %broadcast_in_dim3A_2048, %gather3A_2043 : vector<16xi1>, vector<16xf32>
        %sub3A_2050 = arith.constant 1 : i32
        %sub3A_2051 = vector.broadcast %sub3A_2050 : i32 to vector<16xi32>
        %sub3A_2052 = arith.subi %min3A_2036, %sub3A_2051 : vector<16xi32>
        %gather3A_2053 = tpu.vector_load_idx %arg9[%sub3A_2052] : memref<128xf32, #tpu.memory_space<vmem>>[vector<16xi32>], vector<16xf32>,
        %gather3A_2054 = tpu.vector_load_idx %arg6[%broadcast_in_dim3A, %select_n3A_2030] : memref<8x128xf32, #tpu.memory_space<vmem>>[vector<16xi32>, vector<16xi32>], vector<16xf32>,
        %add3A_2055 = arith.constant 1 : i32
        %add3A_2056 = vector.broadcast %add3A_2055 : i32 to vector<16xi32>
        %add3A_2057 = arith.addi %select_n3A_2030, %add3A_2056 : vector<16xi32>
        %gather3A_2058 = tpu.vector_load_idx %arg6[%broadcast_in_dim3A, %add3A_2057] : memref<8x128xf32, #tpu.memory_space<vmem>>[vector<16xi32>, vector<16xi32>], vector<16xf32>,
        %gather3A_2059 = tpu.vector_load_idx %arg6[%broadcast_in_dim3A, %min3A_2036] : memref<8x128xf32, #tpu.memory_space<vmem>>[vector<16xi32>, vector<16xi32>], vector<16xf32>,
        %add3A_2060 = arith.constant 1 : i32
        %add3A_2061 = vector.broadcast %add3A_2060 : i32 to vector<16xi32>
        %add3A_2062 = arith.addi %min3A_2036, %add3A_2061 : vector<16xi32>
        %gather3A_2063 = tpu.vector_load_idx %arg6[%broadcast_in_dim3A, %add3A_2062] : memref<8x128xf32, #tpu.memory_space<vmem>>[vector<16xi32>, vector<16xi32>], vector<16xf32>,
        %add3A_2064 = arith.addf %gather3A_2054, %gather3A_2058 : vector<16xf32>
        %mul3A_2065 = arith.constant 5.000000e-01 : f32
        %mul3A_2066 = vector.broadcast %mul3A_2065 : f32 to vector<16xf32>
        %mul3A_2067 = arith.mulf %mul3A_2066, %add3A_2064 : vector<16xf32>
        %add3A_2068 = arith.addf %gather3A_2059, %gather3A_2063 : vector<16xf32>
        %mul3A_2069 = arith.constant 5.000000e-01 : f32
        %mul3A_2070 = vector.broadcast %mul3A_2069 : f32 to vector<16xf32>
        %mul3A_2071 = arith.mulf %mul3A_2070, %add3A_2068 : vector<16xf32>
        %sub3A_2072 = arith.subf %gather3A_2053, %select_n3A_2049 : vector<16xf32>
        %lt3A_2073 = arith.constant 9.99999974E-6 : f32
        %lt3A_2074 = vector.broadcast %lt3A_2073 : f32 to vector<16xf32>
        %lt3A_2075 = arith.cmpf olt, %sub3A_2072, %lt3A_2074 : vector<16xf32>
        %jit3A_2076 = arith.constant 1.000000e+00 : f32
        %broadcast_in_dim3A_2077 = vector.broadcast %jit3A_2076 : f32 to vector<16xf32>
        %select_n3A_2078 = arith.select %lt3A_2075, %broadcast_in_dim3A_2077, %sub3A_2072 : vector<16xi1>, vector<16xf32>
        %sub3A_2079 = arith.subf %gather3A_1937, %select_n3A_2049 : vector<16xf32>
        %div3A_2080 = arith.divf %sub3A_2079, %select_n3A_2078 : vector<16xf32>
        %sub3A_2081 = arith.subf %mul3A_2071, %mul3A_2067 : vector<16xf32>
        %mul3A_2082 = arith.mulf %div3A_2080, %sub3A_2081 : vector<16xf32>
        %add3A_2083 = arith.addf %mul3A_2067, %mul3A_2082 : vector<16xf32>
        %swap3A_2084 = arith.index_cast %scan3A_22 : i32 to index
        %swap3A_2085 = arith.constant 160 : index
        %swap3A_2086 = tpu.vector_load %arg10[%swap3A_2084, %swap3A_2085] {strides = array<i32>} : memref<8x256xf32, #tpu.memory_space<vmem>>, vector<16xf32>,
        tpu.vector_store %arg10[%swap3A_2084, %swap3A_2085], %add3A_2083 {strides = array<i32>} : memref<8x256xf32, #tpu.memory_space<vmem>>, vector<16xf32>,
        %add3A_2087 = arith.constant 176 : i32
        %add3A_2088 = vector.broadcast %add3A_2087 : i32 to vector<16xi32>
        %add3A_2089 = arith.addi %iota3A, %add3A_2088 : vector<16xi32>
        %gather3A_2090 = tpu.vector_load_idx %arg8[%broadcast_in_dim3A, %add3A_2089] : memref<8x256xf32, #tpu.memory_space<vmem>>[vector<16xi32>, vector<16xi32>], vector<16xf32>,
        %broadcast_in_dim3A_2091 = arith.constant 0 : i32
        %broadcast_in_dim3A_2092 = vector.broadcast %broadcast_in_dim3A_2091 : i32 to vector<16xi32>
        %add3A_2093 = arith.constant 64 : i32
        %add3A_2094 = vector.broadcast %add3A_2093 : i32 to vector<16xi32>
        %add3A_2095 = arith.addi %broadcast_in_dim3A_2092, %add3A_2094 : vector<16xi32>
        %sub3A_2096 = arith.constant 1 : i32
        %sub3A_2097 = vector.broadcast %sub3A_2096 : i32 to vector<16xi32>
        %sub3A_2098 = arith.subi %add3A_2095, %sub3A_2097 : vector<16xi32>
        %gather3A_2099 = tpu.vector_load_idx %arg9[%sub3A_2098] : memref<128xf32, #tpu.memory_space<vmem>>[vector<16xi32>], vector<16xf32>,
        %le3A_2100 = arith.cmpf ole, %gather3A_2099, %gather3A_2090 : vector<16xf32>
        %le3A_2101 = arith.constant 126 : i32
        %le3A_2102 = vector.broadcast %le3A_2101 : i32 to vector<16xi32>
        %le3A_2103 = arith.cmpi sle, %add3A_2095, %le3A_2102 : vector<16xi32>
        %and3A_2104 = arith.andi %le3A_2100, %le3A_2103 : vector<16xi1>
        %select_n3A_2105 = arith.select %and3A_2104, %add3A_2095, %broadcast_in_dim3A_2092 : vector<16xi1>, vector<16xi32>
        %add3A_2106 = arith.constant 32 : i32
        %add3A_2107 = vector.broadcast %add3A_2106 : i32 to vector<16xi32>
        %add3A_2108 = arith.addi %select_n3A_2105, %add3A_2107 : vector<16xi32>
        %sub3A_2109 = arith.constant 1 : i32
        %sub3A_2110 = vector.broadcast %sub3A_2109 : i32 to vector<16xi32>
        %sub3A_2111 = arith.subi %add3A_2108, %sub3A_2110 : vector<16xi32>
        %gather3A_2112 = tpu.vector_load_idx %arg9[%sub3A_2111] : memref<128xf32, #tpu.memory_space<vmem>>[vector<16xi32>], vector<16xf32>,
        %le3A_2113 = arith.cmpf ole, %gather3A_2112, %gather3A_2090 : vector<16xf32>
        %le3A_2114 = arith.constant 126 : i32
        %le3A_2115 = vector.broadcast %le3A_2114 : i32 to vector<16xi32>
        %le3A_2116 = arith.cmpi sle, %add3A_2108, %le3A_2115 : vector<16xi32>
        %and3A_2117 = arith.andi %le3A_2113, %le3A_2116 : vector<16xi1>
        %select_n3A_2118 = arith.select %and3A_2117, %add3A_2108, %select_n3A_2105 : vector<16xi1>, vector<16xi32>
        %add3A_2119 = arith.constant 16 : i32
        %add3A_2120 = vector.broadcast %add3A_2119 : i32 to vector<16xi32>
        %add3A_2121 = arith.addi %select_n3A_2118, %add3A_2120 : vector<16xi32>
        %sub3A_2122 = arith.constant 1 : i32
        %sub3A_2123 = vector.broadcast %sub3A_2122 : i32 to vector<16xi32>
        %sub3A_2124 = arith.subi %add3A_2121, %sub3A_2123 : vector<16xi32>
        %gather3A_2125 = tpu.vector_load_idx %arg9[%sub3A_2124] : memref<128xf32, #tpu.memory_space<vmem>>[vector<16xi32>], vector<16xf32>,
        %le3A_2126 = arith.cmpf ole, %gather3A_2125, %gather3A_2090 : vector<16xf32>
        %le3A_2127 = arith.constant 126 : i32
        %le3A_2128 = vector.broadcast %le3A_2127 : i32 to vector<16xi32>
        %le3A_2129 = arith.cmpi sle, %add3A_2121, %le3A_2128 : vector<16xi32>
        %and3A_2130 = arith.andi %le3A_2126, %le3A_2129 : vector<16xi1>
        %select_n3A_2131 = arith.select %and3A_2130, %add3A_2121, %select_n3A_2118 : vector<16xi1>, vector<16xi32>
        %add3A_2132 = arith.constant 8 : i32
        %add3A_2133 = vector.broadcast %add3A_2132 : i32 to vector<16xi32>
        %add3A_2134 = arith.addi %select_n3A_2131, %add3A_2133 : vector<16xi32>
        %sub3A_2135 = arith.constant 1 : i32
        %sub3A_2136 = vector.broadcast %sub3A_2135 : i32 to vector<16xi32>
        %sub3A_2137 = arith.subi %add3A_2134, %sub3A_2136 : vector<16xi32>
        %gather3A_2138 = tpu.vector_load_idx %arg9[%sub3A_2137] : memref<128xf32, #tpu.memory_space<vmem>>[vector<16xi32>], vector<16xf32>,
        %le3A_2139 = arith.cmpf ole, %gather3A_2138, %gather3A_2090 : vector<16xf32>
        %le3A_2140 = arith.constant 126 : i32
        %le3A_2141 = vector.broadcast %le3A_2140 : i32 to vector<16xi32>
        %le3A_2142 = arith.cmpi sle, %add3A_2134, %le3A_2141 : vector<16xi32>
        %and3A_2143 = arith.andi %le3A_2139, %le3A_2142 : vector<16xi1>
        %select_n3A_2144 = arith.select %and3A_2143, %add3A_2134, %select_n3A_2131 : vector<16xi1>, vector<16xi32>
        %add3A_2145 = arith.constant 4 : i32
        %add3A_2146 = vector.broadcast %add3A_2145 : i32 to vector<16xi32>
        %add3A_2147 = arith.addi %select_n3A_2144, %add3A_2146 : vector<16xi32>
        %sub3A_2148 = arith.constant 1 : i32
        %sub3A_2149 = vector.broadcast %sub3A_2148 : i32 to vector<16xi32>
        %sub3A_2150 = arith.subi %add3A_2147, %sub3A_2149 : vector<16xi32>
        %gather3A_2151 = tpu.vector_load_idx %arg9[%sub3A_2150] : memref<128xf32, #tpu.memory_space<vmem>>[vector<16xi32>], vector<16xf32>,
        %le3A_2152 = arith.cmpf ole, %gather3A_2151, %gather3A_2090 : vector<16xf32>
        %le3A_2153 = arith.constant 126 : i32
        %le3A_2154 = vector.broadcast %le3A_2153 : i32 to vector<16xi32>
        %le3A_2155 = arith.cmpi sle, %add3A_2147, %le3A_2154 : vector<16xi32>
        %and3A_2156 = arith.andi %le3A_2152, %le3A_2155 : vector<16xi1>
        %select_n3A_2157 = arith.select %and3A_2156, %add3A_2147, %select_n3A_2144 : vector<16xi1>, vector<16xi32>
        %add3A_2158 = arith.constant 2 : i32
        %add3A_2159 = vector.broadcast %add3A_2158 : i32 to vector<16xi32>
        %add3A_2160 = arith.addi %select_n3A_2157, %add3A_2159 : vector<16xi32>
        %sub3A_2161 = arith.constant 1 : i32
        %sub3A_2162 = vector.broadcast %sub3A_2161 : i32 to vector<16xi32>
        %sub3A_2163 = arith.subi %add3A_2160, %sub3A_2162 : vector<16xi32>
        %gather3A_2164 = tpu.vector_load_idx %arg9[%sub3A_2163] : memref<128xf32, #tpu.memory_space<vmem>>[vector<16xi32>], vector<16xf32>,
        %le3A_2165 = arith.cmpf ole, %gather3A_2164, %gather3A_2090 : vector<16xf32>
        %le3A_2166 = arith.constant 126 : i32
        %le3A_2167 = vector.broadcast %le3A_2166 : i32 to vector<16xi32>
        %le3A_2168 = arith.cmpi sle, %add3A_2160, %le3A_2167 : vector<16xi32>
        %and3A_2169 = arith.andi %le3A_2165, %le3A_2168 : vector<16xi1>
        %select_n3A_2170 = arith.select %and3A_2169, %add3A_2160, %select_n3A_2157 : vector<16xi1>, vector<16xi32>
        %add3A_2171 = arith.constant 1 : i32
        %add3A_2172 = vector.broadcast %add3A_2171 : i32 to vector<16xi32>
        %add3A_2173 = arith.addi %select_n3A_2170, %add3A_2172 : vector<16xi32>
        %sub3A_2174 = arith.constant 1 : i32
        %sub3A_2175 = vector.broadcast %sub3A_2174 : i32 to vector<16xi32>
        %sub3A_2176 = arith.subi %add3A_2173, %sub3A_2175 : vector<16xi32>
        %gather3A_2177 = tpu.vector_load_idx %arg9[%sub3A_2176] : memref<128xf32, #tpu.memory_space<vmem>>[vector<16xi32>], vector<16xf32>,
        %le3A_2178 = arith.cmpf ole, %gather3A_2177, %gather3A_2090 : vector<16xf32>
        %le3A_2179 = arith.constant 126 : i32
        %le3A_2180 = vector.broadcast %le3A_2179 : i32 to vector<16xi32>
        %le3A_2181 = arith.cmpi sle, %add3A_2173, %le3A_2180 : vector<16xi32>
        %and3A_2182 = arith.andi %le3A_2178, %le3A_2181 : vector<16xi1>
        %select_n3A_2183 = arith.select %and3A_2182, %add3A_2173, %select_n3A_2170 : vector<16xi1>, vector<16xi32>
        %add3A_2184 = arith.constant 1 : i32
        %add3A_2185 = vector.broadcast %add3A_2184 : i32 to vector<16xi32>
        %add3A_2186 = arith.addi %select_n3A_2183, %add3A_2185 : vector<16xi32>
        %min3A_2187 = arith.constant 126 : i32
        %min3A_2188 = vector.broadcast %min3A_2187 : i32 to vector<16xi32>
        %min3A_2189 = arith.minsi %add3A_2186, %min3A_2188 : vector<16xi32>
        %sub3A_2190 = arith.constant 1 : i32
        %sub3A_2191 = vector.broadcast %sub3A_2190 : i32 to vector<16xi32>
        %sub3A_2192 = arith.subi %select_n3A_2183, %sub3A_2191 : vector<16xi32>
        %max3A_2193 = arith.constant 0 : i32
        %max3A_2194 = vector.broadcast %max3A_2193 : i32 to vector<16xi32>
        %max3A_2195 = arith.maxsi %sub3A_2192, %max3A_2194 : vector<16xi32>
        %gather3A_2196 = tpu.vector_load_idx %arg9[%max3A_2195] : memref<128xf32, #tpu.memory_space<vmem>>[vector<16xi32>], vector<16xf32>,
        %eq3A_2197 = arith.constant 0 : i32
        %eq3A_2198 = vector.broadcast %eq3A_2197 : i32 to vector<16xi32>
        %eq3A_2199 = arith.cmpi eq, %select_n3A_2183, %eq3A_2198 : vector<16xi32>
        %jit3A_2200 = arith.constant 0.000000e+00 : f32
        %broadcast_in_dim3A_2201 = vector.broadcast %jit3A_2200 : f32 to vector<16xf32>
        %select_n3A_2202 = arith.select %eq3A_2199, %broadcast_in_dim3A_2201, %gather3A_2196 : vector<16xi1>, vector<16xf32>
        %sub3A_2203 = arith.constant 1 : i32
        %sub3A_2204 = vector.broadcast %sub3A_2203 : i32 to vector<16xi32>
        %sub3A_2205 = arith.subi %min3A_2189, %sub3A_2204 : vector<16xi32>
        %gather3A_2206 = tpu.vector_load_idx %arg9[%sub3A_2205] : memref<128xf32, #tpu.memory_space<vmem>>[vector<16xi32>], vector<16xf32>,
        %gather3A_2207 = tpu.vector_load_idx %arg6[%broadcast_in_dim3A, %select_n3A_2183] : memref<8x128xf32, #tpu.memory_space<vmem>>[vector<16xi32>, vector<16xi32>], vector<16xf32>,
        %add3A_2208 = arith.constant 1 : i32
        %add3A_2209 = vector.broadcast %add3A_2208 : i32 to vector<16xi32>
        %add3A_2210 = arith.addi %select_n3A_2183, %add3A_2209 : vector<16xi32>
        %gather3A_2211 = tpu.vector_load_idx %arg6[%broadcast_in_dim3A, %add3A_2210] : memref<8x128xf32, #tpu.memory_space<vmem>>[vector<16xi32>, vector<16xi32>], vector<16xf32>,
        %gather3A_2212 = tpu.vector_load_idx %arg6[%broadcast_in_dim3A, %min3A_2189] : memref<8x128xf32, #tpu.memory_space<vmem>>[vector<16xi32>, vector<16xi32>], vector<16xf32>,
        %add3A_2213 = arith.constant 1 : i32
        %add3A_2214 = vector.broadcast %add3A_2213 : i32 to vector<16xi32>
        %add3A_2215 = arith.addi %min3A_2189, %add3A_2214 : vector<16xi32>
        %gather3A_2216 = tpu.vector_load_idx %arg6[%broadcast_in_dim3A, %add3A_2215] : memref<8x128xf32, #tpu.memory_space<vmem>>[vector<16xi32>, vector<16xi32>], vector<16xf32>,
        %add3A_2217 = arith.addf %gather3A_2207, %gather3A_2211 : vector<16xf32>
        %mul3A_2218 = arith.constant 5.000000e-01 : f32
        %mul3A_2219 = vector.broadcast %mul3A_2218 : f32 to vector<16xf32>
        %mul3A_2220 = arith.mulf %mul3A_2219, %add3A_2217 : vector<16xf32>
        %add3A_2221 = arith.addf %gather3A_2212, %gather3A_2216 : vector<16xf32>
        %mul3A_2222 = arith.constant 5.000000e-01 : f32
        %mul3A_2223 = vector.broadcast %mul3A_2222 : f32 to vector<16xf32>
        %mul3A_2224 = arith.mulf %mul3A_2223, %add3A_2221 : vector<16xf32>
        %sub3A_2225 = arith.subf %gather3A_2206, %select_n3A_2202 : vector<16xf32>
        %lt3A_2226 = arith.constant 9.99999974E-6 : f32
        %lt3A_2227 = vector.broadcast %lt3A_2226 : f32 to vector<16xf32>
        %lt3A_2228 = arith.cmpf olt, %sub3A_2225, %lt3A_2227 : vector<16xf32>
        %jit3A_2229 = arith.constant 1.000000e+00 : f32
        %broadcast_in_dim3A_2230 = vector.broadcast %jit3A_2229 : f32 to vector<16xf32>
        %select_n3A_2231 = arith.select %lt3A_2228, %broadcast_in_dim3A_2230, %sub3A_2225 : vector<16xi1>, vector<16xf32>
        %sub3A_2232 = arith.subf %gather3A_2090, %select_n3A_2202 : vector<16xf32>
        %div3A_2233 = arith.divf %sub3A_2232, %select_n3A_2231 : vector<16xf32>
        %sub3A_2234 = arith.subf %mul3A_2224, %mul3A_2220 : vector<16xf32>
        %mul3A_2235 = arith.mulf %div3A_2233, %sub3A_2234 : vector<16xf32>
        %add3A_2236 = arith.addf %mul3A_2220, %mul3A_2235 : vector<16xf32>
        %swap3A_2237 = arith.index_cast %scan3A_22 : i32 to index
        %swap3A_2238 = arith.constant 176 : index
        %swap3A_2239 = tpu.vector_load %arg10[%swap3A_2237, %swap3A_2238] {strides = array<i32>} : memref<8x256xf32, #tpu.memory_space<vmem>>, vector<16xf32>,
        tpu.vector_store %arg10[%swap3A_2237, %swap3A_2238], %add3A_2236 {strides = array<i32>} : memref<8x256xf32, #tpu.memory_space<vmem>>, vector<16xf32>,
        %add3A_2240 = arith.constant 192 : i32
        %add3A_2241 = vector.broadcast %add3A_2240 : i32 to vector<16xi32>
        %add3A_2242 = arith.addi %iota3A, %add3A_2241 : vector<16xi32>
        %gather3A_2243 = tpu.vector_load_idx %arg8[%broadcast_in_dim3A, %add3A_2242] : memref<8x256xf32, #tpu.memory_space<vmem>>[vector<16xi32>, vector<16xi32>], vector<16xf32>,
        %broadcast_in_dim3A_2244 = arith.constant 0 : i32
        %broadcast_in_dim3A_2245 = vector.broadcast %broadcast_in_dim3A_2244 : i32 to vector<16xi32>
        %add3A_2246 = arith.constant 64 : i32
        %add3A_2247 = vector.broadcast %add3A_2246 : i32 to vector<16xi32>
        %add3A_2248 = arith.addi %broadcast_in_dim3A_2245, %add3A_2247 : vector<16xi32>
        %sub3A_2249 = arith.constant 1 : i32
        %sub3A_2250 = vector.broadcast %sub3A_2249 : i32 to vector<16xi32>
        %sub3A_2251 = arith.subi %add3A_2248, %sub3A_2250 : vector<16xi32>
        %gather3A_2252 = tpu.vector_load_idx %arg9[%sub3A_2251] : memref<128xf32, #tpu.memory_space<vmem>>[vector<16xi32>], vector<16xf32>,
        %le3A_2253 = arith.cmpf ole, %gather3A_2252, %gather3A_2243 : vector<16xf32>
        %le3A_2254 = arith.constant 126 : i32
        %le3A_2255 = vector.broadcast %le3A_2254 : i32 to vector<16xi32>
        %le3A_2256 = arith.cmpi sle, %add3A_2248, %le3A_2255 : vector<16xi32>
        %and3A_2257 = arith.andi %le3A_2253, %le3A_2256 : vector<16xi1>
        %select_n3A_2258 = arith.select %and3A_2257, %add3A_2248, %broadcast_in_dim3A_2245 : vector<16xi1>, vector<16xi32>
        %add3A_2259 = arith.constant 32 : i32
        %add3A_2260 = vector.broadcast %add3A_2259 : i32 to vector<16xi32>
        %add3A_2261 = arith.addi %select_n3A_2258, %add3A_2260 : vector<16xi32>
        %sub3A_2262 = arith.constant 1 : i32
        %sub3A_2263 = vector.broadcast %sub3A_2262 : i32 to vector<16xi32>
        %sub3A_2264 = arith.subi %add3A_2261, %sub3A_2263 : vector<16xi32>
        %gather3A_2265 = tpu.vector_load_idx %arg9[%sub3A_2264] : memref<128xf32, #tpu.memory_space<vmem>>[vector<16xi32>], vector<16xf32>,
        %le3A_2266 = arith.cmpf ole, %gather3A_2265, %gather3A_2243 : vector<16xf32>
        %le3A_2267 = arith.constant 126 : i32
        %le3A_2268 = vector.broadcast %le3A_2267 : i32 to vector<16xi32>
        %le3A_2269 = arith.cmpi sle, %add3A_2261, %le3A_2268 : vector<16xi32>
        %and3A_2270 = arith.andi %le3A_2266, %le3A_2269 : vector<16xi1>
        %select_n3A_2271 = arith.select %and3A_2270, %add3A_2261, %select_n3A_2258 : vector<16xi1>, vector<16xi32>
        %add3A_2272 = arith.constant 16 : i32
        %add3A_2273 = vector.broadcast %add3A_2272 : i32 to vector<16xi32>
        %add3A_2274 = arith.addi %select_n3A_2271, %add3A_2273 : vector<16xi32>
        %sub3A_2275 = arith.constant 1 : i32
        %sub3A_2276 = vector.broadcast %sub3A_2275 : i32 to vector<16xi32>
        %sub3A_2277 = arith.subi %add3A_2274, %sub3A_2276 : vector<16xi32>
        %gather3A_2278 = tpu.vector_load_idx %arg9[%sub3A_2277] : memref<128xf32, #tpu.memory_space<vmem>>[vector<16xi32>], vector<16xf32>,
        %le3A_2279 = arith.cmpf ole, %gather3A_2278, %gather3A_2243 : vector<16xf32>
        %le3A_2280 = arith.constant 126 : i32
        %le3A_2281 = vector.broadcast %le3A_2280 : i32 to vector<16xi32>
        %le3A_2282 = arith.cmpi sle, %add3A_2274, %le3A_2281 : vector<16xi32>
        %and3A_2283 = arith.andi %le3A_2279, %le3A_2282 : vector<16xi1>
        %select_n3A_2284 = arith.select %and3A_2283, %add3A_2274, %select_n3A_2271 : vector<16xi1>, vector<16xi32>
        %add3A_2285 = arith.constant 8 : i32
        %add3A_2286 = vector.broadcast %add3A_2285 : i32 to vector<16xi32>
        %add3A_2287 = arith.addi %select_n3A_2284, %add3A_2286 : vector<16xi32>
        %sub3A_2288 = arith.constant 1 : i32
        %sub3A_2289 = vector.broadcast %sub3A_2288 : i32 to vector<16xi32>
        %sub3A_2290 = arith.subi %add3A_2287, %sub3A_2289 : vector<16xi32>
        %gather3A_2291 = tpu.vector_load_idx %arg9[%sub3A_2290] : memref<128xf32, #tpu.memory_space<vmem>>[vector<16xi32>], vector<16xf32>,
        %le3A_2292 = arith.cmpf ole, %gather3A_2291, %gather3A_2243 : vector<16xf32>
        %le3A_2293 = arith.constant 126 : i32
        %le3A_2294 = vector.broadcast %le3A_2293 : i32 to vector<16xi32>
        %le3A_2295 = arith.cmpi sle, %add3A_2287, %le3A_2294 : vector<16xi32>
        %and3A_2296 = arith.andi %le3A_2292, %le3A_2295 : vector<16xi1>
        %select_n3A_2297 = arith.select %and3A_2296, %add3A_2287, %select_n3A_2284 : vector<16xi1>, vector<16xi32>
        %add3A_2298 = arith.constant 4 : i32
        %add3A_2299 = vector.broadcast %add3A_2298 : i32 to vector<16xi32>
        %add3A_2300 = arith.addi %select_n3A_2297, %add3A_2299 : vector<16xi32>
        %sub3A_2301 = arith.constant 1 : i32
        %sub3A_2302 = vector.broadcast %sub3A_2301 : i32 to vector<16xi32>
        %sub3A_2303 = arith.subi %add3A_2300, %sub3A_2302 : vector<16xi32>
        %gather3A_2304 = tpu.vector_load_idx %arg9[%sub3A_2303] : memref<128xf32, #tpu.memory_space<vmem>>[vector<16xi32>], vector<16xf32>,
        %le3A_2305 = arith.cmpf ole, %gather3A_2304, %gather3A_2243 : vector<16xf32>
        %le3A_2306 = arith.constant 126 : i32
        %le3A_2307 = vector.broadcast %le3A_2306 : i32 to vector<16xi32>
        %le3A_2308 = arith.cmpi sle, %add3A_2300, %le3A_2307 : vector<16xi32>
        %and3A_2309 = arith.andi %le3A_2305, %le3A_2308 : vector<16xi1>
        %select_n3A_2310 = arith.select %and3A_2309, %add3A_2300, %select_n3A_2297 : vector<16xi1>, vector<16xi32>
        %add3A_2311 = arith.constant 2 : i32
        %add3A_2312 = vector.broadcast %add3A_2311 : i32 to vector<16xi32>
        %add3A_2313 = arith.addi %select_n3A_2310, %add3A_2312 : vector<16xi32>
        %sub3A_2314 = arith.constant 1 : i32
        %sub3A_2315 = vector.broadcast %sub3A_2314 : i32 to vector<16xi32>
        %sub3A_2316 = arith.subi %add3A_2313, %sub3A_2315 : vector<16xi32>
        %gather3A_2317 = tpu.vector_load_idx %arg9[%sub3A_2316] : memref<128xf32, #tpu.memory_space<vmem>>[vector<16xi32>], vector<16xf32>,
        %le3A_2318 = arith.cmpf ole, %gather3A_2317, %gather3A_2243 : vector<16xf32>
        %le3A_2319 = arith.constant 126 : i32
        %le3A_2320 = vector.broadcast %le3A_2319 : i32 to vector<16xi32>
        %le3A_2321 = arith.cmpi sle, %add3A_2313, %le3A_2320 : vector<16xi32>
        %and3A_2322 = arith.andi %le3A_2318, %le3A_2321 : vector<16xi1>
        %select_n3A_2323 = arith.select %and3A_2322, %add3A_2313, %select_n3A_2310 : vector<16xi1>, vector<16xi32>
        %add3A_2324 = arith.constant 1 : i32
        %add3A_2325 = vector.broadcast %add3A_2324 : i32 to vector<16xi32>
        %add3A_2326 = arith.addi %select_n3A_2323, %add3A_2325 : vector<16xi32>
        %sub3A_2327 = arith.constant 1 : i32
        %sub3A_2328 = vector.broadcast %sub3A_2327 : i32 to vector<16xi32>
        %sub3A_2329 = arith.subi %add3A_2326, %sub3A_2328 : vector<16xi32>
        %gather3A_2330 = tpu.vector_load_idx %arg9[%sub3A_2329] : memref<128xf32, #tpu.memory_space<vmem>>[vector<16xi32>], vector<16xf32>,
        %le3A_2331 = arith.cmpf ole, %gather3A_2330, %gather3A_2243 : vector<16xf32>
        %le3A_2332 = arith.constant 126 : i32
        %le3A_2333 = vector.broadcast %le3A_2332 : i32 to vector<16xi32>
        %le3A_2334 = arith.cmpi sle, %add3A_2326, %le3A_2333 : vector<16xi32>
        %and3A_2335 = arith.andi %le3A_2331, %le3A_2334 : vector<16xi1>
        %select_n3A_2336 = arith.select %and3A_2335, %add3A_2326, %select_n3A_2323 : vector<16xi1>, vector<16xi32>
        %add3A_2337 = arith.constant 1 : i32
        %add3A_2338 = vector.broadcast %add3A_2337 : i32 to vector<16xi32>
        %add3A_2339 = arith.addi %select_n3A_2336, %add3A_2338 : vector<16xi32>
        %min3A_2340 = arith.constant 126 : i32
        %min3A_2341 = vector.broadcast %min3A_2340 : i32 to vector<16xi32>
        %min3A_2342 = arith.minsi %add3A_2339, %min3A_2341 : vector<16xi32>
        %sub3A_2343 = arith.constant 1 : i32
        %sub3A_2344 = vector.broadcast %sub3A_2343 : i32 to vector<16xi32>
        %sub3A_2345 = arith.subi %select_n3A_2336, %sub3A_2344 : vector<16xi32>
        %max3A_2346 = arith.constant 0 : i32
        %max3A_2347 = vector.broadcast %max3A_2346 : i32 to vector<16xi32>
        %max3A_2348 = arith.maxsi %sub3A_2345, %max3A_2347 : vector<16xi32>
        %gather3A_2349 = tpu.vector_load_idx %arg9[%max3A_2348] : memref<128xf32, #tpu.memory_space<vmem>>[vector<16xi32>], vector<16xf32>,
        %eq3A_2350 = arith.constant 0 : i32
        %eq3A_2351 = vector.broadcast %eq3A_2350 : i32 to vector<16xi32>
        %eq3A_2352 = arith.cmpi eq, %select_n3A_2336, %eq3A_2351 : vector<16xi32>
        %jit3A_2353 = arith.constant 0.000000e+00 : f32
        %broadcast_in_dim3A_2354 = vector.broadcast %jit3A_2353 : f32 to vector<16xf32>
        %select_n3A_2355 = arith.select %eq3A_2352, %broadcast_in_dim3A_2354, %gather3A_2349 : vector<16xi1>, vector<16xf32>
        %sub3A_2356 = arith.constant 1 : i32
        %sub3A_2357 = vector.broadcast %sub3A_2356 : i32 to vector<16xi32>
        %sub3A_2358 = arith.subi %min3A_2342, %sub3A_2357 : vector<16xi32>
        %gather3A_2359 = tpu.vector_load_idx %arg9[%sub3A_2358] : memref<128xf32, #tpu.memory_space<vmem>>[vector<16xi32>], vector<16xf32>,
        %gather3A_2360 = tpu.vector_load_idx %arg6[%broadcast_in_dim3A, %select_n3A_2336] : memref<8x128xf32, #tpu.memory_space<vmem>>[vector<16xi32>, vector<16xi32>], vector<16xf32>,
        %add3A_2361 = arith.constant 1 : i32
        %add3A_2362 = vector.broadcast %add3A_2361 : i32 to vector<16xi32>
        %add3A_2363 = arith.addi %select_n3A_2336, %add3A_2362 : vector<16xi32>
        %gather3A_2364 = tpu.vector_load_idx %arg6[%broadcast_in_dim3A, %add3A_2363] : memref<8x128xf32, #tpu.memory_space<vmem>>[vector<16xi32>, vector<16xi32>], vector<16xf32>,
        %gather3A_2365 = tpu.vector_load_idx %arg6[%broadcast_in_dim3A, %min3A_2342] : memref<8x128xf32, #tpu.memory_space<vmem>>[vector<16xi32>, vector<16xi32>], vector<16xf32>,
        %add3A_2366 = arith.constant 1 : i32
        %add3A_2367 = vector.broadcast %add3A_2366 : i32 to vector<16xi32>
        %add3A_2368 = arith.addi %min3A_2342, %add3A_2367 : vector<16xi32>
        %gather3A_2369 = tpu.vector_load_idx %arg6[%broadcast_in_dim3A, %add3A_2368] : memref<8x128xf32, #tpu.memory_space<vmem>>[vector<16xi32>, vector<16xi32>], vector<16xf32>,
        %add3A_2370 = arith.addf %gather3A_2360, %gather3A_2364 : vector<16xf32>
        %mul3A_2371 = arith.constant 5.000000e-01 : f32
        %mul3A_2372 = vector.broadcast %mul3A_2371 : f32 to vector<16xf32>
        %mul3A_2373 = arith.mulf %mul3A_2372, %add3A_2370 : vector<16xf32>
        %add3A_2374 = arith.addf %gather3A_2365, %gather3A_2369 : vector<16xf32>
        %mul3A_2375 = arith.constant 5.000000e-01 : f32
        %mul3A_2376 = vector.broadcast %mul3A_2375 : f32 to vector<16xf32>
        %mul3A_2377 = arith.mulf %mul3A_2376, %add3A_2374 : vector<16xf32>
        %sub3A_2378 = arith.subf %gather3A_2359, %select_n3A_2355 : vector<16xf32>
        %lt3A_2379 = arith.constant 9.99999974E-6 : f32
        %lt3A_2380 = vector.broadcast %lt3A_2379 : f32 to vector<16xf32>
        %lt3A_2381 = arith.cmpf olt, %sub3A_2378, %lt3A_2380 : vector<16xf32>
        %jit3A_2382 = arith.constant 1.000000e+00 : f32
        %broadcast_in_dim3A_2383 = vector.broadcast %jit3A_2382 : f32 to vector<16xf32>
        %select_n3A_2384 = arith.select %lt3A_2381, %broadcast_in_dim3A_2383, %sub3A_2378 : vector<16xi1>, vector<16xf32>
        %sub3A_2385 = arith.subf %gather3A_2243, %select_n3A_2355 : vector<16xf32>
        %div3A_2386 = arith.divf %sub3A_2385, %select_n3A_2384 : vector<16xf32>
        %sub3A_2387 = arith.subf %mul3A_2377, %mul3A_2373 : vector<16xf32>
        %mul3A_2388 = arith.mulf %div3A_2386, %sub3A_2387 : vector<16xf32>
        %add3A_2389 = arith.addf %mul3A_2373, %mul3A_2388 : vector<16xf32>
        %swap3A_2390 = arith.index_cast %scan3A_22 : i32 to index
        %swap3A_2391 = arith.constant 192 : index
        %swap3A_2392 = tpu.vector_load %arg10[%swap3A_2390, %swap3A_2391] {strides = array<i32>} : memref<8x256xf32, #tpu.memory_space<vmem>>, vector<16xf32>,
        tpu.vector_store %arg10[%swap3A_2390, %swap3A_2391], %add3A_2389 {strides = array<i32>} : memref<8x256xf32, #tpu.memory_space<vmem>>, vector<16xf32>,
        %add3A_2393 = arith.constant 208 : i32
        %add3A_2394 = vector.broadcast %add3A_2393 : i32 to vector<16xi32>
        %add3A_2395 = arith.addi %iota3A, %add3A_2394 : vector<16xi32>
        %gather3A_2396 = tpu.vector_load_idx %arg8[%broadcast_in_dim3A, %add3A_2395] : memref<8x256xf32, #tpu.memory_space<vmem>>[vector<16xi32>, vector<16xi32>], vector<16xf32>,
        %broadcast_in_dim3A_2397 = arith.constant 0 : i32
        %broadcast_in_dim3A_2398 = vector.broadcast %broadcast_in_dim3A_2397 : i32 to vector<16xi32>
        %add3A_2399 = arith.constant 64 : i32
        %add3A_2400 = vector.broadcast %add3A_2399 : i32 to vector<16xi32>
        %add3A_2401 = arith.addi %broadcast_in_dim3A_2398, %add3A_2400 : vector<16xi32>
        %sub3A_2402 = arith.constant 1 : i32
        %sub3A_2403 = vector.broadcast %sub3A_2402 : i32 to vector<16xi32>
        %sub3A_2404 = arith.subi %add3A_2401, %sub3A_2403 : vector<16xi32>
        %gather3A_2405 = tpu.vector_load_idx %arg9[%sub3A_2404] : memref<128xf32, #tpu.memory_space<vmem>>[vector<16xi32>], vector<16xf32>,
        %le3A_2406 = arith.cmpf ole, %gather3A_2405, %gather3A_2396 : vector<16xf32>
        %le3A_2407 = arith.constant 126 : i32
        %le3A_2408 = vector.broadcast %le3A_2407 : i32 to vector<16xi32>
        %le3A_2409 = arith.cmpi sle, %add3A_2401, %le3A_2408 : vector<16xi32>
        %and3A_2410 = arith.andi %le3A_2406, %le3A_2409 : vector<16xi1>
        %select_n3A_2411 = arith.select %and3A_2410, %add3A_2401, %broadcast_in_dim3A_2398 : vector<16xi1>, vector<16xi32>
        %add3A_2412 = arith.constant 32 : i32
        %add3A_2413 = vector.broadcast %add3A_2412 : i32 to vector<16xi32>
        %add3A_2414 = arith.addi %select_n3A_2411, %add3A_2413 : vector<16xi32>
        %sub3A_2415 = arith.constant 1 : i32
        %sub3A_2416 = vector.broadcast %sub3A_2415 : i32 to vector<16xi32>
        %sub3A_2417 = arith.subi %add3A_2414, %sub3A_2416 : vector<16xi32>
        %gather3A_2418 = tpu.vector_load_idx %arg9[%sub3A_2417] : memref<128xf32, #tpu.memory_space<vmem>>[vector<16xi32>], vector<16xf32>,
        %le3A_2419 = arith.cmpf ole, %gather3A_2418, %gather3A_2396 : vector<16xf32>
        %le3A_2420 = arith.constant 126 : i32
        %le3A_2421 = vector.broadcast %le3A_2420 : i32 to vector<16xi32>
        %le3A_2422 = arith.cmpi sle, %add3A_2414, %le3A_2421 : vector<16xi32>
        %and3A_2423 = arith.andi %le3A_2419, %le3A_2422 : vector<16xi1>
        %select_n3A_2424 = arith.select %and3A_2423, %add3A_2414, %select_n3A_2411 : vector<16xi1>, vector<16xi32>
        %add3A_2425 = arith.constant 16 : i32
        %add3A_2426 = vector.broadcast %add3A_2425 : i32 to vector<16xi32>
        %add3A_2427 = arith.addi %select_n3A_2424, %add3A_2426 : vector<16xi32>
        %sub3A_2428 = arith.constant 1 : i32
        %sub3A_2429 = vector.broadcast %sub3A_2428 : i32 to vector<16xi32>
        %sub3A_2430 = arith.subi %add3A_2427, %sub3A_2429 : vector<16xi32>
        %gather3A_2431 = tpu.vector_load_idx %arg9[%sub3A_2430] : memref<128xf32, #tpu.memory_space<vmem>>[vector<16xi32>], vector<16xf32>,
        %le3A_2432 = arith.cmpf ole, %gather3A_2431, %gather3A_2396 : vector<16xf32>
        %le3A_2433 = arith.constant 126 : i32
        %le3A_2434 = vector.broadcast %le3A_2433 : i32 to vector<16xi32>
        %le3A_2435 = arith.cmpi sle, %add3A_2427, %le3A_2434 : vector<16xi32>
        %and3A_2436 = arith.andi %le3A_2432, %le3A_2435 : vector<16xi1>
        %select_n3A_2437 = arith.select %and3A_2436, %add3A_2427, %select_n3A_2424 : vector<16xi1>, vector<16xi32>
        %add3A_2438 = arith.constant 8 : i32
        %add3A_2439 = vector.broadcast %add3A_2438 : i32 to vector<16xi32>
        %add3A_2440 = arith.addi %select_n3A_2437, %add3A_2439 : vector<16xi32>
        %sub3A_2441 = arith.constant 1 : i32
        %sub3A_2442 = vector.broadcast %sub3A_2441 : i32 to vector<16xi32>
        %sub3A_2443 = arith.subi %add3A_2440, %sub3A_2442 : vector<16xi32>
        %gather3A_2444 = tpu.vector_load_idx %arg9[%sub3A_2443] : memref<128xf32, #tpu.memory_space<vmem>>[vector<16xi32>], vector<16xf32>,
        %le3A_2445 = arith.cmpf ole, %gather3A_2444, %gather3A_2396 : vector<16xf32>
        %le3A_2446 = arith.constant 126 : i32
        %le3A_2447 = vector.broadcast %le3A_2446 : i32 to vector<16xi32>
        %le3A_2448 = arith.cmpi sle, %add3A_2440, %le3A_2447 : vector<16xi32>
        %and3A_2449 = arith.andi %le3A_2445, %le3A_2448 : vector<16xi1>
        %select_n3A_2450 = arith.select %and3A_2449, %add3A_2440, %select_n3A_2437 : vector<16xi1>, vector<16xi32>
        %add3A_2451 = arith.constant 4 : i32
        %add3A_2452 = vector.broadcast %add3A_2451 : i32 to vector<16xi32>
        %add3A_2453 = arith.addi %select_n3A_2450, %add3A_2452 : vector<16xi32>
        %sub3A_2454 = arith.constant 1 : i32
        %sub3A_2455 = vector.broadcast %sub3A_2454 : i32 to vector<16xi32>
        %sub3A_2456 = arith.subi %add3A_2453, %sub3A_2455 : vector<16xi32>
        %gather3A_2457 = tpu.vector_load_idx %arg9[%sub3A_2456] : memref<128xf32, #tpu.memory_space<vmem>>[vector<16xi32>], vector<16xf32>,
        %le3A_2458 = arith.cmpf ole, %gather3A_2457, %gather3A_2396 : vector<16xf32>
        %le3A_2459 = arith.constant 126 : i32
        %le3A_2460 = vector.broadcast %le3A_2459 : i32 to vector<16xi32>
        %le3A_2461 = arith.cmpi sle, %add3A_2453, %le3A_2460 : vector<16xi32>
        %and3A_2462 = arith.andi %le3A_2458, %le3A_2461 : vector<16xi1>
        %select_n3A_2463 = arith.select %and3A_2462, %add3A_2453, %select_n3A_2450 : vector<16xi1>, vector<16xi32>
        %add3A_2464 = arith.constant 2 : i32
        %add3A_2465 = vector.broadcast %add3A_2464 : i32 to vector<16xi32>
        %add3A_2466 = arith.addi %select_n3A_2463, %add3A_2465 : vector<16xi32>
        %sub3A_2467 = arith.constant 1 : i32
        %sub3A_2468 = vector.broadcast %sub3A_2467 : i32 to vector<16xi32>
        %sub3A_2469 = arith.subi %add3A_2466, %sub3A_2468 : vector<16xi32>
        %gather3A_2470 = tpu.vector_load_idx %arg9[%sub3A_2469] : memref<128xf32, #tpu.memory_space<vmem>>[vector<16xi32>], vector<16xf32>,
        %le3A_2471 = arith.cmpf ole, %gather3A_2470, %gather3A_2396 : vector<16xf32>
        %le3A_2472 = arith.constant 126 : i32
        %le3A_2473 = vector.broadcast %le3A_2472 : i32 to vector<16xi32>
        %le3A_2474 = arith.cmpi sle, %add3A_2466, %le3A_2473 : vector<16xi32>
        %and3A_2475 = arith.andi %le3A_2471, %le3A_2474 : vector<16xi1>
        %select_n3A_2476 = arith.select %and3A_2475, %add3A_2466, %select_n3A_2463 : vector<16xi1>, vector<16xi32>
        %add3A_2477 = arith.constant 1 : i32
        %add3A_2478 = vector.broadcast %add3A_2477 : i32 to vector<16xi32>
        %add3A_2479 = arith.addi %select_n3A_2476, %add3A_2478 : vector<16xi32>
        %sub3A_2480 = arith.constant 1 : i32
        %sub3A_2481 = vector.broadcast %sub3A_2480 : i32 to vector<16xi32>
        %sub3A_2482 = arith.subi %add3A_2479, %sub3A_2481 : vector<16xi32>
        %gather3A_2483 = tpu.vector_load_idx %arg9[%sub3A_2482] : memref<128xf32, #tpu.memory_space<vmem>>[vector<16xi32>], vector<16xf32>,
        %le3A_2484 = arith.cmpf ole, %gather3A_2483, %gather3A_2396 : vector<16xf32>
        %le3A_2485 = arith.constant 126 : i32
        %le3A_2486 = vector.broadcast %le3A_2485 : i32 to vector<16xi32>
        %le3A_2487 = arith.cmpi sle, %add3A_2479, %le3A_2486 : vector<16xi32>
        %and3A_2488 = arith.andi %le3A_2484, %le3A_2487 : vector<16xi1>
        %select_n3A_2489 = arith.select %and3A_2488, %add3A_2479, %select_n3A_2476 : vector<16xi1>, vector<16xi32>
        %add3A_2490 = arith.constant 1 : i32
        %add3A_2491 = vector.broadcast %add3A_2490 : i32 to vector<16xi32>
        %add3A_2492 = arith.addi %select_n3A_2489, %add3A_2491 : vector<16xi32>
        %min3A_2493 = arith.constant 126 : i32
        %min3A_2494 = vector.broadcast %min3A_2493 : i32 to vector<16xi32>
        %min3A_2495 = arith.minsi %add3A_2492, %min3A_2494 : vector<16xi32>
        %sub3A_2496 = arith.constant 1 : i32
        %sub3A_2497 = vector.broadcast %sub3A_2496 : i32 to vector<16xi32>
        %sub3A_2498 = arith.subi %select_n3A_2489, %sub3A_2497 : vector<16xi32>
        %max3A_2499 = arith.constant 0 : i32
        %max3A_2500 = vector.broadcast %max3A_2499 : i32 to vector<16xi32>
        %max3A_2501 = arith.maxsi %sub3A_2498, %max3A_2500 : vector<16xi32>
        %gather3A_2502 = tpu.vector_load_idx %arg9[%max3A_2501] : memref<128xf32, #tpu.memory_space<vmem>>[vector<16xi32>], vector<16xf32>,
        %eq3A_2503 = arith.constant 0 : i32
        %eq3A_2504 = vector.broadcast %eq3A_2503 : i32 to vector<16xi32>
        %eq3A_2505 = arith.cmpi eq, %select_n3A_2489, %eq3A_2504 : vector<16xi32>
        %jit3A_2506 = arith.constant 0.000000e+00 : f32
        %broadcast_in_dim3A_2507 = vector.broadcast %jit3A_2506 : f32 to vector<16xf32>
        %select_n3A_2508 = arith.select %eq3A_2505, %broadcast_in_dim3A_2507, %gather3A_2502 : vector<16xi1>, vector<16xf32>
        %sub3A_2509 = arith.constant 1 : i32
        %sub3A_2510 = vector.broadcast %sub3A_2509 : i32 to vector<16xi32>
        %sub3A_2511 = arith.subi %min3A_2495, %sub3A_2510 : vector<16xi32>
        %gather3A_2512 = tpu.vector_load_idx %arg9[%sub3A_2511] : memref<128xf32, #tpu.memory_space<vmem>>[vector<16xi32>], vector<16xf32>,
        %gather3A_2513 = tpu.vector_load_idx %arg6[%broadcast_in_dim3A, %select_n3A_2489] : memref<8x128xf32, #tpu.memory_space<vmem>>[vector<16xi32>, vector<16xi32>], vector<16xf32>,
        %add3A_2514 = arith.constant 1 : i32
        %add3A_2515 = vector.broadcast %add3A_2514 : i32 to vector<16xi32>
        %add3A_2516 = arith.addi %select_n3A_2489, %add3A_2515 : vector<16xi32>
        %gather3A_2517 = tpu.vector_load_idx %arg6[%broadcast_in_dim3A, %add3A_2516] : memref<8x128xf32, #tpu.memory_space<vmem>>[vector<16xi32>, vector<16xi32>], vector<16xf32>,
        %gather3A_2518 = tpu.vector_load_idx %arg6[%broadcast_in_dim3A, %min3A_2495] : memref<8x128xf32, #tpu.memory_space<vmem>>[vector<16xi32>, vector<16xi32>], vector<16xf32>,
        %add3A_2519 = arith.constant 1 : i32
        %add3A_2520 = vector.broadcast %add3A_2519 : i32 to vector<16xi32>
        %add3A_2521 = arith.addi %min3A_2495, %add3A_2520 : vector<16xi32>
        %gather3A_2522 = tpu.vector_load_idx %arg6[%broadcast_in_dim3A, %add3A_2521] : memref<8x128xf32, #tpu.memory_space<vmem>>[vector<16xi32>, vector<16xi32>], vector<16xf32>,
        %add3A_2523 = arith.addf %gather3A_2513, %gather3A_2517 : vector<16xf32>
        %mul3A_2524 = arith.constant 5.000000e-01 : f32
        %mul3A_2525 = vector.broadcast %mul3A_2524 : f32 to vector<16xf32>
        %mul3A_2526 = arith.mulf %mul3A_2525, %add3A_2523 : vector<16xf32>
        %add3A_2527 = arith.addf %gather3A_2518, %gather3A_2522 : vector<16xf32>
        %mul3A_2528 = arith.constant 5.000000e-01 : f32
        %mul3A_2529 = vector.broadcast %mul3A_2528 : f32 to vector<16xf32>
        %mul3A_2530 = arith.mulf %mul3A_2529, %add3A_2527 : vector<16xf32>
        %sub3A_2531 = arith.subf %gather3A_2512, %select_n3A_2508 : vector<16xf32>
        %lt3A_2532 = arith.constant 9.99999974E-6 : f32
        %lt3A_2533 = vector.broadcast %lt3A_2532 : f32 to vector<16xf32>
        %lt3A_2534 = arith.cmpf olt, %sub3A_2531, %lt3A_2533 : vector<16xf32>
        %jit3A_2535 = arith.constant 1.000000e+00 : f32
        %broadcast_in_dim3A_2536 = vector.broadcast %jit3A_2535 : f32 to vector<16xf32>
        %select_n3A_2537 = arith.select %lt3A_2534, %broadcast_in_dim3A_2536, %sub3A_2531 : vector<16xi1>, vector<16xf32>
        %sub3A_2538 = arith.subf %gather3A_2396, %select_n3A_2508 : vector<16xf32>
        %div3A_2539 = arith.divf %sub3A_2538, %select_n3A_2537 : vector<16xf32>
        %sub3A_2540 = arith.subf %mul3A_2530, %mul3A_2526 : vector<16xf32>
        %mul3A_2541 = arith.mulf %div3A_2539, %sub3A_2540 : vector<16xf32>
        %add3A_2542 = arith.addf %mul3A_2526, %mul3A_2541 : vector<16xf32>
        %swap3A_2543 = arith.index_cast %scan3A_22 : i32 to index
        %swap3A_2544 = arith.constant 208 : index
        %swap3A_2545 = tpu.vector_load %arg10[%swap3A_2543, %swap3A_2544] {strides = array<i32>} : memref<8x256xf32, #tpu.memory_space<vmem>>, vector<16xf32>,
        tpu.vector_store %arg10[%swap3A_2543, %swap3A_2544], %add3A_2542 {strides = array<i32>} : memref<8x256xf32, #tpu.memory_space<vmem>>, vector<16xf32>,
        %add3A_2546 = arith.constant 224 : i32
        %add3A_2547 = vector.broadcast %add3A_2546 : i32 to vector<16xi32>
        %add3A_2548 = arith.addi %iota3A, %add3A_2547 : vector<16xi32>
        %gather3A_2549 = tpu.vector_load_idx %arg8[%broadcast_in_dim3A, %add3A_2548] : memref<8x256xf32, #tpu.memory_space<vmem>>[vector<16xi32>, vector<16xi32>], vector<16xf32>,
        %broadcast_in_dim3A_2550 = arith.constant 0 : i32
        %broadcast_in_dim3A_2551 = vector.broadcast %broadcast_in_dim3A_2550 : i32 to vector<16xi32>
        %add3A_2552 = arith.constant 64 : i32
        %add3A_2553 = vector.broadcast %add3A_2552 : i32 to vector<16xi32>
        %add3A_2554 = arith.addi %broadcast_in_dim3A_2551, %add3A_2553 : vector<16xi32>
        %sub3A_2555 = arith.constant 1 : i32
        %sub3A_2556 = vector.broadcast %sub3A_2555 : i32 to vector<16xi32>
        %sub3A_2557 = arith.subi %add3A_2554, %sub3A_2556 : vector<16xi32>
        %gather3A_2558 = tpu.vector_load_idx %arg9[%sub3A_2557] : memref<128xf32, #tpu.memory_space<vmem>>[vector<16xi32>], vector<16xf32>,
        %le3A_2559 = arith.cmpf ole, %gather3A_2558, %gather3A_2549 : vector<16xf32>
        %le3A_2560 = arith.constant 126 : i32
        %le3A_2561 = vector.broadcast %le3A_2560 : i32 to vector<16xi32>
        %le3A_2562 = arith.cmpi sle, %add3A_2554, %le3A_2561 : vector<16xi32>
        %and3A_2563 = arith.andi %le3A_2559, %le3A_2562 : vector<16xi1>
        %select_n3A_2564 = arith.select %and3A_2563, %add3A_2554, %broadcast_in_dim3A_2551 : vector<16xi1>, vector<16xi32>
        %add3A_2565 = arith.constant 32 : i32
        %add3A_2566 = vector.broadcast %add3A_2565 : i32 to vector<16xi32>
        %add3A_2567 = arith.addi %select_n3A_2564, %add3A_2566 : vector<16xi32>
        %sub3A_2568 = arith.constant 1 : i32
        %sub3A_2569 = vector.broadcast %sub3A_2568 : i32 to vector<16xi32>
        %sub3A_2570 = arith.subi %add3A_2567, %sub3A_2569 : vector<16xi32>
        %gather3A_2571 = tpu.vector_load_idx %arg9[%sub3A_2570] : memref<128xf32, #tpu.memory_space<vmem>>[vector<16xi32>], vector<16xf32>,
        %le3A_2572 = arith.cmpf ole, %gather3A_2571, %gather3A_2549 : vector<16xf32>
        %le3A_2573 = arith.constant 126 : i32
        %le3A_2574 = vector.broadcast %le3A_2573 : i32 to vector<16xi32>
        %le3A_2575 = arith.cmpi sle, %add3A_2567, %le3A_2574 : vector<16xi32>
        %and3A_2576 = arith.andi %le3A_2572, %le3A_2575 : vector<16xi1>
        %select_n3A_2577 = arith.select %and3A_2576, %add3A_2567, %select_n3A_2564 : vector<16xi1>, vector<16xi32>
        %add3A_2578 = arith.constant 16 : i32
        %add3A_2579 = vector.broadcast %add3A_2578 : i32 to vector<16xi32>
        %add3A_2580 = arith.addi %select_n3A_2577, %add3A_2579 : vector<16xi32>
        %sub3A_2581 = arith.constant 1 : i32
        %sub3A_2582 = vector.broadcast %sub3A_2581 : i32 to vector<16xi32>
        %sub3A_2583 = arith.subi %add3A_2580, %sub3A_2582 : vector<16xi32>
        %gather3A_2584 = tpu.vector_load_idx %arg9[%sub3A_2583] : memref<128xf32, #tpu.memory_space<vmem>>[vector<16xi32>], vector<16xf32>,
        %le3A_2585 = arith.cmpf ole, %gather3A_2584, %gather3A_2549 : vector<16xf32>
        %le3A_2586 = arith.constant 126 : i32
        %le3A_2587 = vector.broadcast %le3A_2586 : i32 to vector<16xi32>
        %le3A_2588 = arith.cmpi sle, %add3A_2580, %le3A_2587 : vector<16xi32>
        %and3A_2589 = arith.andi %le3A_2585, %le3A_2588 : vector<16xi1>
        %select_n3A_2590 = arith.select %and3A_2589, %add3A_2580, %select_n3A_2577 : vector<16xi1>, vector<16xi32>
        %add3A_2591 = arith.constant 8 : i32
        %add3A_2592 = vector.broadcast %add3A_2591 : i32 to vector<16xi32>
        %add3A_2593 = arith.addi %select_n3A_2590, %add3A_2592 : vector<16xi32>
        %sub3A_2594 = arith.constant 1 : i32
        %sub3A_2595 = vector.broadcast %sub3A_2594 : i32 to vector<16xi32>
        %sub3A_2596 = arith.subi %add3A_2593, %sub3A_2595 : vector<16xi32>
        %gather3A_2597 = tpu.vector_load_idx %arg9[%sub3A_2596] : memref<128xf32, #tpu.memory_space<vmem>>[vector<16xi32>], vector<16xf32>,
        %le3A_2598 = arith.cmpf ole, %gather3A_2597, %gather3A_2549 : vector<16xf32>
        %le3A_2599 = arith.constant 126 : i32
        %le3A_2600 = vector.broadcast %le3A_2599 : i32 to vector<16xi32>
        %le3A_2601 = arith.cmpi sle, %add3A_2593, %le3A_2600 : vector<16xi32>
        %and3A_2602 = arith.andi %le3A_2598, %le3A_2601 : vector<16xi1>
        %select_n3A_2603 = arith.select %and3A_2602, %add3A_2593, %select_n3A_2590 : vector<16xi1>, vector<16xi32>
        %add3A_2604 = arith.constant 4 : i32
        %add3A_2605 = vector.broadcast %add3A_2604 : i32 to vector<16xi32>
        %add3A_2606 = arith.addi %select_n3A_2603, %add3A_2605 : vector<16xi32>
        %sub3A_2607 = arith.constant 1 : i32
        %sub3A_2608 = vector.broadcast %sub3A_2607 : i32 to vector<16xi32>
        %sub3A_2609 = arith.subi %add3A_2606, %sub3A_2608 : vector<16xi32>
        %gather3A_2610 = tpu.vector_load_idx %arg9[%sub3A_2609] : memref<128xf32, #tpu.memory_space<vmem>>[vector<16xi32>], vector<16xf32>,
        %le3A_2611 = arith.cmpf ole, %gather3A_2610, %gather3A_2549 : vector<16xf32>
        %le3A_2612 = arith.constant 126 : i32
        %le3A_2613 = vector.broadcast %le3A_2612 : i32 to vector<16xi32>
        %le3A_2614 = arith.cmpi sle, %add3A_2606, %le3A_2613 : vector<16xi32>
        %and3A_2615 = arith.andi %le3A_2611, %le3A_2614 : vector<16xi1>
        %select_n3A_2616 = arith.select %and3A_2615, %add3A_2606, %select_n3A_2603 : vector<16xi1>, vector<16xi32>
        %add3A_2617 = arith.constant 2 : i32
        %add3A_2618 = vector.broadcast %add3A_2617 : i32 to vector<16xi32>
        %add3A_2619 = arith.addi %select_n3A_2616, %add3A_2618 : vector<16xi32>
        %sub3A_2620 = arith.constant 1 : i32
        %sub3A_2621 = vector.broadcast %sub3A_2620 : i32 to vector<16xi32>
        %sub3A_2622 = arith.subi %add3A_2619, %sub3A_2621 : vector<16xi32>
        %gather3A_2623 = tpu.vector_load_idx %arg9[%sub3A_2622] : memref<128xf32, #tpu.memory_space<vmem>>[vector<16xi32>], vector<16xf32>,
        %le3A_2624 = arith.cmpf ole, %gather3A_2623, %gather3A_2549 : vector<16xf32>
        %le3A_2625 = arith.constant 126 : i32
        %le3A_2626 = vector.broadcast %le3A_2625 : i32 to vector<16xi32>
        %le3A_2627 = arith.cmpi sle, %add3A_2619, %le3A_2626 : vector<16xi32>
        %and3A_2628 = arith.andi %le3A_2624, %le3A_2627 : vector<16xi1>
        %select_n3A_2629 = arith.select %and3A_2628, %add3A_2619, %select_n3A_2616 : vector<16xi1>, vector<16xi32>
        %add3A_2630 = arith.constant 1 : i32
        %add3A_2631 = vector.broadcast %add3A_2630 : i32 to vector<16xi32>
        %add3A_2632 = arith.addi %select_n3A_2629, %add3A_2631 : vector<16xi32>
        %sub3A_2633 = arith.constant 1 : i32
        %sub3A_2634 = vector.broadcast %sub3A_2633 : i32 to vector<16xi32>
        %sub3A_2635 = arith.subi %add3A_2632, %sub3A_2634 : vector<16xi32>
        %gather3A_2636 = tpu.vector_load_idx %arg9[%sub3A_2635] : memref<128xf32, #tpu.memory_space<vmem>>[vector<16xi32>], vector<16xf32>,
        %le3A_2637 = arith.cmpf ole, %gather3A_2636, %gather3A_2549 : vector<16xf32>
        %le3A_2638 = arith.constant 126 : i32
        %le3A_2639 = vector.broadcast %le3A_2638 : i32 to vector<16xi32>
        %le3A_2640 = arith.cmpi sle, %add3A_2632, %le3A_2639 : vector<16xi32>
        %and3A_2641 = arith.andi %le3A_2637, %le3A_2640 : vector<16xi1>
        %select_n3A_2642 = arith.select %and3A_2641, %add3A_2632, %select_n3A_2629 : vector<16xi1>, vector<16xi32>
        %add3A_2643 = arith.constant 1 : i32
        %add3A_2644 = vector.broadcast %add3A_2643 : i32 to vector<16xi32>
        %add3A_2645 = arith.addi %select_n3A_2642, %add3A_2644 : vector<16xi32>
        %min3A_2646 = arith.constant 126 : i32
        %min3A_2647 = vector.broadcast %min3A_2646 : i32 to vector<16xi32>
        %min3A_2648 = arith.minsi %add3A_2645, %min3A_2647 : vector<16xi32>
        %sub3A_2649 = arith.constant 1 : i32
        %sub3A_2650 = vector.broadcast %sub3A_2649 : i32 to vector<16xi32>
        %sub3A_2651 = arith.subi %select_n3A_2642, %sub3A_2650 : vector<16xi32>
        %max3A_2652 = arith.constant 0 : i32
        %max3A_2653 = vector.broadcast %max3A_2652 : i32 to vector<16xi32>
        %max3A_2654 = arith.maxsi %sub3A_2651, %max3A_2653 : vector<16xi32>
        %gather3A_2655 = tpu.vector_load_idx %arg9[%max3A_2654] : memref<128xf32, #tpu.memory_space<vmem>>[vector<16xi32>], vector<16xf32>,
        %eq3A_2656 = arith.constant 0 : i32
        %eq3A_2657 = vector.broadcast %eq3A_2656 : i32 to vector<16xi32>
        %eq3A_2658 = arith.cmpi eq, %select_n3A_2642, %eq3A_2657 : vector<16xi32>
        %jit3A_2659 = arith.constant 0.000000e+00 : f32
        %broadcast_in_dim3A_2660 = vector.broadcast %jit3A_2659 : f32 to vector<16xf32>
        %select_n3A_2661 = arith.select %eq3A_2658, %broadcast_in_dim3A_2660, %gather3A_2655 : vector<16xi1>, vector<16xf32>
        %sub3A_2662 = arith.constant 1 : i32
        %sub3A_2663 = vector.broadcast %sub3A_2662 : i32 to vector<16xi32>
        %sub3A_2664 = arith.subi %min3A_2648, %sub3A_2663 : vector<16xi32>
        %gather3A_2665 = tpu.vector_load_idx %arg9[%sub3A_2664] : memref<128xf32, #tpu.memory_space<vmem>>[vector<16xi32>], vector<16xf32>,
        %gather3A_2666 = tpu.vector_load_idx %arg6[%broadcast_in_dim3A, %select_n3A_2642] : memref<8x128xf32, #tpu.memory_space<vmem>>[vector<16xi32>, vector<16xi32>], vector<16xf32>,
        %add3A_2667 = arith.constant 1 : i32
        %add3A_2668 = vector.broadcast %add3A_2667 : i32 to vector<16xi32>
        %add3A_2669 = arith.addi %select_n3A_2642, %add3A_2668 : vector<16xi32>
        %gather3A_2670 = tpu.vector_load_idx %arg6[%broadcast_in_dim3A, %add3A_2669] : memref<8x128xf32, #tpu.memory_space<vmem>>[vector<16xi32>, vector<16xi32>], vector<16xf32>,
        %gather3A_2671 = tpu.vector_load_idx %arg6[%broadcast_in_dim3A, %min3A_2648] : memref<8x128xf32, #tpu.memory_space<vmem>>[vector<16xi32>, vector<16xi32>], vector<16xf32>,
        %add3A_2672 = arith.constant 1 : i32
        %add3A_2673 = vector.broadcast %add3A_2672 : i32 to vector<16xi32>
        %add3A_2674 = arith.addi %min3A_2648, %add3A_2673 : vector<16xi32>
        %gather3A_2675 = tpu.vector_load_idx %arg6[%broadcast_in_dim3A, %add3A_2674] : memref<8x128xf32, #tpu.memory_space<vmem>>[vector<16xi32>, vector<16xi32>], vector<16xf32>,
        %add3A_2676 = arith.addf %gather3A_2666, %gather3A_2670 : vector<16xf32>
        %mul3A_2677 = arith.constant 5.000000e-01 : f32
        %mul3A_2678 = vector.broadcast %mul3A_2677 : f32 to vector<16xf32>
        %mul3A_2679 = arith.mulf %mul3A_2678, %add3A_2676 : vector<16xf32>
        %add3A_2680 = arith.addf %gather3A_2671, %gather3A_2675 : vector<16xf32>
        %mul3A_2681 = arith.constant 5.000000e-01 : f32
        %mul3A_2682 = vector.broadcast %mul3A_2681 : f32 to vector<16xf32>
        %mul3A_2683 = arith.mulf %mul3A_2682, %add3A_2680 : vector<16xf32>
        %sub3A_2684 = arith.subf %gather3A_2665, %select_n3A_2661 : vector<16xf32>
        %lt3A_2685 = arith.constant 9.99999974E-6 : f32
        %lt3A_2686 = vector.broadcast %lt3A_2685 : f32 to vector<16xf32>
        %lt3A_2687 = arith.cmpf olt, %sub3A_2684, %lt3A_2686 : vector<16xf32>
        %jit3A_2688 = arith.constant 1.000000e+00 : f32
        %broadcast_in_dim3A_2689 = vector.broadcast %jit3A_2688 : f32 to vector<16xf32>
        %select_n3A_2690 = arith.select %lt3A_2687, %broadcast_in_dim3A_2689, %sub3A_2684 : vector<16xi1>, vector<16xf32>
        %sub3A_2691 = arith.subf %gather3A_2549, %select_n3A_2661 : vector<16xf32>
        %div3A_2692 = arith.divf %sub3A_2691, %select_n3A_2690 : vector<16xf32>
        %sub3A_2693 = arith.subf %mul3A_2683, %mul3A_2679 : vector<16xf32>
        %mul3A_2694 = arith.mulf %div3A_2692, %sub3A_2693 : vector<16xf32>
        %add3A_2695 = arith.addf %mul3A_2679, %mul3A_2694 : vector<16xf32>
        %swap3A_2696 = arith.index_cast %scan3A_22 : i32 to index
        %swap3A_2697 = arith.constant 224 : index
        %swap3A_2698 = tpu.vector_load %arg10[%swap3A_2696, %swap3A_2697] {strides = array<i32>} : memref<8x256xf32, #tpu.memory_space<vmem>>, vector<16xf32>,
        tpu.vector_store %arg10[%swap3A_2696, %swap3A_2697], %add3A_2695 {strides = array<i32>} : memref<8x256xf32, #tpu.memory_space<vmem>>, vector<16xf32>,
        %add3A_2699 = arith.constant 240 : i32
        %add3A_2700 = vector.broadcast %add3A_2699 : i32 to vector<16xi32>
        %add3A_2701 = arith.addi %iota3A, %add3A_2700 : vector<16xi32>
        %gather3A_2702 = tpu.vector_load_idx %arg8[%broadcast_in_dim3A, %add3A_2701] : memref<8x256xf32, #tpu.memory_space<vmem>>[vector<16xi32>, vector<16xi32>], vector<16xf32>,
        %broadcast_in_dim3A_2703 = arith.constant 0 : i32
        %broadcast_in_dim3A_2704 = vector.broadcast %broadcast_in_dim3A_2703 : i32 to vector<16xi32>
        %add3A_2705 = arith.constant 64 : i32
        %add3A_2706 = vector.broadcast %add3A_2705 : i32 to vector<16xi32>
        %add3A_2707 = arith.addi %broadcast_in_dim3A_2704, %add3A_2706 : vector<16xi32>
        %sub3A_2708 = arith.constant 1 : i32
        %sub3A_2709 = vector.broadcast %sub3A_2708 : i32 to vector<16xi32>
        %sub3A_2710 = arith.subi %add3A_2707, %sub3A_2709 : vector<16xi32>
        %gather3A_2711 = tpu.vector_load_idx %arg9[%sub3A_2710] : memref<128xf32, #tpu.memory_space<vmem>>[vector<16xi32>], vector<16xf32>,
        %le3A_2712 = arith.cmpf ole, %gather3A_2711, %gather3A_2702 : vector<16xf32>
        %le3A_2713 = arith.constant 126 : i32
        %le3A_2714 = vector.broadcast %le3A_2713 : i32 to vector<16xi32>
        %le3A_2715 = arith.cmpi sle, %add3A_2707, %le3A_2714 : vector<16xi32>
        %and3A_2716 = arith.andi %le3A_2712, %le3A_2715 : vector<16xi1>
        %select_n3A_2717 = arith.select %and3A_2716, %add3A_2707, %broadcast_in_dim3A_2704 : vector<16xi1>, vector<16xi32>
        %add3A_2718 = arith.constant 32 : i32
        %add3A_2719 = vector.broadcast %add3A_2718 : i32 to vector<16xi32>
        %add3A_2720 = arith.addi %select_n3A_2717, %add3A_2719 : vector<16xi32>
        %sub3A_2721 = arith.constant 1 : i32
        %sub3A_2722 = vector.broadcast %sub3A_2721 : i32 to vector<16xi32>
        %sub3A_2723 = arith.subi %add3A_2720, %sub3A_2722 : vector<16xi32>
        %gather3A_2724 = tpu.vector_load_idx %arg9[%sub3A_2723] : memref<128xf32, #tpu.memory_space<vmem>>[vector<16xi32>], vector<16xf32>,
        %le3A_2725 = arith.cmpf ole, %gather3A_2724, %gather3A_2702 : vector<16xf32>
        %le3A_2726 = arith.constant 126 : i32
        %le3A_2727 = vector.broadcast %le3A_2726 : i32 to vector<16xi32>
        %le3A_2728 = arith.cmpi sle, %add3A_2720, %le3A_2727 : vector<16xi32>
        %and3A_2729 = arith.andi %le3A_2725, %le3A_2728 : vector<16xi1>
        %select_n3A_2730 = arith.select %and3A_2729, %add3A_2720, %select_n3A_2717 : vector<16xi1>, vector<16xi32>
        %add3A_2731 = arith.constant 16 : i32
        %add3A_2732 = vector.broadcast %add3A_2731 : i32 to vector<16xi32>
        %add3A_2733 = arith.addi %select_n3A_2730, %add3A_2732 : vector<16xi32>
        %sub3A_2734 = arith.constant 1 : i32
        %sub3A_2735 = vector.broadcast %sub3A_2734 : i32 to vector<16xi32>
        %sub3A_2736 = arith.subi %add3A_2733, %sub3A_2735 : vector<16xi32>
        %gather3A_2737 = tpu.vector_load_idx %arg9[%sub3A_2736] : memref<128xf32, #tpu.memory_space<vmem>>[vector<16xi32>], vector<16xf32>,
        %le3A_2738 = arith.cmpf ole, %gather3A_2737, %gather3A_2702 : vector<16xf32>
        %le3A_2739 = arith.constant 126 : i32
        %le3A_2740 = vector.broadcast %le3A_2739 : i32 to vector<16xi32>
        %le3A_2741 = arith.cmpi sle, %add3A_2733, %le3A_2740 : vector<16xi32>
        %and3A_2742 = arith.andi %le3A_2738, %le3A_2741 : vector<16xi1>
        %select_n3A_2743 = arith.select %and3A_2742, %add3A_2733, %select_n3A_2730 : vector<16xi1>, vector<16xi32>
        %add3A_2744 = arith.constant 8 : i32
        %add3A_2745 = vector.broadcast %add3A_2744 : i32 to vector<16xi32>
        %add3A_2746 = arith.addi %select_n3A_2743, %add3A_2745 : vector<16xi32>
        %sub3A_2747 = arith.constant 1 : i32
        %sub3A_2748 = vector.broadcast %sub3A_2747 : i32 to vector<16xi32>
        %sub3A_2749 = arith.subi %add3A_2746, %sub3A_2748 : vector<16xi32>
        %gather3A_2750 = tpu.vector_load_idx %arg9[%sub3A_2749] : memref<128xf32, #tpu.memory_space<vmem>>[vector<16xi32>], vector<16xf32>,
        %le3A_2751 = arith.cmpf ole, %gather3A_2750, %gather3A_2702 : vector<16xf32>
        %le3A_2752 = arith.constant 126 : i32
        %le3A_2753 = vector.broadcast %le3A_2752 : i32 to vector<16xi32>
        %le3A_2754 = arith.cmpi sle, %add3A_2746, %le3A_2753 : vector<16xi32>
        %and3A_2755 = arith.andi %le3A_2751, %le3A_2754 : vector<16xi1>
        %select_n3A_2756 = arith.select %and3A_2755, %add3A_2746, %select_n3A_2743 : vector<16xi1>, vector<16xi32>
        %add3A_2757 = arith.constant 4 : i32
        %add3A_2758 = vector.broadcast %add3A_2757 : i32 to vector<16xi32>
        %add3A_2759 = arith.addi %select_n3A_2756, %add3A_2758 : vector<16xi32>
        %sub3A_2760 = arith.constant 1 : i32
        %sub3A_2761 = vector.broadcast %sub3A_2760 : i32 to vector<16xi32>
        %sub3A_2762 = arith.subi %add3A_2759, %sub3A_2761 : vector<16xi32>
        %gather3A_2763 = tpu.vector_load_idx %arg9[%sub3A_2762] : memref<128xf32, #tpu.memory_space<vmem>>[vector<16xi32>], vector<16xf32>,
        %le3A_2764 = arith.cmpf ole, %gather3A_2763, %gather3A_2702 : vector<16xf32>
        %le3A_2765 = arith.constant 126 : i32
        %le3A_2766 = vector.broadcast %le3A_2765 : i32 to vector<16xi32>
        %le3A_2767 = arith.cmpi sle, %add3A_2759, %le3A_2766 : vector<16xi32>
        %and3A_2768 = arith.andi %le3A_2764, %le3A_2767 : vector<16xi1>
        %select_n3A_2769 = arith.select %and3A_2768, %add3A_2759, %select_n3A_2756 : vector<16xi1>, vector<16xi32>
        %add3A_2770 = arith.constant 2 : i32
        %add3A_2771 = vector.broadcast %add3A_2770 : i32 to vector<16xi32>
        %add3A_2772 = arith.addi %select_n3A_2769, %add3A_2771 : vector<16xi32>
        %sub3A_2773 = arith.constant 1 : i32
        %sub3A_2774 = vector.broadcast %sub3A_2773 : i32 to vector<16xi32>
        %sub3A_2775 = arith.subi %add3A_2772, %sub3A_2774 : vector<16xi32>
        %gather3A_2776 = tpu.vector_load_idx %arg9[%sub3A_2775] : memref<128xf32, #tpu.memory_space<vmem>>[vector<16xi32>], vector<16xf32>,
        %le3A_2777 = arith.cmpf ole, %gather3A_2776, %gather3A_2702 : vector<16xf32>
        %le3A_2778 = arith.constant 126 : i32
        %le3A_2779 = vector.broadcast %le3A_2778 : i32 to vector<16xi32>
        %le3A_2780 = arith.cmpi sle, %add3A_2772, %le3A_2779 : vector<16xi32>
        %and3A_2781 = arith.andi %le3A_2777, %le3A_2780 : vector<16xi1>
        %select_n3A_2782 = arith.select %and3A_2781, %add3A_2772, %select_n3A_2769 : vector<16xi1>, vector<16xi32>
        %add3A_2783 = arith.constant 1 : i32
        %add3A_2784 = vector.broadcast %add3A_2783 : i32 to vector<16xi32>
        %add3A_2785 = arith.addi %select_n3A_2782, %add3A_2784 : vector<16xi32>
        %sub3A_2786 = arith.constant 1 : i32
        %sub3A_2787 = vector.broadcast %sub3A_2786 : i32 to vector<16xi32>
        %sub3A_2788 = arith.subi %add3A_2785, %sub3A_2787 : vector<16xi32>
        %gather3A_2789 = tpu.vector_load_idx %arg9[%sub3A_2788] : memref<128xf32, #tpu.memory_space<vmem>>[vector<16xi32>], vector<16xf32>,
        %le3A_2790 = arith.cmpf ole, %gather3A_2789, %gather3A_2702 : vector<16xf32>
        %le3A_2791 = arith.constant 126 : i32
        %le3A_2792 = vector.broadcast %le3A_2791 : i32 to vector<16xi32>
        %le3A_2793 = arith.cmpi sle, %add3A_2785, %le3A_2792 : vector<16xi32>
        %and3A_2794 = arith.andi %le3A_2790, %le3A_2793 : vector<16xi1>
        %select_n3A_2795 = arith.select %and3A_2794, %add3A_2785, %select_n3A_2782 : vector<16xi1>, vector<16xi32>
        %add3A_2796 = arith.constant 1 : i32
        %add3A_2797 = vector.broadcast %add3A_2796 : i32 to vector<16xi32>
        %add3A_2798 = arith.addi %select_n3A_2795, %add3A_2797 : vector<16xi32>
        %min3A_2799 = arith.constant 126 : i32
        %min3A_2800 = vector.broadcast %min3A_2799 : i32 to vector<16xi32>
        %min3A_2801 = arith.minsi %add3A_2798, %min3A_2800 : vector<16xi32>
        %sub3A_2802 = arith.constant 1 : i32
        %sub3A_2803 = vector.broadcast %sub3A_2802 : i32 to vector<16xi32>
        %sub3A_2804 = arith.subi %select_n3A_2795, %sub3A_2803 : vector<16xi32>
        %max3A_2805 = arith.constant 0 : i32
        %max3A_2806 = vector.broadcast %max3A_2805 : i32 to vector<16xi32>
        %max3A_2807 = arith.maxsi %sub3A_2804, %max3A_2806 : vector<16xi32>
        %gather3A_2808 = tpu.vector_load_idx %arg9[%max3A_2807] : memref<128xf32, #tpu.memory_space<vmem>>[vector<16xi32>], vector<16xf32>,
        %eq3A_2809 = arith.constant 0 : i32
        %eq3A_2810 = vector.broadcast %eq3A_2809 : i32 to vector<16xi32>
        %eq3A_2811 = arith.cmpi eq, %select_n3A_2795, %eq3A_2810 : vector<16xi32>
        %jit3A_2812 = arith.constant 0.000000e+00 : f32
        %broadcast_in_dim3A_2813 = vector.broadcast %jit3A_2812 : f32 to vector<16xf32>
        %select_n3A_2814 = arith.select %eq3A_2811, %broadcast_in_dim3A_2813, %gather3A_2808 : vector<16xi1>, vector<16xf32>
        %sub3A_2815 = arith.constant 1 : i32
        %sub3A_2816 = vector.broadcast %sub3A_2815 : i32 to vector<16xi32>
        %sub3A_2817 = arith.subi %min3A_2801, %sub3A_2816 : vector<16xi32>
        %gather3A_2818 = tpu.vector_load_idx %arg9[%sub3A_2817] : memref<128xf32, #tpu.memory_space<vmem>>[vector<16xi32>], vector<16xf32>,
        %gather3A_2819 = tpu.vector_load_idx %arg6[%broadcast_in_dim3A, %select_n3A_2795] : memref<8x128xf32, #tpu.memory_space<vmem>>[vector<16xi32>, vector<16xi32>], vector<16xf32>,
        %add3A_2820 = arith.constant 1 : i32
        %add3A_2821 = vector.broadcast %add3A_2820 : i32 to vector<16xi32>
        %add3A_2822 = arith.addi %select_n3A_2795, %add3A_2821 : vector<16xi32>
        %gather3A_2823 = tpu.vector_load_idx %arg6[%broadcast_in_dim3A, %add3A_2822] : memref<8x128xf32, #tpu.memory_space<vmem>>[vector<16xi32>, vector<16xi32>], vector<16xf32>,
        %gather3A_2824 = tpu.vector_load_idx %arg6[%broadcast_in_dim3A, %min3A_2801] : memref<8x128xf32, #tpu.memory_space<vmem>>[vector<16xi32>, vector<16xi32>], vector<16xf32>,
        %add3A_2825 = arith.constant 1 : i32
        %add3A_2826 = vector.broadcast %add3A_2825 : i32 to vector<16xi32>
        %add3A_2827 = arith.addi %min3A_2801, %add3A_2826 : vector<16xi32>
        %gather3A_2828 = tpu.vector_load_idx %arg6[%broadcast_in_dim3A, %add3A_2827] : memref<8x128xf32, #tpu.memory_space<vmem>>[vector<16xi32>, vector<16xi32>], vector<16xf32>,
        %add3A_2829 = arith.addf %gather3A_2819, %gather3A_2823 : vector<16xf32>
        %mul3A_2830 = arith.constant 5.000000e-01 : f32
        %mul3A_2831 = vector.broadcast %mul3A_2830 : f32 to vector<16xf32>
        %mul3A_2832 = arith.mulf %mul3A_2831, %add3A_2829 : vector<16xf32>
        %add3A_2833 = arith.addf %gather3A_2824, %gather3A_2828 : vector<16xf32>
        %mul3A_2834 = arith.constant 5.000000e-01 : f32
        %mul3A_2835 = vector.broadcast %mul3A_2834 : f32 to vector<16xf32>
        %mul3A_2836 = arith.mulf %mul3A_2835, %add3A_2833 : vector<16xf32>
        %sub3A_2837 = arith.subf %gather3A_2818, %select_n3A_2814 : vector<16xf32>
        %lt3A_2838 = arith.constant 9.99999974E-6 : f32
        %lt3A_2839 = vector.broadcast %lt3A_2838 : f32 to vector<16xf32>
        %lt3A_2840 = arith.cmpf olt, %sub3A_2837, %lt3A_2839 : vector<16xf32>
        %jit3A_2841 = arith.constant 1.000000e+00 : f32
        %broadcast_in_dim3A_2842 = vector.broadcast %jit3A_2841 : f32 to vector<16xf32>
        %select_n3A_2843 = arith.select %lt3A_2840, %broadcast_in_dim3A_2842, %sub3A_2837 : vector<16xi1>, vector<16xf32>
        %sub3A_2844 = arith.subf %gather3A_2702, %select_n3A_2814 : vector<16xf32>
        %div3A_2845 = arith.divf %sub3A_2844, %select_n3A_2843 : vector<16xf32>
        %sub3A_2846 = arith.subf %mul3A_2836, %mul3A_2832 : vector<16xf32>
        %mul3A_2847 = arith.mulf %div3A_2845, %sub3A_2846 : vector<16xf32>
        %add3A_2848 = arith.addf %mul3A_2832, %mul3A_2847 : vector<16xf32>
        %swap3A_2849 = arith.index_cast %scan3A_22 : i32 to index
        %swap3A_2850 = arith.constant 240 : index
        %swap3A_2851 = tpu.vector_load %arg10[%swap3A_2849, %swap3A_2850] {strides = array<i32>} : memref<8x256xf32, #tpu.memory_space<vmem>>, vector<16xf32>,
        tpu.vector_store %arg10[%swap3A_2849, %swap3A_2850], %add3A_2848 {strides = array<i32>} : memref<8x256xf32, #tpu.memory_space<vmem>>, vector<16xf32>,
        %scan3A_2852 = arith.constant 0 : i32
        scf.yield %scan3A_2852 : i32
      }
      %scan3A_20 = arith.constant 8 : i32
      "tpu.region"() ({
        %run_scoped3A = tpu.sem_alloc : memref<!tpu.dma_semaphore, #tpu.memory_space<semaphore_mem>>
        %dma_start3A = arith.constant 0 : i32
        %dma_start3A_22 = tpu.memref_slice %arg5[%add3A_13, %dma_start3A] : memref<16384x256xf32, #tpu.memory_space<hbm>> -> memref<8x256xf32, #tpu.memory_space<hbm>>
        %dma_start3A_23 = arith.constant 0 : i32
        %dma_start3A_24 = tpu.memref_slice %arg5[%add3A_13, %dma_start3A_23] : memref<16384x256xf32, #tpu.memory_space<hbm>> -> memref<8x256xf32, #tpu.memory_space<hbm>>
        tpu.enqueue_dma source(%arg10 : memref<8x256xf32, #tpu.memory_space<vmem>>) target(%dma_start3A_24 : memref<8x256xf32, #tpu.memory_space<hbm>>) target_semaphore(%run_scoped3A : memref<!tpu.dma_semaphore, #tpu.memory_space<semaphore_mem>>)
        %dma_wait3A = arith.constant 0 : i32
        %dma_wait3A_25 = tpu.memref_slice %arg5[%add3A_13, %dma_wait3A] : memref<16384x256xf32, #tpu.memory_space<hbm>> -> memref<8x256xf32, #tpu.memory_space<hbm>>
        %dma_wait3A_26 = arith.constant 0 : i32
        %dma_wait3A_27 = tpu.memref_slice %arg5[%add3A_13, %dma_wait3A_26] : memref<16384x256xf32, #tpu.memory_space<hbm>> -> memref<8x256xf32, #tpu.memory_space<hbm>>
        tpu.wait_dma2 semaphore(%run_scoped3A : memref<!tpu.dma_semaphore, #tpu.memory_space<semaphore_mem>>) src(%arg10 : memref<8x256xf32, #tpu.memory_space<vmem>>) dst(%dma_wait3A_27 : memref<8x256xf32, #tpu.memory_space<hbm>>)
        tpu.yield
      }) : () -> ()
      %scan3A_21 = arith.constant 0 : i32
      scf.yield %scan3A_21 : i32
    }
    %scan3A_6 = arith.constant 64 : i32
    return
  }
}

module attributes {stable_mosaic.version = 14 : i64} {
  func.func @_tc_sort_body(%arg0: i32, %arg1: memref<256x3xf32, #tpu.memory_space<vmem>>, %arg2: memref<256x3xf32, #tpu.memory_space<vmem>>, %arg3: memref<256x128xf32, #tpu.memory_space<vmem>>, %arg4: memref<256x256xf32, #tpu.memory_space<vmem>>, %arg5: memref<256x384xf32, #tpu.memory_space<vmem>>, %arg6: memref<256x384xf32, #tpu.memory_space<vmem>>, %arg7: memref<256x384xf32, #tpu.memory_space<vmem>>, %arg8: memref<256x384xf32, #tpu.memory_space<vmem>>) attributes {dimension_semantics = [#tpu.dimension_semantics<arbitrary>], iteration_bounds = array<i64: 64>, scalar_prefetch = 0 : i64, scratch_operands = 0 : i64, tpu.core_type = #tpu.core_type<tc>, window_params = [{transform_indices = @transform_0, window_bounds = array<i64: 256, 3>}, {transform_indices = @transform_1, window_bounds = array<i64: 256, 3>}, {transform_indices = @transform_2, window_bounds = array<i64: 256, 128>}, {transform_indices = @transform_3, window_bounds = array<i64: 256, 256>}, {transform_indices = @transform_4, window_bounds = array<i64: 256, 384>}, {transform_indices = @transform_5, window_bounds = array<i64: 256, 384>}, {transform_indices = @transform_6, window_bounds = array<i64: 256, 384>}, {transform_indices = @transform_7, window_bounds = array<i64: 256, 384>}]} {
    %get3A = arith.constant 0 : index
    %get3A_0 = arith.constant 0 : index
    %get3A_1 = vector.load %arg3[%get3A, %get3A_0] : memref<256x128xf32, #tpu.memory_space<vmem>>, vector<256x128xf32>
    %get3A_2 = arith.constant 0 : index
    %get3A_3 = arith.constant 0 : index
    %get3A_4 = vector.load %arg4[%get3A_2, %get3A_3] : memref<256x256xf32, #tpu.memory_space<vmem>>, vector<256x256xf32>
    %iota3A = tpu.iota {dimensions = array<i32: 1>} : vector<1x256xi32>
    %and3A = arith.constant 1 : i32
    %and3A_5 = vector.broadcast %and3A : i32 to vector<1x256xi32>
    %and3A_6 = arith.andi %iota3A, %and3A_5 : vector<1x256xi32>
    %eq3A = arith.constant 0 : i32
    %eq3A_7 = vector.broadcast %eq3A : i32 to vector<1x256xi32>
    %eq3A_8 = arith.cmpi eq, %and3A_6, %eq3A_7 : vector<1x256xi32>
    %and3A_9 = arith.constant 2 : i32
    %and3A_10 = vector.broadcast %and3A_9 : i32 to vector<1x256xi32>
    %and3A_11 = arith.andi %iota3A, %and3A_10 : vector<1x256xi32>
    %eq3A_12 = arith.constant 0 : i32
    %eq3A_13 = vector.broadcast %eq3A_12 : i32 to vector<1x256xi32>
    %eq3A_14 = arith.cmpi eq, %and3A_11, %eq3A_13 : vector<1x256xi32>
    %eq3A_15 = arith.constant false
    %eq3A_16 = vector.broadcast %eq3A_15 : i1 to vector<1x256xi1>
    %eq3A_17 = vector.broadcast %eq3A_16 : vector<1x256xi1> to vector<1x256xi1>
    %eq3A_18 = arith.xori %eq3A_14, %eq3A_17 : vector<1x256xi1>
    %eq3A_19 = arith.constant dense<true> : vector<1x256xi1>
    %eq3A_20 = arith.xori %eq3A_18, %eq3A_19 : vector<1x256xi1>
    %slice3A = vector.extract_strided_slice %get3A_4 {offsets = [0, 1], sizes = [256, 255], strides = [1, 1]} : vector<256x256xf32> to vector<256x255xf32>
    %slice3A_21 = vector.extract_strided_slice %get3A_4 {offsets = [0, 0], sizes = [256, 1], strides = [1, 1]} : vector<256x256xf32> to vector<256x1xf32>
    %concatenate3A = tpu.concatenate %slice3A, %slice3A_21 in 1 : vector<256x255xf32>, vector<256x1xf32> -> vector<256x256xf32>
    %slice3A_22 = vector.extract_strided_slice %get3A_4 {offsets = [0, 255], sizes = [256, 1], strides = [1, 1]} : vector<256x256xf32> to vector<256x1xf32>
    %slice3A_23 = vector.extract_strided_slice %get3A_4 {offsets = [0, 0], sizes = [256, 255], strides = [1, 1]} : vector<256x256xf32> to vector<256x255xf32>
    %concatenate3A_24 = tpu.concatenate %slice3A_22, %slice3A_23 in 1 : vector<256x1xf32>, vector<256x255xf32> -> vector<256x256xf32>
    %broadcast_in_dim3A = vector.shape_cast %eq3A_8 : vector<1x256xi1> to vector<1x256xi1>
    %broadcast_in_dim3A_25 = vector.broadcast %broadcast_in_dim3A : vector<1x256xi1> to vector<256x256xi1>
    %select_n3A = arith.select %broadcast_in_dim3A_25, %concatenate3A, %concatenate3A_24 : vector<256x256xi1>, vector<256x256xf32>
    %eq3A_26 = arith.xori %eq3A_8, %eq3A_20 : vector<1x256xi1>
    %eq3A_27 = arith.constant dense<true> : vector<1x256xi1>
    %eq3A_28 = arith.xori %eq3A_26, %eq3A_27 : vector<1x256xi1>
    %min3A = arith.minimumf %get3A_4, %select_n3A : vector<256x256xf32>
    %max3A = arith.maximumf %get3A_4, %select_n3A : vector<256x256xf32>
    %broadcast_in_dim3A_29 = vector.shape_cast %eq3A_28 : vector<1x256xi1> to vector<1x256xi1>
    %broadcast_in_dim3A_30 = vector.broadcast %broadcast_in_dim3A_29 : vector<1x256xi1> to vector<256x256xi1>
    %select_n3A_31 = arith.select %broadcast_in_dim3A_30, %min3A, %max3A : vector<256x256xi1>, vector<256x256xf32>
    %iota3A_32 = tpu.iota {dimensions = array<i32: 1>} : vector<1x256xi32>
    %and3A_33 = arith.constant 2 : i32
    %and3A_34 = vector.broadcast %and3A_33 : i32 to vector<1x256xi32>
    %and3A_35 = arith.andi %iota3A_32, %and3A_34 : vector<1x256xi32>
    %eq3A_36 = arith.constant 0 : i32
    %eq3A_37 = vector.broadcast %eq3A_36 : i32 to vector<1x256xi32>
    %eq3A_38 = arith.cmpi eq, %and3A_35, %eq3A_37 : vector<1x256xi32>
    %and3A_39 = arith.constant 4 : i32
    %and3A_40 = vector.broadcast %and3A_39 : i32 to vector<1x256xi32>
    %and3A_41 = arith.andi %iota3A_32, %and3A_40 : vector<1x256xi32>
    %eq3A_42 = arith.constant 0 : i32
    %eq3A_43 = vector.broadcast %eq3A_42 : i32 to vector<1x256xi32>
    %eq3A_44 = arith.cmpi eq, %and3A_41, %eq3A_43 : vector<1x256xi32>
    %eq3A_45 = arith.constant false
    %eq3A_46 = vector.broadcast %eq3A_45 : i1 to vector<1x256xi1>
    %eq3A_47 = vector.broadcast %eq3A_46 : vector<1x256xi1> to vector<1x256xi1>
    %eq3A_48 = arith.xori %eq3A_44, %eq3A_47 : vector<1x256xi1>
    %eq3A_49 = arith.constant dense<true> : vector<1x256xi1>
    %eq3A_50 = arith.xori %eq3A_48, %eq3A_49 : vector<1x256xi1>
    %slice3A_51 = vector.extract_strided_slice %select_n3A_31 {offsets = [0, 2], sizes = [256, 254], strides = [1, 1]} : vector<256x256xf32> to vector<256x254xf32>
    %slice3A_52 = vector.extract_strided_slice %select_n3A_31 {offsets = [0, 0], sizes = [256, 2], strides = [1, 1]} : vector<256x256xf32> to vector<256x2xf32>
    %concatenate3A_53 = tpu.concatenate %slice3A_51, %slice3A_52 in 1 : vector<256x254xf32>, vector<256x2xf32> -> vector<256x256xf32>
    %slice3A_54 = vector.extract_strided_slice %select_n3A_31 {offsets = [0, 254], sizes = [256, 2], strides = [1, 1]} : vector<256x256xf32> to vector<256x2xf32>
    %slice3A_55 = vector.extract_strided_slice %select_n3A_31 {offsets = [0, 0], sizes = [256, 254], strides = [1, 1]} : vector<256x256xf32> to vector<256x254xf32>
    %concatenate3A_56 = tpu.concatenate %slice3A_54, %slice3A_55 in 1 : vector<256x2xf32>, vector<256x254xf32> -> vector<256x256xf32>
    %broadcast_in_dim3A_57 = vector.shape_cast %eq3A_38 : vector<1x256xi1> to vector<1x256xi1>
    %broadcast_in_dim3A_58 = vector.broadcast %broadcast_in_dim3A_57 : vector<1x256xi1> to vector<256x256xi1>
    %select_n3A_59 = arith.select %broadcast_in_dim3A_58, %concatenate3A_53, %concatenate3A_56 : vector<256x256xi1>, vector<256x256xf32>
    %eq3A_60 = arith.xori %eq3A_38, %eq3A_50 : vector<1x256xi1>
    %eq3A_61 = arith.constant dense<true> : vector<1x256xi1>
    %eq3A_62 = arith.xori %eq3A_60, %eq3A_61 : vector<1x256xi1>
    %min3A_63 = arith.minimumf %select_n3A_31, %select_n3A_59 : vector<256x256xf32>
    %max3A_64 = arith.maximumf %select_n3A_31, %select_n3A_59 : vector<256x256xf32>
    %broadcast_in_dim3A_65 = vector.shape_cast %eq3A_62 : vector<1x256xi1> to vector<1x256xi1>
    %broadcast_in_dim3A_66 = vector.broadcast %broadcast_in_dim3A_65 : vector<1x256xi1> to vector<256x256xi1>
    %select_n3A_67 = arith.select %broadcast_in_dim3A_66, %min3A_63, %max3A_64 : vector<256x256xi1>, vector<256x256xf32>
    %iota3A_68 = tpu.iota {dimensions = array<i32: 1>} : vector<1x256xi32>
    %and3A_69 = arith.constant 1 : i32
    %and3A_70 = vector.broadcast %and3A_69 : i32 to vector<1x256xi32>
    %and3A_71 = arith.andi %iota3A_68, %and3A_70 : vector<1x256xi32>
    %eq3A_72 = arith.constant 0 : i32
    %eq3A_73 = vector.broadcast %eq3A_72 : i32 to vector<1x256xi32>
    %eq3A_74 = arith.cmpi eq, %and3A_71, %eq3A_73 : vector<1x256xi32>
    %and3A_75 = arith.constant 4 : i32
    %and3A_76 = vector.broadcast %and3A_75 : i32 to vector<1x256xi32>
    %and3A_77 = arith.andi %iota3A_68, %and3A_76 : vector<1x256xi32>
    %eq3A_78 = arith.constant 0 : i32
    %eq3A_79 = vector.broadcast %eq3A_78 : i32 to vector<1x256xi32>
    %eq3A_80 = arith.cmpi eq, %and3A_77, %eq3A_79 : vector<1x256xi32>
    %eq3A_81 = arith.constant false
    %eq3A_82 = vector.broadcast %eq3A_81 : i1 to vector<1x256xi1>
    %eq3A_83 = vector.broadcast %eq3A_82 : vector<1x256xi1> to vector<1x256xi1>
    %eq3A_84 = arith.xori %eq3A_80, %eq3A_83 : vector<1x256xi1>
    %eq3A_85 = arith.constant dense<true> : vector<1x256xi1>
    %eq3A_86 = arith.xori %eq3A_84, %eq3A_85 : vector<1x256xi1>
    %slice3A_87 = vector.extract_strided_slice %select_n3A_67 {offsets = [0, 1], sizes = [256, 255], strides = [1, 1]} : vector<256x256xf32> to vector<256x255xf32>
    %slice3A_88 = vector.extract_strided_slice %select_n3A_67 {offsets = [0, 0], sizes = [256, 1], strides = [1, 1]} : vector<256x256xf32> to vector<256x1xf32>
    %concatenate3A_89 = tpu.concatenate %slice3A_87, %slice3A_88 in 1 : vector<256x255xf32>, vector<256x1xf32> -> vector<256x256xf32>
    %slice3A_90 = vector.extract_strided_slice %select_n3A_67 {offsets = [0, 255], sizes = [256, 1], strides = [1, 1]} : vector<256x256xf32> to vector<256x1xf32>
    %slice3A_91 = vector.extract_strided_slice %select_n3A_67 {offsets = [0, 0], sizes = [256, 255], strides = [1, 1]} : vector<256x256xf32> to vector<256x255xf32>
    %concatenate3A_92 = tpu.concatenate %slice3A_90, %slice3A_91 in 1 : vector<256x1xf32>, vector<256x255xf32> -> vector<256x256xf32>
    %broadcast_in_dim3A_93 = vector.shape_cast %eq3A_74 : vector<1x256xi1> to vector<1x256xi1>
    %broadcast_in_dim3A_94 = vector.broadcast %broadcast_in_dim3A_93 : vector<1x256xi1> to vector<256x256xi1>
    %select_n3A_95 = arith.select %broadcast_in_dim3A_94, %concatenate3A_89, %concatenate3A_92 : vector<256x256xi1>, vector<256x256xf32>
    %eq3A_96 = arith.xori %eq3A_74, %eq3A_86 : vector<1x256xi1>
    %eq3A_97 = arith.constant dense<true> : vector<1x256xi1>
    %eq3A_98 = arith.xori %eq3A_96, %eq3A_97 : vector<1x256xi1>
    %min3A_99 = arith.minimumf %select_n3A_67, %select_n3A_95 : vector<256x256xf32>
    %max3A_100 = arith.maximumf %select_n3A_67, %select_n3A_95 : vector<256x256xf32>
    %broadcast_in_dim3A_101 = vector.shape_cast %eq3A_98 : vector<1x256xi1> to vector<1x256xi1>
    %broadcast_in_dim3A_102 = vector.broadcast %broadcast_in_dim3A_101 : vector<1x256xi1> to vector<256x256xi1>
    %select_n3A_103 = arith.select %broadcast_in_dim3A_102, %min3A_99, %max3A_100 : vector<256x256xi1>, vector<256x256xf32>
    %iota3A_104 = tpu.iota {dimensions = array<i32: 1>} : vector<1x256xi32>
    %and3A_105 = arith.constant 4 : i32
    %and3A_106 = vector.broadcast %and3A_105 : i32 to vector<1x256xi32>
    %and3A_107 = arith.andi %iota3A_104, %and3A_106 : vector<1x256xi32>
    %eq3A_108 = arith.constant 0 : i32
    %eq3A_109 = vector.broadcast %eq3A_108 : i32 to vector<1x256xi32>
    %eq3A_110 = arith.cmpi eq, %and3A_107, %eq3A_109 : vector<1x256xi32>
    %and3A_111 = arith.constant 8 : i32
    %and3A_112 = vector.broadcast %and3A_111 : i32 to vector<1x256xi32>
    %and3A_113 = arith.andi %iota3A_104, %and3A_112 : vector<1x256xi32>
    %eq3A_114 = arith.constant 0 : i32
    %eq3A_115 = vector.broadcast %eq3A_114 : i32 to vector<1x256xi32>
    %eq3A_116 = arith.cmpi eq, %and3A_113, %eq3A_115 : vector<1x256xi32>
    %eq3A_117 = arith.constant false
    %eq3A_118 = vector.broadcast %eq3A_117 : i1 to vector<1x256xi1>
    %eq3A_119 = vector.broadcast %eq3A_118 : vector<1x256xi1> to vector<1x256xi1>
    %eq3A_120 = arith.xori %eq3A_116, %eq3A_119 : vector<1x256xi1>
    %eq3A_121 = arith.constant dense<true> : vector<1x256xi1>
    %eq3A_122 = arith.xori %eq3A_120, %eq3A_121 : vector<1x256xi1>
    %slice3A_123 = vector.extract_strided_slice %select_n3A_103 {offsets = [0, 4], sizes = [256, 252], strides = [1, 1]} : vector<256x256xf32> to vector<256x252xf32>
    %slice3A_124 = vector.extract_strided_slice %select_n3A_103 {offsets = [0, 0], sizes = [256, 4], strides = [1, 1]} : vector<256x256xf32> to vector<256x4xf32>
    %concatenate3A_125 = tpu.concatenate %slice3A_123, %slice3A_124 in 1 : vector<256x252xf32>, vector<256x4xf32> -> vector<256x256xf32>
    %slice3A_126 = vector.extract_strided_slice %select_n3A_103 {offsets = [0, 252], sizes = [256, 4], strides = [1, 1]} : vector<256x256xf32> to vector<256x4xf32>
    %slice3A_127 = vector.extract_strided_slice %select_n3A_103 {offsets = [0, 0], sizes = [256, 252], strides = [1, 1]} : vector<256x256xf32> to vector<256x252xf32>
    %concatenate3A_128 = tpu.concatenate %slice3A_126, %slice3A_127 in 1 : vector<256x4xf32>, vector<256x252xf32> -> vector<256x256xf32>
    %broadcast_in_dim3A_129 = vector.shape_cast %eq3A_110 : vector<1x256xi1> to vector<1x256xi1>
    %broadcast_in_dim3A_130 = vector.broadcast %broadcast_in_dim3A_129 : vector<1x256xi1> to vector<256x256xi1>
    %select_n3A_131 = arith.select %broadcast_in_dim3A_130, %concatenate3A_125, %concatenate3A_128 : vector<256x256xi1>, vector<256x256xf32>
    %eq3A_132 = arith.xori %eq3A_110, %eq3A_122 : vector<1x256xi1>
    %eq3A_133 = arith.constant dense<true> : vector<1x256xi1>
    %eq3A_134 = arith.xori %eq3A_132, %eq3A_133 : vector<1x256xi1>
    %min3A_135 = arith.minimumf %select_n3A_103, %select_n3A_131 : vector<256x256xf32>
    %max3A_136 = arith.maximumf %select_n3A_103, %select_n3A_131 : vector<256x256xf32>
    %broadcast_in_dim3A_137 = vector.shape_cast %eq3A_134 : vector<1x256xi1> to vector<1x256xi1>
    %broadcast_in_dim3A_138 = vector.broadcast %broadcast_in_dim3A_137 : vector<1x256xi1> to vector<256x256xi1>
    %select_n3A_139 = arith.select %broadcast_in_dim3A_138, %min3A_135, %max3A_136 : vector<256x256xi1>, vector<256x256xf32>
    %iota3A_140 = tpu.iota {dimensions = array<i32: 1>} : vector<1x256xi32>
    %and3A_141 = arith.constant 2 : i32
    %and3A_142 = vector.broadcast %and3A_141 : i32 to vector<1x256xi32>
    %and3A_143 = arith.andi %iota3A_140, %and3A_142 : vector<1x256xi32>
    %eq3A_144 = arith.constant 0 : i32
    %eq3A_145 = vector.broadcast %eq3A_144 : i32 to vector<1x256xi32>
    %eq3A_146 = arith.cmpi eq, %and3A_143, %eq3A_145 : vector<1x256xi32>
    %and3A_147 = arith.constant 8 : i32
    %and3A_148 = vector.broadcast %and3A_147 : i32 to vector<1x256xi32>
    %and3A_149 = arith.andi %iota3A_140, %and3A_148 : vector<1x256xi32>
    %eq3A_150 = arith.constant 0 : i32
    %eq3A_151 = vector.broadcast %eq3A_150 : i32 to vector<1x256xi32>
    %eq3A_152 = arith.cmpi eq, %and3A_149, %eq3A_151 : vector<1x256xi32>
    %eq3A_153 = arith.constant false
    %eq3A_154 = vector.broadcast %eq3A_153 : i1 to vector<1x256xi1>
    %eq3A_155 = vector.broadcast %eq3A_154 : vector<1x256xi1> to vector<1x256xi1>
    %eq3A_156 = arith.xori %eq3A_152, %eq3A_155 : vector<1x256xi1>
    %eq3A_157 = arith.constant dense<true> : vector<1x256xi1>
    %eq3A_158 = arith.xori %eq3A_156, %eq3A_157 : vector<1x256xi1>
    %slice3A_159 = vector.extract_strided_slice %select_n3A_139 {offsets = [0, 2], sizes = [256, 254], strides = [1, 1]} : vector<256x256xf32> to vector<256x254xf32>
    %slice3A_160 = vector.extract_strided_slice %select_n3A_139 {offsets = [0, 0], sizes = [256, 2], strides = [1, 1]} : vector<256x256xf32> to vector<256x2xf32>
    %concatenate3A_161 = tpu.concatenate %slice3A_159, %slice3A_160 in 1 : vector<256x254xf32>, vector<256x2xf32> -> vector<256x256xf32>
    %slice3A_162 = vector.extract_strided_slice %select_n3A_139 {offsets = [0, 254], sizes = [256, 2], strides = [1, 1]} : vector<256x256xf32> to vector<256x2xf32>
    %slice3A_163 = vector.extract_strided_slice %select_n3A_139 {offsets = [0, 0], sizes = [256, 254], strides = [1, 1]} : vector<256x256xf32> to vector<256x254xf32>
    %concatenate3A_164 = tpu.concatenate %slice3A_162, %slice3A_163 in 1 : vector<256x2xf32>, vector<256x254xf32> -> vector<256x256xf32>
    %broadcast_in_dim3A_165 = vector.shape_cast %eq3A_146 : vector<1x256xi1> to vector<1x256xi1>
    %broadcast_in_dim3A_166 = vector.broadcast %broadcast_in_dim3A_165 : vector<1x256xi1> to vector<256x256xi1>
    %select_n3A_167 = arith.select %broadcast_in_dim3A_166, %concatenate3A_161, %concatenate3A_164 : vector<256x256xi1>, vector<256x256xf32>
    %eq3A_168 = arith.xori %eq3A_146, %eq3A_158 : vector<1x256xi1>
    %eq3A_169 = arith.constant dense<true> : vector<1x256xi1>
    %eq3A_170 = arith.xori %eq3A_168, %eq3A_169 : vector<1x256xi1>
    %min3A_171 = arith.minimumf %select_n3A_139, %select_n3A_167 : vector<256x256xf32>
    %max3A_172 = arith.maximumf %select_n3A_139, %select_n3A_167 : vector<256x256xf32>
    %broadcast_in_dim3A_173 = vector.shape_cast %eq3A_170 : vector<1x256xi1> to vector<1x256xi1>
    %broadcast_in_dim3A_174 = vector.broadcast %broadcast_in_dim3A_173 : vector<1x256xi1> to vector<256x256xi1>
    %select_n3A_175 = arith.select %broadcast_in_dim3A_174, %min3A_171, %max3A_172 : vector<256x256xi1>, vector<256x256xf32>
    %iota3A_176 = tpu.iota {dimensions = array<i32: 1>} : vector<1x256xi32>
    %and3A_177 = arith.constant 1 : i32
    %and3A_178 = vector.broadcast %and3A_177 : i32 to vector<1x256xi32>
    %and3A_179 = arith.andi %iota3A_176, %and3A_178 : vector<1x256xi32>
    %eq3A_180 = arith.constant 0 : i32
    %eq3A_181 = vector.broadcast %eq3A_180 : i32 to vector<1x256xi32>
    %eq3A_182 = arith.cmpi eq, %and3A_179, %eq3A_181 : vector<1x256xi32>
    %and3A_183 = arith.constant 8 : i32
    %and3A_184 = vector.broadcast %and3A_183 : i32 to vector<1x256xi32>
    %and3A_185 = arith.andi %iota3A_176, %and3A_184 : vector<1x256xi32>
    %eq3A_186 = arith.constant 0 : i32
    %eq3A_187 = vector.broadcast %eq3A_186 : i32 to vector<1x256xi32>
    %eq3A_188 = arith.cmpi eq, %and3A_185, %eq3A_187 : vector<1x256xi32>
    %eq3A_189 = arith.constant false
    %eq3A_190 = vector.broadcast %eq3A_189 : i1 to vector<1x256xi1>
    %eq3A_191 = vector.broadcast %eq3A_190 : vector<1x256xi1> to vector<1x256xi1>
    %eq3A_192 = arith.xori %eq3A_188, %eq3A_191 : vector<1x256xi1>
    %eq3A_193 = arith.constant dense<true> : vector<1x256xi1>
    %eq3A_194 = arith.xori %eq3A_192, %eq3A_193 : vector<1x256xi1>
    %slice3A_195 = vector.extract_strided_slice %select_n3A_175 {offsets = [0, 1], sizes = [256, 255], strides = [1, 1]} : vector<256x256xf32> to vector<256x255xf32>
    %slice3A_196 = vector.extract_strided_slice %select_n3A_175 {offsets = [0, 0], sizes = [256, 1], strides = [1, 1]} : vector<256x256xf32> to vector<256x1xf32>
    %concatenate3A_197 = tpu.concatenate %slice3A_195, %slice3A_196 in 1 : vector<256x255xf32>, vector<256x1xf32> -> vector<256x256xf32>
    %slice3A_198 = vector.extract_strided_slice %select_n3A_175 {offsets = [0, 255], sizes = [256, 1], strides = [1, 1]} : vector<256x256xf32> to vector<256x1xf32>
    %slice3A_199 = vector.extract_strided_slice %select_n3A_175 {offsets = [0, 0], sizes = [256, 255], strides = [1, 1]} : vector<256x256xf32> to vector<256x255xf32>
    %concatenate3A_200 = tpu.concatenate %slice3A_198, %slice3A_199 in 1 : vector<256x1xf32>, vector<256x255xf32> -> vector<256x256xf32>
    %broadcast_in_dim3A_201 = vector.shape_cast %eq3A_182 : vector<1x256xi1> to vector<1x256xi1>
    %broadcast_in_dim3A_202 = vector.broadcast %broadcast_in_dim3A_201 : vector<1x256xi1> to vector<256x256xi1>
    %select_n3A_203 = arith.select %broadcast_in_dim3A_202, %concatenate3A_197, %concatenate3A_200 : vector<256x256xi1>, vector<256x256xf32>
    %eq3A_204 = arith.xori %eq3A_182, %eq3A_194 : vector<1x256xi1>
    %eq3A_205 = arith.constant dense<true> : vector<1x256xi1>
    %eq3A_206 = arith.xori %eq3A_204, %eq3A_205 : vector<1x256xi1>
    %min3A_207 = arith.minimumf %select_n3A_175, %select_n3A_203 : vector<256x256xf32>
    %max3A_208 = arith.maximumf %select_n3A_175, %select_n3A_203 : vector<256x256xf32>
    %broadcast_in_dim3A_209 = vector.shape_cast %eq3A_206 : vector<1x256xi1> to vector<1x256xi1>
    %broadcast_in_dim3A_210 = vector.broadcast %broadcast_in_dim3A_209 : vector<1x256xi1> to vector<256x256xi1>
    %select_n3A_211 = arith.select %broadcast_in_dim3A_210, %min3A_207, %max3A_208 : vector<256x256xi1>, vector<256x256xf32>
    %iota3A_212 = tpu.iota {dimensions = array<i32: 1>} : vector<1x256xi32>
    %and3A_213 = arith.constant 8 : i32
    %and3A_214 = vector.broadcast %and3A_213 : i32 to vector<1x256xi32>
    %and3A_215 = arith.andi %iota3A_212, %and3A_214 : vector<1x256xi32>
    %eq3A_216 = arith.constant 0 : i32
    %eq3A_217 = vector.broadcast %eq3A_216 : i32 to vector<1x256xi32>
    %eq3A_218 = arith.cmpi eq, %and3A_215, %eq3A_217 : vector<1x256xi32>
    %and3A_219 = arith.constant 16 : i32
    %and3A_220 = vector.broadcast %and3A_219 : i32 to vector<1x256xi32>
    %and3A_221 = arith.andi %iota3A_212, %and3A_220 : vector<1x256xi32>
    %eq3A_222 = arith.constant 0 : i32
    %eq3A_223 = vector.broadcast %eq3A_222 : i32 to vector<1x256xi32>
    %eq3A_224 = arith.cmpi eq, %and3A_221, %eq3A_223 : vector<1x256xi32>
    %eq3A_225 = arith.constant false
    %eq3A_226 = vector.broadcast %eq3A_225 : i1 to vector<1x256xi1>
    %eq3A_227 = vector.broadcast %eq3A_226 : vector<1x256xi1> to vector<1x256xi1>
    %eq3A_228 = arith.xori %eq3A_224, %eq3A_227 : vector<1x256xi1>
    %eq3A_229 = arith.constant dense<true> : vector<1x256xi1>
    %eq3A_230 = arith.xori %eq3A_228, %eq3A_229 : vector<1x256xi1>
    %slice3A_231 = vector.extract_strided_slice %select_n3A_211 {offsets = [0, 8], sizes = [256, 248], strides = [1, 1]} : vector<256x256xf32> to vector<256x248xf32>
    %slice3A_232 = vector.extract_strided_slice %select_n3A_211 {offsets = [0, 0], sizes = [256, 8], strides = [1, 1]} : vector<256x256xf32> to vector<256x8xf32>
    %concatenate3A_233 = tpu.concatenate %slice3A_231, %slice3A_232 in 1 : vector<256x248xf32>, vector<256x8xf32> -> vector<256x256xf32>
    %slice3A_234 = vector.extract_strided_slice %select_n3A_211 {offsets = [0, 248], sizes = [256, 8], strides = [1, 1]} : vector<256x256xf32> to vector<256x8xf32>
    %slice3A_235 = vector.extract_strided_slice %select_n3A_211 {offsets = [0, 0], sizes = [256, 248], strides = [1, 1]} : vector<256x256xf32> to vector<256x248xf32>
    %concatenate3A_236 = tpu.concatenate %slice3A_234, %slice3A_235 in 1 : vector<256x8xf32>, vector<256x248xf32> -> vector<256x256xf32>
    %broadcast_in_dim3A_237 = vector.shape_cast %eq3A_218 : vector<1x256xi1> to vector<1x256xi1>
    %broadcast_in_dim3A_238 = vector.broadcast %broadcast_in_dim3A_237 : vector<1x256xi1> to vector<256x256xi1>
    %select_n3A_239 = arith.select %broadcast_in_dim3A_238, %concatenate3A_233, %concatenate3A_236 : vector<256x256xi1>, vector<256x256xf32>
    %eq3A_240 = arith.xori %eq3A_218, %eq3A_230 : vector<1x256xi1>
    %eq3A_241 = arith.constant dense<true> : vector<1x256xi1>
    %eq3A_242 = arith.xori %eq3A_240, %eq3A_241 : vector<1x256xi1>
    %min3A_243 = arith.minimumf %select_n3A_211, %select_n3A_239 : vector<256x256xf32>
    %max3A_244 = arith.maximumf %select_n3A_211, %select_n3A_239 : vector<256x256xf32>
    %broadcast_in_dim3A_245 = vector.shape_cast %eq3A_242 : vector<1x256xi1> to vector<1x256xi1>
    %broadcast_in_dim3A_246 = vector.broadcast %broadcast_in_dim3A_245 : vector<1x256xi1> to vector<256x256xi1>
    %select_n3A_247 = arith.select %broadcast_in_dim3A_246, %min3A_243, %max3A_244 : vector<256x256xi1>, vector<256x256xf32>
    %iota3A_248 = tpu.iota {dimensions = array<i32: 1>} : vector<1x256xi32>
    %and3A_249 = arith.constant 4 : i32
    %and3A_250 = vector.broadcast %and3A_249 : i32 to vector<1x256xi32>
    %and3A_251 = arith.andi %iota3A_248, %and3A_250 : vector<1x256xi32>
    %eq3A_252 = arith.constant 0 : i32
    %eq3A_253 = vector.broadcast %eq3A_252 : i32 to vector<1x256xi32>
    %eq3A_254 = arith.cmpi eq, %and3A_251, %eq3A_253 : vector<1x256xi32>
    %and3A_255 = arith.constant 16 : i32
    %and3A_256 = vector.broadcast %and3A_255 : i32 to vector<1x256xi32>
    %and3A_257 = arith.andi %iota3A_248, %and3A_256 : vector<1x256xi32>
    %eq3A_258 = arith.constant 0 : i32
    %eq3A_259 = vector.broadcast %eq3A_258 : i32 to vector<1x256xi32>
    %eq3A_260 = arith.cmpi eq, %and3A_257, %eq3A_259 : vector<1x256xi32>
    %eq3A_261 = arith.constant false
    %eq3A_262 = vector.broadcast %eq3A_261 : i1 to vector<1x256xi1>
    %eq3A_263 = vector.broadcast %eq3A_262 : vector<1x256xi1> to vector<1x256xi1>
    %eq3A_264 = arith.xori %eq3A_260, %eq3A_263 : vector<1x256xi1>
    %eq3A_265 = arith.constant dense<true> : vector<1x256xi1>
    %eq3A_266 = arith.xori %eq3A_264, %eq3A_265 : vector<1x256xi1>
    %slice3A_267 = vector.extract_strided_slice %select_n3A_247 {offsets = [0, 4], sizes = [256, 252], strides = [1, 1]} : vector<256x256xf32> to vector<256x252xf32>
    %slice3A_268 = vector.extract_strided_slice %select_n3A_247 {offsets = [0, 0], sizes = [256, 4], strides = [1, 1]} : vector<256x256xf32> to vector<256x4xf32>
    %concatenate3A_269 = tpu.concatenate %slice3A_267, %slice3A_268 in 1 : vector<256x252xf32>, vector<256x4xf32> -> vector<256x256xf32>
    %slice3A_270 = vector.extract_strided_slice %select_n3A_247 {offsets = [0, 252], sizes = [256, 4], strides = [1, 1]} : vector<256x256xf32> to vector<256x4xf32>
    %slice3A_271 = vector.extract_strided_slice %select_n3A_247 {offsets = [0, 0], sizes = [256, 252], strides = [1, 1]} : vector<256x256xf32> to vector<256x252xf32>
    %concatenate3A_272 = tpu.concatenate %slice3A_270, %slice3A_271 in 1 : vector<256x4xf32>, vector<256x252xf32> -> vector<256x256xf32>
    %broadcast_in_dim3A_273 = vector.shape_cast %eq3A_254 : vector<1x256xi1> to vector<1x256xi1>
    %broadcast_in_dim3A_274 = vector.broadcast %broadcast_in_dim3A_273 : vector<1x256xi1> to vector<256x256xi1>
    %select_n3A_275 = arith.select %broadcast_in_dim3A_274, %concatenate3A_269, %concatenate3A_272 : vector<256x256xi1>, vector<256x256xf32>
    %eq3A_276 = arith.xori %eq3A_254, %eq3A_266 : vector<1x256xi1>
    %eq3A_277 = arith.constant dense<true> : vector<1x256xi1>
    %eq3A_278 = arith.xori %eq3A_276, %eq3A_277 : vector<1x256xi1>
    %min3A_279 = arith.minimumf %select_n3A_247, %select_n3A_275 : vector<256x256xf32>
    %max3A_280 = arith.maximumf %select_n3A_247, %select_n3A_275 : vector<256x256xf32>
    %broadcast_in_dim3A_281 = vector.shape_cast %eq3A_278 : vector<1x256xi1> to vector<1x256xi1>
    %broadcast_in_dim3A_282 = vector.broadcast %broadcast_in_dim3A_281 : vector<1x256xi1> to vector<256x256xi1>
    %select_n3A_283 = arith.select %broadcast_in_dim3A_282, %min3A_279, %max3A_280 : vector<256x256xi1>, vector<256x256xf32>
    %iota3A_284 = tpu.iota {dimensions = array<i32: 1>} : vector<1x256xi32>
    %and3A_285 = arith.constant 2 : i32
    %and3A_286 = vector.broadcast %and3A_285 : i32 to vector<1x256xi32>
    %and3A_287 = arith.andi %iota3A_284, %and3A_286 : vector<1x256xi32>
    %eq3A_288 = arith.constant 0 : i32
    %eq3A_289 = vector.broadcast %eq3A_288 : i32 to vector<1x256xi32>
    %eq3A_290 = arith.cmpi eq, %and3A_287, %eq3A_289 : vector<1x256xi32>
    %and3A_291 = arith.constant 16 : i32
    %and3A_292 = vector.broadcast %and3A_291 : i32 to vector<1x256xi32>
    %and3A_293 = arith.andi %iota3A_284, %and3A_292 : vector<1x256xi32>
    %eq3A_294 = arith.constant 0 : i32
    %eq3A_295 = vector.broadcast %eq3A_294 : i32 to vector<1x256xi32>
    %eq3A_296 = arith.cmpi eq, %and3A_293, %eq3A_295 : vector<1x256xi32>
    %eq3A_297 = arith.constant false
    %eq3A_298 = vector.broadcast %eq3A_297 : i1 to vector<1x256xi1>
    %eq3A_299 = vector.broadcast %eq3A_298 : vector<1x256xi1> to vector<1x256xi1>
    %eq3A_300 = arith.xori %eq3A_296, %eq3A_299 : vector<1x256xi1>
    %eq3A_301 = arith.constant dense<true> : vector<1x256xi1>
    %eq3A_302 = arith.xori %eq3A_300, %eq3A_301 : vector<1x256xi1>
    %slice3A_303 = vector.extract_strided_slice %select_n3A_283 {offsets = [0, 2], sizes = [256, 254], strides = [1, 1]} : vector<256x256xf32> to vector<256x254xf32>
    %slice3A_304 = vector.extract_strided_slice %select_n3A_283 {offsets = [0, 0], sizes = [256, 2], strides = [1, 1]} : vector<256x256xf32> to vector<256x2xf32>
    %concatenate3A_305 = tpu.concatenate %slice3A_303, %slice3A_304 in 1 : vector<256x254xf32>, vector<256x2xf32> -> vector<256x256xf32>
    %slice3A_306 = vector.extract_strided_slice %select_n3A_283 {offsets = [0, 254], sizes = [256, 2], strides = [1, 1]} : vector<256x256xf32> to vector<256x2xf32>
    %slice3A_307 = vector.extract_strided_slice %select_n3A_283 {offsets = [0, 0], sizes = [256, 254], strides = [1, 1]} : vector<256x256xf32> to vector<256x254xf32>
    %concatenate3A_308 = tpu.concatenate %slice3A_306, %slice3A_307 in 1 : vector<256x2xf32>, vector<256x254xf32> -> vector<256x256xf32>
    %broadcast_in_dim3A_309 = vector.shape_cast %eq3A_290 : vector<1x256xi1> to vector<1x256xi1>
    %broadcast_in_dim3A_310 = vector.broadcast %broadcast_in_dim3A_309 : vector<1x256xi1> to vector<256x256xi1>
    %select_n3A_311 = arith.select %broadcast_in_dim3A_310, %concatenate3A_305, %concatenate3A_308 : vector<256x256xi1>, vector<256x256xf32>
    %eq3A_312 = arith.xori %eq3A_290, %eq3A_302 : vector<1x256xi1>
    %eq3A_313 = arith.constant dense<true> : vector<1x256xi1>
    %eq3A_314 = arith.xori %eq3A_312, %eq3A_313 : vector<1x256xi1>
    %min3A_315 = arith.minimumf %select_n3A_283, %select_n3A_311 : vector<256x256xf32>
    %max3A_316 = arith.maximumf %select_n3A_283, %select_n3A_311 : vector<256x256xf32>
    %broadcast_in_dim3A_317 = vector.shape_cast %eq3A_314 : vector<1x256xi1> to vector<1x256xi1>
    %broadcast_in_dim3A_318 = vector.broadcast %broadcast_in_dim3A_317 : vector<1x256xi1> to vector<256x256xi1>
    %select_n3A_319 = arith.select %broadcast_in_dim3A_318, %min3A_315, %max3A_316 : vector<256x256xi1>, vector<256x256xf32>
    %iota3A_320 = tpu.iota {dimensions = array<i32: 1>} : vector<1x256xi32>
    %and3A_321 = arith.constant 1 : i32
    %and3A_322 = vector.broadcast %and3A_321 : i32 to vector<1x256xi32>
    %and3A_323 = arith.andi %iota3A_320, %and3A_322 : vector<1x256xi32>
    %eq3A_324 = arith.constant 0 : i32
    %eq3A_325 = vector.broadcast %eq3A_324 : i32 to vector<1x256xi32>
    %eq3A_326 = arith.cmpi eq, %and3A_323, %eq3A_325 : vector<1x256xi32>
    %and3A_327 = arith.constant 16 : i32
    %and3A_328 = vector.broadcast %and3A_327 : i32 to vector<1x256xi32>
    %and3A_329 = arith.andi %iota3A_320, %and3A_328 : vector<1x256xi32>
    %eq3A_330 = arith.constant 0 : i32
    %eq3A_331 = vector.broadcast %eq3A_330 : i32 to vector<1x256xi32>
    %eq3A_332 = arith.cmpi eq, %and3A_329, %eq3A_331 : vector<1x256xi32>
    %eq3A_333 = arith.constant false
    %eq3A_334 = vector.broadcast %eq3A_333 : i1 to vector<1x256xi1>
    %eq3A_335 = vector.broadcast %eq3A_334 : vector<1x256xi1> to vector<1x256xi1>
    %eq3A_336 = arith.xori %eq3A_332, %eq3A_335 : vector<1x256xi1>
    %eq3A_337 = arith.constant dense<true> : vector<1x256xi1>
    %eq3A_338 = arith.xori %eq3A_336, %eq3A_337 : vector<1x256xi1>
    %slice3A_339 = vector.extract_strided_slice %select_n3A_319 {offsets = [0, 1], sizes = [256, 255], strides = [1, 1]} : vector<256x256xf32> to vector<256x255xf32>
    %slice3A_340 = vector.extract_strided_slice %select_n3A_319 {offsets = [0, 0], sizes = [256, 1], strides = [1, 1]} : vector<256x256xf32> to vector<256x1xf32>
    %concatenate3A_341 = tpu.concatenate %slice3A_339, %slice3A_340 in 1 : vector<256x255xf32>, vector<256x1xf32> -> vector<256x256xf32>
    %slice3A_342 = vector.extract_strided_slice %select_n3A_319 {offsets = [0, 255], sizes = [256, 1], strides = [1, 1]} : vector<256x256xf32> to vector<256x1xf32>
    %slice3A_343 = vector.extract_strided_slice %select_n3A_319 {offsets = [0, 0], sizes = [256, 255], strides = [1, 1]} : vector<256x256xf32> to vector<256x255xf32>
    %concatenate3A_344 = tpu.concatenate %slice3A_342, %slice3A_343 in 1 : vector<256x1xf32>, vector<256x255xf32> -> vector<256x256xf32>
    %broadcast_in_dim3A_345 = vector.shape_cast %eq3A_326 : vector<1x256xi1> to vector<1x256xi1>
    %broadcast_in_dim3A_346 = vector.broadcast %broadcast_in_dim3A_345 : vector<1x256xi1> to vector<256x256xi1>
    %select_n3A_347 = arith.select %broadcast_in_dim3A_346, %concatenate3A_341, %concatenate3A_344 : vector<256x256xi1>, vector<256x256xf32>
    %eq3A_348 = arith.xori %eq3A_326, %eq3A_338 : vector<1x256xi1>
    %eq3A_349 = arith.constant dense<true> : vector<1x256xi1>
    %eq3A_350 = arith.xori %eq3A_348, %eq3A_349 : vector<1x256xi1>
    %min3A_351 = arith.minimumf %select_n3A_319, %select_n3A_347 : vector<256x256xf32>
    %max3A_352 = arith.maximumf %select_n3A_319, %select_n3A_347 : vector<256x256xf32>
    %broadcast_in_dim3A_353 = vector.shape_cast %eq3A_350 : vector<1x256xi1> to vector<1x256xi1>
    %broadcast_in_dim3A_354 = vector.broadcast %broadcast_in_dim3A_353 : vector<1x256xi1> to vector<256x256xi1>
    %select_n3A_355 = arith.select %broadcast_in_dim3A_354, %min3A_351, %max3A_352 : vector<256x256xi1>, vector<256x256xf32>
    %iota3A_356 = tpu.iota {dimensions = array<i32: 1>} : vector<1x256xi32>
    %and3A_357 = arith.constant 16 : i32
    %and3A_358 = vector.broadcast %and3A_357 : i32 to vector<1x256xi32>
    %and3A_359 = arith.andi %iota3A_356, %and3A_358 : vector<1x256xi32>
    %eq3A_360 = arith.constant 0 : i32
    %eq3A_361 = vector.broadcast %eq3A_360 : i32 to vector<1x256xi32>
    %eq3A_362 = arith.cmpi eq, %and3A_359, %eq3A_361 : vector<1x256xi32>
    %and3A_363 = arith.constant 32 : i32
    %and3A_364 = vector.broadcast %and3A_363 : i32 to vector<1x256xi32>
    %and3A_365 = arith.andi %iota3A_356, %and3A_364 : vector<1x256xi32>
    %eq3A_366 = arith.constant 0 : i32
    %eq3A_367 = vector.broadcast %eq3A_366 : i32 to vector<1x256xi32>
    %eq3A_368 = arith.cmpi eq, %and3A_365, %eq3A_367 : vector<1x256xi32>
    %eq3A_369 = arith.constant false
    %eq3A_370 = vector.broadcast %eq3A_369 : i1 to vector<1x256xi1>
    %eq3A_371 = vector.broadcast %eq3A_370 : vector<1x256xi1> to vector<1x256xi1>
    %eq3A_372 = arith.xori %eq3A_368, %eq3A_371 : vector<1x256xi1>
    %eq3A_373 = arith.constant dense<true> : vector<1x256xi1>
    %eq3A_374 = arith.xori %eq3A_372, %eq3A_373 : vector<1x256xi1>
    %slice3A_375 = vector.extract_strided_slice %select_n3A_355 {offsets = [0, 16], sizes = [256, 240], strides = [1, 1]} : vector<256x256xf32> to vector<256x240xf32>
    %slice3A_376 = vector.extract_strided_slice %select_n3A_355 {offsets = [0, 0], sizes = [256, 16], strides = [1, 1]} : vector<256x256xf32> to vector<256x16xf32>
    %concatenate3A_377 = tpu.concatenate %slice3A_375, %slice3A_376 in 1 : vector<256x240xf32>, vector<256x16xf32> -> vector<256x256xf32>
    %slice3A_378 = vector.extract_strided_slice %select_n3A_355 {offsets = [0, 240], sizes = [256, 16], strides = [1, 1]} : vector<256x256xf32> to vector<256x16xf32>
    %slice3A_379 = vector.extract_strided_slice %select_n3A_355 {offsets = [0, 0], sizes = [256, 240], strides = [1, 1]} : vector<256x256xf32> to vector<256x240xf32>
    %concatenate3A_380 = tpu.concatenate %slice3A_378, %slice3A_379 in 1 : vector<256x16xf32>, vector<256x240xf32> -> vector<256x256xf32>
    %broadcast_in_dim3A_381 = vector.shape_cast %eq3A_362 : vector<1x256xi1> to vector<1x256xi1>
    %broadcast_in_dim3A_382 = vector.broadcast %broadcast_in_dim3A_381 : vector<1x256xi1> to vector<256x256xi1>
    %select_n3A_383 = arith.select %broadcast_in_dim3A_382, %concatenate3A_377, %concatenate3A_380 : vector<256x256xi1>, vector<256x256xf32>
    %eq3A_384 = arith.xori %eq3A_362, %eq3A_374 : vector<1x256xi1>
    %eq3A_385 = arith.constant dense<true> : vector<1x256xi1>
    %eq3A_386 = arith.xori %eq3A_384, %eq3A_385 : vector<1x256xi1>
    %min3A_387 = arith.minimumf %select_n3A_355, %select_n3A_383 : vector<256x256xf32>
    %max3A_388 = arith.maximumf %select_n3A_355, %select_n3A_383 : vector<256x256xf32>
    %broadcast_in_dim3A_389 = vector.shape_cast %eq3A_386 : vector<1x256xi1> to vector<1x256xi1>
    %broadcast_in_dim3A_390 = vector.broadcast %broadcast_in_dim3A_389 : vector<1x256xi1> to vector<256x256xi1>
    %select_n3A_391 = arith.select %broadcast_in_dim3A_390, %min3A_387, %max3A_388 : vector<256x256xi1>, vector<256x256xf32>
    %iota3A_392 = tpu.iota {dimensions = array<i32: 1>} : vector<1x256xi32>
    %and3A_393 = arith.constant 8 : i32
    %and3A_394 = vector.broadcast %and3A_393 : i32 to vector<1x256xi32>
    %and3A_395 = arith.andi %iota3A_392, %and3A_394 : vector<1x256xi32>
    %eq3A_396 = arith.constant 0 : i32
    %eq3A_397 = vector.broadcast %eq3A_396 : i32 to vector<1x256xi32>
    %eq3A_398 = arith.cmpi eq, %and3A_395, %eq3A_397 : vector<1x256xi32>
    %and3A_399 = arith.constant 32 : i32
    %and3A_400 = vector.broadcast %and3A_399 : i32 to vector<1x256xi32>
    %and3A_401 = arith.andi %iota3A_392, %and3A_400 : vector<1x256xi32>
    %eq3A_402 = arith.constant 0 : i32
    %eq3A_403 = vector.broadcast %eq3A_402 : i32 to vector<1x256xi32>
    %eq3A_404 = arith.cmpi eq, %and3A_401, %eq3A_403 : vector<1x256xi32>
    %eq3A_405 = arith.constant false
    %eq3A_406 = vector.broadcast %eq3A_405 : i1 to vector<1x256xi1>
    %eq3A_407 = vector.broadcast %eq3A_406 : vector<1x256xi1> to vector<1x256xi1>
    %eq3A_408 = arith.xori %eq3A_404, %eq3A_407 : vector<1x256xi1>
    %eq3A_409 = arith.constant dense<true> : vector<1x256xi1>
    %eq3A_410 = arith.xori %eq3A_408, %eq3A_409 : vector<1x256xi1>
    %slice3A_411 = vector.extract_strided_slice %select_n3A_391 {offsets = [0, 8], sizes = [256, 248], strides = [1, 1]} : vector<256x256xf32> to vector<256x248xf32>
    %slice3A_412 = vector.extract_strided_slice %select_n3A_391 {offsets = [0, 0], sizes = [256, 8], strides = [1, 1]} : vector<256x256xf32> to vector<256x8xf32>
    %concatenate3A_413 = tpu.concatenate %slice3A_411, %slice3A_412 in 1 : vector<256x248xf32>, vector<256x8xf32> -> vector<256x256xf32>
    %slice3A_414 = vector.extract_strided_slice %select_n3A_391 {offsets = [0, 248], sizes = [256, 8], strides = [1, 1]} : vector<256x256xf32> to vector<256x8xf32>
    %slice3A_415 = vector.extract_strided_slice %select_n3A_391 {offsets = [0, 0], sizes = [256, 248], strides = [1, 1]} : vector<256x256xf32> to vector<256x248xf32>
    %concatenate3A_416 = tpu.concatenate %slice3A_414, %slice3A_415 in 1 : vector<256x8xf32>, vector<256x248xf32> -> vector<256x256xf32>
    %broadcast_in_dim3A_417 = vector.shape_cast %eq3A_398 : vector<1x256xi1> to vector<1x256xi1>
    %broadcast_in_dim3A_418 = vector.broadcast %broadcast_in_dim3A_417 : vector<1x256xi1> to vector<256x256xi1>
    %select_n3A_419 = arith.select %broadcast_in_dim3A_418, %concatenate3A_413, %concatenate3A_416 : vector<256x256xi1>, vector<256x256xf32>
    %eq3A_420 = arith.xori %eq3A_398, %eq3A_410 : vector<1x256xi1>
    %eq3A_421 = arith.constant dense<true> : vector<1x256xi1>
    %eq3A_422 = arith.xori %eq3A_420, %eq3A_421 : vector<1x256xi1>
    %min3A_423 = arith.minimumf %select_n3A_391, %select_n3A_419 : vector<256x256xf32>
    %max3A_424 = arith.maximumf %select_n3A_391, %select_n3A_419 : vector<256x256xf32>
    %broadcast_in_dim3A_425 = vector.shape_cast %eq3A_422 : vector<1x256xi1> to vector<1x256xi1>
    %broadcast_in_dim3A_426 = vector.broadcast %broadcast_in_dim3A_425 : vector<1x256xi1> to vector<256x256xi1>
    %select_n3A_427 = arith.select %broadcast_in_dim3A_426, %min3A_423, %max3A_424 : vector<256x256xi1>, vector<256x256xf32>
    %iota3A_428 = tpu.iota {dimensions = array<i32: 1>} : vector<1x256xi32>
    %and3A_429 = arith.constant 4 : i32
    %and3A_430 = vector.broadcast %and3A_429 : i32 to vector<1x256xi32>
    %and3A_431 = arith.andi %iota3A_428, %and3A_430 : vector<1x256xi32>
    %eq3A_432 = arith.constant 0 : i32
    %eq3A_433 = vector.broadcast %eq3A_432 : i32 to vector<1x256xi32>
    %eq3A_434 = arith.cmpi eq, %and3A_431, %eq3A_433 : vector<1x256xi32>
    %and3A_435 = arith.constant 32 : i32
    %and3A_436 = vector.broadcast %and3A_435 : i32 to vector<1x256xi32>
    %and3A_437 = arith.andi %iota3A_428, %and3A_436 : vector<1x256xi32>
    %eq3A_438 = arith.constant 0 : i32
    %eq3A_439 = vector.broadcast %eq3A_438 : i32 to vector<1x256xi32>
    %eq3A_440 = arith.cmpi eq, %and3A_437, %eq3A_439 : vector<1x256xi32>
    %eq3A_441 = arith.constant false
    %eq3A_442 = vector.broadcast %eq3A_441 : i1 to vector<1x256xi1>
    %eq3A_443 = vector.broadcast %eq3A_442 : vector<1x256xi1> to vector<1x256xi1>
    %eq3A_444 = arith.xori %eq3A_440, %eq3A_443 : vector<1x256xi1>
    %eq3A_445 = arith.constant dense<true> : vector<1x256xi1>
    %eq3A_446 = arith.xori %eq3A_444, %eq3A_445 : vector<1x256xi1>
    %slice3A_447 = vector.extract_strided_slice %select_n3A_427 {offsets = [0, 4], sizes = [256, 252], strides = [1, 1]} : vector<256x256xf32> to vector<256x252xf32>
    %slice3A_448 = vector.extract_strided_slice %select_n3A_427 {offsets = [0, 0], sizes = [256, 4], strides = [1, 1]} : vector<256x256xf32> to vector<256x4xf32>
    %concatenate3A_449 = tpu.concatenate %slice3A_447, %slice3A_448 in 1 : vector<256x252xf32>, vector<256x4xf32> -> vector<256x256xf32>
    %slice3A_450 = vector.extract_strided_slice %select_n3A_427 {offsets = [0, 252], sizes = [256, 4], strides = [1, 1]} : vector<256x256xf32> to vector<256x4xf32>
    %slice3A_451 = vector.extract_strided_slice %select_n3A_427 {offsets = [0, 0], sizes = [256, 252], strides = [1, 1]} : vector<256x256xf32> to vector<256x252xf32>
    %concatenate3A_452 = tpu.concatenate %slice3A_450, %slice3A_451 in 1 : vector<256x4xf32>, vector<256x252xf32> -> vector<256x256xf32>
    %broadcast_in_dim3A_453 = vector.shape_cast %eq3A_434 : vector<1x256xi1> to vector<1x256xi1>
    %broadcast_in_dim3A_454 = vector.broadcast %broadcast_in_dim3A_453 : vector<1x256xi1> to vector<256x256xi1>
    %select_n3A_455 = arith.select %broadcast_in_dim3A_454, %concatenate3A_449, %concatenate3A_452 : vector<256x256xi1>, vector<256x256xf32>
    %eq3A_456 = arith.xori %eq3A_434, %eq3A_446 : vector<1x256xi1>
    %eq3A_457 = arith.constant dense<true> : vector<1x256xi1>
    %eq3A_458 = arith.xori %eq3A_456, %eq3A_457 : vector<1x256xi1>
    %min3A_459 = arith.minimumf %select_n3A_427, %select_n3A_455 : vector<256x256xf32>
    %max3A_460 = arith.maximumf %select_n3A_427, %select_n3A_455 : vector<256x256xf32>
    %broadcast_in_dim3A_461 = vector.shape_cast %eq3A_458 : vector<1x256xi1> to vector<1x256xi1>
    %broadcast_in_dim3A_462 = vector.broadcast %broadcast_in_dim3A_461 : vector<1x256xi1> to vector<256x256xi1>
    %select_n3A_463 = arith.select %broadcast_in_dim3A_462, %min3A_459, %max3A_460 : vector<256x256xi1>, vector<256x256xf32>
    %iota3A_464 = tpu.iota {dimensions = array<i32: 1>} : vector<1x256xi32>
    %and3A_465 = arith.constant 2 : i32
    %and3A_466 = vector.broadcast %and3A_465 : i32 to vector<1x256xi32>
    %and3A_467 = arith.andi %iota3A_464, %and3A_466 : vector<1x256xi32>
    %eq3A_468 = arith.constant 0 : i32
    %eq3A_469 = vector.broadcast %eq3A_468 : i32 to vector<1x256xi32>
    %eq3A_470 = arith.cmpi eq, %and3A_467, %eq3A_469 : vector<1x256xi32>
    %and3A_471 = arith.constant 32 : i32
    %and3A_472 = vector.broadcast %and3A_471 : i32 to vector<1x256xi32>
    %and3A_473 = arith.andi %iota3A_464, %and3A_472 : vector<1x256xi32>
    %eq3A_474 = arith.constant 0 : i32
    %eq3A_475 = vector.broadcast %eq3A_474 : i32 to vector<1x256xi32>
    %eq3A_476 = arith.cmpi eq, %and3A_473, %eq3A_475 : vector<1x256xi32>
    %eq3A_477 = arith.constant false
    %eq3A_478 = vector.broadcast %eq3A_477 : i1 to vector<1x256xi1>
    %eq3A_479 = vector.broadcast %eq3A_478 : vector<1x256xi1> to vector<1x256xi1>
    %eq3A_480 = arith.xori %eq3A_476, %eq3A_479 : vector<1x256xi1>
    %eq3A_481 = arith.constant dense<true> : vector<1x256xi1>
    %eq3A_482 = arith.xori %eq3A_480, %eq3A_481 : vector<1x256xi1>
    %slice3A_483 = vector.extract_strided_slice %select_n3A_463 {offsets = [0, 2], sizes = [256, 254], strides = [1, 1]} : vector<256x256xf32> to vector<256x254xf32>
    %slice3A_484 = vector.extract_strided_slice %select_n3A_463 {offsets = [0, 0], sizes = [256, 2], strides = [1, 1]} : vector<256x256xf32> to vector<256x2xf32>
    %concatenate3A_485 = tpu.concatenate %slice3A_483, %slice3A_484 in 1 : vector<256x254xf32>, vector<256x2xf32> -> vector<256x256xf32>
    %slice3A_486 = vector.extract_strided_slice %select_n3A_463 {offsets = [0, 254], sizes = [256, 2], strides = [1, 1]} : vector<256x256xf32> to vector<256x2xf32>
    %slice3A_487 = vector.extract_strided_slice %select_n3A_463 {offsets = [0, 0], sizes = [256, 254], strides = [1, 1]} : vector<256x256xf32> to vector<256x254xf32>
    %concatenate3A_488 = tpu.concatenate %slice3A_486, %slice3A_487 in 1 : vector<256x2xf32>, vector<256x254xf32> -> vector<256x256xf32>
    %broadcast_in_dim3A_489 = vector.shape_cast %eq3A_470 : vector<1x256xi1> to vector<1x256xi1>
    %broadcast_in_dim3A_490 = vector.broadcast %broadcast_in_dim3A_489 : vector<1x256xi1> to vector<256x256xi1>
    %select_n3A_491 = arith.select %broadcast_in_dim3A_490, %concatenate3A_485, %concatenate3A_488 : vector<256x256xi1>, vector<256x256xf32>
    %eq3A_492 = arith.xori %eq3A_470, %eq3A_482 : vector<1x256xi1>
    %eq3A_493 = arith.constant dense<true> : vector<1x256xi1>
    %eq3A_494 = arith.xori %eq3A_492, %eq3A_493 : vector<1x256xi1>
    %min3A_495 = arith.minimumf %select_n3A_463, %select_n3A_491 : vector<256x256xf32>
    %max3A_496 = arith.maximumf %select_n3A_463, %select_n3A_491 : vector<256x256xf32>
    %broadcast_in_dim3A_497 = vector.shape_cast %eq3A_494 : vector<1x256xi1> to vector<1x256xi1>
    %broadcast_in_dim3A_498 = vector.broadcast %broadcast_in_dim3A_497 : vector<1x256xi1> to vector<256x256xi1>
    %select_n3A_499 = arith.select %broadcast_in_dim3A_498, %min3A_495, %max3A_496 : vector<256x256xi1>, vector<256x256xf32>
    %iota3A_500 = tpu.iota {dimensions = array<i32: 1>} : vector<1x256xi32>
    %and3A_501 = arith.constant 1 : i32
    %and3A_502 = vector.broadcast %and3A_501 : i32 to vector<1x256xi32>
    %and3A_503 = arith.andi %iota3A_500, %and3A_502 : vector<1x256xi32>
    %eq3A_504 = arith.constant 0 : i32
    %eq3A_505 = vector.broadcast %eq3A_504 : i32 to vector<1x256xi32>
    %eq3A_506 = arith.cmpi eq, %and3A_503, %eq3A_505 : vector<1x256xi32>
    %and3A_507 = arith.constant 32 : i32
    %and3A_508 = vector.broadcast %and3A_507 : i32 to vector<1x256xi32>
    %and3A_509 = arith.andi %iota3A_500, %and3A_508 : vector<1x256xi32>
    %eq3A_510 = arith.constant 0 : i32
    %eq3A_511 = vector.broadcast %eq3A_510 : i32 to vector<1x256xi32>
    %eq3A_512 = arith.cmpi eq, %and3A_509, %eq3A_511 : vector<1x256xi32>
    %eq3A_513 = arith.constant false
    %eq3A_514 = vector.broadcast %eq3A_513 : i1 to vector<1x256xi1>
    %eq3A_515 = vector.broadcast %eq3A_514 : vector<1x256xi1> to vector<1x256xi1>
    %eq3A_516 = arith.xori %eq3A_512, %eq3A_515 : vector<1x256xi1>
    %eq3A_517 = arith.constant dense<true> : vector<1x256xi1>
    %eq3A_518 = arith.xori %eq3A_516, %eq3A_517 : vector<1x256xi1>
    %slice3A_519 = vector.extract_strided_slice %select_n3A_499 {offsets = [0, 1], sizes = [256, 255], strides = [1, 1]} : vector<256x256xf32> to vector<256x255xf32>
    %slice3A_520 = vector.extract_strided_slice %select_n3A_499 {offsets = [0, 0], sizes = [256, 1], strides = [1, 1]} : vector<256x256xf32> to vector<256x1xf32>
    %concatenate3A_521 = tpu.concatenate %slice3A_519, %slice3A_520 in 1 : vector<256x255xf32>, vector<256x1xf32> -> vector<256x256xf32>
    %slice3A_522 = vector.extract_strided_slice %select_n3A_499 {offsets = [0, 255], sizes = [256, 1], strides = [1, 1]} : vector<256x256xf32> to vector<256x1xf32>
    %slice3A_523 = vector.extract_strided_slice %select_n3A_499 {offsets = [0, 0], sizes = [256, 255], strides = [1, 1]} : vector<256x256xf32> to vector<256x255xf32>
    %concatenate3A_524 = tpu.concatenate %slice3A_522, %slice3A_523 in 1 : vector<256x1xf32>, vector<256x255xf32> -> vector<256x256xf32>
    %broadcast_in_dim3A_525 = vector.shape_cast %eq3A_506 : vector<1x256xi1> to vector<1x256xi1>
    %broadcast_in_dim3A_526 = vector.broadcast %broadcast_in_dim3A_525 : vector<1x256xi1> to vector<256x256xi1>
    %select_n3A_527 = arith.select %broadcast_in_dim3A_526, %concatenate3A_521, %concatenate3A_524 : vector<256x256xi1>, vector<256x256xf32>
    %eq3A_528 = arith.xori %eq3A_506, %eq3A_518 : vector<1x256xi1>
    %eq3A_529 = arith.constant dense<true> : vector<1x256xi1>
    %eq3A_530 = arith.xori %eq3A_528, %eq3A_529 : vector<1x256xi1>
    %min3A_531 = arith.minimumf %select_n3A_499, %select_n3A_527 : vector<256x256xf32>
    %max3A_532 = arith.maximumf %select_n3A_499, %select_n3A_527 : vector<256x256xf32>
    %broadcast_in_dim3A_533 = vector.shape_cast %eq3A_530 : vector<1x256xi1> to vector<1x256xi1>
    %broadcast_in_dim3A_534 = vector.broadcast %broadcast_in_dim3A_533 : vector<1x256xi1> to vector<256x256xi1>
    %select_n3A_535 = arith.select %broadcast_in_dim3A_534, %min3A_531, %max3A_532 : vector<256x256xi1>, vector<256x256xf32>
    %iota3A_536 = tpu.iota {dimensions = array<i32: 1>} : vector<1x256xi32>
    %and3A_537 = arith.constant 32 : i32
    %and3A_538 = vector.broadcast %and3A_537 : i32 to vector<1x256xi32>
    %and3A_539 = arith.andi %iota3A_536, %and3A_538 : vector<1x256xi32>
    %eq3A_540 = arith.constant 0 : i32
    %eq3A_541 = vector.broadcast %eq3A_540 : i32 to vector<1x256xi32>
    %eq3A_542 = arith.cmpi eq, %and3A_539, %eq3A_541 : vector<1x256xi32>
    %and3A_543 = arith.constant 64 : i32
    %and3A_544 = vector.broadcast %and3A_543 : i32 to vector<1x256xi32>
    %and3A_545 = arith.andi %iota3A_536, %and3A_544 : vector<1x256xi32>
    %eq3A_546 = arith.constant 0 : i32
    %eq3A_547 = vector.broadcast %eq3A_546 : i32 to vector<1x256xi32>
    %eq3A_548 = arith.cmpi eq, %and3A_545, %eq3A_547 : vector<1x256xi32>
    %eq3A_549 = arith.constant false
    %eq3A_550 = vector.broadcast %eq3A_549 : i1 to vector<1x256xi1>
    %eq3A_551 = vector.broadcast %eq3A_550 : vector<1x256xi1> to vector<1x256xi1>
    %eq3A_552 = arith.xori %eq3A_548, %eq3A_551 : vector<1x256xi1>
    %eq3A_553 = arith.constant dense<true> : vector<1x256xi1>
    %eq3A_554 = arith.xori %eq3A_552, %eq3A_553 : vector<1x256xi1>
    %slice3A_555 = vector.extract_strided_slice %select_n3A_535 {offsets = [0, 32], sizes = [256, 224], strides = [1, 1]} : vector<256x256xf32> to vector<256x224xf32>
    %slice3A_556 = vector.extract_strided_slice %select_n3A_535 {offsets = [0, 0], sizes = [256, 32], strides = [1, 1]} : vector<256x256xf32> to vector<256x32xf32>
    %concatenate3A_557 = tpu.concatenate %slice3A_555, %slice3A_556 in 1 : vector<256x224xf32>, vector<256x32xf32> -> vector<256x256xf32>
    %slice3A_558 = vector.extract_strided_slice %select_n3A_535 {offsets = [0, 224], sizes = [256, 32], strides = [1, 1]} : vector<256x256xf32> to vector<256x32xf32>
    %slice3A_559 = vector.extract_strided_slice %select_n3A_535 {offsets = [0, 0], sizes = [256, 224], strides = [1, 1]} : vector<256x256xf32> to vector<256x224xf32>
    %concatenate3A_560 = tpu.concatenate %slice3A_558, %slice3A_559 in 1 : vector<256x32xf32>, vector<256x224xf32> -> vector<256x256xf32>
    %broadcast_in_dim3A_561 = vector.shape_cast %eq3A_542 : vector<1x256xi1> to vector<1x256xi1>
    %broadcast_in_dim3A_562 = vector.broadcast %broadcast_in_dim3A_561 : vector<1x256xi1> to vector<256x256xi1>
    %select_n3A_563 = arith.select %broadcast_in_dim3A_562, %concatenate3A_557, %concatenate3A_560 : vector<256x256xi1>, vector<256x256xf32>
    %eq3A_564 = arith.xori %eq3A_542, %eq3A_554 : vector<1x256xi1>
    %eq3A_565 = arith.constant dense<true> : vector<1x256xi1>
    %eq3A_566 = arith.xori %eq3A_564, %eq3A_565 : vector<1x256xi1>
    %min3A_567 = arith.minimumf %select_n3A_535, %select_n3A_563 : vector<256x256xf32>
    %max3A_568 = arith.maximumf %select_n3A_535, %select_n3A_563 : vector<256x256xf32>
    %broadcast_in_dim3A_569 = vector.shape_cast %eq3A_566 : vector<1x256xi1> to vector<1x256xi1>
    %broadcast_in_dim3A_570 = vector.broadcast %broadcast_in_dim3A_569 : vector<1x256xi1> to vector<256x256xi1>
    %select_n3A_571 = arith.select %broadcast_in_dim3A_570, %min3A_567, %max3A_568 : vector<256x256xi1>, vector<256x256xf32>
    %iota3A_572 = tpu.iota {dimensions = array<i32: 1>} : vector<1x256xi32>
    %and3A_573 = arith.constant 16 : i32
    %and3A_574 = vector.broadcast %and3A_573 : i32 to vector<1x256xi32>
    %and3A_575 = arith.andi %iota3A_572, %and3A_574 : vector<1x256xi32>
    %eq3A_576 = arith.constant 0 : i32
    %eq3A_577 = vector.broadcast %eq3A_576 : i32 to vector<1x256xi32>
    %eq3A_578 = arith.cmpi eq, %and3A_575, %eq3A_577 : vector<1x256xi32>
    %and3A_579 = arith.constant 64 : i32
    %and3A_580 = vector.broadcast %and3A_579 : i32 to vector<1x256xi32>
    %and3A_581 = arith.andi %iota3A_572, %and3A_580 : vector<1x256xi32>
    %eq3A_582 = arith.constant 0 : i32
    %eq3A_583 = vector.broadcast %eq3A_582 : i32 to vector<1x256xi32>
    %eq3A_584 = arith.cmpi eq, %and3A_581, %eq3A_583 : vector<1x256xi32>
    %eq3A_585 = arith.constant false
    %eq3A_586 = vector.broadcast %eq3A_585 : i1 to vector<1x256xi1>
    %eq3A_587 = vector.broadcast %eq3A_586 : vector<1x256xi1> to vector<1x256xi1>
    %eq3A_588 = arith.xori %eq3A_584, %eq3A_587 : vector<1x256xi1>
    %eq3A_589 = arith.constant dense<true> : vector<1x256xi1>
    %eq3A_590 = arith.xori %eq3A_588, %eq3A_589 : vector<1x256xi1>
    %slice3A_591 = vector.extract_strided_slice %select_n3A_571 {offsets = [0, 16], sizes = [256, 240], strides = [1, 1]} : vector<256x256xf32> to vector<256x240xf32>
    %slice3A_592 = vector.extract_strided_slice %select_n3A_571 {offsets = [0, 0], sizes = [256, 16], strides = [1, 1]} : vector<256x256xf32> to vector<256x16xf32>
    %concatenate3A_593 = tpu.concatenate %slice3A_591, %slice3A_592 in 1 : vector<256x240xf32>, vector<256x16xf32> -> vector<256x256xf32>
    %slice3A_594 = vector.extract_strided_slice %select_n3A_571 {offsets = [0, 240], sizes = [256, 16], strides = [1, 1]} : vector<256x256xf32> to vector<256x16xf32>
    %slice3A_595 = vector.extract_strided_slice %select_n3A_571 {offsets = [0, 0], sizes = [256, 240], strides = [1, 1]} : vector<256x256xf32> to vector<256x240xf32>
    %concatenate3A_596 = tpu.concatenate %slice3A_594, %slice3A_595 in 1 : vector<256x16xf32>, vector<256x240xf32> -> vector<256x256xf32>
    %broadcast_in_dim3A_597 = vector.shape_cast %eq3A_578 : vector<1x256xi1> to vector<1x256xi1>
    %broadcast_in_dim3A_598 = vector.broadcast %broadcast_in_dim3A_597 : vector<1x256xi1> to vector<256x256xi1>
    %select_n3A_599 = arith.select %broadcast_in_dim3A_598, %concatenate3A_593, %concatenate3A_596 : vector<256x256xi1>, vector<256x256xf32>
    %eq3A_600 = arith.xori %eq3A_578, %eq3A_590 : vector<1x256xi1>
    %eq3A_601 = arith.constant dense<true> : vector<1x256xi1>
    %eq3A_602 = arith.xori %eq3A_600, %eq3A_601 : vector<1x256xi1>
    %min3A_603 = arith.minimumf %select_n3A_571, %select_n3A_599 : vector<256x256xf32>
    %max3A_604 = arith.maximumf %select_n3A_571, %select_n3A_599 : vector<256x256xf32>
    %broadcast_in_dim3A_605 = vector.shape_cast %eq3A_602 : vector<1x256xi1> to vector<1x256xi1>
    %broadcast_in_dim3A_606 = vector.broadcast %broadcast_in_dim3A_605 : vector<1x256xi1> to vector<256x256xi1>
    %select_n3A_607 = arith.select %broadcast_in_dim3A_606, %min3A_603, %max3A_604 : vector<256x256xi1>, vector<256x256xf32>
    %iota3A_608 = tpu.iota {dimensions = array<i32: 1>} : vector<1x256xi32>
    %and3A_609 = arith.constant 8 : i32
    %and3A_610 = vector.broadcast %and3A_609 : i32 to vector<1x256xi32>
    %and3A_611 = arith.andi %iota3A_608, %and3A_610 : vector<1x256xi32>
    %eq3A_612 = arith.constant 0 : i32
    %eq3A_613 = vector.broadcast %eq3A_612 : i32 to vector<1x256xi32>
    %eq3A_614 = arith.cmpi eq, %and3A_611, %eq3A_613 : vector<1x256xi32>
    %and3A_615 = arith.constant 64 : i32
    %and3A_616 = vector.broadcast %and3A_615 : i32 to vector<1x256xi32>
    %and3A_617 = arith.andi %iota3A_608, %and3A_616 : vector<1x256xi32>
    %eq3A_618 = arith.constant 0 : i32
    %eq3A_619 = vector.broadcast %eq3A_618 : i32 to vector<1x256xi32>
    %eq3A_620 = arith.cmpi eq, %and3A_617, %eq3A_619 : vector<1x256xi32>
    %eq3A_621 = arith.constant false
    %eq3A_622 = vector.broadcast %eq3A_621 : i1 to vector<1x256xi1>
    %eq3A_623 = vector.broadcast %eq3A_622 : vector<1x256xi1> to vector<1x256xi1>
    %eq3A_624 = arith.xori %eq3A_620, %eq3A_623 : vector<1x256xi1>
    %eq3A_625 = arith.constant dense<true> : vector<1x256xi1>
    %eq3A_626 = arith.xori %eq3A_624, %eq3A_625 : vector<1x256xi1>
    %slice3A_627 = vector.extract_strided_slice %select_n3A_607 {offsets = [0, 8], sizes = [256, 248], strides = [1, 1]} : vector<256x256xf32> to vector<256x248xf32>
    %slice3A_628 = vector.extract_strided_slice %select_n3A_607 {offsets = [0, 0], sizes = [256, 8], strides = [1, 1]} : vector<256x256xf32> to vector<256x8xf32>
    %concatenate3A_629 = tpu.concatenate %slice3A_627, %slice3A_628 in 1 : vector<256x248xf32>, vector<256x8xf32> -> vector<256x256xf32>
    %slice3A_630 = vector.extract_strided_slice %select_n3A_607 {offsets = [0, 248], sizes = [256, 8], strides = [1, 1]} : vector<256x256xf32> to vector<256x8xf32>
    %slice3A_631 = vector.extract_strided_slice %select_n3A_607 {offsets = [0, 0], sizes = [256, 248], strides = [1, 1]} : vector<256x256xf32> to vector<256x248xf32>
    %concatenate3A_632 = tpu.concatenate %slice3A_630, %slice3A_631 in 1 : vector<256x8xf32>, vector<256x248xf32> -> vector<256x256xf32>
    %broadcast_in_dim3A_633 = vector.shape_cast %eq3A_614 : vector<1x256xi1> to vector<1x256xi1>
    %broadcast_in_dim3A_634 = vector.broadcast %broadcast_in_dim3A_633 : vector<1x256xi1> to vector<256x256xi1>
    %select_n3A_635 = arith.select %broadcast_in_dim3A_634, %concatenate3A_629, %concatenate3A_632 : vector<256x256xi1>, vector<256x256xf32>
    %eq3A_636 = arith.xori %eq3A_614, %eq3A_626 : vector<1x256xi1>
    %eq3A_637 = arith.constant dense<true> : vector<1x256xi1>
    %eq3A_638 = arith.xori %eq3A_636, %eq3A_637 : vector<1x256xi1>
    %min3A_639 = arith.minimumf %select_n3A_607, %select_n3A_635 : vector<256x256xf32>
    %max3A_640 = arith.maximumf %select_n3A_607, %select_n3A_635 : vector<256x256xf32>
    %broadcast_in_dim3A_641 = vector.shape_cast %eq3A_638 : vector<1x256xi1> to vector<1x256xi1>
    %broadcast_in_dim3A_642 = vector.broadcast %broadcast_in_dim3A_641 : vector<1x256xi1> to vector<256x256xi1>
    %select_n3A_643 = arith.select %broadcast_in_dim3A_642, %min3A_639, %max3A_640 : vector<256x256xi1>, vector<256x256xf32>
    %iota3A_644 = tpu.iota {dimensions = array<i32: 1>} : vector<1x256xi32>
    %and3A_645 = arith.constant 4 : i32
    %and3A_646 = vector.broadcast %and3A_645 : i32 to vector<1x256xi32>
    %and3A_647 = arith.andi %iota3A_644, %and3A_646 : vector<1x256xi32>
    %eq3A_648 = arith.constant 0 : i32
    %eq3A_649 = vector.broadcast %eq3A_648 : i32 to vector<1x256xi32>
    %eq3A_650 = arith.cmpi eq, %and3A_647, %eq3A_649 : vector<1x256xi32>
    %and3A_651 = arith.constant 64 : i32
    %and3A_652 = vector.broadcast %and3A_651 : i32 to vector<1x256xi32>
    %and3A_653 = arith.andi %iota3A_644, %and3A_652 : vector<1x256xi32>
    %eq3A_654 = arith.constant 0 : i32
    %eq3A_655 = vector.broadcast %eq3A_654 : i32 to vector<1x256xi32>
    %eq3A_656 = arith.cmpi eq, %and3A_653, %eq3A_655 : vector<1x256xi32>
    %eq3A_657 = arith.constant false
    %eq3A_658 = vector.broadcast %eq3A_657 : i1 to vector<1x256xi1>
    %eq3A_659 = vector.broadcast %eq3A_658 : vector<1x256xi1> to vector<1x256xi1>
    %eq3A_660 = arith.xori %eq3A_656, %eq3A_659 : vector<1x256xi1>
    %eq3A_661 = arith.constant dense<true> : vector<1x256xi1>
    %eq3A_662 = arith.xori %eq3A_660, %eq3A_661 : vector<1x256xi1>
    %slice3A_663 = vector.extract_strided_slice %select_n3A_643 {offsets = [0, 4], sizes = [256, 252], strides = [1, 1]} : vector<256x256xf32> to vector<256x252xf32>
    %slice3A_664 = vector.extract_strided_slice %select_n3A_643 {offsets = [0, 0], sizes = [256, 4], strides = [1, 1]} : vector<256x256xf32> to vector<256x4xf32>
    %concatenate3A_665 = tpu.concatenate %slice3A_663, %slice3A_664 in 1 : vector<256x252xf32>, vector<256x4xf32> -> vector<256x256xf32>
    %slice3A_666 = vector.extract_strided_slice %select_n3A_643 {offsets = [0, 252], sizes = [256, 4], strides = [1, 1]} : vector<256x256xf32> to vector<256x4xf32>
    %slice3A_667 = vector.extract_strided_slice %select_n3A_643 {offsets = [0, 0], sizes = [256, 252], strides = [1, 1]} : vector<256x256xf32> to vector<256x252xf32>
    %concatenate3A_668 = tpu.concatenate %slice3A_666, %slice3A_667 in 1 : vector<256x4xf32>, vector<256x252xf32> -> vector<256x256xf32>
    %broadcast_in_dim3A_669 = vector.shape_cast %eq3A_650 : vector<1x256xi1> to vector<1x256xi1>
    %broadcast_in_dim3A_670 = vector.broadcast %broadcast_in_dim3A_669 : vector<1x256xi1> to vector<256x256xi1>
    %select_n3A_671 = arith.select %broadcast_in_dim3A_670, %concatenate3A_665, %concatenate3A_668 : vector<256x256xi1>, vector<256x256xf32>
    %eq3A_672 = arith.xori %eq3A_650, %eq3A_662 : vector<1x256xi1>
    %eq3A_673 = arith.constant dense<true> : vector<1x256xi1>
    %eq3A_674 = arith.xori %eq3A_672, %eq3A_673 : vector<1x256xi1>
    %min3A_675 = arith.minimumf %select_n3A_643, %select_n3A_671 : vector<256x256xf32>
    %max3A_676 = arith.maximumf %select_n3A_643, %select_n3A_671 : vector<256x256xf32>
    %broadcast_in_dim3A_677 = vector.shape_cast %eq3A_674 : vector<1x256xi1> to vector<1x256xi1>
    %broadcast_in_dim3A_678 = vector.broadcast %broadcast_in_dim3A_677 : vector<1x256xi1> to vector<256x256xi1>
    %select_n3A_679 = arith.select %broadcast_in_dim3A_678, %min3A_675, %max3A_676 : vector<256x256xi1>, vector<256x256xf32>
    %iota3A_680 = tpu.iota {dimensions = array<i32: 1>} : vector<1x256xi32>
    %and3A_681 = arith.constant 2 : i32
    %and3A_682 = vector.broadcast %and3A_681 : i32 to vector<1x256xi32>
    %and3A_683 = arith.andi %iota3A_680, %and3A_682 : vector<1x256xi32>
    %eq3A_684 = arith.constant 0 : i32
    %eq3A_685 = vector.broadcast %eq3A_684 : i32 to vector<1x256xi32>
    %eq3A_686 = arith.cmpi eq, %and3A_683, %eq3A_685 : vector<1x256xi32>
    %and3A_687 = arith.constant 64 : i32
    %and3A_688 = vector.broadcast %and3A_687 : i32 to vector<1x256xi32>
    %and3A_689 = arith.andi %iota3A_680, %and3A_688 : vector<1x256xi32>
    %eq3A_690 = arith.constant 0 : i32
    %eq3A_691 = vector.broadcast %eq3A_690 : i32 to vector<1x256xi32>
    %eq3A_692 = arith.cmpi eq, %and3A_689, %eq3A_691 : vector<1x256xi32>
    %eq3A_693 = arith.constant false
    %eq3A_694 = vector.broadcast %eq3A_693 : i1 to vector<1x256xi1>
    %eq3A_695 = vector.broadcast %eq3A_694 : vector<1x256xi1> to vector<1x256xi1>
    %eq3A_696 = arith.xori %eq3A_692, %eq3A_695 : vector<1x256xi1>
    %eq3A_697 = arith.constant dense<true> : vector<1x256xi1>
    %eq3A_698 = arith.xori %eq3A_696, %eq3A_697 : vector<1x256xi1>
    %slice3A_699 = vector.extract_strided_slice %select_n3A_679 {offsets = [0, 2], sizes = [256, 254], strides = [1, 1]} : vector<256x256xf32> to vector<256x254xf32>
    %slice3A_700 = vector.extract_strided_slice %select_n3A_679 {offsets = [0, 0], sizes = [256, 2], strides = [1, 1]} : vector<256x256xf32> to vector<256x2xf32>
    %concatenate3A_701 = tpu.concatenate %slice3A_699, %slice3A_700 in 1 : vector<256x254xf32>, vector<256x2xf32> -> vector<256x256xf32>
    %slice3A_702 = vector.extract_strided_slice %select_n3A_679 {offsets = [0, 254], sizes = [256, 2], strides = [1, 1]} : vector<256x256xf32> to vector<256x2xf32>
    %slice3A_703 = vector.extract_strided_slice %select_n3A_679 {offsets = [0, 0], sizes = [256, 254], strides = [1, 1]} : vector<256x256xf32> to vector<256x254xf32>
    %concatenate3A_704 = tpu.concatenate %slice3A_702, %slice3A_703 in 1 : vector<256x2xf32>, vector<256x254xf32> -> vector<256x256xf32>
    %broadcast_in_dim3A_705 = vector.shape_cast %eq3A_686 : vector<1x256xi1> to vector<1x256xi1>
    %broadcast_in_dim3A_706 = vector.broadcast %broadcast_in_dim3A_705 : vector<1x256xi1> to vector<256x256xi1>
    %select_n3A_707 = arith.select %broadcast_in_dim3A_706, %concatenate3A_701, %concatenate3A_704 : vector<256x256xi1>, vector<256x256xf32>
    %eq3A_708 = arith.xori %eq3A_686, %eq3A_698 : vector<1x256xi1>
    %eq3A_709 = arith.constant dense<true> : vector<1x256xi1>
    %eq3A_710 = arith.xori %eq3A_708, %eq3A_709 : vector<1x256xi1>
    %min3A_711 = arith.minimumf %select_n3A_679, %select_n3A_707 : vector<256x256xf32>
    %max3A_712 = arith.maximumf %select_n3A_679, %select_n3A_707 : vector<256x256xf32>
    %broadcast_in_dim3A_713 = vector.shape_cast %eq3A_710 : vector<1x256xi1> to vector<1x256xi1>
    %broadcast_in_dim3A_714 = vector.broadcast %broadcast_in_dim3A_713 : vector<1x256xi1> to vector<256x256xi1>
    %select_n3A_715 = arith.select %broadcast_in_dim3A_714, %min3A_711, %max3A_712 : vector<256x256xi1>, vector<256x256xf32>
    %iota3A_716 = tpu.iota {dimensions = array<i32: 1>} : vector<1x256xi32>
    %and3A_717 = arith.constant 1 : i32
    %and3A_718 = vector.broadcast %and3A_717 : i32 to vector<1x256xi32>
    %and3A_719 = arith.andi %iota3A_716, %and3A_718 : vector<1x256xi32>
    %eq3A_720 = arith.constant 0 : i32
    %eq3A_721 = vector.broadcast %eq3A_720 : i32 to vector<1x256xi32>
    %eq3A_722 = arith.cmpi eq, %and3A_719, %eq3A_721 : vector<1x256xi32>
    %and3A_723 = arith.constant 64 : i32
    %and3A_724 = vector.broadcast %and3A_723 : i32 to vector<1x256xi32>
    %and3A_725 = arith.andi %iota3A_716, %and3A_724 : vector<1x256xi32>
    %eq3A_726 = arith.constant 0 : i32
    %eq3A_727 = vector.broadcast %eq3A_726 : i32 to vector<1x256xi32>
    %eq3A_728 = arith.cmpi eq, %and3A_725, %eq3A_727 : vector<1x256xi32>
    %eq3A_729 = arith.constant false
    %eq3A_730 = vector.broadcast %eq3A_729 : i1 to vector<1x256xi1>
    %eq3A_731 = vector.broadcast %eq3A_730 : vector<1x256xi1> to vector<1x256xi1>
    %eq3A_732 = arith.xori %eq3A_728, %eq3A_731 : vector<1x256xi1>
    %eq3A_733 = arith.constant dense<true> : vector<1x256xi1>
    %eq3A_734 = arith.xori %eq3A_732, %eq3A_733 : vector<1x256xi1>
    %slice3A_735 = vector.extract_strided_slice %select_n3A_715 {offsets = [0, 1], sizes = [256, 255], strides = [1, 1]} : vector<256x256xf32> to vector<256x255xf32>
    %slice3A_736 = vector.extract_strided_slice %select_n3A_715 {offsets = [0, 0], sizes = [256, 1], strides = [1, 1]} : vector<256x256xf32> to vector<256x1xf32>
    %concatenate3A_737 = tpu.concatenate %slice3A_735, %slice3A_736 in 1 : vector<256x255xf32>, vector<256x1xf32> -> vector<256x256xf32>
    %slice3A_738 = vector.extract_strided_slice %select_n3A_715 {offsets = [0, 255], sizes = [256, 1], strides = [1, 1]} : vector<256x256xf32> to vector<256x1xf32>
    %slice3A_739 = vector.extract_strided_slice %select_n3A_715 {offsets = [0, 0], sizes = [256, 255], strides = [1, 1]} : vector<256x256xf32> to vector<256x255xf32>
    %concatenate3A_740 = tpu.concatenate %slice3A_738, %slice3A_739 in 1 : vector<256x1xf32>, vector<256x255xf32> -> vector<256x256xf32>
    %broadcast_in_dim3A_741 = vector.shape_cast %eq3A_722 : vector<1x256xi1> to vector<1x256xi1>
    %broadcast_in_dim3A_742 = vector.broadcast %broadcast_in_dim3A_741 : vector<1x256xi1> to vector<256x256xi1>
    %select_n3A_743 = arith.select %broadcast_in_dim3A_742, %concatenate3A_737, %concatenate3A_740 : vector<256x256xi1>, vector<256x256xf32>
    %eq3A_744 = arith.xori %eq3A_722, %eq3A_734 : vector<1x256xi1>
    %eq3A_745 = arith.constant dense<true> : vector<1x256xi1>
    %eq3A_746 = arith.xori %eq3A_744, %eq3A_745 : vector<1x256xi1>
    %min3A_747 = arith.minimumf %select_n3A_715, %select_n3A_743 : vector<256x256xf32>
    %max3A_748 = arith.maximumf %select_n3A_715, %select_n3A_743 : vector<256x256xf32>
    %broadcast_in_dim3A_749 = vector.shape_cast %eq3A_746 : vector<1x256xi1> to vector<1x256xi1>
    %broadcast_in_dim3A_750 = vector.broadcast %broadcast_in_dim3A_749 : vector<1x256xi1> to vector<256x256xi1>
    %select_n3A_751 = arith.select %broadcast_in_dim3A_750, %min3A_747, %max3A_748 : vector<256x256xi1>, vector<256x256xf32>
    %iota3A_752 = tpu.iota {dimensions = array<i32: 1>} : vector<1x256xi32>
    %and3A_753 = arith.constant 64 : i32
    %and3A_754 = vector.broadcast %and3A_753 : i32 to vector<1x256xi32>
    %and3A_755 = arith.andi %iota3A_752, %and3A_754 : vector<1x256xi32>
    %eq3A_756 = arith.constant 0 : i32
    %eq3A_757 = vector.broadcast %eq3A_756 : i32 to vector<1x256xi32>
    %eq3A_758 = arith.cmpi eq, %and3A_755, %eq3A_757 : vector<1x256xi32>
    %and3A_759 = arith.constant 128 : i32
    %and3A_760 = vector.broadcast %and3A_759 : i32 to vector<1x256xi32>
    %and3A_761 = arith.andi %iota3A_752, %and3A_760 : vector<1x256xi32>
    %eq3A_762 = arith.constant 0 : i32
    %eq3A_763 = vector.broadcast %eq3A_762 : i32 to vector<1x256xi32>
    %eq3A_764 = arith.cmpi eq, %and3A_761, %eq3A_763 : vector<1x256xi32>
    %eq3A_765 = arith.constant false
    %eq3A_766 = vector.broadcast %eq3A_765 : i1 to vector<1x256xi1>
    %eq3A_767 = vector.broadcast %eq3A_766 : vector<1x256xi1> to vector<1x256xi1>
    %eq3A_768 = arith.xori %eq3A_764, %eq3A_767 : vector<1x256xi1>
    %eq3A_769 = arith.constant dense<true> : vector<1x256xi1>
    %eq3A_770 = arith.xori %eq3A_768, %eq3A_769 : vector<1x256xi1>
    %slice3A_771 = vector.extract_strided_slice %select_n3A_751 {offsets = [0, 64], sizes = [256, 192], strides = [1, 1]} : vector<256x256xf32> to vector<256x192xf32>
    %slice3A_772 = vector.extract_strided_slice %select_n3A_751 {offsets = [0, 0], sizes = [256, 64], strides = [1, 1]} : vector<256x256xf32> to vector<256x64xf32>
    %concatenate3A_773 = tpu.concatenate %slice3A_771, %slice3A_772 in 1 : vector<256x192xf32>, vector<256x64xf32> -> vector<256x256xf32>
    %slice3A_774 = vector.extract_strided_slice %select_n3A_751 {offsets = [0, 192], sizes = [256, 64], strides = [1, 1]} : vector<256x256xf32> to vector<256x64xf32>
    %slice3A_775 = vector.extract_strided_slice %select_n3A_751 {offsets = [0, 0], sizes = [256, 192], strides = [1, 1]} : vector<256x256xf32> to vector<256x192xf32>
    %concatenate3A_776 = tpu.concatenate %slice3A_774, %slice3A_775 in 1 : vector<256x64xf32>, vector<256x192xf32> -> vector<256x256xf32>
    %broadcast_in_dim3A_777 = vector.shape_cast %eq3A_758 : vector<1x256xi1> to vector<1x256xi1>
    %broadcast_in_dim3A_778 = vector.broadcast %broadcast_in_dim3A_777 : vector<1x256xi1> to vector<256x256xi1>
    %select_n3A_779 = arith.select %broadcast_in_dim3A_778, %concatenate3A_773, %concatenate3A_776 : vector<256x256xi1>, vector<256x256xf32>
    %eq3A_780 = arith.xori %eq3A_758, %eq3A_770 : vector<1x256xi1>
    %eq3A_781 = arith.constant dense<true> : vector<1x256xi1>
    %eq3A_782 = arith.xori %eq3A_780, %eq3A_781 : vector<1x256xi1>
    %min3A_783 = arith.minimumf %select_n3A_751, %select_n3A_779 : vector<256x256xf32>
    %max3A_784 = arith.maximumf %select_n3A_751, %select_n3A_779 : vector<256x256xf32>
    %broadcast_in_dim3A_785 = vector.shape_cast %eq3A_782 : vector<1x256xi1> to vector<1x256xi1>
    %broadcast_in_dim3A_786 = vector.broadcast %broadcast_in_dim3A_785 : vector<1x256xi1> to vector<256x256xi1>
    %select_n3A_787 = arith.select %broadcast_in_dim3A_786, %min3A_783, %max3A_784 : vector<256x256xi1>, vector<256x256xf32>
    %iota3A_788 = tpu.iota {dimensions = array<i32: 1>} : vector<1x256xi32>
    %and3A_789 = arith.constant 32 : i32
    %and3A_790 = vector.broadcast %and3A_789 : i32 to vector<1x256xi32>
    %and3A_791 = arith.andi %iota3A_788, %and3A_790 : vector<1x256xi32>
    %eq3A_792 = arith.constant 0 : i32
    %eq3A_793 = vector.broadcast %eq3A_792 : i32 to vector<1x256xi32>
    %eq3A_794 = arith.cmpi eq, %and3A_791, %eq3A_793 : vector<1x256xi32>
    %and3A_795 = arith.constant 128 : i32
    %and3A_796 = vector.broadcast %and3A_795 : i32 to vector<1x256xi32>
    %and3A_797 = arith.andi %iota3A_788, %and3A_796 : vector<1x256xi32>
    %eq3A_798 = arith.constant 0 : i32
    %eq3A_799 = vector.broadcast %eq3A_798 : i32 to vector<1x256xi32>
    %eq3A_800 = arith.cmpi eq, %and3A_797, %eq3A_799 : vector<1x256xi32>
    %eq3A_801 = arith.constant false
    %eq3A_802 = vector.broadcast %eq3A_801 : i1 to vector<1x256xi1>
    %eq3A_803 = vector.broadcast %eq3A_802 : vector<1x256xi1> to vector<1x256xi1>
    %eq3A_804 = arith.xori %eq3A_800, %eq3A_803 : vector<1x256xi1>
    %eq3A_805 = arith.constant dense<true> : vector<1x256xi1>
    %eq3A_806 = arith.xori %eq3A_804, %eq3A_805 : vector<1x256xi1>
    %slice3A_807 = vector.extract_strided_slice %select_n3A_787 {offsets = [0, 32], sizes = [256, 224], strides = [1, 1]} : vector<256x256xf32> to vector<256x224xf32>
    %slice3A_808 = vector.extract_strided_slice %select_n3A_787 {offsets = [0, 0], sizes = [256, 32], strides = [1, 1]} : vector<256x256xf32> to vector<256x32xf32>
    %concatenate3A_809 = tpu.concatenate %slice3A_807, %slice3A_808 in 1 : vector<256x224xf32>, vector<256x32xf32> -> vector<256x256xf32>
    %slice3A_810 = vector.extract_strided_slice %select_n3A_787 {offsets = [0, 224], sizes = [256, 32], strides = [1, 1]} : vector<256x256xf32> to vector<256x32xf32>
    %slice3A_811 = vector.extract_strided_slice %select_n3A_787 {offsets = [0, 0], sizes = [256, 224], strides = [1, 1]} : vector<256x256xf32> to vector<256x224xf32>
    %concatenate3A_812 = tpu.concatenate %slice3A_810, %slice3A_811 in 1 : vector<256x32xf32>, vector<256x224xf32> -> vector<256x256xf32>
    %broadcast_in_dim3A_813 = vector.shape_cast %eq3A_794 : vector<1x256xi1> to vector<1x256xi1>
    %broadcast_in_dim3A_814 = vector.broadcast %broadcast_in_dim3A_813 : vector<1x256xi1> to vector<256x256xi1>
    %select_n3A_815 = arith.select %broadcast_in_dim3A_814, %concatenate3A_809, %concatenate3A_812 : vector<256x256xi1>, vector<256x256xf32>
    %eq3A_816 = arith.xori %eq3A_794, %eq3A_806 : vector<1x256xi1>
    %eq3A_817 = arith.constant dense<true> : vector<1x256xi1>
    %eq3A_818 = arith.xori %eq3A_816, %eq3A_817 : vector<1x256xi1>
    %min3A_819 = arith.minimumf %select_n3A_787, %select_n3A_815 : vector<256x256xf32>
    %max3A_820 = arith.maximumf %select_n3A_787, %select_n3A_815 : vector<256x256xf32>
    %broadcast_in_dim3A_821 = vector.shape_cast %eq3A_818 : vector<1x256xi1> to vector<1x256xi1>
    %broadcast_in_dim3A_822 = vector.broadcast %broadcast_in_dim3A_821 : vector<1x256xi1> to vector<256x256xi1>
    %select_n3A_823 = arith.select %broadcast_in_dim3A_822, %min3A_819, %max3A_820 : vector<256x256xi1>, vector<256x256xf32>
    %iota3A_824 = tpu.iota {dimensions = array<i32: 1>} : vector<1x256xi32>
    %and3A_825 = arith.constant 16 : i32
    %and3A_826 = vector.broadcast %and3A_825 : i32 to vector<1x256xi32>
    %and3A_827 = arith.andi %iota3A_824, %and3A_826 : vector<1x256xi32>
    %eq3A_828 = arith.constant 0 : i32
    %eq3A_829 = vector.broadcast %eq3A_828 : i32 to vector<1x256xi32>
    %eq3A_830 = arith.cmpi eq, %and3A_827, %eq3A_829 : vector<1x256xi32>
    %and3A_831 = arith.constant 128 : i32
    %and3A_832 = vector.broadcast %and3A_831 : i32 to vector<1x256xi32>
    %and3A_833 = arith.andi %iota3A_824, %and3A_832 : vector<1x256xi32>
    %eq3A_834 = arith.constant 0 : i32
    %eq3A_835 = vector.broadcast %eq3A_834 : i32 to vector<1x256xi32>
    %eq3A_836 = arith.cmpi eq, %and3A_833, %eq3A_835 : vector<1x256xi32>
    %eq3A_837 = arith.constant false
    %eq3A_838 = vector.broadcast %eq3A_837 : i1 to vector<1x256xi1>
    %eq3A_839 = vector.broadcast %eq3A_838 : vector<1x256xi1> to vector<1x256xi1>
    %eq3A_840 = arith.xori %eq3A_836, %eq3A_839 : vector<1x256xi1>
    %eq3A_841 = arith.constant dense<true> : vector<1x256xi1>
    %eq3A_842 = arith.xori %eq3A_840, %eq3A_841 : vector<1x256xi1>
    %slice3A_843 = vector.extract_strided_slice %select_n3A_823 {offsets = [0, 16], sizes = [256, 240], strides = [1, 1]} : vector<256x256xf32> to vector<256x240xf32>
    %slice3A_844 = vector.extract_strided_slice %select_n3A_823 {offsets = [0, 0], sizes = [256, 16], strides = [1, 1]} : vector<256x256xf32> to vector<256x16xf32>
    %concatenate3A_845 = tpu.concatenate %slice3A_843, %slice3A_844 in 1 : vector<256x240xf32>, vector<256x16xf32> -> vector<256x256xf32>
    %slice3A_846 = vector.extract_strided_slice %select_n3A_823 {offsets = [0, 240], sizes = [256, 16], strides = [1, 1]} : vector<256x256xf32> to vector<256x16xf32>
    %slice3A_847 = vector.extract_strided_slice %select_n3A_823 {offsets = [0, 0], sizes = [256, 240], strides = [1, 1]} : vector<256x256xf32> to vector<256x240xf32>
    %concatenate3A_848 = tpu.concatenate %slice3A_846, %slice3A_847 in 1 : vector<256x16xf32>, vector<256x240xf32> -> vector<256x256xf32>
    %broadcast_in_dim3A_849 = vector.shape_cast %eq3A_830 : vector<1x256xi1> to vector<1x256xi1>
    %broadcast_in_dim3A_850 = vector.broadcast %broadcast_in_dim3A_849 : vector<1x256xi1> to vector<256x256xi1>
    %select_n3A_851 = arith.select %broadcast_in_dim3A_850, %concatenate3A_845, %concatenate3A_848 : vector<256x256xi1>, vector<256x256xf32>
    %eq3A_852 = arith.xori %eq3A_830, %eq3A_842 : vector<1x256xi1>
    %eq3A_853 = arith.constant dense<true> : vector<1x256xi1>
    %eq3A_854 = arith.xori %eq3A_852, %eq3A_853 : vector<1x256xi1>
    %min3A_855 = arith.minimumf %select_n3A_823, %select_n3A_851 : vector<256x256xf32>
    %max3A_856 = arith.maximumf %select_n3A_823, %select_n3A_851 : vector<256x256xf32>
    %broadcast_in_dim3A_857 = vector.shape_cast %eq3A_854 : vector<1x256xi1> to vector<1x256xi1>
    %broadcast_in_dim3A_858 = vector.broadcast %broadcast_in_dim3A_857 : vector<1x256xi1> to vector<256x256xi1>
    %select_n3A_859 = arith.select %broadcast_in_dim3A_858, %min3A_855, %max3A_856 : vector<256x256xi1>, vector<256x256xf32>
    %iota3A_860 = tpu.iota {dimensions = array<i32: 1>} : vector<1x256xi32>
    %and3A_861 = arith.constant 8 : i32
    %and3A_862 = vector.broadcast %and3A_861 : i32 to vector<1x256xi32>
    %and3A_863 = arith.andi %iota3A_860, %and3A_862 : vector<1x256xi32>
    %eq3A_864 = arith.constant 0 : i32
    %eq3A_865 = vector.broadcast %eq3A_864 : i32 to vector<1x256xi32>
    %eq3A_866 = arith.cmpi eq, %and3A_863, %eq3A_865 : vector<1x256xi32>
    %and3A_867 = arith.constant 128 : i32
    %and3A_868 = vector.broadcast %and3A_867 : i32 to vector<1x256xi32>
    %and3A_869 = arith.andi %iota3A_860, %and3A_868 : vector<1x256xi32>
    %eq3A_870 = arith.constant 0 : i32
    %eq3A_871 = vector.broadcast %eq3A_870 : i32 to vector<1x256xi32>
    %eq3A_872 = arith.cmpi eq, %and3A_869, %eq3A_871 : vector<1x256xi32>
    %eq3A_873 = arith.constant false
    %eq3A_874 = vector.broadcast %eq3A_873 : i1 to vector<1x256xi1>
    %eq3A_875 = vector.broadcast %eq3A_874 : vector<1x256xi1> to vector<1x256xi1>
    %eq3A_876 = arith.xori %eq3A_872, %eq3A_875 : vector<1x256xi1>
    %eq3A_877 = arith.constant dense<true> : vector<1x256xi1>
    %eq3A_878 = arith.xori %eq3A_876, %eq3A_877 : vector<1x256xi1>
    %slice3A_879 = vector.extract_strided_slice %select_n3A_859 {offsets = [0, 8], sizes = [256, 248], strides = [1, 1]} : vector<256x256xf32> to vector<256x248xf32>
    %slice3A_880 = vector.extract_strided_slice %select_n3A_859 {offsets = [0, 0], sizes = [256, 8], strides = [1, 1]} : vector<256x256xf32> to vector<256x8xf32>
    %concatenate3A_881 = tpu.concatenate %slice3A_879, %slice3A_880 in 1 : vector<256x248xf32>, vector<256x8xf32> -> vector<256x256xf32>
    %slice3A_882 = vector.extract_strided_slice %select_n3A_859 {offsets = [0, 248], sizes = [256, 8], strides = [1, 1]} : vector<256x256xf32> to vector<256x8xf32>
    %slice3A_883 = vector.extract_strided_slice %select_n3A_859 {offsets = [0, 0], sizes = [256, 248], strides = [1, 1]} : vector<256x256xf32> to vector<256x248xf32>
    %concatenate3A_884 = tpu.concatenate %slice3A_882, %slice3A_883 in 1 : vector<256x8xf32>, vector<256x248xf32> -> vector<256x256xf32>
    %broadcast_in_dim3A_885 = vector.shape_cast %eq3A_866 : vector<1x256xi1> to vector<1x256xi1>
    %broadcast_in_dim3A_886 = vector.broadcast %broadcast_in_dim3A_885 : vector<1x256xi1> to vector<256x256xi1>
    %select_n3A_887 = arith.select %broadcast_in_dim3A_886, %concatenate3A_881, %concatenate3A_884 : vector<256x256xi1>, vector<256x256xf32>
    %eq3A_888 = arith.xori %eq3A_866, %eq3A_878 : vector<1x256xi1>
    %eq3A_889 = arith.constant dense<true> : vector<1x256xi1>
    %eq3A_890 = arith.xori %eq3A_888, %eq3A_889 : vector<1x256xi1>
    %min3A_891 = arith.minimumf %select_n3A_859, %select_n3A_887 : vector<256x256xf32>
    %max3A_892 = arith.maximumf %select_n3A_859, %select_n3A_887 : vector<256x256xf32>
    %broadcast_in_dim3A_893 = vector.shape_cast %eq3A_890 : vector<1x256xi1> to vector<1x256xi1>
    %broadcast_in_dim3A_894 = vector.broadcast %broadcast_in_dim3A_893 : vector<1x256xi1> to vector<256x256xi1>
    %select_n3A_895 = arith.select %broadcast_in_dim3A_894, %min3A_891, %max3A_892 : vector<256x256xi1>, vector<256x256xf32>
    %iota3A_896 = tpu.iota {dimensions = array<i32: 1>} : vector<1x256xi32>
    %and3A_897 = arith.constant 4 : i32
    %and3A_898 = vector.broadcast %and3A_897 : i32 to vector<1x256xi32>
    %and3A_899 = arith.andi %iota3A_896, %and3A_898 : vector<1x256xi32>
    %eq3A_900 = arith.constant 0 : i32
    %eq3A_901 = vector.broadcast %eq3A_900 : i32 to vector<1x256xi32>
    %eq3A_902 = arith.cmpi eq, %and3A_899, %eq3A_901 : vector<1x256xi32>
    %and3A_903 = arith.constant 128 : i32
    %and3A_904 = vector.broadcast %and3A_903 : i32 to vector<1x256xi32>
    %and3A_905 = arith.andi %iota3A_896, %and3A_904 : vector<1x256xi32>
    %eq3A_906 = arith.constant 0 : i32
    %eq3A_907 = vector.broadcast %eq3A_906 : i32 to vector<1x256xi32>
    %eq3A_908 = arith.cmpi eq, %and3A_905, %eq3A_907 : vector<1x256xi32>
    %eq3A_909 = arith.constant false
    %eq3A_910 = vector.broadcast %eq3A_909 : i1 to vector<1x256xi1>
    %eq3A_911 = vector.broadcast %eq3A_910 : vector<1x256xi1> to vector<1x256xi1>
    %eq3A_912 = arith.xori %eq3A_908, %eq3A_911 : vector<1x256xi1>
    %eq3A_913 = arith.constant dense<true> : vector<1x256xi1>
    %eq3A_914 = arith.xori %eq3A_912, %eq3A_913 : vector<1x256xi1>
    %slice3A_915 = vector.extract_strided_slice %select_n3A_895 {offsets = [0, 4], sizes = [256, 252], strides = [1, 1]} : vector<256x256xf32> to vector<256x252xf32>
    %slice3A_916 = vector.extract_strided_slice %select_n3A_895 {offsets = [0, 0], sizes = [256, 4], strides = [1, 1]} : vector<256x256xf32> to vector<256x4xf32>
    %concatenate3A_917 = tpu.concatenate %slice3A_915, %slice3A_916 in 1 : vector<256x252xf32>, vector<256x4xf32> -> vector<256x256xf32>
    %slice3A_918 = vector.extract_strided_slice %select_n3A_895 {offsets = [0, 252], sizes = [256, 4], strides = [1, 1]} : vector<256x256xf32> to vector<256x4xf32>
    %slice3A_919 = vector.extract_strided_slice %select_n3A_895 {offsets = [0, 0], sizes = [256, 252], strides = [1, 1]} : vector<256x256xf32> to vector<256x252xf32>
    %concatenate3A_920 = tpu.concatenate %slice3A_918, %slice3A_919 in 1 : vector<256x4xf32>, vector<256x252xf32> -> vector<256x256xf32>
    %broadcast_in_dim3A_921 = vector.shape_cast %eq3A_902 : vector<1x256xi1> to vector<1x256xi1>
    %broadcast_in_dim3A_922 = vector.broadcast %broadcast_in_dim3A_921 : vector<1x256xi1> to vector<256x256xi1>
    %select_n3A_923 = arith.select %broadcast_in_dim3A_922, %concatenate3A_917, %concatenate3A_920 : vector<256x256xi1>, vector<256x256xf32>
    %eq3A_924 = arith.xori %eq3A_902, %eq3A_914 : vector<1x256xi1>
    %eq3A_925 = arith.constant dense<true> : vector<1x256xi1>
    %eq3A_926 = arith.xori %eq3A_924, %eq3A_925 : vector<1x256xi1>
    %min3A_927 = arith.minimumf %select_n3A_895, %select_n3A_923 : vector<256x256xf32>
    %max3A_928 = arith.maximumf %select_n3A_895, %select_n3A_923 : vector<256x256xf32>
    %broadcast_in_dim3A_929 = vector.shape_cast %eq3A_926 : vector<1x256xi1> to vector<1x256xi1>
    %broadcast_in_dim3A_930 = vector.broadcast %broadcast_in_dim3A_929 : vector<1x256xi1> to vector<256x256xi1>
    %select_n3A_931 = arith.select %broadcast_in_dim3A_930, %min3A_927, %max3A_928 : vector<256x256xi1>, vector<256x256xf32>
    %iota3A_932 = tpu.iota {dimensions = array<i32: 1>} : vector<1x256xi32>
    %and3A_933 = arith.constant 2 : i32
    %and3A_934 = vector.broadcast %and3A_933 : i32 to vector<1x256xi32>
    %and3A_935 = arith.andi %iota3A_932, %and3A_934 : vector<1x256xi32>
    %eq3A_936 = arith.constant 0 : i32
    %eq3A_937 = vector.broadcast %eq3A_936 : i32 to vector<1x256xi32>
    %eq3A_938 = arith.cmpi eq, %and3A_935, %eq3A_937 : vector<1x256xi32>
    %and3A_939 = arith.constant 128 : i32
    %and3A_940 = vector.broadcast %and3A_939 : i32 to vector<1x256xi32>
    %and3A_941 = arith.andi %iota3A_932, %and3A_940 : vector<1x256xi32>
    %eq3A_942 = arith.constant 0 : i32
    %eq3A_943 = vector.broadcast %eq3A_942 : i32 to vector<1x256xi32>
    %eq3A_944 = arith.cmpi eq, %and3A_941, %eq3A_943 : vector<1x256xi32>
    %eq3A_945 = arith.constant false
    %eq3A_946 = vector.broadcast %eq3A_945 : i1 to vector<1x256xi1>
    %eq3A_947 = vector.broadcast %eq3A_946 : vector<1x256xi1> to vector<1x256xi1>
    %eq3A_948 = arith.xori %eq3A_944, %eq3A_947 : vector<1x256xi1>
    %eq3A_949 = arith.constant dense<true> : vector<1x256xi1>
    %eq3A_950 = arith.xori %eq3A_948, %eq3A_949 : vector<1x256xi1>
    %slice3A_951 = vector.extract_strided_slice %select_n3A_931 {offsets = [0, 2], sizes = [256, 254], strides = [1, 1]} : vector<256x256xf32> to vector<256x254xf32>
    %slice3A_952 = vector.extract_strided_slice %select_n3A_931 {offsets = [0, 0], sizes = [256, 2], strides = [1, 1]} : vector<256x256xf32> to vector<256x2xf32>
    %concatenate3A_953 = tpu.concatenate %slice3A_951, %slice3A_952 in 1 : vector<256x254xf32>, vector<256x2xf32> -> vector<256x256xf32>
    %slice3A_954 = vector.extract_strided_slice %select_n3A_931 {offsets = [0, 254], sizes = [256, 2], strides = [1, 1]} : vector<256x256xf32> to vector<256x2xf32>
    %slice3A_955 = vector.extract_strided_slice %select_n3A_931 {offsets = [0, 0], sizes = [256, 254], strides = [1, 1]} : vector<256x256xf32> to vector<256x254xf32>
    %concatenate3A_956 = tpu.concatenate %slice3A_954, %slice3A_955 in 1 : vector<256x2xf32>, vector<256x254xf32> -> vector<256x256xf32>
    %broadcast_in_dim3A_957 = vector.shape_cast %eq3A_938 : vector<1x256xi1> to vector<1x256xi1>
    %broadcast_in_dim3A_958 = vector.broadcast %broadcast_in_dim3A_957 : vector<1x256xi1> to vector<256x256xi1>
    %select_n3A_959 = arith.select %broadcast_in_dim3A_958, %concatenate3A_953, %concatenate3A_956 : vector<256x256xi1>, vector<256x256xf32>
    %eq3A_960 = arith.xori %eq3A_938, %eq3A_950 : vector<1x256xi1>
    %eq3A_961 = arith.constant dense<true> : vector<1x256xi1>
    %eq3A_962 = arith.xori %eq3A_960, %eq3A_961 : vector<1x256xi1>
    %min3A_963 = arith.minimumf %select_n3A_931, %select_n3A_959 : vector<256x256xf32>
    %max3A_964 = arith.maximumf %select_n3A_931, %select_n3A_959 : vector<256x256xf32>
    %broadcast_in_dim3A_965 = vector.shape_cast %eq3A_962 : vector<1x256xi1> to vector<1x256xi1>
    %broadcast_in_dim3A_966 = vector.broadcast %broadcast_in_dim3A_965 : vector<1x256xi1> to vector<256x256xi1>
    %select_n3A_967 = arith.select %broadcast_in_dim3A_966, %min3A_963, %max3A_964 : vector<256x256xi1>, vector<256x256xf32>
    %iota3A_968 = tpu.iota {dimensions = array<i32: 1>} : vector<1x256xi32>
    %and3A_969 = arith.constant 1 : i32
    %and3A_970 = vector.broadcast %and3A_969 : i32 to vector<1x256xi32>
    %and3A_971 = arith.andi %iota3A_968, %and3A_970 : vector<1x256xi32>
    %eq3A_972 = arith.constant 0 : i32
    %eq3A_973 = vector.broadcast %eq3A_972 : i32 to vector<1x256xi32>
    %eq3A_974 = arith.cmpi eq, %and3A_971, %eq3A_973 : vector<1x256xi32>
    %and3A_975 = arith.constant 128 : i32
    %and3A_976 = vector.broadcast %and3A_975 : i32 to vector<1x256xi32>
    %and3A_977 = arith.andi %iota3A_968, %and3A_976 : vector<1x256xi32>
    %eq3A_978 = arith.constant 0 : i32
    %eq3A_979 = vector.broadcast %eq3A_978 : i32 to vector<1x256xi32>
    %eq3A_980 = arith.cmpi eq, %and3A_977, %eq3A_979 : vector<1x256xi32>
    %eq3A_981 = arith.constant false
    %eq3A_982 = vector.broadcast %eq3A_981 : i1 to vector<1x256xi1>
    %eq3A_983 = vector.broadcast %eq3A_982 : vector<1x256xi1> to vector<1x256xi1>
    %eq3A_984 = arith.xori %eq3A_980, %eq3A_983 : vector<1x256xi1>
    %eq3A_985 = arith.constant dense<true> : vector<1x256xi1>
    %eq3A_986 = arith.xori %eq3A_984, %eq3A_985 : vector<1x256xi1>
    %slice3A_987 = vector.extract_strided_slice %select_n3A_967 {offsets = [0, 1], sizes = [256, 255], strides = [1, 1]} : vector<256x256xf32> to vector<256x255xf32>
    %slice3A_988 = vector.extract_strided_slice %select_n3A_967 {offsets = [0, 0], sizes = [256, 1], strides = [1, 1]} : vector<256x256xf32> to vector<256x1xf32>
    %concatenate3A_989 = tpu.concatenate %slice3A_987, %slice3A_988 in 1 : vector<256x255xf32>, vector<256x1xf32> -> vector<256x256xf32>
    %slice3A_990 = vector.extract_strided_slice %select_n3A_967 {offsets = [0, 255], sizes = [256, 1], strides = [1, 1]} : vector<256x256xf32> to vector<256x1xf32>
    %slice3A_991 = vector.extract_strided_slice %select_n3A_967 {offsets = [0, 0], sizes = [256, 255], strides = [1, 1]} : vector<256x256xf32> to vector<256x255xf32>
    %concatenate3A_992 = tpu.concatenate %slice3A_990, %slice3A_991 in 1 : vector<256x1xf32>, vector<256x255xf32> -> vector<256x256xf32>
    %broadcast_in_dim3A_993 = vector.shape_cast %eq3A_974 : vector<1x256xi1> to vector<1x256xi1>
    %broadcast_in_dim3A_994 = vector.broadcast %broadcast_in_dim3A_993 : vector<1x256xi1> to vector<256x256xi1>
    %select_n3A_995 = arith.select %broadcast_in_dim3A_994, %concatenate3A_989, %concatenate3A_992 : vector<256x256xi1>, vector<256x256xf32>
    %eq3A_996 = arith.xori %eq3A_974, %eq3A_986 : vector<1x256xi1>
    %eq3A_997 = arith.constant dense<true> : vector<1x256xi1>
    %eq3A_998 = arith.xori %eq3A_996, %eq3A_997 : vector<1x256xi1>
    %min3A_999 = arith.minimumf %select_n3A_967, %select_n3A_995 : vector<256x256xf32>
    %max3A_1000 = arith.maximumf %select_n3A_967, %select_n3A_995 : vector<256x256xf32>
    %broadcast_in_dim3A_1001 = vector.shape_cast %eq3A_998 : vector<1x256xi1> to vector<1x256xi1>
    %broadcast_in_dim3A_1002 = vector.broadcast %broadcast_in_dim3A_1001 : vector<1x256xi1> to vector<256x256xi1>
    %select_n3A_1003 = arith.select %broadcast_in_dim3A_1002, %min3A_999, %max3A_1000 : vector<256x256xi1>, vector<256x256xf32>
    %iota3A_1004 = tpu.iota {dimensions = array<i32: 1>} : vector<1x256xi32>
    %and3A_1005 = arith.constant 128 : i32
    %and3A_1006 = vector.broadcast %and3A_1005 : i32 to vector<1x256xi32>
    %and3A_1007 = arith.andi %iota3A_1004, %and3A_1006 : vector<1x256xi32>
    %eq3A_1008 = arith.constant 0 : i32
    %eq3A_1009 = vector.broadcast %eq3A_1008 : i32 to vector<1x256xi32>
    %eq3A_1010 = arith.cmpi eq, %and3A_1007, %eq3A_1009 : vector<1x256xi32>
    %and3A_1011 = arith.constant 256 : i32
    %and3A_1012 = vector.broadcast %and3A_1011 : i32 to vector<1x256xi32>
    %and3A_1013 = arith.andi %iota3A_1004, %and3A_1012 : vector<1x256xi32>
    %eq3A_1014 = arith.constant 0 : i32
    %eq3A_1015 = vector.broadcast %eq3A_1014 : i32 to vector<1x256xi32>
    %eq3A_1016 = arith.cmpi eq, %and3A_1013, %eq3A_1015 : vector<1x256xi32>
    %eq3A_1017 = arith.constant false
    %eq3A_1018 = vector.broadcast %eq3A_1017 : i1 to vector<1x256xi1>
    %eq3A_1019 = vector.broadcast %eq3A_1018 : vector<1x256xi1> to vector<1x256xi1>
    %eq3A_1020 = arith.xori %eq3A_1016, %eq3A_1019 : vector<1x256xi1>
    %eq3A_1021 = arith.constant dense<true> : vector<1x256xi1>
    %eq3A_1022 = arith.xori %eq3A_1020, %eq3A_1021 : vector<1x256xi1>
    %slice3A_1023 = vector.extract_strided_slice %select_n3A_1003 {offsets = [0, 128], sizes = [256, 128], strides = [1, 1]} : vector<256x256xf32> to vector<256x128xf32>
    %slice3A_1024 = vector.extract_strided_slice %select_n3A_1003 {offsets = [0, 0], sizes = [256, 128], strides = [1, 1]} : vector<256x256xf32> to vector<256x128xf32>
    %concatenate3A_1025 = tpu.concatenate %slice3A_1023, %slice3A_1024 in 1 : vector<256x128xf32>, vector<256x128xf32> -> vector<256x256xf32>
    %slice3A_1026 = vector.extract_strided_slice %select_n3A_1003 {offsets = [0, 128], sizes = [256, 128], strides = [1, 1]} : vector<256x256xf32> to vector<256x128xf32>
    %slice3A_1027 = vector.extract_strided_slice %select_n3A_1003 {offsets = [0, 0], sizes = [256, 128], strides = [1, 1]} : vector<256x256xf32> to vector<256x128xf32>
    %concatenate3A_1028 = tpu.concatenate %slice3A_1026, %slice3A_1027 in 1 : vector<256x128xf32>, vector<256x128xf32> -> vector<256x256xf32>
    %broadcast_in_dim3A_1029 = vector.shape_cast %eq3A_1010 : vector<1x256xi1> to vector<1x256xi1>
    %broadcast_in_dim3A_1030 = vector.broadcast %broadcast_in_dim3A_1029 : vector<1x256xi1> to vector<256x256xi1>
    %select_n3A_1031 = arith.select %broadcast_in_dim3A_1030, %concatenate3A_1025, %concatenate3A_1028 : vector<256x256xi1>, vector<256x256xf32>
    %eq3A_1032 = arith.xori %eq3A_1010, %eq3A_1022 : vector<1x256xi1>
    %eq3A_1033 = arith.constant dense<true> : vector<1x256xi1>
    %eq3A_1034 = arith.xori %eq3A_1032, %eq3A_1033 : vector<1x256xi1>
    %min3A_1035 = arith.minimumf %select_n3A_1003, %select_n3A_1031 : vector<256x256xf32>
    %max3A_1036 = arith.maximumf %select_n3A_1003, %select_n3A_1031 : vector<256x256xf32>
    %broadcast_in_dim3A_1037 = vector.shape_cast %eq3A_1034 : vector<1x256xi1> to vector<1x256xi1>
    %broadcast_in_dim3A_1038 = vector.broadcast %broadcast_in_dim3A_1037 : vector<1x256xi1> to vector<256x256xi1>
    %select_n3A_1039 = arith.select %broadcast_in_dim3A_1038, %min3A_1035, %max3A_1036 : vector<256x256xi1>, vector<256x256xf32>
    %iota3A_1040 = tpu.iota {dimensions = array<i32: 1>} : vector<1x256xi32>
    %and3A_1041 = arith.constant 64 : i32
    %and3A_1042 = vector.broadcast %and3A_1041 : i32 to vector<1x256xi32>
    %and3A_1043 = arith.andi %iota3A_1040, %and3A_1042 : vector<1x256xi32>
    %eq3A_1044 = arith.constant 0 : i32
    %eq3A_1045 = vector.broadcast %eq3A_1044 : i32 to vector<1x256xi32>
    %eq3A_1046 = arith.cmpi eq, %and3A_1043, %eq3A_1045 : vector<1x256xi32>
    %and3A_1047 = arith.constant 256 : i32
    %and3A_1048 = vector.broadcast %and3A_1047 : i32 to vector<1x256xi32>
    %and3A_1049 = arith.andi %iota3A_1040, %and3A_1048 : vector<1x256xi32>
    %eq3A_1050 = arith.constant 0 : i32
    %eq3A_1051 = vector.broadcast %eq3A_1050 : i32 to vector<1x256xi32>
    %eq3A_1052 = arith.cmpi eq, %and3A_1049, %eq3A_1051 : vector<1x256xi32>
    %eq3A_1053 = arith.constant false
    %eq3A_1054 = vector.broadcast %eq3A_1053 : i1 to vector<1x256xi1>
    %eq3A_1055 = vector.broadcast %eq3A_1054 : vector<1x256xi1> to vector<1x256xi1>
    %eq3A_1056 = arith.xori %eq3A_1052, %eq3A_1055 : vector<1x256xi1>
    %eq3A_1057 = arith.constant dense<true> : vector<1x256xi1>
    %eq3A_1058 = arith.xori %eq3A_1056, %eq3A_1057 : vector<1x256xi1>
    %slice3A_1059 = vector.extract_strided_slice %select_n3A_1039 {offsets = [0, 64], sizes = [256, 192], strides = [1, 1]} : vector<256x256xf32> to vector<256x192xf32>
    %slice3A_1060 = vector.extract_strided_slice %select_n3A_1039 {offsets = [0, 0], sizes = [256, 64], strides = [1, 1]} : vector<256x256xf32> to vector<256x64xf32>
    %concatenate3A_1061 = tpu.concatenate %slice3A_1059, %slice3A_1060 in 1 : vector<256x192xf32>, vector<256x64xf32> -> vector<256x256xf32>
    %slice3A_1062 = vector.extract_strided_slice %select_n3A_1039 {offsets = [0, 192], sizes = [256, 64], strides = [1, 1]} : vector<256x256xf32> to vector<256x64xf32>
    %slice3A_1063 = vector.extract_strided_slice %select_n3A_1039 {offsets = [0, 0], sizes = [256, 192], strides = [1, 1]} : vector<256x256xf32> to vector<256x192xf32>
    %concatenate3A_1064 = tpu.concatenate %slice3A_1062, %slice3A_1063 in 1 : vector<256x64xf32>, vector<256x192xf32> -> vector<256x256xf32>
    %broadcast_in_dim3A_1065 = vector.shape_cast %eq3A_1046 : vector<1x256xi1> to vector<1x256xi1>
    %broadcast_in_dim3A_1066 = vector.broadcast %broadcast_in_dim3A_1065 : vector<1x256xi1> to vector<256x256xi1>
    %select_n3A_1067 = arith.select %broadcast_in_dim3A_1066, %concatenate3A_1061, %concatenate3A_1064 : vector<256x256xi1>, vector<256x256xf32>
    %eq3A_1068 = arith.xori %eq3A_1046, %eq3A_1058 : vector<1x256xi1>
    %eq3A_1069 = arith.constant dense<true> : vector<1x256xi1>
    %eq3A_1070 = arith.xori %eq3A_1068, %eq3A_1069 : vector<1x256xi1>
    %min3A_1071 = arith.minimumf %select_n3A_1039, %select_n3A_1067 : vector<256x256xf32>
    %max3A_1072 = arith.maximumf %select_n3A_1039, %select_n3A_1067 : vector<256x256xf32>
    %broadcast_in_dim3A_1073 = vector.shape_cast %eq3A_1070 : vector<1x256xi1> to vector<1x256xi1>
    %broadcast_in_dim3A_1074 = vector.broadcast %broadcast_in_dim3A_1073 : vector<1x256xi1> to vector<256x256xi1>
    %select_n3A_1075 = arith.select %broadcast_in_dim3A_1074, %min3A_1071, %max3A_1072 : vector<256x256xi1>, vector<256x256xf32>
    %iota3A_1076 = tpu.iota {dimensions = array<i32: 1>} : vector<1x256xi32>
    %and3A_1077 = arith.constant 32 : i32
    %and3A_1078 = vector.broadcast %and3A_1077 : i32 to vector<1x256xi32>
    %and3A_1079 = arith.andi %iota3A_1076, %and3A_1078 : vector<1x256xi32>
    %eq3A_1080 = arith.constant 0 : i32
    %eq3A_1081 = vector.broadcast %eq3A_1080 : i32 to vector<1x256xi32>
    %eq3A_1082 = arith.cmpi eq, %and3A_1079, %eq3A_1081 : vector<1x256xi32>
    %and3A_1083 = arith.constant 256 : i32
    %and3A_1084 = vector.broadcast %and3A_1083 : i32 to vector<1x256xi32>
    %and3A_1085 = arith.andi %iota3A_1076, %and3A_1084 : vector<1x256xi32>
    %eq3A_1086 = arith.constant 0 : i32
    %eq3A_1087 = vector.broadcast %eq3A_1086 : i32 to vector<1x256xi32>
    %eq3A_1088 = arith.cmpi eq, %and3A_1085, %eq3A_1087 : vector<1x256xi32>
    %eq3A_1089 = arith.constant false
    %eq3A_1090 = vector.broadcast %eq3A_1089 : i1 to vector<1x256xi1>
    %eq3A_1091 = vector.broadcast %eq3A_1090 : vector<1x256xi1> to vector<1x256xi1>
    %eq3A_1092 = arith.xori %eq3A_1088, %eq3A_1091 : vector<1x256xi1>
    %eq3A_1093 = arith.constant dense<true> : vector<1x256xi1>
    %eq3A_1094 = arith.xori %eq3A_1092, %eq3A_1093 : vector<1x256xi1>
    %slice3A_1095 = vector.extract_strided_slice %select_n3A_1075 {offsets = [0, 32], sizes = [256, 224], strides = [1, 1]} : vector<256x256xf32> to vector<256x224xf32>
    %slice3A_1096 = vector.extract_strided_slice %select_n3A_1075 {offsets = [0, 0], sizes = [256, 32], strides = [1, 1]} : vector<256x256xf32> to vector<256x32xf32>
    %concatenate3A_1097 = tpu.concatenate %slice3A_1095, %slice3A_1096 in 1 : vector<256x224xf32>, vector<256x32xf32> -> vector<256x256xf32>
    %slice3A_1098 = vector.extract_strided_slice %select_n3A_1075 {offsets = [0, 224], sizes = [256, 32], strides = [1, 1]} : vector<256x256xf32> to vector<256x32xf32>
    %slice3A_1099 = vector.extract_strided_slice %select_n3A_1075 {offsets = [0, 0], sizes = [256, 224], strides = [1, 1]} : vector<256x256xf32> to vector<256x224xf32>
    %concatenate3A_1100 = tpu.concatenate %slice3A_1098, %slice3A_1099 in 1 : vector<256x32xf32>, vector<256x224xf32> -> vector<256x256xf32>
    %broadcast_in_dim3A_1101 = vector.shape_cast %eq3A_1082 : vector<1x256xi1> to vector<1x256xi1>
    %broadcast_in_dim3A_1102 = vector.broadcast %broadcast_in_dim3A_1101 : vector<1x256xi1> to vector<256x256xi1>
    %select_n3A_1103 = arith.select %broadcast_in_dim3A_1102, %concatenate3A_1097, %concatenate3A_1100 : vector<256x256xi1>, vector<256x256xf32>
    %eq3A_1104 = arith.xori %eq3A_1082, %eq3A_1094 : vector<1x256xi1>
    %eq3A_1105 = arith.constant dense<true> : vector<1x256xi1>
    %eq3A_1106 = arith.xori %eq3A_1104, %eq3A_1105 : vector<1x256xi1>
    %min3A_1107 = arith.minimumf %select_n3A_1075, %select_n3A_1103 : vector<256x256xf32>
    %max3A_1108 = arith.maximumf %select_n3A_1075, %select_n3A_1103 : vector<256x256xf32>
    %broadcast_in_dim3A_1109 = vector.shape_cast %eq3A_1106 : vector<1x256xi1> to vector<1x256xi1>
    %broadcast_in_dim3A_1110 = vector.broadcast %broadcast_in_dim3A_1109 : vector<1x256xi1> to vector<256x256xi1>
    %select_n3A_1111 = arith.select %broadcast_in_dim3A_1110, %min3A_1107, %max3A_1108 : vector<256x256xi1>, vector<256x256xf32>
    %iota3A_1112 = tpu.iota {dimensions = array<i32: 1>} : vector<1x256xi32>
    %and3A_1113 = arith.constant 16 : i32
    %and3A_1114 = vector.broadcast %and3A_1113 : i32 to vector<1x256xi32>
    %and3A_1115 = arith.andi %iota3A_1112, %and3A_1114 : vector<1x256xi32>
    %eq3A_1116 = arith.constant 0 : i32
    %eq3A_1117 = vector.broadcast %eq3A_1116 : i32 to vector<1x256xi32>
    %eq3A_1118 = arith.cmpi eq, %and3A_1115, %eq3A_1117 : vector<1x256xi32>
    %and3A_1119 = arith.constant 256 : i32
    %and3A_1120 = vector.broadcast %and3A_1119 : i32 to vector<1x256xi32>
    %and3A_1121 = arith.andi %iota3A_1112, %and3A_1120 : vector<1x256xi32>
    %eq3A_1122 = arith.constant 0 : i32
    %eq3A_1123 = vector.broadcast %eq3A_1122 : i32 to vector<1x256xi32>
    %eq3A_1124 = arith.cmpi eq, %and3A_1121, %eq3A_1123 : vector<1x256xi32>
    %eq3A_1125 = arith.constant false
    %eq3A_1126 = vector.broadcast %eq3A_1125 : i1 to vector<1x256xi1>
    %eq3A_1127 = vector.broadcast %eq3A_1126 : vector<1x256xi1> to vector<1x256xi1>
    %eq3A_1128 = arith.xori %eq3A_1124, %eq3A_1127 : vector<1x256xi1>
    %eq3A_1129 = arith.constant dense<true> : vector<1x256xi1>
    %eq3A_1130 = arith.xori %eq3A_1128, %eq3A_1129 : vector<1x256xi1>
    %slice3A_1131 = vector.extract_strided_slice %select_n3A_1111 {offsets = [0, 16], sizes = [256, 240], strides = [1, 1]} : vector<256x256xf32> to vector<256x240xf32>
    %slice3A_1132 = vector.extract_strided_slice %select_n3A_1111 {offsets = [0, 0], sizes = [256, 16], strides = [1, 1]} : vector<256x256xf32> to vector<256x16xf32>
    %concatenate3A_1133 = tpu.concatenate %slice3A_1131, %slice3A_1132 in 1 : vector<256x240xf32>, vector<256x16xf32> -> vector<256x256xf32>
    %slice3A_1134 = vector.extract_strided_slice %select_n3A_1111 {offsets = [0, 240], sizes = [256, 16], strides = [1, 1]} : vector<256x256xf32> to vector<256x16xf32>
    %slice3A_1135 = vector.extract_strided_slice %select_n3A_1111 {offsets = [0, 0], sizes = [256, 240], strides = [1, 1]} : vector<256x256xf32> to vector<256x240xf32>
    %concatenate3A_1136 = tpu.concatenate %slice3A_1134, %slice3A_1135 in 1 : vector<256x16xf32>, vector<256x240xf32> -> vector<256x256xf32>
    %broadcast_in_dim3A_1137 = vector.shape_cast %eq3A_1118 : vector<1x256xi1> to vector<1x256xi1>
    %broadcast_in_dim3A_1138 = vector.broadcast %broadcast_in_dim3A_1137 : vector<1x256xi1> to vector<256x256xi1>
    %select_n3A_1139 = arith.select %broadcast_in_dim3A_1138, %concatenate3A_1133, %concatenate3A_1136 : vector<256x256xi1>, vector<256x256xf32>
    %eq3A_1140 = arith.xori %eq3A_1118, %eq3A_1130 : vector<1x256xi1>
    %eq3A_1141 = arith.constant dense<true> : vector<1x256xi1>
    %eq3A_1142 = arith.xori %eq3A_1140, %eq3A_1141 : vector<1x256xi1>
    %min3A_1143 = arith.minimumf %select_n3A_1111, %select_n3A_1139 : vector<256x256xf32>
    %max3A_1144 = arith.maximumf %select_n3A_1111, %select_n3A_1139 : vector<256x256xf32>
    %broadcast_in_dim3A_1145 = vector.shape_cast %eq3A_1142 : vector<1x256xi1> to vector<1x256xi1>
    %broadcast_in_dim3A_1146 = vector.broadcast %broadcast_in_dim3A_1145 : vector<1x256xi1> to vector<256x256xi1>
    %select_n3A_1147 = arith.select %broadcast_in_dim3A_1146, %min3A_1143, %max3A_1144 : vector<256x256xi1>, vector<256x256xf32>
    %iota3A_1148 = tpu.iota {dimensions = array<i32: 1>} : vector<1x256xi32>
    %and3A_1149 = arith.constant 8 : i32
    %and3A_1150 = vector.broadcast %and3A_1149 : i32 to vector<1x256xi32>
    %and3A_1151 = arith.andi %iota3A_1148, %and3A_1150 : vector<1x256xi32>
    %eq3A_1152 = arith.constant 0 : i32
    %eq3A_1153 = vector.broadcast %eq3A_1152 : i32 to vector<1x256xi32>
    %eq3A_1154 = arith.cmpi eq, %and3A_1151, %eq3A_1153 : vector<1x256xi32>
    %and3A_1155 = arith.constant 256 : i32
    %and3A_1156 = vector.broadcast %and3A_1155 : i32 to vector<1x256xi32>
    %and3A_1157 = arith.andi %iota3A_1148, %and3A_1156 : vector<1x256xi32>
    %eq3A_1158 = arith.constant 0 : i32
    %eq3A_1159 = vector.broadcast %eq3A_1158 : i32 to vector<1x256xi32>
    %eq3A_1160 = arith.cmpi eq, %and3A_1157, %eq3A_1159 : vector<1x256xi32>
    %eq3A_1161 = arith.constant false
    %eq3A_1162 = vector.broadcast %eq3A_1161 : i1 to vector<1x256xi1>
    %eq3A_1163 = vector.broadcast %eq3A_1162 : vector<1x256xi1> to vector<1x256xi1>
    %eq3A_1164 = arith.xori %eq3A_1160, %eq3A_1163 : vector<1x256xi1>
    %eq3A_1165 = arith.constant dense<true> : vector<1x256xi1>
    %eq3A_1166 = arith.xori %eq3A_1164, %eq3A_1165 : vector<1x256xi1>
    %slice3A_1167 = vector.extract_strided_slice %select_n3A_1147 {offsets = [0, 8], sizes = [256, 248], strides = [1, 1]} : vector<256x256xf32> to vector<256x248xf32>
    %slice3A_1168 = vector.extract_strided_slice %select_n3A_1147 {offsets = [0, 0], sizes = [256, 8], strides = [1, 1]} : vector<256x256xf32> to vector<256x8xf32>
    %concatenate3A_1169 = tpu.concatenate %slice3A_1167, %slice3A_1168 in 1 : vector<256x248xf32>, vector<256x8xf32> -> vector<256x256xf32>
    %slice3A_1170 = vector.extract_strided_slice %select_n3A_1147 {offsets = [0, 248], sizes = [256, 8], strides = [1, 1]} : vector<256x256xf32> to vector<256x8xf32>
    %slice3A_1171 = vector.extract_strided_slice %select_n3A_1147 {offsets = [0, 0], sizes = [256, 248], strides = [1, 1]} : vector<256x256xf32> to vector<256x248xf32>
    %concatenate3A_1172 = tpu.concatenate %slice3A_1170, %slice3A_1171 in 1 : vector<256x8xf32>, vector<256x248xf32> -> vector<256x256xf32>
    %broadcast_in_dim3A_1173 = vector.shape_cast %eq3A_1154 : vector<1x256xi1> to vector<1x256xi1>
    %broadcast_in_dim3A_1174 = vector.broadcast %broadcast_in_dim3A_1173 : vector<1x256xi1> to vector<256x256xi1>
    %select_n3A_1175 = arith.select %broadcast_in_dim3A_1174, %concatenate3A_1169, %concatenate3A_1172 : vector<256x256xi1>, vector<256x256xf32>
    %eq3A_1176 = arith.xori %eq3A_1154, %eq3A_1166 : vector<1x256xi1>
    %eq3A_1177 = arith.constant dense<true> : vector<1x256xi1>
    %eq3A_1178 = arith.xori %eq3A_1176, %eq3A_1177 : vector<1x256xi1>
    %min3A_1179 = arith.minimumf %select_n3A_1147, %select_n3A_1175 : vector<256x256xf32>
    %max3A_1180 = arith.maximumf %select_n3A_1147, %select_n3A_1175 : vector<256x256xf32>
    %broadcast_in_dim3A_1181 = vector.shape_cast %eq3A_1178 : vector<1x256xi1> to vector<1x256xi1>
    %broadcast_in_dim3A_1182 = vector.broadcast %broadcast_in_dim3A_1181 : vector<1x256xi1> to vector<256x256xi1>
    %select_n3A_1183 = arith.select %broadcast_in_dim3A_1182, %min3A_1179, %max3A_1180 : vector<256x256xi1>, vector<256x256xf32>
    %iota3A_1184 = tpu.iota {dimensions = array<i32: 1>} : vector<1x256xi32>
    %and3A_1185 = arith.constant 4 : i32
    %and3A_1186 = vector.broadcast %and3A_1185 : i32 to vector<1x256xi32>
    %and3A_1187 = arith.andi %iota3A_1184, %and3A_1186 : vector<1x256xi32>
    %eq3A_1188 = arith.constant 0 : i32
    %eq3A_1189 = vector.broadcast %eq3A_1188 : i32 to vector<1x256xi32>
    %eq3A_1190 = arith.cmpi eq, %and3A_1187, %eq3A_1189 : vector<1x256xi32>
    %and3A_1191 = arith.constant 256 : i32
    %and3A_1192 = vector.broadcast %and3A_1191 : i32 to vector<1x256xi32>
    %and3A_1193 = arith.andi %iota3A_1184, %and3A_1192 : vector<1x256xi32>
    %eq3A_1194 = arith.constant 0 : i32
    %eq3A_1195 = vector.broadcast %eq3A_1194 : i32 to vector<1x256xi32>
    %eq3A_1196 = arith.cmpi eq, %and3A_1193, %eq3A_1195 : vector<1x256xi32>
    %eq3A_1197 = arith.constant false
    %eq3A_1198 = vector.broadcast %eq3A_1197 : i1 to vector<1x256xi1>
    %eq3A_1199 = vector.broadcast %eq3A_1198 : vector<1x256xi1> to vector<1x256xi1>
    %eq3A_1200 = arith.xori %eq3A_1196, %eq3A_1199 : vector<1x256xi1>
    %eq3A_1201 = arith.constant dense<true> : vector<1x256xi1>
    %eq3A_1202 = arith.xori %eq3A_1200, %eq3A_1201 : vector<1x256xi1>
    %slice3A_1203 = vector.extract_strided_slice %select_n3A_1183 {offsets = [0, 4], sizes = [256, 252], strides = [1, 1]} : vector<256x256xf32> to vector<256x252xf32>
    %slice3A_1204 = vector.extract_strided_slice %select_n3A_1183 {offsets = [0, 0], sizes = [256, 4], strides = [1, 1]} : vector<256x256xf32> to vector<256x4xf32>
    %concatenate3A_1205 = tpu.concatenate %slice3A_1203, %slice3A_1204 in 1 : vector<256x252xf32>, vector<256x4xf32> -> vector<256x256xf32>
    %slice3A_1206 = vector.extract_strided_slice %select_n3A_1183 {offsets = [0, 252], sizes = [256, 4], strides = [1, 1]} : vector<256x256xf32> to vector<256x4xf32>
    %slice3A_1207 = vector.extract_strided_slice %select_n3A_1183 {offsets = [0, 0], sizes = [256, 252], strides = [1, 1]} : vector<256x256xf32> to vector<256x252xf32>
    %concatenate3A_1208 = tpu.concatenate %slice3A_1206, %slice3A_1207 in 1 : vector<256x4xf32>, vector<256x252xf32> -> vector<256x256xf32>
    %broadcast_in_dim3A_1209 = vector.shape_cast %eq3A_1190 : vector<1x256xi1> to vector<1x256xi1>
    %broadcast_in_dim3A_1210 = vector.broadcast %broadcast_in_dim3A_1209 : vector<1x256xi1> to vector<256x256xi1>
    %select_n3A_1211 = arith.select %broadcast_in_dim3A_1210, %concatenate3A_1205, %concatenate3A_1208 : vector<256x256xi1>, vector<256x256xf32>
    %eq3A_1212 = arith.xori %eq3A_1190, %eq3A_1202 : vector<1x256xi1>
    %eq3A_1213 = arith.constant dense<true> : vector<1x256xi1>
    %eq3A_1214 = arith.xori %eq3A_1212, %eq3A_1213 : vector<1x256xi1>
    %min3A_1215 = arith.minimumf %select_n3A_1183, %select_n3A_1211 : vector<256x256xf32>
    %max3A_1216 = arith.maximumf %select_n3A_1183, %select_n3A_1211 : vector<256x256xf32>
    %broadcast_in_dim3A_1217 = vector.shape_cast %eq3A_1214 : vector<1x256xi1> to vector<1x256xi1>
    %broadcast_in_dim3A_1218 = vector.broadcast %broadcast_in_dim3A_1217 : vector<1x256xi1> to vector<256x256xi1>
    %select_n3A_1219 = arith.select %broadcast_in_dim3A_1218, %min3A_1215, %max3A_1216 : vector<256x256xi1>, vector<256x256xf32>
    %iota3A_1220 = tpu.iota {dimensions = array<i32: 1>} : vector<1x256xi32>
    %and3A_1221 = arith.constant 2 : i32
    %and3A_1222 = vector.broadcast %and3A_1221 : i32 to vector<1x256xi32>
    %and3A_1223 = arith.andi %iota3A_1220, %and3A_1222 : vector<1x256xi32>
    %eq3A_1224 = arith.constant 0 : i32
    %eq3A_1225 = vector.broadcast %eq3A_1224 : i32 to vector<1x256xi32>
    %eq3A_1226 = arith.cmpi eq, %and3A_1223, %eq3A_1225 : vector<1x256xi32>
    %and3A_1227 = arith.constant 256 : i32
    %and3A_1228 = vector.broadcast %and3A_1227 : i32 to vector<1x256xi32>
    %and3A_1229 = arith.andi %iota3A_1220, %and3A_1228 : vector<1x256xi32>
    %eq3A_1230 = arith.constant 0 : i32
    %eq3A_1231 = vector.broadcast %eq3A_1230 : i32 to vector<1x256xi32>
    %eq3A_1232 = arith.cmpi eq, %and3A_1229, %eq3A_1231 : vector<1x256xi32>
    %eq3A_1233 = arith.constant false
    %eq3A_1234 = vector.broadcast %eq3A_1233 : i1 to vector<1x256xi1>
    %eq3A_1235 = vector.broadcast %eq3A_1234 : vector<1x256xi1> to vector<1x256xi1>
    %eq3A_1236 = arith.xori %eq3A_1232, %eq3A_1235 : vector<1x256xi1>
    %eq3A_1237 = arith.constant dense<true> : vector<1x256xi1>
    %eq3A_1238 = arith.xori %eq3A_1236, %eq3A_1237 : vector<1x256xi1>
    %slice3A_1239 = vector.extract_strided_slice %select_n3A_1219 {offsets = [0, 2], sizes = [256, 254], strides = [1, 1]} : vector<256x256xf32> to vector<256x254xf32>
    %slice3A_1240 = vector.extract_strided_slice %select_n3A_1219 {offsets = [0, 0], sizes = [256, 2], strides = [1, 1]} : vector<256x256xf32> to vector<256x2xf32>
    %concatenate3A_1241 = tpu.concatenate %slice3A_1239, %slice3A_1240 in 1 : vector<256x254xf32>, vector<256x2xf32> -> vector<256x256xf32>
    %slice3A_1242 = vector.extract_strided_slice %select_n3A_1219 {offsets = [0, 254], sizes = [256, 2], strides = [1, 1]} : vector<256x256xf32> to vector<256x2xf32>
    %slice3A_1243 = vector.extract_strided_slice %select_n3A_1219 {offsets = [0, 0], sizes = [256, 254], strides = [1, 1]} : vector<256x256xf32> to vector<256x254xf32>
    %concatenate3A_1244 = tpu.concatenate %slice3A_1242, %slice3A_1243 in 1 : vector<256x2xf32>, vector<256x254xf32> -> vector<256x256xf32>
    %broadcast_in_dim3A_1245 = vector.shape_cast %eq3A_1226 : vector<1x256xi1> to vector<1x256xi1>
    %broadcast_in_dim3A_1246 = vector.broadcast %broadcast_in_dim3A_1245 : vector<1x256xi1> to vector<256x256xi1>
    %select_n3A_1247 = arith.select %broadcast_in_dim3A_1246, %concatenate3A_1241, %concatenate3A_1244 : vector<256x256xi1>, vector<256x256xf32>
    %eq3A_1248 = arith.xori %eq3A_1226, %eq3A_1238 : vector<1x256xi1>
    %eq3A_1249 = arith.constant dense<true> : vector<1x256xi1>
    %eq3A_1250 = arith.xori %eq3A_1248, %eq3A_1249 : vector<1x256xi1>
    %min3A_1251 = arith.minimumf %select_n3A_1219, %select_n3A_1247 : vector<256x256xf32>
    %max3A_1252 = arith.maximumf %select_n3A_1219, %select_n3A_1247 : vector<256x256xf32>
    %broadcast_in_dim3A_1253 = vector.shape_cast %eq3A_1250 : vector<1x256xi1> to vector<1x256xi1>
    %broadcast_in_dim3A_1254 = vector.broadcast %broadcast_in_dim3A_1253 : vector<1x256xi1> to vector<256x256xi1>
    %select_n3A_1255 = arith.select %broadcast_in_dim3A_1254, %min3A_1251, %max3A_1252 : vector<256x256xi1>, vector<256x256xf32>
    %iota3A_1256 = tpu.iota {dimensions = array<i32: 1>} : vector<1x256xi32>
    %and3A_1257 = arith.constant 1 : i32
    %and3A_1258 = vector.broadcast %and3A_1257 : i32 to vector<1x256xi32>
    %and3A_1259 = arith.andi %iota3A_1256, %and3A_1258 : vector<1x256xi32>
    %eq3A_1260 = arith.constant 0 : i32
    %eq3A_1261 = vector.broadcast %eq3A_1260 : i32 to vector<1x256xi32>
    %eq3A_1262 = arith.cmpi eq, %and3A_1259, %eq3A_1261 : vector<1x256xi32>
    %and3A_1263 = arith.constant 256 : i32
    %and3A_1264 = vector.broadcast %and3A_1263 : i32 to vector<1x256xi32>
    %and3A_1265 = arith.andi %iota3A_1256, %and3A_1264 : vector<1x256xi32>
    %eq3A_1266 = arith.constant 0 : i32
    %eq3A_1267 = vector.broadcast %eq3A_1266 : i32 to vector<1x256xi32>
    %eq3A_1268 = arith.cmpi eq, %and3A_1265, %eq3A_1267 : vector<1x256xi32>
    %eq3A_1269 = arith.constant false
    %eq3A_1270 = vector.broadcast %eq3A_1269 : i1 to vector<1x256xi1>
    %eq3A_1271 = vector.broadcast %eq3A_1270 : vector<1x256xi1> to vector<1x256xi1>
    %eq3A_1272 = arith.xori %eq3A_1268, %eq3A_1271 : vector<1x256xi1>
    %eq3A_1273 = arith.constant dense<true> : vector<1x256xi1>
    %eq3A_1274 = arith.xori %eq3A_1272, %eq3A_1273 : vector<1x256xi1>
    %slice3A_1275 = vector.extract_strided_slice %select_n3A_1255 {offsets = [0, 1], sizes = [256, 255], strides = [1, 1]} : vector<256x256xf32> to vector<256x255xf32>
    %slice3A_1276 = vector.extract_strided_slice %select_n3A_1255 {offsets = [0, 0], sizes = [256, 1], strides = [1, 1]} : vector<256x256xf32> to vector<256x1xf32>
    %concatenate3A_1277 = tpu.concatenate %slice3A_1275, %slice3A_1276 in 1 : vector<256x255xf32>, vector<256x1xf32> -> vector<256x256xf32>
    %slice3A_1278 = vector.extract_strided_slice %select_n3A_1255 {offsets = [0, 255], sizes = [256, 1], strides = [1, 1]} : vector<256x256xf32> to vector<256x1xf32>
    %slice3A_1279 = vector.extract_strided_slice %select_n3A_1255 {offsets = [0, 0], sizes = [256, 255], strides = [1, 1]} : vector<256x256xf32> to vector<256x255xf32>
    %concatenate3A_1280 = tpu.concatenate %slice3A_1278, %slice3A_1279 in 1 : vector<256x1xf32>, vector<256x255xf32> -> vector<256x256xf32>
    %broadcast_in_dim3A_1281 = vector.shape_cast %eq3A_1262 : vector<1x256xi1> to vector<1x256xi1>
    %broadcast_in_dim3A_1282 = vector.broadcast %broadcast_in_dim3A_1281 : vector<1x256xi1> to vector<256x256xi1>
    %select_n3A_1283 = arith.select %broadcast_in_dim3A_1282, %concatenate3A_1277, %concatenate3A_1280 : vector<256x256xi1>, vector<256x256xf32>
    %eq3A_1284 = arith.xori %eq3A_1262, %eq3A_1274 : vector<1x256xi1>
    %eq3A_1285 = arith.constant dense<true> : vector<1x256xi1>
    %eq3A_1286 = arith.xori %eq3A_1284, %eq3A_1285 : vector<1x256xi1>
    %min3A_1287 = arith.minimumf %select_n3A_1255, %select_n3A_1283 : vector<256x256xf32>
    %max3A_1288 = arith.maximumf %select_n3A_1255, %select_n3A_1283 : vector<256x256xf32>
    %broadcast_in_dim3A_1289 = vector.shape_cast %eq3A_1286 : vector<1x256xi1> to vector<1x256xi1>
    %broadcast_in_dim3A_1290 = vector.broadcast %broadcast_in_dim3A_1289 : vector<1x256xi1> to vector<256x256xi1>
    %select_n3A_1291 = arith.select %broadcast_in_dim3A_1290, %min3A_1287, %max3A_1288 : vector<256x256xi1>, vector<256x256xf32>
    %broadcast_in_dim3A_1292 = arith.constant 0x7F800000 : f32
    %broadcast_in_dim3A_1293 = vector.broadcast %broadcast_in_dim3A_1292 : f32 to vector<256x128xf32>
    %concatenate3A_1294 = tpu.concatenate %get3A_1, %broadcast_in_dim3A_1293, %select_n3A_1291 in 1 : vector<256x128xf32>, vector<256x128xf32>, vector<256x256xf32> -> vector<256x512xf32>
    %iota3A_1295 = tpu.iota {dimensions = array<i32: 1>} : vector<1x512xi32>
    %and3A_1296 = arith.constant 256 : i32
    %and3A_1297 = vector.broadcast %and3A_1296 : i32 to vector<1x512xi32>
    %and3A_1298 = arith.andi %iota3A_1295, %and3A_1297 : vector<1x512xi32>
    %eq3A_1299 = arith.constant 0 : i32
    %eq3A_1300 = vector.broadcast %eq3A_1299 : i32 to vector<1x512xi32>
    %eq3A_1301 = arith.cmpi eq, %and3A_1298, %eq3A_1300 : vector<1x512xi32>
    %and3A_1302 = arith.constant 512 : i32
    %and3A_1303 = vector.broadcast %and3A_1302 : i32 to vector<1x512xi32>
    %and3A_1304 = arith.andi %iota3A_1295, %and3A_1303 : vector<1x512xi32>
    %eq3A_1305 = arith.constant 0 : i32
    %eq3A_1306 = vector.broadcast %eq3A_1305 : i32 to vector<1x512xi32>
    %eq3A_1307 = arith.cmpi eq, %and3A_1304, %eq3A_1306 : vector<1x512xi32>
    %eq3A_1308 = arith.constant true
    %eq3A_1309 = vector.broadcast %eq3A_1308 : i1 to vector<1x512xi1>
    %eq3A_1310 = vector.broadcast %eq3A_1309 : vector<1x512xi1> to vector<1x512xi1>
    %eq3A_1311 = arith.xori %eq3A_1307, %eq3A_1310 : vector<1x512xi1>
    %eq3A_1312 = arith.constant dense<true> : vector<1x512xi1>
    %eq3A_1313 = arith.xori %eq3A_1311, %eq3A_1312 : vector<1x512xi1>
    %slice3A_1314 = vector.extract_strided_slice %concatenate3A_1294 {offsets = [0, 256], sizes = [256, 256], strides = [1, 1]} : vector<256x512xf32> to vector<256x256xf32>
    %slice3A_1315 = vector.extract_strided_slice %concatenate3A_1294 {offsets = [0, 0], sizes = [256, 256], strides = [1, 1]} : vector<256x512xf32> to vector<256x256xf32>
    %concatenate3A_1316 = tpu.concatenate %slice3A_1314, %slice3A_1315 in 1 : vector<256x256xf32>, vector<256x256xf32> -> vector<256x512xf32>
    %slice3A_1317 = vector.extract_strided_slice %concatenate3A_1294 {offsets = [0, 256], sizes = [256, 256], strides = [1, 1]} : vector<256x512xf32> to vector<256x256xf32>
    %slice3A_1318 = vector.extract_strided_slice %concatenate3A_1294 {offsets = [0, 0], sizes = [256, 256], strides = [1, 1]} : vector<256x512xf32> to vector<256x256xf32>
    %concatenate3A_1319 = tpu.concatenate %slice3A_1317, %slice3A_1318 in 1 : vector<256x256xf32>, vector<256x256xf32> -> vector<256x512xf32>
    %broadcast_in_dim3A_1320 = vector.shape_cast %eq3A_1301 : vector<1x512xi1> to vector<1x512xi1>
    %broadcast_in_dim3A_1321 = vector.broadcast %broadcast_in_dim3A_1320 : vector<1x512xi1> to vector<256x512xi1>
    %select_n3A_1322 = arith.select %broadcast_in_dim3A_1321, %concatenate3A_1316, %concatenate3A_1319 : vector<256x512xi1>, vector<256x512xf32>
    %eq3A_1323 = arith.xori %eq3A_1301, %eq3A_1313 : vector<1x512xi1>
    %eq3A_1324 = arith.constant dense<true> : vector<1x512xi1>
    %eq3A_1325 = arith.xori %eq3A_1323, %eq3A_1324 : vector<1x512xi1>
    %min3A_1326 = arith.minimumf %concatenate3A_1294, %select_n3A_1322 : vector<256x512xf32>
    %max3A_1327 = arith.maximumf %concatenate3A_1294, %select_n3A_1322 : vector<256x512xf32>
    %broadcast_in_dim3A_1328 = vector.shape_cast %eq3A_1325 : vector<1x512xi1> to vector<1x512xi1>
    %broadcast_in_dim3A_1329 = vector.broadcast %broadcast_in_dim3A_1328 : vector<1x512xi1> to vector<256x512xi1>
    %select_n3A_1330 = arith.select %broadcast_in_dim3A_1329, %min3A_1326, %max3A_1327 : vector<256x512xi1>, vector<256x512xf32>
    %iota3A_1331 = tpu.iota {dimensions = array<i32: 1>} : vector<1x512xi32>
    %and3A_1332 = arith.constant 128 : i32
    %and3A_1333 = vector.broadcast %and3A_1332 : i32 to vector<1x512xi32>
    %and3A_1334 = arith.andi %iota3A_1331, %and3A_1333 : vector<1x512xi32>
    %eq3A_1335 = arith.constant 0 : i32
    %eq3A_1336 = vector.broadcast %eq3A_1335 : i32 to vector<1x512xi32>
    %eq3A_1337 = arith.cmpi eq, %and3A_1334, %eq3A_1336 : vector<1x512xi32>
    %and3A_1338 = arith.constant 512 : i32
    %and3A_1339 = vector.broadcast %and3A_1338 : i32 to vector<1x512xi32>
    %and3A_1340 = arith.andi %iota3A_1331, %and3A_1339 : vector<1x512xi32>
    %eq3A_1341 = arith.constant 0 : i32
    %eq3A_1342 = vector.broadcast %eq3A_1341 : i32 to vector<1x512xi32>
    %eq3A_1343 = arith.cmpi eq, %and3A_1340, %eq3A_1342 : vector<1x512xi32>
    %eq3A_1344 = arith.constant true
    %eq3A_1345 = vector.broadcast %eq3A_1344 : i1 to vector<1x512xi1>
    %eq3A_1346 = vector.broadcast %eq3A_1345 : vector<1x512xi1> to vector<1x512xi1>
    %eq3A_1347 = arith.xori %eq3A_1343, %eq3A_1346 : vector<1x512xi1>
    %eq3A_1348 = arith.constant dense<true> : vector<1x512xi1>
    %eq3A_1349 = arith.xori %eq3A_1347, %eq3A_1348 : vector<1x512xi1>
    %slice3A_1350 = vector.extract_strided_slice %select_n3A_1330 {offsets = [0, 128], sizes = [256, 384], strides = [1, 1]} : vector<256x512xf32> to vector<256x384xf32>
    %slice3A_1351 = vector.extract_strided_slice %select_n3A_1330 {offsets = [0, 0], sizes = [256, 128], strides = [1, 1]} : vector<256x512xf32> to vector<256x128xf32>
    %concatenate3A_1352 = tpu.concatenate %slice3A_1350, %slice3A_1351 in 1 : vector<256x384xf32>, vector<256x128xf32> -> vector<256x512xf32>
    %slice3A_1353 = vector.extract_strided_slice %select_n3A_1330 {offsets = [0, 384], sizes = [256, 128], strides = [1, 1]} : vector<256x512xf32> to vector<256x128xf32>
    %slice3A_1354 = vector.extract_strided_slice %select_n3A_1330 {offsets = [0, 0], sizes = [256, 384], strides = [1, 1]} : vector<256x512xf32> to vector<256x384xf32>
    %concatenate3A_1355 = tpu.concatenate %slice3A_1353, %slice3A_1354 in 1 : vector<256x128xf32>, vector<256x384xf32> -> vector<256x512xf32>
    %broadcast_in_dim3A_1356 = vector.shape_cast %eq3A_1337 : vector<1x512xi1> to vector<1x512xi1>
    %broadcast_in_dim3A_1357 = vector.broadcast %broadcast_in_dim3A_1356 : vector<1x512xi1> to vector<256x512xi1>
    %select_n3A_1358 = arith.select %broadcast_in_dim3A_1357, %concatenate3A_1352, %concatenate3A_1355 : vector<256x512xi1>, vector<256x512xf32>
    %eq3A_1359 = arith.xori %eq3A_1337, %eq3A_1349 : vector<1x512xi1>
    %eq3A_1360 = arith.constant dense<true> : vector<1x512xi1>
    %eq3A_1361 = arith.xori %eq3A_1359, %eq3A_1360 : vector<1x512xi1>
    %min3A_1362 = arith.minimumf %select_n3A_1330, %select_n3A_1358 : vector<256x512xf32>
    %max3A_1363 = arith.maximumf %select_n3A_1330, %select_n3A_1358 : vector<256x512xf32>
    %broadcast_in_dim3A_1364 = vector.shape_cast %eq3A_1361 : vector<1x512xi1> to vector<1x512xi1>
    %broadcast_in_dim3A_1365 = vector.broadcast %broadcast_in_dim3A_1364 : vector<1x512xi1> to vector<256x512xi1>
    %select_n3A_1366 = arith.select %broadcast_in_dim3A_1365, %min3A_1362, %max3A_1363 : vector<256x512xi1>, vector<256x512xf32>
    %iota3A_1367 = tpu.iota {dimensions = array<i32: 1>} : vector<1x512xi32>
    %and3A_1368 = arith.constant 64 : i32
    %and3A_1369 = vector.broadcast %and3A_1368 : i32 to vector<1x512xi32>
    %and3A_1370 = arith.andi %iota3A_1367, %and3A_1369 : vector<1x512xi32>
    %eq3A_1371 = arith.constant 0 : i32
    %eq3A_1372 = vector.broadcast %eq3A_1371 : i32 to vector<1x512xi32>
    %eq3A_1373 = arith.cmpi eq, %and3A_1370, %eq3A_1372 : vector<1x512xi32>
    %and3A_1374 = arith.constant 512 : i32
    %and3A_1375 = vector.broadcast %and3A_1374 : i32 to vector<1x512xi32>
    %and3A_1376 = arith.andi %iota3A_1367, %and3A_1375 : vector<1x512xi32>
    %eq3A_1377 = arith.constant 0 : i32
    %eq3A_1378 = vector.broadcast %eq3A_1377 : i32 to vector<1x512xi32>
    %eq3A_1379 = arith.cmpi eq, %and3A_1376, %eq3A_1378 : vector<1x512xi32>
    %eq3A_1380 = arith.constant true
    %eq3A_1381 = vector.broadcast %eq3A_1380 : i1 to vector<1x512xi1>
    %eq3A_1382 = vector.broadcast %eq3A_1381 : vector<1x512xi1> to vector<1x512xi1>
    %eq3A_1383 = arith.xori %eq3A_1379, %eq3A_1382 : vector<1x512xi1>
    %eq3A_1384 = arith.constant dense<true> : vector<1x512xi1>
    %eq3A_1385 = arith.xori %eq3A_1383, %eq3A_1384 : vector<1x512xi1>
    %slice3A_1386 = vector.extract_strided_slice %select_n3A_1366 {offsets = [0, 64], sizes = [256, 448], strides = [1, 1]} : vector<256x512xf32> to vector<256x448xf32>
    %slice3A_1387 = vector.extract_strided_slice %select_n3A_1366 {offsets = [0, 0], sizes = [256, 64], strides = [1, 1]} : vector<256x512xf32> to vector<256x64xf32>
    %concatenate3A_1388 = tpu.concatenate %slice3A_1386, %slice3A_1387 in 1 : vector<256x448xf32>, vector<256x64xf32> -> vector<256x512xf32>
    %slice3A_1389 = vector.extract_strided_slice %select_n3A_1366 {offsets = [0, 448], sizes = [256, 64], strides = [1, 1]} : vector<256x512xf32> to vector<256x64xf32>
    %slice3A_1390 = vector.extract_strided_slice %select_n3A_1366 {offsets = [0, 0], sizes = [256, 448], strides = [1, 1]} : vector<256x512xf32> to vector<256x448xf32>
    %concatenate3A_1391 = tpu.concatenate %slice3A_1389, %slice3A_1390 in 1 : vector<256x64xf32>, vector<256x448xf32> -> vector<256x512xf32>
    %broadcast_in_dim3A_1392 = vector.shape_cast %eq3A_1373 : vector<1x512xi1> to vector<1x512xi1>
    %broadcast_in_dim3A_1393 = vector.broadcast %broadcast_in_dim3A_1392 : vector<1x512xi1> to vector<256x512xi1>
    %select_n3A_1394 = arith.select %broadcast_in_dim3A_1393, %concatenate3A_1388, %concatenate3A_1391 : vector<256x512xi1>, vector<256x512xf32>
    %eq3A_1395 = arith.xori %eq3A_1373, %eq3A_1385 : vector<1x512xi1>
    %eq3A_1396 = arith.constant dense<true> : vector<1x512xi1>
    %eq3A_1397 = arith.xori %eq3A_1395, %eq3A_1396 : vector<1x512xi1>
    %min3A_1398 = arith.minimumf %select_n3A_1366, %select_n3A_1394 : vector<256x512xf32>
    %max3A_1399 = arith.maximumf %select_n3A_1366, %select_n3A_1394 : vector<256x512xf32>
    %broadcast_in_dim3A_1400 = vector.shape_cast %eq3A_1397 : vector<1x512xi1> to vector<1x512xi1>
    %broadcast_in_dim3A_1401 = vector.broadcast %broadcast_in_dim3A_1400 : vector<1x512xi1> to vector<256x512xi1>
    %select_n3A_1402 = arith.select %broadcast_in_dim3A_1401, %min3A_1398, %max3A_1399 : vector<256x512xi1>, vector<256x512xf32>
    %iota3A_1403 = tpu.iota {dimensions = array<i32: 1>} : vector<1x512xi32>
    %and3A_1404 = arith.constant 32 : i32
    %and3A_1405 = vector.broadcast %and3A_1404 : i32 to vector<1x512xi32>
    %and3A_1406 = arith.andi %iota3A_1403, %and3A_1405 : vector<1x512xi32>
    %eq3A_1407 = arith.constant 0 : i32
    %eq3A_1408 = vector.broadcast %eq3A_1407 : i32 to vector<1x512xi32>
    %eq3A_1409 = arith.cmpi eq, %and3A_1406, %eq3A_1408 : vector<1x512xi32>
    %and3A_1410 = arith.constant 512 : i32
    %and3A_1411 = vector.broadcast %and3A_1410 : i32 to vector<1x512xi32>
    %and3A_1412 = arith.andi %iota3A_1403, %and3A_1411 : vector<1x512xi32>
    %eq3A_1413 = arith.constant 0 : i32
    %eq3A_1414 = vector.broadcast %eq3A_1413 : i32 to vector<1x512xi32>
    %eq3A_1415 = arith.cmpi eq, %and3A_1412, %eq3A_1414 : vector<1x512xi32>
    %eq3A_1416 = arith.constant true
    %eq3A_1417 = vector.broadcast %eq3A_1416 : i1 to vector<1x512xi1>
    %eq3A_1418 = vector.broadcast %eq3A_1417 : vector<1x512xi1> to vector<1x512xi1>
    %eq3A_1419 = arith.xori %eq3A_1415, %eq3A_1418 : vector<1x512xi1>
    %eq3A_1420 = arith.constant dense<true> : vector<1x512xi1>
    %eq3A_1421 = arith.xori %eq3A_1419, %eq3A_1420 : vector<1x512xi1>
    %slice3A_1422 = vector.extract_strided_slice %select_n3A_1402 {offsets = [0, 32], sizes = [256, 480], strides = [1, 1]} : vector<256x512xf32> to vector<256x480xf32>
    %slice3A_1423 = vector.extract_strided_slice %select_n3A_1402 {offsets = [0, 0], sizes = [256, 32], strides = [1, 1]} : vector<256x512xf32> to vector<256x32xf32>
    %concatenate3A_1424 = tpu.concatenate %slice3A_1422, %slice3A_1423 in 1 : vector<256x480xf32>, vector<256x32xf32> -> vector<256x512xf32>
    %slice3A_1425 = vector.extract_strided_slice %select_n3A_1402 {offsets = [0, 480], sizes = [256, 32], strides = [1, 1]} : vector<256x512xf32> to vector<256x32xf32>
    %slice3A_1426 = vector.extract_strided_slice %select_n3A_1402 {offsets = [0, 0], sizes = [256, 480], strides = [1, 1]} : vector<256x512xf32> to vector<256x480xf32>
    %concatenate3A_1427 = tpu.concatenate %slice3A_1425, %slice3A_1426 in 1 : vector<256x32xf32>, vector<256x480xf32> -> vector<256x512xf32>
    %broadcast_in_dim3A_1428 = vector.shape_cast %eq3A_1409 : vector<1x512xi1> to vector<1x512xi1>
    %broadcast_in_dim3A_1429 = vector.broadcast %broadcast_in_dim3A_1428 : vector<1x512xi1> to vector<256x512xi1>
    %select_n3A_1430 = arith.select %broadcast_in_dim3A_1429, %concatenate3A_1424, %concatenate3A_1427 : vector<256x512xi1>, vector<256x512xf32>
    %eq3A_1431 = arith.xori %eq3A_1409, %eq3A_1421 : vector<1x512xi1>
    %eq3A_1432 = arith.constant dense<true> : vector<1x512xi1>
    %eq3A_1433 = arith.xori %eq3A_1431, %eq3A_1432 : vector<1x512xi1>
    %min3A_1434 = arith.minimumf %select_n3A_1402, %select_n3A_1430 : vector<256x512xf32>
    %max3A_1435 = arith.maximumf %select_n3A_1402, %select_n3A_1430 : vector<256x512xf32>
    %broadcast_in_dim3A_1436 = vector.shape_cast %eq3A_1433 : vector<1x512xi1> to vector<1x512xi1>
    %broadcast_in_dim3A_1437 = vector.broadcast %broadcast_in_dim3A_1436 : vector<1x512xi1> to vector<256x512xi1>
    %select_n3A_1438 = arith.select %broadcast_in_dim3A_1437, %min3A_1434, %max3A_1435 : vector<256x512xi1>, vector<256x512xf32>
    %iota3A_1439 = tpu.iota {dimensions = array<i32: 1>} : vector<1x512xi32>
    %and3A_1440 = arith.constant 16 : i32
    %and3A_1441 = vector.broadcast %and3A_1440 : i32 to vector<1x512xi32>
    %and3A_1442 = arith.andi %iota3A_1439, %and3A_1441 : vector<1x512xi32>
    %eq3A_1443 = arith.constant 0 : i32
    %eq3A_1444 = vector.broadcast %eq3A_1443 : i32 to vector<1x512xi32>
    %eq3A_1445 = arith.cmpi eq, %and3A_1442, %eq3A_1444 : vector<1x512xi32>
    %and3A_1446 = arith.constant 512 : i32
    %and3A_1447 = vector.broadcast %and3A_1446 : i32 to vector<1x512xi32>
    %and3A_1448 = arith.andi %iota3A_1439, %and3A_1447 : vector<1x512xi32>
    %eq3A_1449 = arith.constant 0 : i32
    %eq3A_1450 = vector.broadcast %eq3A_1449 : i32 to vector<1x512xi32>
    %eq3A_1451 = arith.cmpi eq, %and3A_1448, %eq3A_1450 : vector<1x512xi32>
    %eq3A_1452 = arith.constant true
    %eq3A_1453 = vector.broadcast %eq3A_1452 : i1 to vector<1x512xi1>
    %eq3A_1454 = vector.broadcast %eq3A_1453 : vector<1x512xi1> to vector<1x512xi1>
    %eq3A_1455 = arith.xori %eq3A_1451, %eq3A_1454 : vector<1x512xi1>
    %eq3A_1456 = arith.constant dense<true> : vector<1x512xi1>
    %eq3A_1457 = arith.xori %eq3A_1455, %eq3A_1456 : vector<1x512xi1>
    %slice3A_1458 = vector.extract_strided_slice %select_n3A_1438 {offsets = [0, 16], sizes = [256, 496], strides = [1, 1]} : vector<256x512xf32> to vector<256x496xf32>
    %slice3A_1459 = vector.extract_strided_slice %select_n3A_1438 {offsets = [0, 0], sizes = [256, 16], strides = [1, 1]} : vector<256x512xf32> to vector<256x16xf32>
    %concatenate3A_1460 = tpu.concatenate %slice3A_1458, %slice3A_1459 in 1 : vector<256x496xf32>, vector<256x16xf32> -> vector<256x512xf32>
    %slice3A_1461 = vector.extract_strided_slice %select_n3A_1438 {offsets = [0, 496], sizes = [256, 16], strides = [1, 1]} : vector<256x512xf32> to vector<256x16xf32>
    %slice3A_1462 = vector.extract_strided_slice %select_n3A_1438 {offsets = [0, 0], sizes = [256, 496], strides = [1, 1]} : vector<256x512xf32> to vector<256x496xf32>
    %concatenate3A_1463 = tpu.concatenate %slice3A_1461, %slice3A_1462 in 1 : vector<256x16xf32>, vector<256x496xf32> -> vector<256x512xf32>
    %broadcast_in_dim3A_1464 = vector.shape_cast %eq3A_1445 : vector<1x512xi1> to vector<1x512xi1>
    %broadcast_in_dim3A_1465 = vector.broadcast %broadcast_in_dim3A_1464 : vector<1x512xi1> to vector<256x512xi1>
    %select_n3A_1466 = arith.select %broadcast_in_dim3A_1465, %concatenate3A_1460, %concatenate3A_1463 : vector<256x512xi1>, vector<256x512xf32>
    %eq3A_1467 = arith.xori %eq3A_1445, %eq3A_1457 : vector<1x512xi1>
    %eq3A_1468 = arith.constant dense<true> : vector<1x512xi1>
    %eq3A_1469 = arith.xori %eq3A_1467, %eq3A_1468 : vector<1x512xi1>
    %min3A_1470 = arith.minimumf %select_n3A_1438, %select_n3A_1466 : vector<256x512xf32>
    %max3A_1471 = arith.maximumf %select_n3A_1438, %select_n3A_1466 : vector<256x512xf32>
    %broadcast_in_dim3A_1472 = vector.shape_cast %eq3A_1469 : vector<1x512xi1> to vector<1x512xi1>
    %broadcast_in_dim3A_1473 = vector.broadcast %broadcast_in_dim3A_1472 : vector<1x512xi1> to vector<256x512xi1>
    %select_n3A_1474 = arith.select %broadcast_in_dim3A_1473, %min3A_1470, %max3A_1471 : vector<256x512xi1>, vector<256x512xf32>
    %iota3A_1475 = tpu.iota {dimensions = array<i32: 1>} : vector<1x512xi32>
    %and3A_1476 = arith.constant 8 : i32
    %and3A_1477 = vector.broadcast %and3A_1476 : i32 to vector<1x512xi32>
    %and3A_1478 = arith.andi %iota3A_1475, %and3A_1477 : vector<1x512xi32>
    %eq3A_1479 = arith.constant 0 : i32
    %eq3A_1480 = vector.broadcast %eq3A_1479 : i32 to vector<1x512xi32>
    %eq3A_1481 = arith.cmpi eq, %and3A_1478, %eq3A_1480 : vector<1x512xi32>
    %and3A_1482 = arith.constant 512 : i32
    %and3A_1483 = vector.broadcast %and3A_1482 : i32 to vector<1x512xi32>
    %and3A_1484 = arith.andi %iota3A_1475, %and3A_1483 : vector<1x512xi32>
    %eq3A_1485 = arith.constant 0 : i32
    %eq3A_1486 = vector.broadcast %eq3A_1485 : i32 to vector<1x512xi32>
    %eq3A_1487 = arith.cmpi eq, %and3A_1484, %eq3A_1486 : vector<1x512xi32>
    %eq3A_1488 = arith.constant true
    %eq3A_1489 = vector.broadcast %eq3A_1488 : i1 to vector<1x512xi1>
    %eq3A_1490 = vector.broadcast %eq3A_1489 : vector<1x512xi1> to vector<1x512xi1>
    %eq3A_1491 = arith.xori %eq3A_1487, %eq3A_1490 : vector<1x512xi1>
    %eq3A_1492 = arith.constant dense<true> : vector<1x512xi1>
    %eq3A_1493 = arith.xori %eq3A_1491, %eq3A_1492 : vector<1x512xi1>
    %slice3A_1494 = vector.extract_strided_slice %select_n3A_1474 {offsets = [0, 8], sizes = [256, 504], strides = [1, 1]} : vector<256x512xf32> to vector<256x504xf32>
    %slice3A_1495 = vector.extract_strided_slice %select_n3A_1474 {offsets = [0, 0], sizes = [256, 8], strides = [1, 1]} : vector<256x512xf32> to vector<256x8xf32>
    %concatenate3A_1496 = tpu.concatenate %slice3A_1494, %slice3A_1495 in 1 : vector<256x504xf32>, vector<256x8xf32> -> vector<256x512xf32>
    %slice3A_1497 = vector.extract_strided_slice %select_n3A_1474 {offsets = [0, 504], sizes = [256, 8], strides = [1, 1]} : vector<256x512xf32> to vector<256x8xf32>
    %slice3A_1498 = vector.extract_strided_slice %select_n3A_1474 {offsets = [0, 0], sizes = [256, 504], strides = [1, 1]} : vector<256x512xf32> to vector<256x504xf32>
    %concatenate3A_1499 = tpu.concatenate %slice3A_1497, %slice3A_1498 in 1 : vector<256x8xf32>, vector<256x504xf32> -> vector<256x512xf32>
    %broadcast_in_dim3A_1500 = vector.shape_cast %eq3A_1481 : vector<1x512xi1> to vector<1x512xi1>
    %broadcast_in_dim3A_1501 = vector.broadcast %broadcast_in_dim3A_1500 : vector<1x512xi1> to vector<256x512xi1>
    %select_n3A_1502 = arith.select %broadcast_in_dim3A_1501, %concatenate3A_1496, %concatenate3A_1499 : vector<256x512xi1>, vector<256x512xf32>
    %eq3A_1503 = arith.xori %eq3A_1481, %eq3A_1493 : vector<1x512xi1>
    %eq3A_1504 = arith.constant dense<true> : vector<1x512xi1>
    %eq3A_1505 = arith.xori %eq3A_1503, %eq3A_1504 : vector<1x512xi1>
    %min3A_1506 = arith.minimumf %select_n3A_1474, %select_n3A_1502 : vector<256x512xf32>
    %max3A_1507 = arith.maximumf %select_n3A_1474, %select_n3A_1502 : vector<256x512xf32>
    %broadcast_in_dim3A_1508 = vector.shape_cast %eq3A_1505 : vector<1x512xi1> to vector<1x512xi1>
    %broadcast_in_dim3A_1509 = vector.broadcast %broadcast_in_dim3A_1508 : vector<1x512xi1> to vector<256x512xi1>
    %select_n3A_1510 = arith.select %broadcast_in_dim3A_1509, %min3A_1506, %max3A_1507 : vector<256x512xi1>, vector<256x512xf32>
    %iota3A_1511 = tpu.iota {dimensions = array<i32: 1>} : vector<1x512xi32>
    %and3A_1512 = arith.constant 4 : i32
    %and3A_1513 = vector.broadcast %and3A_1512 : i32 to vector<1x512xi32>
    %and3A_1514 = arith.andi %iota3A_1511, %and3A_1513 : vector<1x512xi32>
    %eq3A_1515 = arith.constant 0 : i32
    %eq3A_1516 = vector.broadcast %eq3A_1515 : i32 to vector<1x512xi32>
    %eq3A_1517 = arith.cmpi eq, %and3A_1514, %eq3A_1516 : vector<1x512xi32>
    %and3A_1518 = arith.constant 512 : i32
    %and3A_1519 = vector.broadcast %and3A_1518 : i32 to vector<1x512xi32>
    %and3A_1520 = arith.andi %iota3A_1511, %and3A_1519 : vector<1x512xi32>
    %eq3A_1521 = arith.constant 0 : i32
    %eq3A_1522 = vector.broadcast %eq3A_1521 : i32 to vector<1x512xi32>
    %eq3A_1523 = arith.cmpi eq, %and3A_1520, %eq3A_1522 : vector<1x512xi32>
    %eq3A_1524 = arith.constant true
    %eq3A_1525 = vector.broadcast %eq3A_1524 : i1 to vector<1x512xi1>
    %eq3A_1526 = vector.broadcast %eq3A_1525 : vector<1x512xi1> to vector<1x512xi1>
    %eq3A_1527 = arith.xori %eq3A_1523, %eq3A_1526 : vector<1x512xi1>
    %eq3A_1528 = arith.constant dense<true> : vector<1x512xi1>
    %eq3A_1529 = arith.xori %eq3A_1527, %eq3A_1528 : vector<1x512xi1>
    %slice3A_1530 = vector.extract_strided_slice %select_n3A_1510 {offsets = [0, 4], sizes = [256, 508], strides = [1, 1]} : vector<256x512xf32> to vector<256x508xf32>
    %slice3A_1531 = vector.extract_strided_slice %select_n3A_1510 {offsets = [0, 0], sizes = [256, 4], strides = [1, 1]} : vector<256x512xf32> to vector<256x4xf32>
    %concatenate3A_1532 = tpu.concatenate %slice3A_1530, %slice3A_1531 in 1 : vector<256x508xf32>, vector<256x4xf32> -> vector<256x512xf32>
    %slice3A_1533 = vector.extract_strided_slice %select_n3A_1510 {offsets = [0, 508], sizes = [256, 4], strides = [1, 1]} : vector<256x512xf32> to vector<256x4xf32>
    %slice3A_1534 = vector.extract_strided_slice %select_n3A_1510 {offsets = [0, 0], sizes = [256, 508], strides = [1, 1]} : vector<256x512xf32> to vector<256x508xf32>
    %concatenate3A_1535 = tpu.concatenate %slice3A_1533, %slice3A_1534 in 1 : vector<256x4xf32>, vector<256x508xf32> -> vector<256x512xf32>
    %broadcast_in_dim3A_1536 = vector.shape_cast %eq3A_1517 : vector<1x512xi1> to vector<1x512xi1>
    %broadcast_in_dim3A_1537 = vector.broadcast %broadcast_in_dim3A_1536 : vector<1x512xi1> to vector<256x512xi1>
    %select_n3A_1538 = arith.select %broadcast_in_dim3A_1537, %concatenate3A_1532, %concatenate3A_1535 : vector<256x512xi1>, vector<256x512xf32>
    %eq3A_1539 = arith.xori %eq3A_1517, %eq3A_1529 : vector<1x512xi1>
    %eq3A_1540 = arith.constant dense<true> : vector<1x512xi1>
    %eq3A_1541 = arith.xori %eq3A_1539, %eq3A_1540 : vector<1x512xi1>
    %min3A_1542 = arith.minimumf %select_n3A_1510, %select_n3A_1538 : vector<256x512xf32>
    %max3A_1543 = arith.maximumf %select_n3A_1510, %select_n3A_1538 : vector<256x512xf32>
    %broadcast_in_dim3A_1544 = vector.shape_cast %eq3A_1541 : vector<1x512xi1> to vector<1x512xi1>
    %broadcast_in_dim3A_1545 = vector.broadcast %broadcast_in_dim3A_1544 : vector<1x512xi1> to vector<256x512xi1>
    %select_n3A_1546 = arith.select %broadcast_in_dim3A_1545, %min3A_1542, %max3A_1543 : vector<256x512xi1>, vector<256x512xf32>
    %iota3A_1547 = tpu.iota {dimensions = array<i32: 1>} : vector<1x512xi32>
    %and3A_1548 = arith.constant 2 : i32
    %and3A_1549 = vector.broadcast %and3A_1548 : i32 to vector<1x512xi32>
    %and3A_1550 = arith.andi %iota3A_1547, %and3A_1549 : vector<1x512xi32>
    %eq3A_1551 = arith.constant 0 : i32
    %eq3A_1552 = vector.broadcast %eq3A_1551 : i32 to vector<1x512xi32>
    %eq3A_1553 = arith.cmpi eq, %and3A_1550, %eq3A_1552 : vector<1x512xi32>
    %and3A_1554 = arith.constant 512 : i32
    %and3A_1555 = vector.broadcast %and3A_1554 : i32 to vector<1x512xi32>
    %and3A_1556 = arith.andi %iota3A_1547, %and3A_1555 : vector<1x512xi32>
    %eq3A_1557 = arith.constant 0 : i32
    %eq3A_1558 = vector.broadcast %eq3A_1557 : i32 to vector<1x512xi32>
    %eq3A_1559 = arith.cmpi eq, %and3A_1556, %eq3A_1558 : vector<1x512xi32>
    %eq3A_1560 = arith.constant true
    %eq3A_1561 = vector.broadcast %eq3A_1560 : i1 to vector<1x512xi1>
    %eq3A_1562 = vector.broadcast %eq3A_1561 : vector<1x512xi1> to vector<1x512xi1>
    %eq3A_1563 = arith.xori %eq3A_1559, %eq3A_1562 : vector<1x512xi1>
    %eq3A_1564 = arith.constant dense<true> : vector<1x512xi1>
    %eq3A_1565 = arith.xori %eq3A_1563, %eq3A_1564 : vector<1x512xi1>
    %slice3A_1566 = vector.extract_strided_slice %select_n3A_1546 {offsets = [0, 2], sizes = [256, 510], strides = [1, 1]} : vector<256x512xf32> to vector<256x510xf32>
    %slice3A_1567 = vector.extract_strided_slice %select_n3A_1546 {offsets = [0, 0], sizes = [256, 2], strides = [1, 1]} : vector<256x512xf32> to vector<256x2xf32>
    %concatenate3A_1568 = tpu.concatenate %slice3A_1566, %slice3A_1567 in 1 : vector<256x510xf32>, vector<256x2xf32> -> vector<256x512xf32>
    %slice3A_1569 = vector.extract_strided_slice %select_n3A_1546 {offsets = [0, 510], sizes = [256, 2], strides = [1, 1]} : vector<256x512xf32> to vector<256x2xf32>
    %slice3A_1570 = vector.extract_strided_slice %select_n3A_1546 {offsets = [0, 0], sizes = [256, 510], strides = [1, 1]} : vector<256x512xf32> to vector<256x510xf32>
    %concatenate3A_1571 = tpu.concatenate %slice3A_1569, %slice3A_1570 in 1 : vector<256x2xf32>, vector<256x510xf32> -> vector<256x512xf32>
    %broadcast_in_dim3A_1572 = vector.shape_cast %eq3A_1553 : vector<1x512xi1> to vector<1x512xi1>
    %broadcast_in_dim3A_1573 = vector.broadcast %broadcast_in_dim3A_1572 : vector<1x512xi1> to vector<256x512xi1>
    %select_n3A_1574 = arith.select %broadcast_in_dim3A_1573, %concatenate3A_1568, %concatenate3A_1571 : vector<256x512xi1>, vector<256x512xf32>
    %eq3A_1575 = arith.xori %eq3A_1553, %eq3A_1565 : vector<1x512xi1>
    %eq3A_1576 = arith.constant dense<true> : vector<1x512xi1>
    %eq3A_1577 = arith.xori %eq3A_1575, %eq3A_1576 : vector<1x512xi1>
    %min3A_1578 = arith.minimumf %select_n3A_1546, %select_n3A_1574 : vector<256x512xf32>
    %max3A_1579 = arith.maximumf %select_n3A_1546, %select_n3A_1574 : vector<256x512xf32>
    %broadcast_in_dim3A_1580 = vector.shape_cast %eq3A_1577 : vector<1x512xi1> to vector<1x512xi1>
    %broadcast_in_dim3A_1581 = vector.broadcast %broadcast_in_dim3A_1580 : vector<1x512xi1> to vector<256x512xi1>
    %select_n3A_1582 = arith.select %broadcast_in_dim3A_1581, %min3A_1578, %max3A_1579 : vector<256x512xi1>, vector<256x512xf32>
    %iota3A_1583 = tpu.iota {dimensions = array<i32: 1>} : vector<1x512xi32>
    %and3A_1584 = arith.constant 1 : i32
    %and3A_1585 = vector.broadcast %and3A_1584 : i32 to vector<1x512xi32>
    %and3A_1586 = arith.andi %iota3A_1583, %and3A_1585 : vector<1x512xi32>
    %eq3A_1587 = arith.constant 0 : i32
    %eq3A_1588 = vector.broadcast %eq3A_1587 : i32 to vector<1x512xi32>
    %eq3A_1589 = arith.cmpi eq, %and3A_1586, %eq3A_1588 : vector<1x512xi32>
    %and3A_1590 = arith.constant 512 : i32
    %and3A_1591 = vector.broadcast %and3A_1590 : i32 to vector<1x512xi32>
    %and3A_1592 = arith.andi %iota3A_1583, %and3A_1591 : vector<1x512xi32>
    %eq3A_1593 = arith.constant 0 : i32
    %eq3A_1594 = vector.broadcast %eq3A_1593 : i32 to vector<1x512xi32>
    %eq3A_1595 = arith.cmpi eq, %and3A_1592, %eq3A_1594 : vector<1x512xi32>
    %eq3A_1596 = arith.constant true
    %eq3A_1597 = vector.broadcast %eq3A_1596 : i1 to vector<1x512xi1>
    %eq3A_1598 = vector.broadcast %eq3A_1597 : vector<1x512xi1> to vector<1x512xi1>
    %eq3A_1599 = arith.xori %eq3A_1595, %eq3A_1598 : vector<1x512xi1>
    %eq3A_1600 = arith.constant dense<true> : vector<1x512xi1>
    %eq3A_1601 = arith.xori %eq3A_1599, %eq3A_1600 : vector<1x512xi1>
    %slice3A_1602 = vector.extract_strided_slice %select_n3A_1582 {offsets = [0, 1], sizes = [256, 511], strides = [1, 1]} : vector<256x512xf32> to vector<256x511xf32>
    %slice3A_1603 = vector.extract_strided_slice %select_n3A_1582 {offsets = [0, 0], sizes = [256, 1], strides = [1, 1]} : vector<256x512xf32> to vector<256x1xf32>
    %concatenate3A_1604 = tpu.concatenate %slice3A_1602, %slice3A_1603 in 1 : vector<256x511xf32>, vector<256x1xf32> -> vector<256x512xf32>
    %slice3A_1605 = vector.extract_strided_slice %select_n3A_1582 {offsets = [0, 511], sizes = [256, 1], strides = [1, 1]} : vector<256x512xf32> to vector<256x1xf32>
    %slice3A_1606 = vector.extract_strided_slice %select_n3A_1582 {offsets = [0, 0], sizes = [256, 511], strides = [1, 1]} : vector<256x512xf32> to vector<256x511xf32>
    %concatenate3A_1607 = tpu.concatenate %slice3A_1605, %slice3A_1606 in 1 : vector<256x1xf32>, vector<256x511xf32> -> vector<256x512xf32>
    %broadcast_in_dim3A_1608 = vector.shape_cast %eq3A_1589 : vector<1x512xi1> to vector<1x512xi1>
    %broadcast_in_dim3A_1609 = vector.broadcast %broadcast_in_dim3A_1608 : vector<1x512xi1> to vector<256x512xi1>
    %select_n3A_1610 = arith.select %broadcast_in_dim3A_1609, %concatenate3A_1604, %concatenate3A_1607 : vector<256x512xi1>, vector<256x512xf32>
    %eq3A_1611 = arith.xori %eq3A_1589, %eq3A_1601 : vector<1x512xi1>
    %eq3A_1612 = arith.constant dense<true> : vector<1x512xi1>
    %eq3A_1613 = arith.xori %eq3A_1611, %eq3A_1612 : vector<1x512xi1>
    %min3A_1614 = arith.minimumf %select_n3A_1582, %select_n3A_1610 : vector<256x512xf32>
    %max3A_1615 = arith.maximumf %select_n3A_1582, %select_n3A_1610 : vector<256x512xf32>
    %broadcast_in_dim3A_1616 = vector.shape_cast %eq3A_1613 : vector<1x512xi1> to vector<1x512xi1>
    %broadcast_in_dim3A_1617 = vector.broadcast %broadcast_in_dim3A_1616 : vector<1x512xi1> to vector<256x512xi1>
    %select_n3A_1618 = arith.select %broadcast_in_dim3A_1617, %min3A_1614, %max3A_1615 : vector<256x512xi1>, vector<256x512xf32>
    %slice3A_1619 = vector.extract_strided_slice %select_n3A_1618 {offsets = [0, 0], sizes = [256, 384], strides = [1, 1]} : vector<256x512xf32> to vector<256x384xf32>
    %swap3A = arith.constant 0 : index
    %swap3A_1620 = arith.constant 0 : index
    %swap3A_1621 = vector.load %arg5[%swap3A, %swap3A_1620] : memref<256x384xf32, #tpu.memory_space<vmem>>, vector<256x384xf32>
    tpu.vector_store %arg5[%swap3A, %swap3A_1620], %slice3A_1619 {strides = array<i32>} : memref<256x384xf32, #tpu.memory_space<vmem>>, vector<256x384xf32>,
    %get3A_1622 = arith.constant 0 : index
    %get3A_1623 = arith.constant 0 : index
    %get3A_1624 = vector.load %arg1[%get3A_1622, %get3A_1623] : memref<256x3xf32, #tpu.memory_space<vmem>>, vector<256x1xf32>
    %get3A_1625 = arith.constant 0 : index
    %get3A_1626 = arith.constant 0 : index
    %get3A_1627 = vector.load %arg2[%get3A_1625, %get3A_1626] : memref<256x3xf32, #tpu.memory_space<vmem>>, vector<256x1xf32>
    %mul3A = vector.broadcast %get3A_1627 : vector<256x1xf32> to vector<256x384xf32>
    %mul3A_1628 = arith.mulf %mul3A, %slice3A_1619 : vector<256x384xf32>
    %add3A = vector.broadcast %get3A_1624 : vector<256x1xf32> to vector<256x384xf32>
    %add3A_1629 = arith.addf %add3A, %mul3A_1628 : vector<256x384xf32>
    %swap3A_1630 = arith.constant 0 : index
    %swap3A_1631 = arith.constant 0 : index
    %swap3A_1632 = vector.load %arg6[%swap3A_1630, %swap3A_1631] : memref<256x384xf32, #tpu.memory_space<vmem>>, vector<256x384xf32>
    tpu.vector_store %arg6[%swap3A_1630, %swap3A_1631], %add3A_1629 {strides = array<i32>} : memref<256x384xf32, #tpu.memory_space<vmem>>, vector<256x384xf32>,
    %get3A_1633 = arith.constant 0 : index
    %get3A_1634 = arith.constant 1 : index
    %get3A_1635 = vector.load %arg1[%get3A_1633, %get3A_1634] : memref<256x3xf32, #tpu.memory_space<vmem>>, vector<256x1xf32>
    %get3A_1636 = arith.constant 0 : index
    %get3A_1637 = arith.constant 1 : index
    %get3A_1638 = vector.load %arg2[%get3A_1636, %get3A_1637] : memref<256x3xf32, #tpu.memory_space<vmem>>, vector<256x1xf32>
    %mul3A_1639 = vector.broadcast %get3A_1638 : vector<256x1xf32> to vector<256x384xf32>
    %mul3A_1640 = arith.mulf %mul3A_1639, %slice3A_1619 : vector<256x384xf32>
    %add3A_1641 = vector.broadcast %get3A_1635 : vector<256x1xf32> to vector<256x384xf32>
    %add3A_1642 = arith.addf %add3A_1641, %mul3A_1640 : vector<256x384xf32>
    %swap3A_1643 = arith.constant 0 : index
    %swap3A_1644 = arith.constant 0 : index
    %swap3A_1645 = vector.load %arg7[%swap3A_1643, %swap3A_1644] : memref<256x384xf32, #tpu.memory_space<vmem>>, vector<256x384xf32>
    tpu.vector_store %arg7[%swap3A_1643, %swap3A_1644], %add3A_1642 {strides = array<i32>} : memref<256x384xf32, #tpu.memory_space<vmem>>, vector<256x384xf32>,
    %get3A_1646 = arith.constant 0 : index
    %get3A_1647 = arith.constant 2 : index
    %get3A_1648 = vector.load %arg1[%get3A_1646, %get3A_1647] : memref<256x3xf32, #tpu.memory_space<vmem>>, vector<256x1xf32>
    %get3A_1649 = arith.constant 0 : index
    %get3A_1650 = arith.constant 2 : index
    %get3A_1651 = vector.load %arg2[%get3A_1649, %get3A_1650] : memref<256x3xf32, #tpu.memory_space<vmem>>, vector<256x1xf32>
    %mul3A_1652 = vector.broadcast %get3A_1651 : vector<256x1xf32> to vector<256x384xf32>
    %mul3A_1653 = arith.mulf %mul3A_1652, %slice3A_1619 : vector<256x384xf32>
    %add3A_1654 = vector.broadcast %get3A_1648 : vector<256x1xf32> to vector<256x384xf32>
    %add3A_1655 = arith.addf %add3A_1654, %mul3A_1653 : vector<256x384xf32>
    %swap3A_1656 = arith.constant 0 : index
    %swap3A_1657 = arith.constant 0 : index
    %swap3A_1658 = vector.load %arg8[%swap3A_1656, %swap3A_1657] : memref<256x384xf32, #tpu.memory_space<vmem>>, vector<256x384xf32>
    tpu.vector_store %arg8[%swap3A_1656, %swap3A_1657], %add3A_1655 {strides = array<i32>} : memref<256x384xf32, #tpu.memory_space<vmem>>, vector<256x384xf32>,
    return
  }
  func.func @transform_0(%arg0: i32) -> (i32, i32) {
    %c0_i32 = arith.constant 0 : i32
    %c0_i32_0 = arith.constant 0 : i32
    return %arg0, %c0_i32 : i32, i32
  }
  func.func @transform_1(%arg0: i32) -> (i32, i32) {
    %c0_i32 = arith.constant 0 : i32
    %c0_i32_0 = arith.constant 0 : i32
    return %arg0, %c0_i32 : i32, i32
  }
  func.func @transform_2(%arg0: i32) -> (i32, i32) {
    %c0_i32 = arith.constant 0 : i32
    %c0_i32_0 = arith.constant 0 : i32
    return %arg0, %c0_i32 : i32, i32
  }
  func.func @transform_3(%arg0: i32) -> (i32, i32) {
    %c0_i32 = arith.constant 0 : i32
    %c0_i32_0 = arith.constant 0 : i32
    return %arg0, %c0_i32 : i32, i32
  }
  func.func @transform_4(%arg0: i32) -> (i32, i32) {
    %c0_i32 = arith.constant 0 : i32
    %c0_i32_0 = arith.constant 0 : i32
    return %arg0, %c0_i32 : i32, i32
  }
  func.func @transform_5(%arg0: i32) -> (i32, i32) {
    %c0_i32 = arith.constant 0 : i32
    %c0_i32_0 = arith.constant 0 : i32
    return %arg0, %c0_i32 : i32, i32
  }
  func.func @transform_6(%arg0: i32) -> (i32, i32) {
    %c0_i32 = arith.constant 0 : i32
    %c0_i32_0 = arith.constant 0 : i32
    return %arg0, %c0_i32 : i32, i32
  }
  func.func @transform_7(%arg0: i32) -> (i32, i32) {
    %c0_i32 = arith.constant 0 : i32
    %c0_i32_0 = arith.constant 0 : i32
    return %arg0, %c0_i32 : i32, i32
  }
}

</mosaic_0001>

<sc_bundles>
// kernel: kernel.4.cloned.1.call-start
scs
__scs_entry_jumppad:
0x0: {  	(pc) =	sbr.rel $0x88, $3  }
0x1: {  	(tag) =	ssettag $0x0;
	lr =	simm.s32 $0x1  }
0x2: {  	[smem:$0x3F9B] =	sst lr;
	_ =	strace $0xD0000000  }
0x3: {  	_ = 	snop  }
0x4: {  	_ = 	snop  }
0x5: {  	_ = 	snop  }
0x6: {  	_ = 	snop  }
0x7: {  	_ = 	snop  }
__scs_overlays_trampoline_lowered:
0x8: {  	[smem:$0x3FAA] =	sst s0  }
0x9: {  	[smem:$0x3FAB] =	sst s1  }
0xa: {  	[smem:$0x3FAC] =	sst s2  }
0xb: {  	[smem:$0x3FAD] =	sst s3  }
0xc: {  	[smem:$0x3FAE] =	sst s4  }
0xd: {  	[smem:$0x3FAF] =	sst s5  }
0xe: {  	[smem:$0x3FB0] =	sst s6  }
0xf: {  	[smem:$0x3FB1] =	sst s7  }
0x10: {  	[smem:$0x3FB2] =	sst s8  }
0x11: {  	[smem:$0x3FB3] =	sst s9;
	s0 =	simm.s32 @!p0 $0x0  }
0x12: {  	s1 =	sld [smem:$0x3F99];
	s0 =	simm.s32 @p0 $0x1  }
0x13: {  	[smem:$0x3FB4] =	sst s0;
	s0 =	simm.s32 @!p1 $0x0  }
0x14: {  	s2 =	sld [smem:$0x3F98];
	s0 =	simm.s32 @p1 $0x1  }
0x15: {  	[smem:$0x3FB5] =	sst s0;
	s0 =	simm.s32 @!p2 $0x0  }
0x16: {  	s3 =	sld [smem:$0x3FDB];
	s0 =	simm.s32 @p2 $0x1  }
0x17: {  	s4 =	simm.s32 $0x1BF5;
	[smem:$0x3FB7] =	sst s0  }
0x18: {  	s0 =	sld [smem:$0x3F9A];
	_ =	swait.ge [sflag:s4], $0x0  }
0x19: {  	s7 =	sld [smem:$0x3F9B]  }
0x1a: {  	s8 =	sadd.s32 $0xFFFFE003, lr  }
0x1b: {  	s9 =	sadd.s32 $0xFFFFFEF7, lr;
	s5 =	simm.s32 $0xFFFFFFFF;
	p2 =	slt.u32 s8, $0xFFFFF086  }
0x1c: {  	p1 =	slt.u32 s9, $0xF7A;
	s5 =	simm.s32 @!p2 $0x0  }
0x1d: {  	s5 =	simm.s32 @p1 $0x1;
	p0 =	seq.s32 s7, s2  }
0x1e: {  	s7 =	smul.u32 @!p0 $0xF7A, s2;
	p2 =	seq.s32 @!p0 s5, $0x0  }
0x1f: {  	s9 =	smul.u32 $0xF7A, s1;
	s8 =	simm.s32 @!p0 $0x1BF5;
	p2 =	por !p2, p0  }
0x20: {  	[sflag:s8] =	ssyncset.s32 @!p0 $0xFFFFF086;
	s6 =	sadd.s32 @!p0 s3, s7;
	s7 =	simm.s32 @!p0 $0x108  }
0x21: {  	s3 =	sadd.s32 s3, s9;
	s6 =	sadd.s32 @!p0 $0x88, s6;
	s7 =	simm.s32 @p2 $0x1082  }
0x22: {  	[simem:s7], [sflag:s8] =	dma.local @!p0 [hbm:s6], $0xF7A  }
0x23: {  	s9 =	sor.u32 $0xD0000000, s2;
	s6 =	simm.s32 $0x108;
	_ =	swait.ge @!p0 [sflag:s8], $0x0  }
0x24: {  	s3 =	sadd.s32 $0x88, s3;
	s6 =	simm.s32 @!p1 $0x1082;
	[sflag:s4] =	ssyncset.s32 $0xFFFFF086  }
0x25: {  	[simem:s6], [sflag:s4] =	dma.local [hbm:s3], $0xF7A  }
0x26: {  	[smem:$0x3F9B] =	sst s1;
	(tag) =	ssettag s2;
	_ =	strace s9  }
0x27: {  	s1 =	sld [smem:$0x3FAB]  }
0x28: {  	s2 =	sld [smem:$0x3FAC]  }
0x29: {  	s4 =	sld [smem:$0x3FAE]  }
0x2a: {  	p0 =	seq.s32 s5, $0x0;
	s5 =	sld [smem:$0x3FAF]  }
0x2b: {  	s6 =	sld [smem:$0x3FB0]  }
0x2c: {  	s7 =	sld [smem:$0x3FB1]  }
0x2d: {  	s3 =	simm.s32 $0x108;
	s8 =	sld [smem:$0x3FB2]  }
0x2e: {  	s3 =	simm.s32 @!p0 $0x1082;
	s9 =	sld [smem:$0x3FB3]  }
0x2f: {  	lr =	sadd.s32 s0, s3;
	s0 =	sld [smem:$0x3FAA]  }
0x30: {  	s3 =	sld [smem:$0x3FAD]  }
0x31: {  	[smem:$0x3FB6] =	sst s10  }
0x32: {  	s10 =	sld [smem:$0x3FB4];
	_ =	sdelay $0x3  }
0x33: {  	p0 =	seq.s32 s10, $0x1;
	s10 =	sld [smem:$0x3FB6];
	_ =	sdelay $0x3  }
0x34: {  	[smem:$0x3FB6] =	sst s10  }
0x35: {  	s10 =	sld [smem:$0x3FB5];
	_ =	sdelay $0x3  }
0x36: {  	p1 =	seq.s32 s10, $0x1;
	s10 =	sld [smem:$0x3FB6];
	_ =	sdelay $0x3  }
0x37: {  	[smem:$0x3FB6] =	sst s10  }
0x38: {  	s10 =	sld [smem:$0x3FB7]  }
0x39: {  	_ = 	snop;
	(pc) =	sbr.ind lr, $3  }
0x3a: {  	_ = 	snop  }
0x3b: {  	_ = 	snop  }
0x3c: {  	p2 =	seq.s32 s10, $0x1;
	s10 =	sld [smem:$0x3FB6]  }
0x3d: {  	_ =	shalt  }
0x3e: {  	_ =	shalt  }
0x3f: {  	_ =	shalt  }
0x40: {  	_ =	shalt  }
0x41: {  	_ =	shalt  }
0x42: {  	_ =	shalt  }
0x43: {  	_ =	shalt  }
0x44: {  	_ =	shalt  }
0x45: {  	_ =	shalt  }
0x46: {  	_ =	shalt  }
0x47: {  	_ =	shalt  }
0x48: {  	_ =	shalt  }
0x49: {  	_ =	shalt  }
0x4a: {  	_ =	shalt  }
0x4b: {  	_ =	shalt  }
0x4c: {  	_ =	shalt  }
0x4d: {  	_ =	shalt  }
0x4e: {  	_ =	shalt  }
0x4f: {  	_ =	shalt  }
0x50: {  	_ =	shalt  }
0x51: {  	_ =	shalt  }
0x52: {  	_ =	shalt  }
0x53: {  	_ =	shalt  }
0x54: {  	_ =	shalt  }
0x55: {  	_ =	shalt  }
0x56: {  	_ =	shalt  }
0x57: {  	_ =	shalt  }
0x58: {  	_ =	shalt  }
0x59: {  	_ =	shalt  }
0x5a: {  	_ =	shalt  }
0x5b: {  	_ =	shalt  }
0x5c: {  	_ =	shalt  }
0x5d: {  	_ =	shalt  }
0x5e: {  	_ =	shalt  }
0x5f: {  	_ =	shalt  }
0x60: {  	_ =	shalt  }
0x61: {  	_ =	shalt  }
0x62: {  	_ =	shalt  }
0x63: {  	_ =	shalt  }
0x64: {  	_ =	shalt  }
0x65: {  	_ =	shalt  }
0x66: {  	_ =	shalt  }
0x67: {  	_ =	shalt  }
0x68: {  	_ =	shalt  }
0x69: {  	_ =	shalt  }
0x6a: {  	_ =	shalt  }
0x6b: {  	_ =	shalt  }
0x6c: {  	_ =	shalt  }
0x6d: {  	_ =	shalt  }
0x6e: {  	_ =	shalt  }
0x6f: {  	_ =	shalt  }
0x70: {  	_ =	shalt  }
0x71: {  	_ =	shalt  }
0x72: {  	_ =	shalt  }
0x73: {  	_ =	shalt  }
0x74: {  	_ =	shalt  }
0x75: {  	_ =	shalt  }
0x76: {  	_ =	shalt  }
0x77: {  	_ =	shalt  }
0x78: {  	_ =	shalt  }
0x79: {  	_ =	shalt  }
0x7a: {  	_ =	shalt  }
0x7b: {  	_ =	shalt  }
0x7c: {  	_ =	shalt  }
0x7d: {  	_ =	shalt  }
0x7e: {  	_ =	shalt  }
0x7f: {  	_ =	shalt  }
0x80: {  	_ =	shalt  }
0x81: {  	_ =	shalt  }
0x82: {  	_ =	shalt  }
0x83: {  	_ =	shalt  }
0x84: {  	_ =	shalt  }
0x85: {  	_ =	shalt  }
0x86: {  	_ =	shalt  }
0x87: {  	_ =	shalt  }
.Lfunc_end0:
.L_simem_size_0:
called_computation_lowered:
.L_overlay_start_0:
0x88: {  	s2 =	sld [smem:$0x3FD9]  }
0x89: {  	s3 =	sld [smem:$0x3FFE];
	_ =	sdelay $0x1  }
0x8a: {  	s1 =	srdreg.scid  }
0x8b: {  	s0 =	sand.u32 $0x1, s1  }
0x8c: {  	s15 =	sshll.u32 s0, $0xA;
	s2 =	sadd.s32 s3, s2  }
0x8d: {  	s2 =	sadd.s32 s2, s15  }
0x8e: {  	[smem:$0x3FC2] =	sst s2  }
0x8f: {  	_ = 	snop  }
0x90: {  	s2 =	sld [smem:$0x3FD0]  }
0x91: {  	s16 =	sld [smem:$0x3FC7]  }
0x92: {  	s4 =	sld [smem:$0x3FC5]  }
0x93: {  	s6 =	simm.s32 $0xA;
	s7 =	simm.s32 $0x10;
	s5 =	sld [smem:$0x3FC4]  }
0x94: {  	[smem:s7], [sflag:s6] =	dma.local [hbm:s2], $0x1  }
0x95: {  	_ =	swait.eq [sflag:s6], $0x1  }
0x96: {  	[sflag:s6] =	ssyncset.done $0x0  }
0x97: {  	[sflag:s6] =	ssyncadd.s32 $0xFFFFFFFF  }
0x98: {  	s17 =	sld [smem:$0x10];
	(tm) =	ssettm $0x1  }
0x99: {  	s18 =	sld [smem:$0x3FFB];
	_ =	sdelay $0x3  }
0x9a: {  	_ =	strace s18  }
0x9b: {  	s6 =	sld [smem:$0x3FFC];
	_ =	sdelay $0x3  }
0x9c: {  	_ =	strace s6  }
0x9d: {  	s6 =	sld [smem:$0x3FFD];
	_ =	sdelay $0x3  }
0x9e: {  	_ =	strace s6  }
0x9f: {  	_ =	strace $0x8FFFFFFF  }
0xa0: {  	s19 =	sld [smem:$0x3FDB];
	_ =	sdelay $0x1  }
0xa1: {  	s20 =	simm.s32 $_scs_section_size  }
0xa2: {  	s8 =	simm.s32 $_size__tile_overlayer_lowered;
	s9 =	simm.s32 $_tile_overlayer_lowered  }
0xa3: {  	s23 =	simm.s32 $0x1BFF;
	s22 =	sshll.u32 s9, $0x1;
	s6 =	sadd.s32 s20, s19  }
0xa4: {  	s10 =	simm.s32 $0x0;
	s21 =	sshll.u32 s8, $0x1;
	s8 =	sadd.s32 s22, s6  }
0xa5: {  	[timem:s10], [sflag:s23] =	dma.local [hbm:s8], s21  }
0xa6: {  	_ =	swait.ge [sflag:s23], s21  }
0xa7: {  	s7 =	ssub.s32 $0x0, s21;
	[sflag:s23] =	ssyncset.done $0x0  }
0xa8: {  	[sflag:s23] =	ssyncadd.s32 s7;
	_ =	sdelay $0x1  }
0xa9: {  	s24 =	simm.s32 $0x1B8B  }
0xaa: {  	_ =	swait.ge [sflag:s24], $0x1  }
0xab: {  	[sflag:s24] =	ssyncset.done $0x0  }
0xac: {  	s25 =	simm.s32 $0x1B8E;
	[sflag:s24] =	ssyncadd.s32 $0xFFFFFFFF  }
0xad: {  	s26 =	simm.s32 $execute0_lowered;
	[smem:$0x3FD2] =	sst s25  }
0xae: {  	s7 =	sshll.u32 s26, $0x1;
	_ =	strace $0x80000046;
	[dreg:$0x1] =	wrdreg $0xFFFFFFFF  }
0xaf: {  	s28 =	simm.s32 $_size_execute0_lowered;
	s6 =	sadd.s32 s6, s7;
	[dreg:$0x0] =	wrdreg $0x0  }
0xb0: {  	s7 =	sshll.u32 s28, $0x1;
	[dreg:$0x2] =	wrdreg s6  }
0xb1: {  	[dreg:$0x3] =	wrdreg s7  }
0xb2: {  	[dreg:$0x4] =	wrdreg $0xC0  }
0xb3: {  	_ =	task [dreg:s10], $0x5FFFF  }
0xb4: {  	[dreg:$0x1] =	wrdreg $0xFFFFFFFF  }
0xb5: {  	[dreg:$0x0] =	wrdreg $0x60  }
0xb6: {  	[dreg:$0x2] =	wrdreg s16  }
0xb7: {  	[dreg:$0x3] =	wrdreg s4  }
0xb8: {  	[dreg:$0x4] =	wrdreg s5  }
0xb9: {  	[dreg:$0x5] =	wrdreg s17  }
0xba: {  	[dreg:$0x6] =	wrdreg $0x9  }
0xbb: {  	_ =	task.clear_ibuf [dreg:s10], $0x7FFFF;
	_ =	strace $0x90000046  }
0xbc: {  	s29 =	simm.s32 $0x9;
	_ =	strace $0x80000048  }
0xbd: {  	_ =	swait.ge [sflag:s29], $0x1  }
0xbe: {  	[sflag:s29] =	ssyncadd.s32 $0xFFFFFFFF  }
0xbf: {  	_ =	strace $0x90000048  }
0xc0: {  	_ =	sfence  }
0xc1: {  	s30 =	sld [smem:$0x0];
	_ =	sdelay $0x2  }
0xc2: {  	s31 =	sshll.u32 s1, $0xD;
	s1 =	sshrl.u32 s1, $0x2  }
0xc3: {  	s3 =	sand.u32 $0x4000, s31;
	s1 =	sadd.s32 s1, s30  }
0xc4: {  	s0 =	sor.u32 s3, s0;
	s1 =	sshll.u32 s1, $0x11  }
0xc5: {  	s0 =	sor.u32 s1, s0  }
0xc6: {  	s0 =	sadd.s32 $0x8F2B, s0  }
0xc7: {  	[sflag:s0] =	ssyncadd.remote.s32 $0x1  }
0xc8: {  	_ =	sfence.sel $0xFFFF  }
0xc9: {  	[dreg:$0x0] =	wrdreg $0xFFFFFFFF;
	(pc) =	sbr.abs _section_cstart, $3  }
0xca: {  	[dreg:$0x1] =	wrdreg $0xFFFFFFFF  }
0xcb: {  	_ =	task.clear_ibuf [dreg:s10], $0x2FFFF;
	_ =	strace $0x9FFFFFFF  }
0xcc: {  	(tm) =	ssettm $0x7FFFFFFF  }
0xcd: {  	_ =	shalt  }
tec
execute0_lowered:
.L_overlay_start_1:
0x0: {  	(tag) =	ssettag $0x1  }
0x1: {  	v0 =	vlaneseq.u32;
	v4 =	vimm.s32 $0x7C7B7A79;
	v5 =	vimm.s32 $0x74737271  }
0x2: {  	v6 =	vimm.s32 $0x78777675;
	vm0 =	vcmask $0x1F10;
	v11 =	vimm.s32 $0x1  }
0x3: {  	v1 =	vadd.s32 $0x1, v0;
	v2 =	vadd.s32 $0x11, v0;
	v3 =	vadd.s32 $0x21, v0  }
0x4: {  	s0 =	rddreg [dreg:$0x0];
	v7 =	vunpack.c.0.s8.s32 v4;
	v4 =	vimm.s32 $0x7F7F7E7D;
	v9 =	vunpack.c.0.s8.s32 v5  }
0x5: {  	s1 =	rddreg [dreg:$0x1];
	v10 =	vunpack.c.0.s8.s32 v6;
	v5 =	vadd.s32 $0x41, v0;
	v6 =	vadd.s32 $0x51, v0  }
0x6: {  	s2 =	rddreg [dreg:$0x2];
	v12 =	vor.u32 $0x10, v0;
	v13 =	vor.u32 $0x20, v0;
	v14 =	vor.u32 $0x30, v0  }
0x7: {  	s3 =	srdreg.scid;
	s4 =	rddreg [dreg:$0x3];
	s5 =	simm.s32 $0x0;
	v15 =	vor.u32 $0x40, v0;
	v16 =	vor.u32 $0x50, v0;
	v17 =	vor.u32 $0x60, v0  }
0x8: {  	s6 =	stileid.u32;
	s10 =	simm.s32 $0x400;
	s11 =	simm.s32 $0x800;
	v18 =	vor.u32 $0x70, v0;
	v19 =	vor.u32 $0x400, v0;
	v20 =	vor.u32 $0x410, v0  }
0x9: {  	s12 =	simm.s32 $0x1000;
	s13 =	simm.s32 $0x1080;
	s7 =	sand.u32 $0x1, s3;
	v21 =	vor.u32 $0x420, v0;
	v22 =	vor.u32 $0x430, v0;
	v23 =	vor.u32 $0x440, v0  }
0xa: {  	s14 =	simm.s32 $0x0;
	s3 =	rddreg [dreg:$0x4];
	v24 =	vor.u32 $0x450, v0;
	v25 =	vor.u32 $0x460, v0;
	v8 =	vunpack.c.0.s8.s32 v4;
	s8 =	ssub.s32 $0x2, s7  }
0xb: {  	[smem:$0x7FF] =	sst s5;
	s31 =	sshll.u32 s6, $0x7;
	v26 =	vor.u32 $0x470, v0;
	v4 =	vadd.s32 $0x31, v0;
	v9 =	vsel vm0, v10, v9;
	s9 =	sshrl.u32 s8, $0x1  }
0xc: {  	s7 =	sshll.u32 s7, $0x6;
	_ =	strace $0x80000047;
	v10 =	vimm.s32 $0x0;
	v8 =	vsel vm0, v8, v7;
	v7 =	vadd.s32 $0x61, v0;
	s8 =	ssub.s32 s8, s9  }
0xd: {  	s7 =	sor.u32 s7, s31;
	vm0 =	vmmov $0x3fff;
	s9 =	simm.s32 $0x1;
	v8 =	vcombine.low v9, v8;
	v9 =	vimm.s32 $0x3F;
	s8 =	smax.u32 s8, $0x1  }
.LBB2_1:
0xe: {  	s15 =	simm.s32 $0x0  }
.LBB2_2:
0xf: {  	s17 =	sadd.s32 s7, s15  }
0x10: {  	s18 =	sshll.u32 s17, $0x7  }
0x11: {  	s16 =	simm.s32 $0x0;
	s19 =	sadd.s32 s0, s18  }
0x12: {  	[tilespmem:s16], [sflag:$0x1] =	stream.linear.gather [hbm4b:s19+s16], $0x400, $0x38;
	[tilespmem:$0x1880] =	vst v63  }
0x13: {  	_ =	swait.ge [sflag:s9], $0x400  }
0x14: {  	[sflag:s9] =	ssyncset.done $0x0  }
0x15: {  	s18 =	sadd.s32 s1, s18;
	[sflag:s9] =	ssyncadd.s32 $0xFFFFFC00  }
0x16: {  	[tilespmem:s10], [sflag:$0x1] =	stream.linear.gather [hbm4b:s18+s16], $0x400, $0x38;
	[tilespmem:$0x1880] =	vst v63  }
0x17: {  	_ =	swait.ge [sflag:s9], $0x400  }
0x18: {  	s17 =	sshll.u32 s17, $0x8;
	[sflag:s9] =	ssyncset.done $0x0  }
0x19: {  	s31 =	sadd.s32 s2, s17;
	[sflag:s9] =	ssyncadd.s32 $0xFFFFFC00  }
0x1a: {  	[tilespmem:s11], [sflag:$0x1] =	stream.linear.gather [hbm4b:s31+s16], $0x800, $0x38;
	[tilespmem:$0x1880] =	vst v63  }
0x1b: {  	_ =	swait.ge [sflag:s9], $0x800  }
0x1c: {  	[sflag:s9] =	ssyncset.done $0x0  }
0x1d: {  	s18 =	simm.s32 $0x1480;
	[sflag:s9] =	ssyncadd.s32 $0xFFFFF800  }
.LBB2_3:
0x1e: {  	v27 =	vmov s16  }
0x1f: {  	v27 =	vshll.u32 v27, $0x7  }
0x20: {  	v27 =	vbroadcast v27, $0x0;
	_ =	sdelay $0x1  }
0x21: {  	v28 =	vor.u32 v1, v27;
	_ =	sdelay $0x1  }
0x22: {  	v29 =	vor.u32 v2, v27;
	_ =	sdelay $0x1  }
0x23: {  	v30 =	vor.u32 v3, v27  }
0x24: {  	v28 =	vld.idx.msk [tilespmem:v28+s10+$0x0], $0xffff  }
0x25: {  	v31 =	vor.u32 v4, v27  }
0x26: {  	v32 =	vld.idx.msk [tilespmem:v29+s10+$0x0], $0xffff  }
0x27: {  	v33 =	vor.u32 v5, v27  }
0x28: {  	v34 =	vld.idx.msk [tilespmem:v30+s10+$0x0], $0xffff  }
0x29: {  	v36 =	vor.u32 v6, v27;
	v35 =	vadd.f32 $0.0e+00, v28  }
0x2a: {  	v37 =	vld.idx.msk [tilespmem:v31+s10+$0x0], $0xffff  }
0x2b: {  	v56 =	vor.u32 v7, v27;
	v32 =	vadd.f32 v32, v35  }
0x2c: {  	v39 =	vor.u32 v8, v27;
	v38 =	vld.idx.msk [tilespmem:v33+s10+$0x0], $0xffff  }
0x2d: {  	v32 =	vadd.f32 v34, v32  }
0x2e: {  	v57 =	vld.idx.msk [tilespmem:v36+s10+$0x0], $0xffff  }
0x2f: {  	v32 =	vadd.f32 v37, v32  }
0x30: {  	v58 =	vld.idx.msk [tilespmem:v56+s10+$0x0], $0xffff  }
0x31: {  	v59 =	vld.idx.msk [tilespmem:v39+s10+$0x0], $0xffff;
	v32 =	vadd.f32 v38, v32;
	_ =	sdelay $0x1  }
0x32: {  	v32 =	vadd.f32 v57, v32;
	_ =	sdelay $0x1  }
0x33: {  	v32 =	vadd.f32 v58, v32  }
0x34: {  	v60 =	vnsel vm0, $0x0, v59  }
0x35: {  	v32 =	vadd.f32 v60, v32;
	_ =	sdelay $0x1  }
0x36: {  	(xrf2) =	vadd.scan.msk.f32 $0xffff, v32;
	_ =	sdelay $0x9  }
0x37: {  	v32, _, _ =	vpop (xrf2)  }
0x38: {  	(v2sf) =	vpush v32, $0xF;
	_ =	sdelay $0xe  }
0x39: {  	s19 =	spop (v2sf)  }
0x3a: {  	s19 =	sadd.f32 $1.260000050e-03, s19;
	_ =	sdelay $0x1  }
0x3b: {  	v61 =	vmov s19  }
0x3c: {  	(erf) = vrcp.f32 v61;
	_ =	sdelay $0x7  }
0x3d: {  	v28 =	vadd.f32 $9.999999740e-06, v28  }
0x3e: {  	v32 =	vpop (erf)  }
0x3f: {  	v28 =	vmul.f32 v32, v28;
	_ =	sdelay $0x1  }
0x40: {  	(xrf2) =	vadd.scan.msk.f32 $0xffff, v28;
	_ =	sdelay $0x9  }
0x41: {  	v28, _, _ =	vpop (xrf2)  }
0x42: {  	v28 =	vadd.f32 $0.0e+00, v28;
	_ =	sdelay $0x1  }
0x43: {  	[tilespmem:$0x1000] =	vst v28  }
0x44: {  	v29 =	vld.idx.msk [tilespmem:v29+s10+$0x0], $0xffff;
	_ =	sdelay $0x4  }
0x45: {  	v29 =	vadd.f32 $9.999999740e-06, v29;
	_ =	sdelay $0x1  }
0x46: {  	v29 =	vmul.f32 v32, v29;
	_ =	sdelay $0x1  }
0x47: {  	(xrf2) =	vadd.scan.msk.f32 $0xffff, v29;
	_ =	sdelay $0x1  }
0x48: {  	(xrf0) =	vmax.scan.msk.f32 $0xffff, v28;
	_ =	sdelay $0x5  }
0x49: {  	v28, _, _ =	vpop (xrf0)  }
0x4a: {  	v28 =	vbroadcast v28, $0xF  }
0x4b: {  	v29, _, _ =	vpop (xrf2)  }
0x4c: {  	v28 =	vadd.f32 v28, v29;
	_ =	sdelay $0x1  }
0x4d: {  	[tilespmem:$0x1010] =	vst v28  }
0x4e: {  	v62 =	vld.idx.msk [tilespmem:v30+s10+$0x0], $0xffff;
	_ =	sdelay $0x4  }
0x4f: {  	v29 =	vadd.f32 $9.999999740e-06, v62;
	_ =	sdelay $0x1  }
0x50: {  	v29 =	vmul.f32 v32, v29;
	_ =	sdelay $0x1  }
0x51: {  	(xrf2) =	vadd.scan.msk.f32 $0xffff, v29;
	_ =	sdelay $0x1  }
0x52: {  	(xrf0) =	vmax.scan.msk.f32 $0xffff, v28;
	_ =	sdelay $0x5  }
0x53: {  	v28, _, _ =	vpop (xrf0)  }
0x54: {  	v28 =	vbroadcast v28, $0xF  }
0x55: {  	v29, _, _ =	vpop (xrf2)  }
0x56: {  	v28 =	vadd.f32 v28, v29;
	_ =	sdelay $0x1  }
0x57: {  	[tilespmem:$0x1020] =	vst v28  }
0x58: {  	v63 =	vld.idx.msk [tilespmem:v31+s10+$0x0], $0xffff;
	_ =	sdelay $0x4  }
0x59: {  	v29 =	vadd.f32 $9.999999740e-06, v63;
	_ =	sdelay $0x1  }
0x5a: {  	v29 =	vmul.f32 v32, v29;
	_ =	sdelay $0x1  }
0x5b: {  	(xrf2) =	vadd.scan.msk.f32 $0xffff, v29;
	_ =	sdelay $0x1  }
0x5c: {  	(xrf0) =	vmax.scan.msk.f32 $0xffff, v28;
	_ =	sdelay $0x5  }
0x5d: {  	v28, _, _ =	vpop (xrf0)  }
0x5e: {  	v28 =	vbroadcast v28, $0xF  }
0x5f: {  	v29, _, _ =	vpop (xrf2)  }
0x60: {  	v28 =	vadd.f32 v28, v29;
	_ =	sdelay $0x1  }
0x61: {  	[tilespmem:$0x1030] =	vst v28  }
0x62: {  	v33 =	vld.idx.msk [tilespmem:v33+s10+$0x0], $0xffff;
	_ =	sdelay $0x4  }
0x63: {  	v29 =	vadd.f32 $9.999999740e-06, v33;
	_ =	sdelay $0x1  }
0x64: {  	v29 =	vmul.f32 v32, v29;
	_ =	sdelay $0x1  }
0x65: {  	(xrf2) =	vadd.scan.msk.f32 $0xffff, v29;
	_ =	sdelay $0x1  }
0x66: {  	(xrf0) =	vmax.scan.msk.f32 $0xffff, v28;
	_ =	sdelay $0x5  }
0x67: {  	v28, _, _ =	vpop (xrf0)  }
0x68: {  	v28 =	vbroadcast v28, $0xF  }
0x69: {  	v29, _, _ =	vpop (xrf2)  }
0x6a: {  	v28 =	vadd.f32 v28, v29;
	_ =	sdelay $0x1  }
0x6b: {  	[tilespmem:$0x1040] =	vst v28  }
0x6c: {  	v34 =	vld.idx.msk [tilespmem:v36+s10+$0x0], $0xffff;
	_ =	sdelay $0x4  }
0x6d: {  	v29 =	vadd.f32 $9.999999740e-06, v34;
	_ =	sdelay $0x1  }
0x6e: {  	v29 =	vmul.f32 v29, v32;
	_ =	sdelay $0x1  }
0x6f: {  	(xrf2) =	vadd.scan.msk.f32 $0xffff, v29;
	_ =	sdelay $0x1  }
0x70: {  	(xrf0) =	vmax.scan.msk.f32 $0xffff, v28;
	_ =	sdelay $0x5  }
0x71: {  	v28, _, _ =	vpop (xrf0)  }
0x72: {  	v28 =	vbroadcast v28, $0xF  }
0x73: {  	v29, _, _ =	vpop (xrf2)  }
0x74: {  	v28 =	vadd.f32 v28, v29;
	_ =	sdelay $0x1  }
0x75: {  	[tilespmem:$0x1050] =	vst v28  }
0x76: {  	v36 =	vld.idx.msk [tilespmem:v56+s10+$0x0], $0xffff;
	_ =	sdelay $0x4  }
0x77: {  	v29 =	vadd.f32 $9.999999740e-06, v36;
	_ =	sdelay $0x1  }
0x78: {  	v29 =	vmul.f32 v29, v32;
	_ =	sdelay $0x1  }
0x79: {  	(xrf2) =	vadd.scan.msk.f32 $0xffff, v29;
	_ =	sdelay $0x1  }
0x7a: {  	(xrf0) =	vmax.scan.msk.f32 $0xffff, v28;
	_ =	sdelay $0x5  }
0x7b: {  	v28, _, _ =	vpop (xrf0)  }
0x7c: {  	v28 =	vbroadcast v28, $0xF  }
0x7d: {  	v29, _, _ =	vpop (xrf2)  }
0x7e: {  	v28 =	vadd.f32 v28, v29;
	_ =	sdelay $0x1  }
0x7f: {  	[tilespmem:$0x1060] =	vst v28  }
0x80: {  	v37 =	vld.idx.msk [tilespmem:v39+s10+$0x0], $0xffff;
	_ =	sdelay $0x4  }
0x81: {  	v29 =	vadd.f32 $9.999999740e-06, v37;
	_ =	sdelay $0x1  }
0x82: {  	v29 =	vmul.f32 v29, v32;
	_ =	sdelay $0x1  }
0x83: {  	v29 =	vnsel vm0, $0x0, v29  }
0x84: {  	(xrf2) =	vadd.scan.msk.f32 $0xffff, v29;
	_ =	sdelay $0x1  }
0x85: {  	(xrf0) =	vmax.scan.msk.f32 $0xffff, v28;
	_ =	sdelay $0x5  }
0x86: {  	v28, _, _ =	vpop (xrf0)  }
0x87: {  	v38 =	vor.u32 v0, v27;
	v28 =	vbroadcast v28, $0xF  }
0x88: {  	v39, _, _ =	vpop (xrf2)  }
0x89: {  	v28 =	vadd.f32 v28, v39;
	_ =	sdelay $0x1  }
0x8a: {  	[tilespmem:$0x1070] =	vst v28  }
0x8b: {  	v28 =	vld.idx.msk [tilespmem:v38+s11+$0x0], $0xffff  }
0x8c: {  	v40 =	vld.idx.msk [tilespmem:v9+s12+$0x0], $0xffff;
	_ =	sdelay $0x4  }
0x8d: {  	vm1 =	vle.f32 v40, v28  }
0x8e: {  	v29 =	vsel vm1, $0x40, v10  }
0x8f: {  	v41 =	vor.u32 $0x1F, v29;
	_ =	sdelay $0x4  }
0x90: {  	v30 =	vld.idx.msk [tilespmem:v41+s12+$0x0], $0xffff;
	_ =	sdelay $0x4  }
0x91: {  	v42 =	vor.u32 $0x20, v29;
	vm1 =	vle.f32 v30, v28  }
0x92: {  	v29 =	vsel vm1, v42, v29  }
0x93: {  	v43 =	vor.u32 $0xF, v29;
	_ =	sdelay $0x4  }
0x94: {  	v30 =	vld.idx.msk [tilespmem:v43+s12+$0x0], $0xffff;
	_ =	sdelay $0x4  }
0x95: {  	v31 =	vor.u32 $0x10, v29;
	vm1 =	vle.f32 v30, v28  }
0x96: {  	v29 =	vsel vm1, v31, v29  }
0x97: {  	v44 =	vor.u32 $0x7, v29;
	_ =	sdelay $0x4  }
0x98: {  	v30 =	vld.idx.msk [tilespmem:v44+s12+$0x0], $0xffff;
	_ =	sdelay $0x4  }
0x99: {  	v31 =	vor.u32 $0x8, v29;
	vm1 =	vle.f32 v30, v28  }
0x9a: {  	v29 =	vsel vm1, v31, v29  }
0x9b: {  	v45 =	vadd.s32 $0x3, v29;
	_ =	sdelay $0x4  }
0x9c: {  	v30 =	vld.idx.msk [tilespmem:v45+s12+$0x0], $0xffff;
	_ =	sdelay $0x4  }
0x9d: {  	vm2 =	vlt.u32 v29, $0x7B;
	vm1 =	vle.f32 v30, v28  }
0x9e: {  	v46 =	vadd.s32 $0x4, v29;
	vm1 =	vmand vm1, vm2  }
0x9f: {  	v29 =	vsel vm1, v46, v29  }
0xa0: {  	v30 =	vadd.s32 $0x1, v29;
	_ =	sdelay $0x4  }
0xa1: {  	v30 =	vld.idx.msk [tilespmem:v30+s12+$0x0], $0xffff;
	_ =	sdelay $0x4  }
0xa2: {  	vm2 =	vlt.u32 v29, $0x7D;
	vm1 =	vle.f32 v30, v28  }
0xa3: {  	v47 =	vadd.s32 $0x2, v29;
	vm1 =	vmand vm1, vm2  }
0xa4: {  	v29 =	vsel vm1, v47, v29;
	_ =	sdelay $0x4  }
0xa5: {  	v30 =	vld.idx.msk [tilespmem:v29+s12+$0x0], $0xffff;
	_ =	sdelay $0x4  }
0xa6: {  	vm2 =	vlt.u32 v29, $0x7E;
	vm1 =	vle.f32 v30, v28  }
0xa7: {  	vm1 =	vmand vm1, vm2  }
0xa8: {  	v48 =	vsel vm1, $0x1, v10  }
0xa9: {  	v29 =	vadd.s32 v48, v29  }
0xaa: {  	v30 =	vadd.s32 $0x1, v29;
	v49 =	vmax.u32 v29, $0x1  }
0xab: {  	v50 =	vmin.u32 v30, $0x7E;
	v31 =	vsub.s32 v49, v11  }
0xac: {  	v51 =	vadd.s32 $0xFFFFFFFF, v50;
	_ =	sdelay $0x3  }
0xad: {  	v31 =	vld.idx.msk [tilespmem:v31+s12+$0x0], $0xffff  }
0xae: {  	v52 =	vand.u32 $0xFFFFFF80, v29;
	v33 =	vld.idx.msk [tilespmem:v51+s12+$0x0], $0xffff  }
0xaf: {  	v53 =	vand.u32 $0x7F, v29;
	v34 =	vadd.s32 v27, v52;
	v54 =	vand.u32 $0xFFFFFF80, v30  }
0xb0: {  	v30 =	vand.u32 $0x7F, v30;
	v34 =	vor.u32 v53, v34;
	v55 =	vadd.s32 v27, v54  }
0xb1: {  	vm1 =	veq.s32 v29, $0x0;
	v58 =	vor.u32 v27, v50;
	v56 =	vor.u32 v30, v55  }
0xb2: {  	v32 =	vadd.s32 $0x1, v58;
	v57 =	vsel vm1, $0x0, v31  }
0xb3: {  	v33 =	vsub.f32 v33, v57;
	_ =	sdelay $0x1  }
0xb4: {  	v34 =	vld.idx.msk [tilespmem:v34+s5+$0x0], $0xffff;
	vm1 =	vlt.f32 v33, $9.999999740e-06  }
0xb5: {  	v29 =	vld.idx.msk [tilespmem:v56+s5+$0x0], $0xffff;
	v33 =	vsel vm1, $0x3F800000, v33  }
0xb6: {  	v32 =	vld.idx.msk [tilespmem:v32+s5+$0x0], $0xffff;
	(erf) = vrcp.f32 v33  }
0xb7: {  	v31 =	vld.idx.msk [tilespmem:v58+s5+$0x0], $0xffff;
	_ =	sdelay $0x4  }
0xb8: {  	v29 =	vadd.f32 v29, v34;
	v31 =	vadd.f32 v32, v31;
	_ =	sdelay $0x1  }
0xb9: {  	v28 =	vsub.f32 v28, v57;
	v29 =	vmul.f32 $5.000000000e-01, v29;
	v31 =	vmul.f32 $5.000000000e-01, v31  }
0xba: {  	v59 =	vpop (erf)  }
0xbb: {  	v60 =	vsub.f32 v31, v29;
	v28 =	vmul.f32 v59, v28;
	_ =	sdelay $0x1  }
0xbc: {  	v61 =	vor.u32 v12, v27;
	v28 =	vmul.f32 v28, v60;
	_ =	sdelay $0x1  }
0xbd: {  	v28 =	vadd.f32 v28, v29;
	_ =	sdelay $0x1  }
0xbe: {  	[tilespmem:s18+$0xFFFFFC00] =	vst v28  }
0xbf: {  	v28 =	vld.idx.msk [tilespmem:v61+s11+$0x0], $0xffff  }
0xc0: {  	v62 =	vld.idx.msk [tilespmem:v9+s12+$0x0], $0xffff;
	_ =	sdelay $0x4  }
0xc1: {  	vm1 =	vle.f32 v62, v28  }
0xc2: {  	v29 =	vsel vm1, $0x40, v10  }
0xc3: {  	v63 =	vor.u32 $0x1F, v29;
	_ =	sdelay $0x4  }
0xc4: {  	v30 =	vld.idx.msk [tilespmem:v63+s12+$0x0], $0xffff;
	_ =	sdelay $0x4  }
0xc5: {  	v33 =	vor.u32 $0x20, v29;
	vm1 =	vle.f32 v30, v28  }
0xc6: {  	v29 =	vsel vm1, v33, v29  }
0xc7: {  	v34 =	vor.u32 $0xF, v29;
	_ =	sdelay $0x4  }
0xc8: {  	v30 =	vld.idx.msk [tilespmem:v34+s12+$0x0], $0xffff;
	_ =	sdelay $0x4  }
0xc9: {  	v31 =	vor.u32 $0x10, v29;
	vm1 =	vle.f32 v30, v28  }
0xca: {  	v29 =	vsel vm1, v31, v29  }
0xcb: {  	v35 =	vor.u32 $0x7, v29;
	_ =	sdelay $0x4  }
0xcc: {  	v30 =	vld.idx.msk [tilespmem:v35+s12+$0x0], $0xffff;
	_ =	sdelay $0x4  }
0xcd: {  	v31 =	vor.u32 $0x8, v29;
	vm1 =	vle.f32 v30, v28  }
0xce: {  	v29 =	vsel vm1, v31, v29  }
0xcf: {  	v36 =	vadd.s32 $0x3, v29;
	_ =	sdelay $0x4  }
0xd0: {  	v30 =	vld.idx.msk [tilespmem:v36+s12+$0x0], $0xffff;
	_ =	sdelay $0x4  }
0xd1: {  	vm2 =	vlt.u32 v29, $0x7B;
	vm1 =	vle.f32 v30, v28  }
0xd2: {  	v37 =	vadd.s32 $0x4, v29;
	vm1 =	vmand vm1, vm2  }
0xd3: {  	v29 =	vsel vm1, v37, v29  }
0xd4: {  	v30 =	vadd.s32 $0x1, v29;
	_ =	sdelay $0x4  }
0xd5: {  	v30 =	vld.idx.msk [tilespmem:v30+s12+$0x0], $0xffff;
	_ =	sdelay $0x4  }
0xd6: {  	vm2 =	vlt.u32 v29, $0x7D;
	vm1 =	vle.f32 v30, v28  }
0xd7: {  	v38 =	vadd.s32 $0x2, v29;
	vm1 =	vmand vm1, vm2  }
0xd8: {  	v29 =	vsel vm1, v38, v29;
	_ =	sdelay $0x4  }
0xd9: {  	v30 =	vld.idx.msk [tilespmem:v29+s12+$0x0], $0xffff;
	_ =	sdelay $0x4  }
0xda: {  	vm2 =	vlt.u32 v29, $0x7E;
	vm1 =	vle.f32 v30, v28  }
0xdb: {  	vm1 =	vmand vm1, vm2  }
0xdc: {  	v39 =	vsel vm1, $0x1, v10  }
0xdd: {  	v29 =	vadd.s32 v39, v29  }
0xde: {  	v30 =	vadd.s32 $0x1, v29;
	v40 =	vmax.u32 v29, $0x1  }
0xdf: {  	v41 =	vmin.u32 v30, $0x7E;
	v31 =	vsub.s32 v40, v11  }
0xe0: {  	v42 =	vadd.s32 $0xFFFFFFFF, v41;
	_ =	sdelay $0x3  }
0xe1: {  	v31 =	vld.idx.msk [tilespmem:v31+s12+$0x0], $0xffff  }
0xe2: {  	v43 =	vand.u32 $0xFFFFFF80, v29;
	v33 =	vld.idx.msk [tilespmem:v42+s12+$0x0], $0xffff  }
0xe3: {  	v44 =	vand.u32 $0x7F, v29;
	v34 =	vadd.s32 v27, v43;
	v45 =	vand.u32 $0xFFFFFF80, v30  }
0xe4: {  	v30 =	vand.u32 $0x7F, v30;
	v34 =	vor.u32 v44, v34;
	v46 =	vadd.s32 v27, v45  }
0xe5: {  	vm1 =	veq.s32 v29, $0x0;
	v49 =	vor.u32 v27, v41;
	v47 =	vor.u32 v30, v46  }
0xe6: {  	v32 =	vadd.s32 $0x1, v49;
	v48 =	vsel vm1, $0x0, v31  }
0xe7: {  	v33 =	vsub.f32 v33, v48;
	_ =	sdelay $0x1  }
0xe8: {  	v34 =	vld.idx.msk [tilespmem:v34+s5+$0x0], $0xffff;
	vm1 =	vlt.f32 v33, $9.999999740e-06  }
0xe9: {  	v29 =	vld.idx.msk [tilespmem:v47+s5+$0x0], $0xffff;
	v33 =	vsel vm1, $0x3F800000, v33  }
0xea: {  	v32 =	vld.idx.msk [tilespmem:v32+s5+$0x0], $0xffff;
	(erf) = vrcp.f32 v33  }
0xeb: {  	v31 =	vld.idx.msk [tilespmem:v49+s5+$0x0], $0xffff;
	_ =	sdelay $0x4  }
0xec: {  	v29 =	vadd.f32 v29, v34;
	v31 =	vadd.f32 v32, v31;
	_ =	sdelay $0x1  }
0xed: {  	v28 =	vsub.f32 v28, v48;
	v29 =	vmul.f32 $5.000000000e-01, v29;
	v31 =	vmul.f32 $5.000000000e-01, v31  }
0xee: {  	v50 =	vpop (erf)  }
0xef: {  	v51 =	vsub.f32 v31, v29;
	v28 =	vmul.f32 v50, v28;
	_ =	sdelay $0x1  }
0xf0: {  	v52 =	vor.u32 v13, v27;
	v28 =	vmul.f32 v28, v51;
	_ =	sdelay $0x1  }
0xf1: {  	v28 =	vadd.f32 v28, v29;
	_ =	sdelay $0x1  }
0xf2: {  	[tilespmem:s18+$0xFFFFFC10] =	vst v28  }
0xf3: {  	v28 =	vld.idx.msk [tilespmem:v52+s11+$0x0], $0xffff  }
0xf4: {  	v53 =	vld.idx.msk [tilespmem:v9+s12+$0x0], $0xffff;
	_ =	sdelay $0x4  }
0xf5: {  	vm1 =	vle.f32 v53, v28  }
0xf6: {  	v29 =	vsel vm1, $0x40, v10  }
0xf7: {  	v54 =	vor.u32 $0x1F, v29;
	_ =	sdelay $0x4  }
0xf8: {  	v30 =	vld.idx.msk [tilespmem:v54+s12+$0x0], $0xffff;
	_ =	sdelay $0x4  }
0xf9: {  	v55 =	vor.u32 $0x20, v29;
	vm1 =	vle.f32 v30, v28  }
0xfa: {  	v29 =	vsel vm1, v55, v29  }
0xfb: {  	v56 =	vor.u32 $0xF, v29;
	_ =	sdelay $0x4  }
0xfc: {  	v30 =	vld.idx.msk [tilespmem:v56+s12+$0x0], $0xffff;
	_ =	sdelay $0x4  }
0xfd: {  	v31 =	vor.u32 $0x10, v29;
	vm1 =	vle.f32 v30, v28  }
0xfe: {  	v29 =	vsel vm1, v31, v29  }
0xff: {  	v57 =	vor.u32 $0x7, v29;
	_ =	sdelay $0x4  }
0x100: {  	v30 =	vld.idx.msk [tilespmem:v57+s12+$0x0], $0xffff;
	_ =	sdelay $0x4  }
0x101: {  	v31 =	vor.u32 $0x8, v29;
	vm1 =	vle.f32 v30, v28  }
0x102: {  	v29 =	vsel vm1, v31, v29  }
0x103: {  	v58 =	vadd.s32 $0x3, v29;
	_ =	sdelay $0x4  }
0x104: {  	v30 =	vld.idx.msk [tilespmem:v58+s12+$0x0], $0xffff;
	_ =	sdelay $0x4  }
0x105: {  	vm2 =	vlt.u32 v29, $0x7B;
	vm1 =	vle.f32 v30, v28  }
0x106: {  	v59 =	vadd.s32 $0x4, v29;
	vm1 =	vmand vm1, vm2  }
0x107: {  	v29 =	vsel vm1, v59, v29  }
0x108: {  	v30 =	vadd.s32 $0x1, v29;
	_ =	sdelay $0x4  }
0x109: {  	v30 =	vld.idx.msk [tilespmem:v30+s12+$0x0], $0xffff;
	_ =	sdelay $0x4  }
0x10a: {  	vm2 =	vlt.u32 v29, $0x7D;
	vm1 =	vle.f32 v30, v28  }
0x10b: {  	v60 =	vadd.s32 $0x2, v29;
	vm1 =	vmand vm1, vm2  }
0x10c: {  	v29 =	vsel vm1, v60, v29;
	_ =	sdelay $0x4  }
0x10d: {  	v30 =	vld.idx.msk [tilespmem:v29+s12+$0x0], $0xffff;
	_ =	sdelay $0x4  }
0x10e: {  	vm2 =	vlt.u32 v29, $0x7E;
	vm1 =	vle.f32 v30, v28  }
0x10f: {  	vm1 =	vmand vm1, vm2  }
0x110: {  	v61 =	vsel vm1, $0x1, v10  }
0x111: {  	v29 =	vadd.s32 v61, v29  }
0x112: {  	v30 =	vadd.s32 $0x1, v29;
	v62 =	vmax.u32 v29, $0x1  }
0x113: {  	v63 =	vmin.u32 v30, $0x7E;
	v31 =	vsub.s32 v62, v11  }
0x114: {  	v38 =	vadd.s32 $0xFFFFFFFF, v63;
	_ =	sdelay $0x3  }
0x115: {  	v31 =	vld.idx.msk [tilespmem:v31+s12+$0x0], $0xffff  }
0x116: {  	v39 =	vand.u32 $0xFFFFFF80, v29;
	v33 =	vld.idx.msk [tilespmem:v38+s12+$0x0], $0xffff  }
0x117: {  	v40 =	vand.u32 $0x7F, v29;
	v34 =	vadd.s32 v27, v39;
	v41 =	vand.u32 $0xFFFFFF80, v30  }
0x118: {  	v30 =	vand.u32 $0x7F, v30;
	v34 =	vor.u32 v40, v34;
	v42 =	vadd.s32 v27, v41  }
0x119: {  	vm1 =	veq.s32 v29, $0x0;
	v45 =	vor.u32 v27, v63;
	v43 =	vor.u32 v30, v42  }
0x11a: {  	v32 =	vadd.s32 $0x1, v45;
	v44 =	vsel vm1, $0x0, v31  }
0x11b: {  	v33 =	vsub.f32 v33, v44;
	_ =	sdelay $0x1  }
0x11c: {  	v34 =	vld.idx.msk [tilespmem:v34+s5+$0x0], $0xffff;
	vm1 =	vlt.f32 v33, $9.999999740e-06  }
0x11d: {  	v29 =	vld.idx.msk [tilespmem:v43+s5+$0x0], $0xffff;
	v33 =	vsel vm1, $0x3F800000, v33  }
0x11e: {  	v32 =	vld.idx.msk [tilespmem:v32+s5+$0x0], $0xffff;
	(erf) = vrcp.f32 v33  }
0x11f: {  	v31 =	vld.idx.msk [tilespmem:v45+s5+$0x0], $0xffff;
	_ =	sdelay $0x4  }
0x120: {  	v29 =	vadd.f32 v29, v34;
	v31 =	vadd.f32 v32, v31;
	_ =	sdelay $0x1  }
0x121: {  	v28 =	vsub.f32 v28, v44;
	v29 =	vmul.f32 $5.000000000e-01, v29;
	v31 =	vmul.f32 $5.000000000e-01, v31  }
0x122: {  	v46 =	vpop (erf)  }
0x123: {  	v47 =	vsub.f32 v31, v29;
	v28 =	vmul.f32 v46, v28;
	_ =	sdelay $0x1  }
0x124: {  	v48 =	vor.u32 v14, v27;
	v28 =	vmul.f32 v28, v47;
	_ =	sdelay $0x1  }
0x125: {  	v28 =	vadd.f32 v28, v29;
	_ =	sdelay $0x1  }
0x126: {  	[tilespmem:s18+$0xFFFFFC20] =	vst v28  }
0x127: {  	v28 =	vld.idx.msk [tilespmem:v48+s11+$0x0], $0xffff  }
0x128: {  	v49 =	vld.idx.msk [tilespmem:v9+s12+$0x0], $0xffff;
	_ =	sdelay $0x4  }
0x129: {  	vm1 =	vle.f32 v49, v28  }
0x12a: {  	v29 =	vsel vm1, $0x40, v10  }
0x12b: {  	v50 =	vor.u32 $0x1F, v29;
	_ =	sdelay $0x4  }
0x12c: {  	v30 =	vld.idx.msk [tilespmem:v50+s12+$0x0], $0xffff;
	_ =	sdelay $0x4  }
0x12d: {  	v51 =	vor.u32 $0x20, v29;
	vm1 =	vle.f32 v30, v28  }
0x12e: {  	v29 =	vsel vm1, v51, v29  }
0x12f: {  	v52 =	vor.u32 $0xF, v29;
	_ =	sdelay $0x4  }
0x130: {  	v30 =	vld.idx.msk [tilespmem:v52+s12+$0x0], $0xffff;
	_ =	sdelay $0x4  }
0x131: {  	v31 =	vor.u32 $0x10, v29;
	vm1 =	vle.f32 v30, v28  }
0x132: {  	v29 =	vsel vm1, v31, v29  }
0x133: {  	v53 =	vor.u32 $0x7, v29;
	_ =	sdelay $0x4  }
0x134: {  	v30 =	vld.idx.msk [tilespmem:v53+s12+$0x0], $0xffff;
	_ =	sdelay $0x4  }
0x135: {  	v31 =	vor.u32 $0x8, v29;
	vm1 =	vle.f32 v30, v28  }
0x136: {  	v29 =	vsel vm1, v31, v29  }
0x137: {  	v54 =	vadd.s32 $0x3, v29;
	_ =	sdelay $0x4  }
0x138: {  	v30 =	vld.idx.msk [tilespmem:v54+s12+$0x0], $0xffff;
	_ =	sdelay $0x4  }
0x139: {  	vm2 =	vlt.u32 v29, $0x7B;
	vm1 =	vle.f32 v30, v28  }
0x13a: {  	v55 =	vadd.s32 $0x4, v29;
	vm1 =	vmand vm1, vm2  }
0x13b: {  	v29 =	vsel vm1, v55, v29  }
0x13c: {  	v30 =	vadd.s32 $0x1, v29;
	_ =	sdelay $0x4  }
0x13d: {  	v30 =	vld.idx.msk [tilespmem:v30+s12+$0x0], $0xffff;
	_ =	sdelay $0x4  }
0x13e: {  	vm2 =	vlt.u32 v29, $0x7D;
	vm1 =	vle.f32 v30, v28  }
0x13f: {  	v56 =	vadd.s32 $0x2, v29;
	vm1 =	vmand vm1, vm2  }
0x140: {  	v29 =	vsel vm1, v56, v29;
	_ =	sdelay $0x4  }
0x141: {  	v30 =	vld.idx.msk [tilespmem:v29+s12+$0x0], $0xffff;
	_ =	sdelay $0x4  }
0x142: {  	vm2 =	vlt.u32 v29, $0x7E;
	vm1 =	vle.f32 v30, v28  }
0x143: {  	vm1 =	vmand vm1, vm2  }
0x144: {  	v57 =	vsel vm1, $0x1, v10  }
0x145: {  	v29 =	vadd.s32 v57, v29  }
0x146: {  	v30 =	vadd.s32 $0x1, v29;
	v58 =	vmax.u32 v29, $0x1  }
0x147: {  	v59 =	vmin.u32 v30, $0x7E;
	v31 =	vsub.s32 v58, v11  }
0x148: {  	v60 =	vadd.s32 $0xFFFFFFFF, v59;
	_ =	sdelay $0x3  }
0x149: {  	v31 =	vld.idx.msk [tilespmem:v31+s12+$0x0], $0xffff  }
0x14a: {  	v61 =	vand.u32 $0xFFFFFF80, v29;
	v33 =	vld.idx.msk [tilespmem:v60+s12+$0x0], $0xffff  }
0x14b: {  	v62 =	vand.u32 $0x7F, v29;
	v34 =	vadd.s32 v27, v61;
	v63 =	vand.u32 $0xFFFFFF80, v30  }
0x14c: {  	v30 =	vand.u32 $0x7F, v30;
	v34 =	vor.u32 v62, v34;
	v39 =	vadd.s32 v27, v63  }
0x14d: {  	vm1 =	veq.s32 v29, $0x0;
	v42 =	vor.u32 v27, v59;
	v40 =	vor.u32 v30, v39  }
0x14e: {  	v32 =	vadd.s32 $0x1, v42;
	v41 =	vsel vm1, $0x0, v31  }
0x14f: {  	v33 =	vsub.f32 v33, v41;
	_ =	sdelay $0x1  }
0x150: {  	v34 =	vld.idx.msk [tilespmem:v34+s5+$0x0], $0xffff;
	vm1 =	vlt.f32 v33, $9.999999740e-06  }
0x151: {  	v29 =	vld.idx.msk [tilespmem:v40+s5+$0x0], $0xffff;
	v33 =	vsel vm1, $0x3F800000, v33  }
0x152: {  	v32 =	vld.idx.msk [tilespmem:v32+s5+$0x0], $0xffff;
	(erf) = vrcp.f32 v33  }
0x153: {  	v31 =	vld.idx.msk [tilespmem:v42+s5+$0x0], $0xffff;
	_ =	sdelay $0x4  }
0x154: {  	v29 =	vadd.f32 v29, v34;
	v31 =	vadd.f32 v32, v31;
	_ =	sdelay $0x1  }
0x155: {  	v28 =	vsub.f32 v28, v41;
	v29 =	vmul.f32 $5.000000000e-01, v29;
	v31 =	vmul.f32 $5.000000000e-01, v31  }
0x156: {  	v43 =	vpop (erf)  }
0x157: {  	v44 =	vsub.f32 v31, v29;
	v28 =	vmul.f32 v43, v28;
	_ =	sdelay $0x1  }
0x158: {  	v45 =	vor.u32 v15, v27;
	v28 =	vmul.f32 v28, v44;
	_ =	sdelay $0x1  }
0x159: {  	v28 =	vadd.f32 v28, v29;
	_ =	sdelay $0x1  }
0x15a: {  	[tilespmem:s18+$0xFFFFFC30] =	vst v28  }
0x15b: {  	v28 =	vld.idx.msk [tilespmem:v45+s11+$0x0], $0xffff  }
0x15c: {  	v46 =	vld.idx.msk [tilespmem:v9+s12+$0x0], $0xffff;
	_ =	sdelay $0x4  }
0x15d: {  	vm1 =	vle.f32 v46, v28  }
0x15e: {  	v29 =	vsel vm1, $0x40, v10  }
0x15f: {  	v47 =	vor.u32 $0x1F, v29;
	_ =	sdelay $0x4  }
0x160: {  	v30 =	vld.idx.msk [tilespmem:v47+s12+$0x0], $0xffff;
	_ =	sdelay $0x4  }
0x161: {  	v48 =	vor.u32 $0x20, v29;
	vm1 =	vle.f32 v30, v28  }
0x162: {  	v29 =	vsel vm1, v48, v29  }
0x163: {  	v49 =	vor.u32 $0xF, v29;
	_ =	sdelay $0x4  }
0x164: {  	v30 =	vld.idx.msk [tilespmem:v49+s12+$0x0], $0xffff;
	_ =	sdelay $0x4  }
0x165: {  	v31 =	vor.u32 $0x10, v29;
	vm1 =	vle.f32 v30, v28  }
0x166: {  	v29 =	vsel vm1, v31, v29  }
0x167: {  	v50 =	vor.u32 $0x7, v29;
	_ =	sdelay $0x4  }
0x168: {  	v30 =	vld.idx.msk [tilespmem:v50+s12+$0x0], $0xffff;
	_ =	sdelay $0x4  }
0x169: {  	v31 =	vor.u32 $0x8, v29;
	vm1 =	vle.f32 v30, v28  }
0x16a: {  	v29 =	vsel vm1, v31, v29  }
0x16b: {  	v51 =	vadd.s32 $0x3, v29;
	_ =	sdelay $0x4  }
0x16c: {  	v30 =	vld.idx.msk [tilespmem:v51+s12+$0x0], $0xffff;
	_ =	sdelay $0x4  }
0x16d: {  	vm2 =	vlt.u32 v29, $0x7B;
	vm1 =	vle.f32 v30, v28  }
0x16e: {  	v52 =	vadd.s32 $0x4, v29;
	vm1 =	vmand vm1, vm2  }
0x16f: {  	v29 =	vsel vm1, v52, v29  }
0x170: {  	v30 =	vadd.s32 $0x1, v29;
	_ =	sdelay $0x4  }
0x171: {  	v30 =	vld.idx.msk [tilespmem:v30+s12+$0x0], $0xffff;
	_ =	sdelay $0x4  }
0x172: {  	vm2 =	vlt.u32 v29, $0x7D;
	vm1 =	vle.f32 v30, v28  }
0x173: {  	v53 =	vadd.s32 $0x2, v29;
	vm1 =	vmand vm1, vm2  }
0x174: {  	v29 =	vsel vm1, v53, v29;
	_ =	sdelay $0x4  }
0x175: {  	v30 =	vld.idx.msk [tilespmem:v29+s12+$0x0], $0xffff;
	_ =	sdelay $0x4  }
0x176: {  	vm2 =	vlt.u32 v29, $0x7E;
	vm1 =	vle.f32 v30, v28  }
0x177: {  	vm1 =	vmand vm1, vm2  }
0x178: {  	v54 =	vsel vm1, $0x1, v10  }
0x179: {  	v29 =	vadd.s32 v54, v29  }
0x17a: {  	v30 =	vadd.s32 $0x1, v29;
	v55 =	vmax.u32 v29, $0x1  }
0x17b: {  	v56 =	vmin.u32 v30, $0x7E;
	v31 =	vsub.s32 v55, v11  }
0x17c: {  	v57 =	vadd.s32 $0xFFFFFFFF, v56;
	_ =	sdelay $0x3  }
0x17d: {  	v31 =	vld.idx.msk [tilespmem:v31+s12+$0x0], $0xffff  }
0x17e: {  	v58 =	vand.u32 $0xFFFFFF80, v29;
	v33 =	vld.idx.msk [tilespmem:v57+s12+$0x0], $0xffff  }
0x17f: {  	v59 =	vand.u32 $0x7F, v29;
	v34 =	vadd.s32 v27, v58;
	v60 =	vand.u32 $0xFFFFFF80, v30  }
0x180: {  	v30 =	vand.u32 $0x7F, v30;
	v34 =	vor.u32 v59, v34;
	v61 =	vadd.s32 v27, v60  }
0x181: {  	vm1 =	veq.s32 v29, $0x0;
	v36 =	vor.u32 v27, v56;
	v62 =	vor.u32 v30, v61  }
0x182: {  	v32 =	vadd.s32 $0x1, v36;
	v63 =	vsel vm1, $0x0, v31  }
0x183: {  	v33 =	vsub.f32 v33, v63;
	_ =	sdelay $0x1  }
0x184: {  	v34 =	vld.idx.msk [tilespmem:v34+s5+$0x0], $0xffff;
	vm1 =	vlt.f32 v33, $9.999999740e-06  }
0x185: {  	v29 =	vld.idx.msk [tilespmem:v62+s5+$0x0], $0xffff;
	v33 =	vsel vm1, $0x3F800000, v33  }
0x186: {  	v32 =	vld.idx.msk [tilespmem:v32+s5+$0x0], $0xffff;
	(erf) = vrcp.f32 v33  }
0x187: {  	v31 =	vld.idx.msk [tilespmem:v36+s5+$0x0], $0xffff;
	_ =	sdelay $0x4  }
0x188: {  	v29 =	vadd.f32 v29, v34;
	v31 =	vadd.f32 v32, v31;
	_ =	sdelay $0x1  }
0x189: {  	v28 =	vsub.f32 v28, v63;
	v29 =	vmul.f32 $5.000000000e-01, v29;
	v31 =	vmul.f32 $5.000000000e-01, v31  }
0x18a: {  	v37 =	vpop (erf)  }
0x18b: {  	v38 =	vsub.f32 v31, v29;
	v28 =	vmul.f32 v37, v28;
	_ =	sdelay $0x1  }
0x18c: {  	v39 =	vor.u32 v16, v27;
	v28 =	vmul.f32 v28, v38;
	_ =	sdelay $0x1  }
0x18d: {  	v28 =	vadd.f32 v28, v29;
	_ =	sdelay $0x1  }
0x18e: {  	[tilespmem:s18+$0xFFFFFC40] =	vst v28  }
0x18f: {  	v28 =	vld.idx.msk [tilespmem:v39+s11+$0x0], $0xffff  }
0x190: {  	v40 =	vld.idx.msk [tilespmem:v9+s12+$0x0], $0xffff;
	_ =	sdelay $0x4  }
0x191: {  	vm1 =	vle.f32 v40, v28  }
0x192: {  	v29 =	vsel vm1, $0x40, v10  }
0x193: {  	v41 =	vor.u32 $0x1F, v29;
	_ =	sdelay $0x4  }
0x194: {  	v30 =	vld.idx.msk [tilespmem:v41+s12+$0x0], $0xffff;
	_ =	sdelay $0x4  }
0x195: {  	v42 =	vor.u32 $0x20, v29;
	vm1 =	vle.f32 v30, v28  }
0x196: {  	v29 =	vsel vm1, v42, v29  }
0x197: {  	v43 =	vor.u32 $0xF, v29;
	_ =	sdelay $0x4  }
0x198: {  	v30 =	vld.idx.msk [tilespmem:v43+s12+$0x0], $0xffff;
	_ =	sdelay $0x4  }
0x199: {  	v31 =	vor.u32 $0x10, v29;
	vm1 =	vle.f32 v30, v28  }
0x19a: {  	v29 =	vsel vm1, v31, v29  }
0x19b: {  	v44 =	vor.u32 $0x7, v29;
	_ =	sdelay $0x4  }
0x19c: {  	v30 =	vld.idx.msk [tilespmem:v44+s12+$0x0], $0xffff;
	_ =	sdelay $0x4  }
0x19d: {  	v31 =	vor.u32 $0x8, v29;
	vm1 =	vle.f32 v30, v28  }
0x19e: {  	v29 =	vsel vm1, v31, v29  }
0x19f: {  	v45 =	vadd.s32 $0x3, v29;
	_ =	sdelay $0x4  }
0x1a0: {  	v30 =	vld.idx.msk [tilespmem:v45+s12+$0x0], $0xffff;
	_ =	sdelay $0x4  }
0x1a1: {  	vm2 =	vlt.u32 v29, $0x7B;
	vm1 =	vle.f32 v30, v28  }
0x1a2: {  	v46 =	vadd.s32 $0x4, v29;
	vm1 =	vmand vm1, vm2  }
0x1a3: {  	v29 =	vsel vm1, v46, v29  }
0x1a4: {  	v30 =	vadd.s32 $0x1, v29;
	_ =	sdelay $0x4  }
0x1a5: {  	v30 =	vld.idx.msk [tilespmem:v30+s12+$0x0], $0xffff;
	_ =	sdelay $0x4  }
0x1a6: {  	vm2 =	vlt.u32 v29, $0x7D;
	vm1 =	vle.f32 v30, v28  }
0x1a7: {  	v47 =	vadd.s32 $0x2, v29;
	vm1 =	vmand vm1, vm2  }
0x1a8: {  	v29 =	vsel vm1, v47, v29;
	_ =	sdelay $0x4  }
0x1a9: {  	v30 =	vld.idx.msk [tilespmem:v29+s12+$0x0], $0xffff;
	_ =	sdelay $0x4  }
0x1aa: {  	vm2 =	vlt.u32 v29, $0x7E;
	vm1 =	vle.f32 v30, v28  }
0x1ab: {  	vm1 =	vmand vm1, vm2  }
0x1ac: {  	v48 =	vsel vm1, $0x1, v10  }
0x1ad: {  	v29 =	vadd.s32 v48, v29  }
0x1ae: {  	v30 =	vadd.s32 $0x1, v29;
	v49 =	vmax.u32 v29, $0x1  }
0x1af: {  	v50 =	vmin.u32 v30, $0x7E;
	v31 =	vsub.s32 v49, v11  }
0x1b0: {  	v51 =	vadd.s32 $0xFFFFFFFF, v50;
	_ =	sdelay $0x3  }
0x1b1: {  	v31 =	vld.idx.msk [tilespmem:v31+s12+$0x0], $0xffff  }
0x1b2: {  	v52 =	vand.u32 $0xFFFFFF80, v29;
	v33 =	vld.idx.msk [tilespmem:v51+s12+$0x0], $0xffff  }
0x1b3: {  	v53 =	vand.u32 $0x7F, v29;
	v34 =	vadd.s32 v27, v52;
	v54 =	vand.u32 $0xFFFFFF80, v30  }
0x1b4: {  	v30 =	vand.u32 $0x7F, v30;
	v34 =	vor.u32 v53, v34;
	v55 =	vadd.s32 v27, v54  }
0x1b5: {  	vm1 =	veq.s32 v29, $0x0;
	v58 =	vor.u32 v27, v50;
	v56 =	vor.u32 v30, v55  }
0x1b6: {  	v32 =	vadd.s32 $0x1, v58;
	v57 =	vsel vm1, $0x0, v31  }
0x1b7: {  	v33 =	vsub.f32 v33, v57;
	_ =	sdelay $0x1  }
0x1b8: {  	v34 =	vld.idx.msk [tilespmem:v34+s5+$0x0], $0xffff;
	vm1 =	vlt.f32 v33, $9.999999740e-06  }
0x1b9: {  	v29 =	vld.idx.msk [tilespmem:v56+s5+$0x0], $0xffff;
	v33 =	vsel vm1, $0x3F800000, v33  }
0x1ba: {  	v32 =	vld.idx.msk [tilespmem:v32+s5+$0x0], $0xffff;
	(erf) = vrcp.f32 v33  }
0x1bb: {  	v31 =	vld.idx.msk [tilespmem:v58+s5+$0x0], $0xffff;
	_ =	sdelay $0x4  }
0x1bc: {  	v29 =	vadd.f32 v29, v34;
	v31 =	vadd.f32 v32, v31;
	_ =	sdelay $0x1  }
0x1bd: {  	v28 =	vsub.f32 v28, v57;
	v29 =	vmul.f32 $5.000000000e-01, v29;
	v31 =	vmul.f32 $5.000000000e-01, v31  }
0x1be: {  	v59 =	vpop (erf)  }
0x1bf: {  	v60 =	vsub.f32 v31, v29;
	v28 =	vmul.f32 v59, v28;
	_ =	sdelay $0x1  }
0x1c0: {  	v61 =	vor.u32 v17, v27;
	v28 =	vmul.f32 v28, v60;
	_ =	sdelay $0x1  }
0x1c1: {  	v28 =	vadd.f32 v28, v29;
	_ =	sdelay $0x1  }
0x1c2: {  	[tilespmem:s18+$0xFFFFFC50] =	vst v28  }
0x1c3: {  	v28 =	vld.idx.msk [tilespmem:v61+s11+$0x0], $0xffff  }
0x1c4: {  	v62 =	vld.idx.msk [tilespmem:v9+s12+$0x0], $0xffff;
	_ =	sdelay $0x4  }
0x1c5: {  	vm1 =	vle.f32 v62, v28  }
0x1c6: {  	v29 =	vsel vm1, $0x40, v10  }
0x1c7: {  	v63 =	vor.u32 $0x1F, v29;
	_ =	sdelay $0x4  }
0x1c8: {  	v30 =	vld.idx.msk [tilespmem:v63+s12+$0x0], $0xffff;
	_ =	sdelay $0x4  }
0x1c9: {  	v33 =	vor.u32 $0x20, v29;
	vm1 =	vle.f32 v30, v28  }
0x1ca: {  	v29 =	vsel vm1, v33, v29  }
0x1cb: {  	v34 =	vor.u32 $0xF, v29;
	_ =	sdelay $0x4  }
0x1cc: {  	v30 =	vld.idx.msk [tilespmem:v34+s12+$0x0], $0xffff;
	_ =	sdelay $0x4  }
0x1cd: {  	v31 =	vor.u32 $0x10, v29;
	vm1 =	vle.f32 v30, v28  }
0x1ce: {  	v29 =	vsel vm1, v31, v29  }
0x1cf: {  	v35 =	vor.u32 $0x7, v29;
	_ =	sdelay $0x4  }
0x1d0: {  	v30 =	vld.idx.msk [tilespmem:v35+s12+$0x0], $0xffff;
	_ =	sdelay $0x4  }
0x1d1: {  	v31 =	vor.u32 $0x8, v29;
	vm1 =	vle.f32 v30, v28  }
0x1d2: {  	v29 =	vsel vm1, v31, v29  }
0x1d3: {  	v36 =	vadd.s32 $0x3, v29;
	_ =	sdelay $0x4  }
0x1d4: {  	v30 =	vld.idx.msk [tilespmem:v36+s12+$0x0], $0xffff;
	_ =	sdelay $0x4  }
0x1d5: {  	vm2 =	vlt.u32 v29, $0x7B;
	vm1 =	vle.f32 v30, v28  }
0x1d6: {  	v37 =	vadd.s32 $0x4, v29;
	vm1 =	vmand vm1, vm2  }
0x1d7: {  	v29 =	vsel vm1, v37, v29  }
0x1d8: {  	v30 =	vadd.s32 $0x1, v29;
	_ =	sdelay $0x4  }
0x1d9: {  	v30 =	vld.idx.msk [tilespmem:v30+s12+$0x0], $0xffff;
	_ =	sdelay $0x4  }
0x1da: {  	vm2 =	vlt.u32 v29, $0x7D;
	vm1 =	vle.f32 v30, v28  }
0x1db: {  	v38 =	vadd.s32 $0x2, v29;
	vm1 =	vmand vm1, vm2  }
0x1dc: {  	v29 =	vsel vm1, v38, v29;
	_ =	sdelay $0x4  }
0x1dd: {  	v30 =	vld.idx.msk [tilespmem:v29+s12+$0x0], $0xffff;
	_ =	sdelay $0x4  }
0x1de: {  	vm2 =	vlt.u32 v29, $0x7E;
	vm1 =	vle.f32 v30, v28  }
0x1df: {  	vm1 =	vmand vm1, vm2  }
0x1e0: {  	v39 =	vsel vm1, $0x1, v10  }
0x1e1: {  	v29 =	vadd.s32 v39, v29  }
0x1e2: {  	v30 =	vadd.s32 $0x1, v29;
	v40 =	vmax.u32 v29, $0x1  }
0x1e3: {  	v41 =	vmin.u32 v30, $0x7E;
	v31 =	vsub.s32 v40, v11  }
0x1e4: {  	v42 =	vadd.s32 $0xFFFFFFFF, v41;
	_ =	sdelay $0x3  }
0x1e5: {  	v31 =	vld.idx.msk [tilespmem:v31+s12+$0x0], $0xffff  }
0x1e6: {  	v43 =	vand.u32 $0xFFFFFF80, v29;
	v33 =	vld.idx.msk [tilespmem:v42+s12+$0x0], $0xffff  }
0x1e7: {  	v44 =	vand.u32 $0x7F, v29;
	v34 =	vadd.s32 v27, v43;
	v45 =	vand.u32 $0xFFFFFF80, v30  }
0x1e8: {  	v30 =	vand.u32 $0x7F, v30;
	v34 =	vor.u32 v44, v34;
	v46 =	vadd.s32 v27, v45  }
0x1e9: {  	vm1 =	veq.s32 v29, $0x0;
	v49 =	vor.u32 v27, v41;
	v47 =	vor.u32 v30, v46  }
0x1ea: {  	v32 =	vadd.s32 $0x1, v49;
	v48 =	vsel vm1, $0x0, v31  }
0x1eb: {  	v33 =	vsub.f32 v33, v48;
	_ =	sdelay $0x1  }
0x1ec: {  	v34 =	vld.idx.msk [tilespmem:v34+s5+$0x0], $0xffff;
	vm1 =	vlt.f32 v33, $9.999999740e-06  }
0x1ed: {  	v29 =	vld.idx.msk [tilespmem:v47+s5+$0x0], $0xffff;
	v33 =	vsel vm1, $0x3F800000, v33  }
0x1ee: {  	v32 =	vld.idx.msk [tilespmem:v32+s5+$0x0], $0xffff;
	(erf) = vrcp.f32 v33  }
0x1ef: {  	v31 =	vld.idx.msk [tilespmem:v49+s5+$0x0], $0xffff;
	_ =	sdelay $0x4  }
0x1f0: {  	v29 =	vadd.f32 v29, v34;
	v31 =	vadd.f32 v32, v31;
	_ =	sdelay $0x1  }
0x1f1: {  	v28 =	vsub.f32 v28, v48;
	v29 =	vmul.f32 $5.000000000e-01, v29;
	v31 =	vmul.f32 $5.000000000e-01, v31  }
0x1f2: {  	v50 =	vpop (erf)  }
0x1f3: {  	v51 =	vsub.f32 v31, v29;
	v28 =	vmul.f32 v50, v28;
	_ =	sdelay $0x1  }
0x1f4: {  	v52 =	vor.u32 v18, v27;
	v28 =	vmul.f32 v28, v51;
	_ =	sdelay $0x1  }
0x1f5: {  	v28 =	vadd.f32 v28, v29;
	_ =	sdelay $0x1  }
0x1f6: {  	[tilespmem:s18+$0xFFFFFC60] =	vst v28  }
0x1f7: {  	v28 =	vld.idx.msk [tilespmem:v52+s11+$0x0], $0xffff  }
0x1f8: {  	v53 =	vld.idx.msk [tilespmem:v9+s12+$0x0], $0xffff;
	_ =	sdelay $0x4  }
0x1f9: {  	vm1 =	vle.f32 v53, v28  }
0x1fa: {  	v29 =	vsel vm1, $0x40, v10  }
0x1fb: {  	v54 =	vor.u32 $0x1F, v29;
	_ =	sdelay $0x4  }
0x1fc: {  	v30 =	vld.idx.msk [tilespmem:v54+s12+$0x0], $0xffff;
	_ =	sdelay $0x4  }
0x1fd: {  	v55 =	vor.u32 $0x20, v29;
	vm1 =	vle.f32 v30, v28  }
0x1fe: {  	v29 =	vsel vm1, v55, v29  }
0x1ff: {  	v56 =	vor.u32 $0xF, v29;
	_ =	sdelay $0x4  }
0x200: {  	v30 =	vld.idx.msk [tilespmem:v56+s12+$0x0], $0xffff;
	_ =	sdelay $0x4  }
0x201: {  	v31 =	vor.u32 $0x10, v29;
	vm1 =	vle.f32 v30, v28  }
0x202: {  	v29 =	vsel vm1, v31, v29  }
0x203: {  	v57 =	vor.u32 $0x7, v29;
	_ =	sdelay $0x4  }
0x204: {  	v30 =	vld.idx.msk [tilespmem:v57+s12+$0x0], $0xffff;
	_ =	sdelay $0x4  }
0x205: {  	v31 =	vor.u32 $0x8, v29;
	vm1 =	vle.f32 v30, v28  }
0x206: {  	v29 =	vsel vm1, v31, v29  }
0x207: {  	v58 =	vadd.s32 $0x3, v29;
	_ =	sdelay $0x4  }
0x208: {  	v30 =	vld.idx.msk [tilespmem:v58+s12+$0x0], $0xffff;
	_ =	sdelay $0x4  }
0x209: {  	vm2 =	vlt.u32 v29, $0x7B;
	vm1 =	vle.f32 v30, v28  }
0x20a: {  	v59 =	vadd.s32 $0x4, v29;
	vm1 =	vmand vm1, vm2  }
0x20b: {  	v29 =	vsel vm1, v59, v29  }
0x20c: {  	v30 =	vadd.s32 $0x1, v29;
	_ =	sdelay $0x4  }
0x20d: {  	v30 =	vld.idx.msk [tilespmem:v30+s12+$0x0], $0xffff;
	_ =	sdelay $0x4  }
0x20e: {  	vm2 =	vlt.u32 v29, $0x7D;
	vm1 =	vle.f32 v30, v28  }
0x20f: {  	v60 =	vadd.s32 $0x2, v29;
	vm1 =	vmand vm1, vm2  }
0x210: {  	v29 =	vsel vm1, v60, v29;
	_ =	sdelay $0x4  }
0x211: {  	v30 =	vld.idx.msk [tilespmem:v29+s12+$0x0], $0xffff;
	_ =	sdelay $0x4  }
0x212: {  	vm2 =	vlt.u32 v29, $0x7E;
	vm1 =	vle.f32 v30, v28  }
0x213: {  	vm1 =	vmand vm1, vm2  }
0x214: {  	v61 =	vsel vm1, $0x1, v10  }
0x215: {  	v29 =	vadd.s32 v61, v29  }
0x216: {  	v30 =	vadd.s32 $0x1, v29;
	v62 =	vmax.u32 v29, $0x1  }
0x217: {  	v63 =	vmin.u32 v30, $0x7E;
	v31 =	vsub.s32 v62, v11  }
0x218: {  	v38 =	vadd.s32 $0xFFFFFFFF, v63;
	_ =	sdelay $0x3  }
0x219: {  	v31 =	vld.idx.msk [tilespmem:v31+s12+$0x0], $0xffff  }
0x21a: {  	v39 =	vand.u32 $0xFFFFFF80, v29;
	v33 =	vld.idx.msk [tilespmem:v38+s12+$0x0], $0xffff  }
0x21b: {  	v40 =	vand.u32 $0x7F, v29;
	v34 =	vadd.s32 v27, v39;
	v41 =	vand.u32 $0xFFFFFF80, v30  }
0x21c: {  	v30 =	vand.u32 $0x7F, v30;
	v34 =	vor.u32 v40, v34;
	v42 =	vadd.s32 v27, v41  }
0x21d: {  	vm1 =	veq.s32 v29, $0x0;
	v45 =	vor.u32 v27, v63;
	v43 =	vor.u32 v30, v42  }
0x21e: {  	v32 =	vadd.s32 $0x1, v45;
	v44 =	vsel vm1, $0x0, v31  }
0x21f: {  	v33 =	vsub.f32 v33, v44;
	_ =	sdelay $0x1  }
0x220: {  	v34 =	vld.idx.msk [tilespmem:v34+s5+$0x0], $0xffff;
	vm1 =	vlt.f32 v33, $9.999999740e-06  }
0x221: {  	v29 =	vld.idx.msk [tilespmem:v43+s5+$0x0], $0xffff;
	v33 =	vsel vm1, $0x3F800000, v33  }
0x222: {  	v32 =	vld.idx.msk [tilespmem:v32+s5+$0x0], $0xffff;
	(erf) = vrcp.f32 v33  }
0x223: {  	v31 =	vld.idx.msk [tilespmem:v45+s5+$0x0], $0xffff;
	_ =	sdelay $0x4  }
0x224: {  	v29 =	vadd.f32 v29, v34;
	v31 =	vadd.f32 v32, v31;
	_ =	sdelay $0x1  }
0x225: {  	v28 =	vsub.f32 v28, v44;
	v29 =	vmul.f32 $5.000000000e-01, v29;
	v31 =	vmul.f32 $5.000000000e-01, v31  }
0x226: {  	v46 =	vpop (erf)  }
0x227: {  	v47 =	vsub.f32 v31, v29;
	v28 =	vmul.f32 v46, v28;
	_ =	sdelay $0x1  }
0x228: {  	v48 =	vor.u32 v19, v27;
	v28 =	vmul.f32 v28, v47;
	_ =	sdelay $0x1  }
0x229: {  	v28 =	vadd.f32 v28, v29;
	_ =	sdelay $0x1  }
0x22a: {  	[tilespmem:s18+$0xFFFFFC70] =	vst v28  }
0x22b: {  	v28 =	vld.idx.msk [tilespmem:v48+s11+$0x0], $0xffff  }
0x22c: {  	v49 =	vld.idx.msk [tilespmem:v9+s12+$0x0], $0xffff;
	_ =	sdelay $0x4  }
0x22d: {  	vm1 =	vle.f32 v49, v28  }
0x22e: {  	v29 =	vsel vm1, $0x40, v10  }
0x22f: {  	v50 =	vor.u32 $0x1F, v29;
	_ =	sdelay $0x4  }
0x230: {  	v30 =	vld.idx.msk [tilespmem:v50+s12+$0x0], $0xffff;
	_ =	sdelay $0x4  }
0x231: {  	v51 =	vor.u32 $0x20, v29;
	vm1 =	vle.f32 v30, v28  }
0x232: {  	v29 =	vsel vm1, v51, v29  }
0x233: {  	v52 =	vor.u32 $0xF, v29;
	_ =	sdelay $0x4  }
0x234: {  	v30 =	vld.idx.msk [tilespmem:v52+s12+$0x0], $0xffff;
	_ =	sdelay $0x4  }
0x235: {  	v31 =	vor.u32 $0x10, v29;
	vm1 =	vle.f32 v30, v28  }
0x236: {  	v29 =	vsel vm1, v31, v29  }
0x237: {  	v53 =	vor.u32 $0x7, v29;
	_ =	sdelay $0x4  }
0x238: {  	v30 =	vld.idx.msk [tilespmem:v53+s12+$0x0], $0xffff;
	_ =	sdelay $0x4  }
0x239: {  	v31 =	vor.u32 $0x8, v29;
	vm1 =	vle.f32 v30, v28  }
0x23a: {  	v29 =	vsel vm1, v31, v29  }
0x23b: {  	v54 =	vadd.s32 $0x3, v29;
	_ =	sdelay $0x4  }
0x23c: {  	v30 =	vld.idx.msk [tilespmem:v54+s12+$0x0], $0xffff;
	_ =	sdelay $0x4  }
0x23d: {  	vm2 =	vlt.u32 v29, $0x7B;
	vm1 =	vle.f32 v30, v28  }
0x23e: {  	v55 =	vadd.s32 $0x4, v29;
	vm1 =	vmand vm1, vm2  }
0x23f: {  	v29 =	vsel vm1, v55, v29  }
0x240: {  	v30 =	vadd.s32 $0x1, v29;
	_ =	sdelay $0x4  }
0x241: {  	v30 =	vld.idx.msk [tilespmem:v30+s12+$0x0], $0xffff;
	_ =	sdelay $0x4  }
0x242: {  	vm2 =	vlt.u32 v29, $0x7D;
	vm1 =	vle.f32 v30, v28  }
0x243: {  	v56 =	vadd.s32 $0x2, v29;
	vm1 =	vmand vm1, vm2  }
0x244: {  	v29 =	vsel vm1, v56, v29;
	_ =	sdelay $0x4  }
0x245: {  	v30 =	vld.idx.msk [tilespmem:v29+s12+$0x0], $0xffff;
	_ =	sdelay $0x4  }
0x246: {  	vm2 =	vlt.u32 v29, $0x7E;
	vm1 =	vle.f32 v30, v28  }
0x247: {  	vm1 =	vmand vm1, vm2  }
0x248: {  	v57 =	vsel vm1, $0x1, v10  }
0x249: {  	v29 =	vadd.s32 v57, v29  }
0x24a: {  	v30 =	vadd.s32 $0x1, v29;
	v58 =	vmax.u32 v29, $0x1  }
0x24b: {  	v59 =	vmin.u32 v30, $0x7E;
	v31 =	vsub.s32 v58, v11  }
0x24c: {  	v60 =	vadd.s32 $0xFFFFFFFF, v59;
	_ =	sdelay $0x3  }
0x24d: {  	v31 =	vld.idx.msk [tilespmem:v31+s12+$0x0], $0xffff  }
0x24e: {  	v61 =	vand.u32 $0xFFFFFF80, v29;
	v33 =	vld.idx.msk [tilespmem:v60+s12+$0x0], $0xffff  }
0x24f: {  	v62 =	vand.u32 $0x7F, v29;
	v34 =	vadd.s32 v27, v61;
	v63 =	vand.u32 $0xFFFFFF80, v30  }
0x250: {  	v30 =	vand.u32 $0x7F, v30;
	v34 =	vor.u32 v62, v34;
	v39 =	vadd.s32 v27, v63  }
0x251: {  	vm1 =	veq.s32 v29, $0x0;
	v42 =	vor.u32 v27, v59;
	v40 =	vor.u32 v30, v39  }
0x252: {  	v32 =	vadd.s32 $0x1, v42;
	v41 =	vsel vm1, $0x0, v31  }
0x253: {  	v33 =	vsub.f32 v33, v41;
	_ =	sdelay $0x1  }
0x254: {  	v34 =	vld.idx.msk [tilespmem:v34+s5+$0x0], $0xffff;
	vm1 =	vlt.f32 v33, $9.999999740e-06  }
0x255: {  	v29 =	vld.idx.msk [tilespmem:v40+s5+$0x0], $0xffff;
	v33 =	vsel vm1, $0x3F800000, v33  }
0x256: {  	v32 =	vld.idx.msk [tilespmem:v32+s5+$0x0], $0xffff;
	(erf) = vrcp.f32 v33  }
0x257: {  	v31 =	vld.idx.msk [tilespmem:v42+s5+$0x0], $0xffff;
	_ =	sdelay $0x4  }
0x258: {  	v29 =	vadd.f32 v29, v34;
	v31 =	vadd.f32 v32, v31;
	_ =	sdelay $0x1  }
0x259: {  	v28 =	vsub.f32 v28, v41;
	v29 =	vmul.f32 $5.000000000e-01, v29;
	v31 =	vmul.f32 $5.000000000e-01, v31  }
0x25a: {  	v43 =	vpop (erf)  }
0x25b: {  	v44 =	vsub.f32 v31, v29;
	v28 =	vmul.f32 v43, v28;
	_ =	sdelay $0x1  }
0x25c: {  	v45 =	vor.u32 v20, v27;
	v28 =	vmul.f32 v28, v44;
	_ =	sdelay $0x1  }
0x25d: {  	v28 =	vadd.f32 v28, v29;
	_ =	sdelay $0x1  }
0x25e: {  	[tilespmem:s18+$0x0] =	vst v28  }
0x25f: {  	v28 =	vld.idx.msk [tilespmem:v45+s11+$0x0], $0xffff  }
0x260: {  	v46 =	vld.idx.msk [tilespmem:v9+s12+$0x0], $0xffff;
	_ =	sdelay $0x4  }
0x261: {  	vm1 =	vle.f32 v46, v28  }
0x262: {  	v29 =	vsel vm1, $0x40, v10  }
0x263: {  	v47 =	vor.u32 $0x1F, v29;
	_ =	sdelay $0x4  }
0x264: {  	v30 =	vld.idx.msk [tilespmem:v47+s12+$0x0], $0xffff;
	_ =	sdelay $0x4  }
0x265: {  	v48 =	vor.u32 $0x20, v29;
	vm1 =	vle.f32 v30, v28  }
0x266: {  	v29 =	vsel vm1, v48, v29  }
0x267: {  	v49 =	vor.u32 $0xF, v29;
	_ =	sdelay $0x4  }
0x268: {  	v30 =	vld.idx.msk [tilespmem:v49+s12+$0x0], $0xffff;
	_ =	sdelay $0x4  }
0x269: {  	v31 =	vor.u32 $0x10, v29;
	vm1 =	vle.f32 v30, v28  }
0x26a: {  	v29 =	vsel vm1, v31, v29  }
0x26b: {  	v50 =	vor.u32 $0x7, v29;
	_ =	sdelay $0x4  }
0x26c: {  	v30 =	vld.idx.msk [tilespmem:v50+s12+$0x0], $0xffff;
	_ =	sdelay $0x4  }
0x26d: {  	v31 =	vor.u32 $0x8, v29;
	vm1 =	vle.f32 v30, v28  }
0x26e: {  	v29 =	vsel vm1, v31, v29  }
0x26f: {  	v51 =	vadd.s32 $0x3, v29;
	_ =	sdelay $0x4  }
0x270: {  	v30 =	vld.idx.msk [tilespmem:v51+s12+$0x0], $0xffff;
	_ =	sdelay $0x4  }
0x271: {  	vm2 =	vlt.u32 v29, $0x7B;
	vm1 =	vle.f32 v30, v28  }
0x272: {  	v52 =	vadd.s32 $0x4, v29;
	vm1 =	vmand vm1, vm2  }
0x273: {  	v29 =	vsel vm1, v52, v29  }
0x274: {  	v30 =	vadd.s32 $0x1, v29;
	_ =	sdelay $0x4  }
0x275: {  	v30 =	vld.idx.msk [tilespmem:v30+s12+$0x0], $0xffff;
	_ =	sdelay $0x4  }
0x276: {  	vm2 =	vlt.u32 v29, $0x7D;
	vm1 =	vle.f32 v30, v28  }
0x277: {  	v53 =	vadd.s32 $0x2, v29;
	vm1 =	vmand vm1, vm2  }
0x278: {  	v29 =	vsel vm1, v53, v29;
	_ =	sdelay $0x4  }
0x279: {  	v30 =	vld.idx.msk [tilespmem:v29+s12+$0x0], $0xffff;
	_ =	sdelay $0x4  }
0x27a: {  	vm2 =	vlt.u32 v29, $0x7E;
	vm1 =	vle.f32 v30, v28  }
0x27b: {  	vm1 =	vmand vm1, vm2  }
0x27c: {  	v54 =	vsel vm1, $0x1, v10  }
0x27d: {  	v29 =	vadd.s32 v54, v29  }
0x27e: {  	v30 =	vadd.s32 $0x1, v29;
	v55 =	vmax.u32 v29, $0x1  }
0x27f: {  	v56 =	vmin.u32 v30, $0x7E;
	v31 =	vsub.s32 v55, v11  }
0x280: {  	v57 =	vadd.s32 $0xFFFFFFFF, v56;
	_ =	sdelay $0x3  }
0x281: {  	v31 =	vld.idx.msk [tilespmem:v31+s12+$0x0], $0xffff  }
0x282: {  	v58 =	vand.u32 $0xFFFFFF80, v29;
	v33 =	vld.idx.msk [tilespmem:v57+s12+$0x0], $0xffff  }
0x283: {  	v59 =	vand.u32 $0x7F, v29;
	v34 =	vadd.s32 v27, v58;
	v60 =	vand.u32 $0xFFFFFF80, v30  }
0x284: {  	v30 =	vand.u32 $0x7F, v30;
	v34 =	vor.u32 v59, v34;
	v61 =	vadd.s32 v27, v60  }
0x285: {  	vm1 =	veq.s32 v29, $0x0;
	v36 =	vor.u32 v27, v56;
	v62 =	vor.u32 v30, v61  }
0x286: {  	v32 =	vadd.s32 $0x1, v36;
	v63 =	vsel vm1, $0x0, v31  }
0x287: {  	v33 =	vsub.f32 v33, v63;
	_ =	sdelay $0x1  }
0x288: {  	v34 =	vld.idx.msk [tilespmem:v34+s5+$0x0], $0xffff;
	vm1 =	vlt.f32 v33, $9.999999740e-06  }
0x289: {  	v29 =	vld.idx.msk [tilespmem:v62+s5+$0x0], $0xffff;
	v33 =	vsel vm1, $0x3F800000, v33  }
0x28a: {  	v32 =	vld.idx.msk [tilespmem:v32+s5+$0x0], $0xffff;
	(erf) = vrcp.f32 v33  }
0x28b: {  	v31 =	vld.idx.msk [tilespmem:v36+s5+$0x0], $0xffff;
	_ =	sdelay $0x4  }
0x28c: {  	v29 =	vadd.f32 v29, v34;
	v31 =	vadd.f32 v32, v31;
	_ =	sdelay $0x1  }
0x28d: {  	v28 =	vsub.f32 v28, v63;
	v29 =	vmul.f32 $5.000000000e-01, v29;
	v31 =	vmul.f32 $5.000000000e-01, v31  }
0x28e: {  	v37 =	vpop (erf)  }
0x28f: {  	v38 =	vsub.f32 v31, v29;
	v28 =	vmul.f32 v37, v28;
	_ =	sdelay $0x1  }
0x290: {  	v39 =	vor.u32 v21, v27;
	v28 =	vmul.f32 v28, v38;
	_ =	sdelay $0x1  }
0x291: {  	v28 =	vadd.f32 v28, v29;
	_ =	sdelay $0x1  }
0x292: {  	[tilespmem:s18+$0x10] =	vst v28  }
0x293: {  	v28 =	vld.idx.msk [tilespmem:v39+s11+$0x0], $0xffff  }
0x294: {  	v40 =	vld.idx.msk [tilespmem:v9+s12+$0x0], $0xffff;
	_ =	sdelay $0x4  }
0x295: {  	vm1 =	vle.f32 v40, v28  }
0x296: {  	v29 =	vsel vm1, $0x40, v10  }
0x297: {  	v41 =	vor.u32 $0x1F, v29;
	_ =	sdelay $0x4  }
0x298: {  	v30 =	vld.idx.msk [tilespmem:v41+s12+$0x0], $0xffff;
	_ =	sdelay $0x4  }
0x299: {  	v42 =	vor.u32 $0x20, v29;
	vm1 =	vle.f32 v30, v28  }
0x29a: {  	v29 =	vsel vm1, v42, v29  }
0x29b: {  	v43 =	vor.u32 $0xF, v29;
	_ =	sdelay $0x4  }
0x29c: {  	v30 =	vld.idx.msk [tilespmem:v43+s12+$0x0], $0xffff;
	_ =	sdelay $0x4  }
0x29d: {  	v31 =	vor.u32 $0x10, v29;
	vm1 =	vle.f32 v30, v28  }
0x29e: {  	v29 =	vsel vm1, v31, v29  }
0x29f: {  	v44 =	vor.u32 $0x7, v29;
	_ =	sdelay $0x4  }
0x2a0: {  	v30 =	vld.idx.msk [tilespmem:v44+s12+$0x0], $0xffff;
	_ =	sdelay $0x4  }
0x2a1: {  	v31 =	vor.u32 $0x8, v29;
	vm1 =	vle.f32 v30, v28  }
0x2a2: {  	v29 =	vsel vm1, v31, v29  }
0x2a3: {  	v45 =	vadd.s32 $0x3, v29;
	_ =	sdelay $0x4  }
0x2a4: {  	v30 =	vld.idx.msk [tilespmem:v45+s12+$0x0], $0xffff;
	_ =	sdelay $0x4  }
0x2a5: {  	vm2 =	vlt.u32 v29, $0x7B;
	vm1 =	vle.f32 v30, v28  }
0x2a6: {  	v46 =	vadd.s32 $0x4, v29;
	vm1 =	vmand vm1, vm2  }
0x2a7: {  	v29 =	vsel vm1, v46, v29  }
0x2a8: {  	v30 =	vadd.s32 $0x1, v29;
	_ =	sdelay $0x4  }
0x2a9: {  	v30 =	vld.idx.msk [tilespmem:v30+s12+$0x0], $0xffff;
	_ =	sdelay $0x4  }
0x2aa: {  	vm2 =	vlt.u32 v29, $0x7D;
	vm1 =	vle.f32 v30, v28  }
0x2ab: {  	v47 =	vadd.s32 $0x2, v29;
	vm1 =	vmand vm1, vm2  }
0x2ac: {  	v29 =	vsel vm1, v47, v29;
	_ =	sdelay $0x4  }
0x2ad: {  	v30 =	vld.idx.msk [tilespmem:v29+s12+$0x0], $0xffff;
	_ =	sdelay $0x4  }
0x2ae: {  	vm2 =	vlt.u32 v29, $0x7E;
	vm1 =	vle.f32 v30, v28  }
0x2af: {  	vm1 =	vmand vm1, vm2  }
0x2b0: {  	v48 =	vsel vm1, $0x1, v10  }
0x2b1: {  	v29 =	vadd.s32 v48, v29  }
0x2b2: {  	v30 =	vadd.s32 $0x1, v29;
	v49 =	vmax.u32 v29, $0x1  }
0x2b3: {  	v50 =	vmin.u32 v30, $0x7E;
	v31 =	vsub.s32 v49, v11  }
0x2b4: {  	v51 =	vadd.s32 $0xFFFFFFFF, v50;
	_ =	sdelay $0x3  }
0x2b5: {  	v31 =	vld.idx.msk [tilespmem:v31+s12+$0x0], $0xffff  }
0x2b6: {  	v52 =	vand.u32 $0xFFFFFF80, v29;
	v33 =	vld.idx.msk [tilespmem:v51+s12+$0x0], $0xffff  }
0x2b7: {  	v53 =	vand.u32 $0x7F, v29;
	v34 =	vadd.s32 v27, v52;
	v54 =	vand.u32 $0xFFFFFF80, v30  }
0x2b8: {  	v30 =	vand.u32 $0x7F, v30;
	v34 =	vor.u32 v53, v34;
	v55 =	vadd.s32 v27, v54  }
0x2b9: {  	vm1 =	veq.s32 v29, $0x0;
	v58 =	vor.u32 v27, v50;
	v56 =	vor.u32 v30, v55  }
0x2ba: {  	v32 =	vadd.s32 $0x1, v58;
	v57 =	vsel vm1, $0x0, v31  }
0x2bb: {  	v33 =	vsub.f32 v33, v57;
	_ =	sdelay $0x1  }
0x2bc: {  	v34 =	vld.idx.msk [tilespmem:v34+s5+$0x0], $0xffff;
	vm1 =	vlt.f32 v33, $9.999999740e-06  }
0x2bd: {  	v29 =	vld.idx.msk [tilespmem:v56+s5+$0x0], $0xffff;
	v33 =	vsel vm1, $0x3F800000, v33  }
0x2be: {  	v32 =	vld.idx.msk [tilespmem:v32+s5+$0x0], $0xffff;
	(erf) = vrcp.f32 v33  }
0x2bf: {  	v31 =	vld.idx.msk [tilespmem:v58+s5+$0x0], $0xffff;
	_ =	sdelay $0x4  }
0x2c0: {  	v29 =	vadd.f32 v29, v34;
	v31 =	vadd.f32 v32, v31;
	_ =	sdelay $0x1  }
0x2c1: {  	v28 =	vsub.f32 v28, v57;
	v29 =	vmul.f32 $5.000000000e-01, v29;
	v31 =	vmul.f32 $5.000000000e-01, v31  }
0x2c2: {  	v59 =	vpop (erf)  }
0x2c3: {  	v60 =	vsub.f32 v31, v29;
	v28 =	vmul.f32 v59, v28;
	_ =	sdelay $0x1  }
0x2c4: {  	v61 =	vor.u32 v22, v27;
	v28 =	vmul.f32 v28, v60;
	_ =	sdelay $0x1  }
0x2c5: {  	v28 =	vadd.f32 v28, v29;
	_ =	sdelay $0x1  }
0x2c6: {  	[tilespmem:s18+$0x20] =	vst v28  }
0x2c7: {  	v28 =	vld.idx.msk [tilespmem:v61+s11+$0x0], $0xffff  }
0x2c8: {  	v62 =	vld.idx.msk [tilespmem:v9+s12+$0x0], $0xffff;
	_ =	sdelay $0x4  }
0x2c9: {  	vm1 =	vle.f32 v62, v28  }
0x2ca: {  	v29 =	vsel vm1, $0x40, v10  }
0x2cb: {  	v63 =	vor.u32 $0x1F, v29;
	_ =	sdelay $0x4  }
0x2cc: {  	v30 =	vld.idx.msk [tilespmem:v63+s12+$0x0], $0xffff;
	_ =	sdelay $0x4  }
0x2cd: {  	v33 =	vor.u32 $0x20, v29;
	vm1 =	vle.f32 v30, v28  }
0x2ce: {  	v29 =	vsel vm1, v33, v29  }
0x2cf: {  	v34 =	vor.u32 $0xF, v29;
	_ =	sdelay $0x4  }
0x2d0: {  	v30 =	vld.idx.msk [tilespmem:v34+s12+$0x0], $0xffff;
	_ =	sdelay $0x4  }
0x2d1: {  	v31 =	vor.u32 $0x10, v29;
	vm1 =	vle.f32 v30, v28  }
0x2d2: {  	v29 =	vsel vm1, v31, v29  }
0x2d3: {  	v35 =	vor.u32 $0x7, v29;
	_ =	sdelay $0x4  }
0x2d4: {  	v30 =	vld.idx.msk [tilespmem:v35+s12+$0x0], $0xffff;
	_ =	sdelay $0x4  }
0x2d5: {  	v31 =	vor.u32 $0x8, v29;
	vm1 =	vle.f32 v30, v28  }
0x2d6: {  	v29 =	vsel vm1, v31, v29  }
0x2d7: {  	v36 =	vadd.s32 $0x3, v29;
	_ =	sdelay $0x4  }
0x2d8: {  	v30 =	vld.idx.msk [tilespmem:v36+s12+$0x0], $0xffff;
	_ =	sdelay $0x4  }
0x2d9: {  	vm2 =	vlt.u32 v29, $0x7B;
	vm1 =	vle.f32 v30, v28  }
0x2da: {  	v37 =	vadd.s32 $0x4, v29;
	vm1 =	vmand vm1, vm2  }
0x2db: {  	v29 =	vsel vm1, v37, v29  }
0x2dc: {  	v30 =	vadd.s32 $0x1, v29;
	_ =	sdelay $0x4  }
0x2dd: {  	v30 =	vld.idx.msk [tilespmem:v30+s12+$0x0], $0xffff;
	_ =	sdelay $0x4  }
0x2de: {  	vm2 =	vlt.u32 v29, $0x7D;
	vm1 =	vle.f32 v30, v28  }
0x2df: {  	v38 =	vadd.s32 $0x2, v29;
	vm1 =	vmand vm1, vm2  }
0x2e0: {  	v29 =	vsel vm1, v38, v29;
	_ =	sdelay $0x4  }
0x2e1: {  	v30 =	vld.idx.msk [tilespmem:v29+s12+$0x0], $0xffff;
	_ =	sdelay $0x4  }
0x2e2: {  	vm2 =	vlt.u32 v29, $0x7E;
	vm1 =	vle.f32 v30, v28  }
0x2e3: {  	vm1 =	vmand vm1, vm2  }
0x2e4: {  	v39 =	vsel vm1, $0x1, v10  }
0x2e5: {  	v29 =	vadd.s32 v39, v29  }
0x2e6: {  	v30 =	vadd.s32 $0x1, v29;
	v40 =	vmax.u32 v29, $0x1  }
0x2e7: {  	v41 =	vmin.u32 v30, $0x7E;
	v31 =	vsub.s32 v40, v11  }
0x2e8: {  	v42 =	vadd.s32 $0xFFFFFFFF, v41;
	_ =	sdelay $0x3  }
0x2e9: {  	v31 =	vld.idx.msk [tilespmem:v31+s12+$0x0], $0xffff  }
0x2ea: {  	v43 =	vand.u32 $0xFFFFFF80, v29;
	v33 =	vld.idx.msk [tilespmem:v42+s12+$0x0], $0xffff  }
0x2eb: {  	v44 =	vand.u32 $0x7F, v29;
	v34 =	vadd.s32 v27, v43;
	v45 =	vand.u32 $0xFFFFFF80, v30  }
0x2ec: {  	v30 =	vand.u32 $0x7F, v30;
	v34 =	vor.u32 v44, v34;
	v46 =	vadd.s32 v27, v45  }
0x2ed: {  	vm1 =	veq.s32 v29, $0x0;
	v49 =	vor.u32 v27, v41;
	v47 =	vor.u32 v30, v46  }
0x2ee: {  	v32 =	vadd.s32 $0x1, v49;
	v48 =	vsel vm1, $0x0, v31  }
0x2ef: {  	v33 =	vsub.f32 v33, v48;
	_ =	sdelay $0x1  }
0x2f0: {  	v34 =	vld.idx.msk [tilespmem:v34+s5+$0x0], $0xffff;
	vm1 =	vlt.f32 v33, $9.999999740e-06  }
0x2f1: {  	v29 =	vld.idx.msk [tilespmem:v47+s5+$0x0], $0xffff;
	v33 =	vsel vm1, $0x3F800000, v33  }
0x2f2: {  	v32 =	vld.idx.msk [tilespmem:v32+s5+$0x0], $0xffff;
	(erf) = vrcp.f32 v33  }
0x2f3: {  	v31 =	vld.idx.msk [tilespmem:v49+s5+$0x0], $0xffff;
	_ =	sdelay $0x4  }
0x2f4: {  	v29 =	vadd.f32 v29, v34;
	v31 =	vadd.f32 v32, v31;
	_ =	sdelay $0x1  }
0x2f5: {  	v28 =	vsub.f32 v28, v48;
	v29 =	vmul.f32 $5.000000000e-01, v29;
	v31 =	vmul.f32 $5.000000000e-01, v31  }
0x2f6: {  	v50 =	vpop (erf)  }
0x2f7: {  	v51 =	vsub.f32 v31, v29;
	v28 =	vmul.f32 v50, v28;
	_ =	sdelay $0x1  }
0x2f8: {  	v52 =	vor.u32 v23, v27;
	v28 =	vmul.f32 v28, v51;
	_ =	sdelay $0x1  }
0x2f9: {  	v28 =	vadd.f32 v28, v29;
	_ =	sdelay $0x1  }
0x2fa: {  	[tilespmem:s18+$0x30] =	vst v28  }
0x2fb: {  	v28 =	vld.idx.msk [tilespmem:v52+s11+$0x0], $0xffff  }
0x2fc: {  	v53 =	vld.idx.msk [tilespmem:v9+s12+$0x0], $0xffff;
	_ =	sdelay $0x4  }
0x2fd: {  	vm1 =	vle.f32 v53, v28  }
0x2fe: {  	v29 =	vsel vm1, $0x40, v10  }
0x2ff: {  	v54 =	vor.u32 $0x1F, v29;
	_ =	sdelay $0x4  }
0x300: {  	v30 =	vld.idx.msk [tilespmem:v54+s12+$0x0], $0xffff;
	_ =	sdelay $0x4  }
0x301: {  	v55 =	vor.u32 $0x20, v29;
	vm1 =	vle.f32 v30, v28  }
0x302: {  	v29 =	vsel vm1, v55, v29  }
0x303: {  	v56 =	vor.u32 $0xF, v29;
	_ =	sdelay $0x4  }
0x304: {  	v30 =	vld.idx.msk [tilespmem:v56+s12+$0x0], $0xffff;
	_ =	sdelay $0x4  }
0x305: {  	v31 =	vor.u32 $0x10, v29;
	vm1 =	vle.f32 v30, v28  }
0x306: {  	v29 =	vsel vm1, v31, v29  }
0x307: {  	v57 =	vor.u32 $0x7, v29;
	_ =	sdelay $0x4  }
0x308: {  	v30 =	vld.idx.msk [tilespmem:v57+s12+$0x0], $0xffff;
	_ =	sdelay $0x4  }
0x309: {  	v31 =	vor.u32 $0x8, v29;
	vm1 =	vle.f32 v30, v28  }
0x30a: {  	v29 =	vsel vm1, v31, v29  }
0x30b: {  	v58 =	vadd.s32 $0x3, v29;
	_ =	sdelay $0x4  }
0x30c: {  	v30 =	vld.idx.msk [tilespmem:v58+s12+$0x0], $0xffff;
	_ =	sdelay $0x4  }
0x30d: {  	vm2 =	vlt.u32 v29, $0x7B;
	vm1 =	vle.f32 v30, v28  }
0x30e: {  	v59 =	vadd.s32 $0x4, v29;
	vm1 =	vmand vm1, vm2  }
0x30f: {  	v29 =	vsel vm1, v59, v29  }
0x310: {  	v30 =	vadd.s32 $0x1, v29;
	_ =	sdelay $0x4  }
0x311: {  	v30 =	vld.idx.msk [tilespmem:v30+s12+$0x0], $0xffff;
	_ =	sdelay $0x4  }
0x312: {  	vm2 =	vlt.u32 v29, $0x7D;
	vm1 =	vle.f32 v30, v28  }
0x313: {  	v60 =	vadd.s32 $0x2, v29;
	vm1 =	vmand vm1, vm2  }
0x314: {  	v29 =	vsel vm1, v60, v29;
	_ =	sdelay $0x4  }
0x315: {  	v30 =	vld.idx.msk [tilespmem:v29+s12+$0x0], $0xffff;
	_ =	sdelay $0x4  }
0x316: {  	vm2 =	vlt.u32 v29, $0x7E;
	vm1 =	vle.f32 v30, v28  }
0x317: {  	vm1 =	vmand vm1, vm2  }
0x318: {  	v61 =	vsel vm1, $0x1, v10  }
0x319: {  	v29 =	vadd.s32 v61, v29  }
0x31a: {  	v30 =	vadd.s32 $0x1, v29;
	v62 =	vmax.u32 v29, $0x1  }
0x31b: {  	v63 =	vmin.u32 v30, $0x7E;
	v31 =	vsub.s32 v62, v11  }
0x31c: {  	v39 =	vadd.s32 $0xFFFFFFFF, v63;
	_ =	sdelay $0x3  }
0x31d: {  	v31 =	vld.idx.msk [tilespmem:v31+s12+$0x0], $0xffff  }
0x31e: {  	v40 =	vand.u32 $0xFFFFFF80, v29;
	v33 =	vld.idx.msk [tilespmem:v39+s12+$0x0], $0xffff  }
0x31f: {  	v41 =	vand.u32 $0x7F, v29;
	v34 =	vadd.s32 v27, v40;
	v42 =	vand.u32 $0xFFFFFF80, v30  }
0x320: {  	v30 =	vand.u32 $0x7F, v30;
	v34 =	vor.u32 v41, v34;
	v43 =	vadd.s32 v27, v42  }
0x321: {  	vm1 =	veq.s32 v29, $0x0;
	v46 =	vor.u32 v27, v63;
	v44 =	vor.u32 v30, v43  }
0x322: {  	v32 =	vadd.s32 $0x1, v46;
	v45 =	vsel vm1, $0x0, v31  }
0x323: {  	v33 =	vsub.f32 v33, v45;
	_ =	sdelay $0x1  }
0x324: {  	v34 =	vld.idx.msk [tilespmem:v34+s5+$0x0], $0xffff;
	vm1 =	vlt.f32 v33, $9.999999740e-06  }
0x325: {  	v29 =	vld.idx.msk [tilespmem:v44+s5+$0x0], $0xffff;
	v33 =	vsel vm1, $0x3F800000, v33  }
0x326: {  	v32 =	vld.idx.msk [tilespmem:v32+s5+$0x0], $0xffff;
	(erf) = vrcp.f32 v33  }
0x327: {  	v31 =	vld.idx.msk [tilespmem:v46+s5+$0x0], $0xffff;
	_ =	sdelay $0x4  }
0x328: {  	v29 =	vadd.f32 v29, v34;
	v31 =	vadd.f32 v32, v31;
	_ =	sdelay $0x1  }
0x329: {  	v28 =	vsub.f32 v28, v45;
	v29 =	vmul.f32 $5.000000000e-01, v29;
	v31 =	vmul.f32 $5.000000000e-01, v31  }
0x32a: {  	v47 =	vpop (erf)  }
0x32b: {  	v48 =	vsub.f32 v31, v29;
	v28 =	vmul.f32 v47, v28;
	_ =	sdelay $0x1  }
0x32c: {  	v49 =	vor.u32 v24, v27;
	v28 =	vmul.f32 v28, v48;
	_ =	sdelay $0x1  }
0x32d: {  	v28 =	vadd.f32 v28, v29;
	_ =	sdelay $0x1  }
0x32e: {  	[tilespmem:s18+$0x40] =	vst v28  }
0x32f: {  	v28 =	vld.idx.msk [tilespmem:v49+s11+$0x0], $0xffff  }
0x330: {  	v50 =	vld.idx.msk [tilespmem:v9+s12+$0x0], $0xffff;
	_ =	sdelay $0x4  }
0x331: {  	vm1 =	vle.f32 v50, v28  }
0x332: {  	v29 =	vsel vm1, $0x40, v10  }
0x333: {  	v51 =	vor.u32 $0x1F, v29;
	_ =	sdelay $0x4  }
0x334: {  	v30 =	vld.idx.msk [tilespmem:v51+s12+$0x0], $0xffff;
	_ =	sdelay $0x4  }
0x335: {  	v52 =	vor.u32 $0x20, v29;
	vm1 =	vle.f32 v30, v28  }
0x336: {  	v29 =	vsel vm1, v52, v29  }
0x337: {  	v53 =	vor.u32 $0xF, v29;
	_ =	sdelay $0x4  }
0x338: {  	v30 =	vld.idx.msk [tilespmem:v53+s12+$0x0], $0xffff;
	_ =	sdelay $0x4  }
0x339: {  	v31 =	vor.u32 $0x10, v29;
	vm1 =	vle.f32 v30, v28  }
0x33a: {  	v29 =	vsel vm1, v31, v29  }
0x33b: {  	v54 =	vor.u32 $0x7, v29;
	_ =	sdelay $0x4  }
0x33c: {  	v30 =	vld.idx.msk [tilespmem:v54+s12+$0x0], $0xffff;
	_ =	sdelay $0x4  }
0x33d: {  	v31 =	vor.u32 $0x8, v29;
	vm1 =	vle.f32 v30, v28  }
0x33e: {  	v29 =	vsel vm1, v31, v29  }
0x33f: {  	v55 =	vadd.s32 $0x3, v29;
	_ =	sdelay $0x4  }
0x340: {  	v30 =	vld.idx.msk [tilespmem:v55+s12+$0x0], $0xffff;
	_ =	sdelay $0x4  }
0x341: {  	vm2 =	vlt.u32 v29, $0x7B;
	vm1 =	vle.f32 v30, v28  }
0x342: {  	v56 =	vadd.s32 $0x4, v29;
	vm1 =	vmand vm1, vm2  }
0x343: {  	v29 =	vsel vm1, v56, v29  }
0x344: {  	v30 =	vadd.s32 $0x1, v29;
	_ =	sdelay $0x4  }
0x345: {  	v30 =	vld.idx.msk [tilespmem:v30+s12+$0x0], $0xffff;
	_ =	sdelay $0x4  }
0x346: {  	vm2 =	vlt.u32 v29, $0x7D;
	vm1 =	vle.f32 v30, v28  }
0x347: {  	v57 =	vadd.s32 $0x2, v29;
	vm1 =	vmand vm1, vm2  }
0x348: {  	v29 =	vsel vm1, v57, v29;
	_ =	sdelay $0x4  }
0x349: {  	v30 =	vld.idx.msk [tilespmem:v29+s12+$0x0], $0xffff;
	_ =	sdelay $0x4  }
0x34a: {  	vm2 =	vlt.u32 v29, $0x7E;
	vm1 =	vle.f32 v30, v28  }
0x34b: {  	vm1 =	vmand vm1, vm2  }
0x34c: {  	v58 =	vsel vm1, $0x1, v10  }
0x34d: {  	v29 =	vadd.s32 v58, v29  }
0x34e: {  	v30 =	vadd.s32 $0x1, v29;
	v59 =	vmax.u32 v29, $0x1  }
0x34f: {  	v60 =	vmin.u32 v30, $0x7E;
	v31 =	vsub.s32 v59, v11  }
0x350: {  	v61 =	vadd.s32 $0xFFFFFFFF, v60;
	_ =	sdelay $0x3  }
0x351: {  	v31 =	vld.idx.msk [tilespmem:v31+s12+$0x0], $0xffff  }
0x352: {  	v62 =	vand.u32 $0xFFFFFF80, v29;
	v33 =	vld.idx.msk [tilespmem:v61+s12+$0x0], $0xffff  }
0x353: {  	v63 =	vand.u32 $0x7F, v29;
	v34 =	vadd.s32 v27, v62;
	v40 =	vand.u32 $0xFFFFFF80, v30  }
0x354: {  	v30 =	vand.u32 $0x7F, v30;
	v34 =	vor.u32 v63, v34;
	v41 =	vadd.s32 v27, v40  }
0x355: {  	vm1 =	veq.s32 v29, $0x0;
	v44 =	vor.u32 v27, v60;
	v42 =	vor.u32 v30, v41  }
0x356: {  	v32 =	vadd.s32 $0x1, v44;
	v43 =	vsel vm1, $0x0, v31  }
0x357: {  	v33 =	vsub.f32 v33, v43;
	_ =	sdelay $0x1  }
0x358: {  	v34 =	vld.idx.msk [tilespmem:v34+s5+$0x0], $0xffff;
	vm1 =	vlt.f32 v33, $9.999999740e-06  }
0x359: {  	v29 =	vld.idx.msk [tilespmem:v42+s5+$0x0], $0xffff;
	v33 =	vsel vm1, $0x3F800000, v33  }
0x35a: {  	v32 =	vld.idx.msk [tilespmem:v32+s5+$0x0], $0xffff;
	(erf) = vrcp.f32 v33  }
0x35b: {  	v31 =	vld.idx.msk [tilespmem:v44+s5+$0x0], $0xffff;
	_ =	sdelay $0x4  }
0x35c: {  	v29 =	vadd.f32 v29, v34;
	v31 =	vadd.f32 v32, v31;
	_ =	sdelay $0x1  }
0x35d: {  	v28 =	vsub.f32 v28, v43;
	v29 =	vmul.f32 $5.000000000e-01, v29;
	v31 =	vmul.f32 $5.000000000e-01, v31  }
0x35e: {  	v45 =	vpop (erf)  }
0x35f: {  	v46 =	vsub.f32 v31, v29;
	v28 =	vmul.f32 v45, v28;
	_ =	sdelay $0x1  }
0x360: {  	v47 =	vor.u32 v25, v27;
	v28 =	vmul.f32 v28, v46;
	_ =	sdelay $0x1  }
0x361: {  	v28 =	vadd.f32 v28, v29;
	_ =	sdelay $0x1  }
0x362: {  	[tilespmem:s18+$0x50] =	vst v28  }
0x363: {  	v28 =	vld.idx.msk [tilespmem:v47+s11+$0x0], $0xffff  }
0x364: {  	v48 =	vld.idx.msk [tilespmem:v9+s12+$0x0], $0xffff;
	_ =	sdelay $0x4  }
0x365: {  	vm1 =	vle.f32 v48, v28  }
0x366: {  	v29 =	vsel vm1, $0x40, v10  }
0x367: {  	v49 =	vor.u32 $0x1F, v29;
	_ =	sdelay $0x4  }
0x368: {  	v30 =	vld.idx.msk [tilespmem:v49+s12+$0x0], $0xffff;
	_ =	sdelay $0x4  }
0x369: {  	v50 =	vor.u32 $0x20, v29;
	vm1 =	vle.f32 v30, v28  }
0x36a: {  	v29 =	vsel vm1, v50, v29  }
0x36b: {  	v51 =	vor.u32 $0xF, v29;
	_ =	sdelay $0x4  }
0x36c: {  	v30 =	vld.idx.msk [tilespmem:v51+s12+$0x0], $0xffff;
	_ =	sdelay $0x4  }
0x36d: {  	v31 =	vor.u32 $0x10, v29;
	vm1 =	vle.f32 v30, v28  }
0x36e: {  	v29 =	vsel vm1, v31, v29  }
0x36f: {  	v52 =	vor.u32 $0x7, v29;
	_ =	sdelay $0x4  }
0x370: {  	v30 =	vld.idx.msk [tilespmem:v52+s12+$0x0], $0xffff;
	_ =	sdelay $0x4  }
0x371: {  	v31 =	vor.u32 $0x8, v29;
	vm1 =	vle.f32 v30, v28  }
0x372: {  	v29 =	vsel vm1, v31, v29  }
0x373: {  	v53 =	vadd.s32 $0x3, v29;
	_ =	sdelay $0x4  }
0x374: {  	v30 =	vld.idx.msk [tilespmem:v53+s12+$0x0], $0xffff;
	_ =	sdelay $0x4  }
0x375: {  	vm2 =	vlt.u32 v29, $0x7B;
	vm1 =	vle.f32 v30, v28  }
0x376: {  	v54 =	vadd.s32 $0x4, v29;
	vm1 =	vmand vm1, vm2  }
0x377: {  	v29 =	vsel vm1, v54, v29  }
0x378: {  	v30 =	vadd.s32 $0x1, v29;
	_ =	sdelay $0x4  }
0x379: {  	v30 =	vld.idx.msk [tilespmem:v30+s12+$0x0], $0xffff;
	_ =	sdelay $0x4  }
0x37a: {  	vm2 =	vlt.u32 v29, $0x7D;
	vm1 =	vle.f32 v30, v28  }
0x37b: {  	v55 =	vadd.s32 $0x2, v29;
	vm1 =	vmand vm1, vm2  }
0x37c: {  	v29 =	vsel vm1, v55, v29;
	_ =	sdelay $0x4  }
0x37d: {  	v30 =	vld.idx.msk [tilespmem:v29+s12+$0x0], $0xffff;
	_ =	sdelay $0x4  }
0x37e: {  	vm2 =	vlt.u32 v29, $0x7E;
	vm1 =	vle.f32 v30, v28  }
0x37f: {  	vm1 =	vmand vm1, vm2  }
0x380: {  	v56 =	vsel vm1, $0x1, v10  }
0x381: {  	v29 =	vadd.s32 v56, v29  }
0x382: {  	v30 =	vadd.s32 $0x1, v29;
	v57 =	vmax.u32 v29, $0x1  }
0x383: {  	v58 =	vmin.u32 v30, $0x7E;
	v31 =	vsub.s32 v57, v11  }
0x384: {  	v59 =	vadd.s32 $0xFFFFFFFF, v58;
	_ =	sdelay $0x3  }
0x385: {  	v31 =	vld.idx.msk [tilespmem:v31+s12+$0x0], $0xffff  }
0x386: {  	v60 =	vand.u32 $0xFFFFFF80, v29;
	v33 =	vld.idx.msk [tilespmem:v59+s12+$0x0], $0xffff  }
0x387: {  	v61 =	vand.u32 $0x7F, v29;
	v34 =	vadd.s32 v27, v60;
	v62 =	vand.u32 $0xFFFFFF80, v30  }
0x388: {  	v30 =	vand.u32 $0x7F, v30;
	v34 =	vor.u32 v61, v34;
	v63 =	vadd.s32 v27, v62  }
0x389: {  	vm1 =	veq.s32 v29, $0x0;
	v38 =	vor.u32 v27, v58;
	v36 =	vor.u32 v30, v63  }
0x38a: {  	v32 =	vadd.s32 $0x1, v38;
	v37 =	vsel vm1, $0x0, v31  }
0x38b: {  	v33 =	vsub.f32 v33, v37;
	_ =	sdelay $0x1  }
0x38c: {  	v34 =	vld.idx.msk [tilespmem:v34+s5+$0x0], $0xffff;
	vm1 =	vlt.f32 v33, $9.999999740e-06  }
0x38d: {  	v29 =	vld.idx.msk [tilespmem:v36+s5+$0x0], $0xffff;
	v33 =	vsel vm1, $0x3F800000, v33  }
0x38e: {  	v32 =	vld.idx.msk [tilespmem:v32+s5+$0x0], $0xffff;
	(erf) = vrcp.f32 v33  }
0x38f: {  	v31 =	vld.idx.msk [tilespmem:v38+s5+$0x0], $0xffff;
	_ =	sdelay $0x4  }
0x390: {  	v29 =	vadd.f32 v29, v34;
	v31 =	vadd.f32 v32, v31;
	_ =	sdelay $0x1  }
0x391: {  	v28 =	vsub.f32 v28, v37;
	v29 =	vmul.f32 $5.000000000e-01, v29;
	v31 =	vmul.f32 $5.000000000e-01, v31  }
0x392: {  	v39 =	vpop (erf)  }
0x393: {  	v40 =	vsub.f32 v31, v29;
	v28 =	vmul.f32 v39, v28;
	_ =	sdelay $0x1  }
0x394: {  	v41 =	vor.u32 v26, v27;
	v28 =	vmul.f32 v28, v40;
	_ =	sdelay $0x1  }
0x395: {  	v28 =	vadd.f32 v28, v29;
	_ =	sdelay $0x1  }
0x396: {  	[tilespmem:s18+$0x60] =	vst v28  }
0x397: {  	v28 =	vld.idx.msk [tilespmem:v41+s11+$0x0], $0xffff  }
0x398: {  	v42 =	vld.idx.msk [tilespmem:v9+s12+$0x0], $0xffff;
	_ =	sdelay $0x4  }
0x399: {  	vm1 =	vle.f32 v42, v28  }
0x39a: {  	v29 =	vsel vm1, $0x40, v10  }
0x39b: {  	v43 =	vor.u32 $0x1F, v29;
	_ =	sdelay $0x4  }
0x39c: {  	v30 =	vld.idx.msk [tilespmem:v43+s12+$0x0], $0xffff;
	_ =	sdelay $0x4  }
0x39d: {  	v44 =	vor.u32 $0x20, v29;
	vm1 =	vle.f32 v30, v28  }
0x39e: {  	v29 =	vsel vm1, v44, v29  }
0x39f: {  	v45 =	vor.u32 $0xF, v29;
	_ =	sdelay $0x4  }
0x3a0: {  	v30 =	vld.idx.msk [tilespmem:v45+s12+$0x0], $0xffff;
	_ =	sdelay $0x4  }
0x3a1: {  	v31 =	vor.u32 $0x10, v29;
	vm1 =	vle.f32 v30, v28  }
0x3a2: {  	v29 =	vsel vm1, v31, v29  }
0x3a3: {  	v46 =	vor.u32 $0x7, v29;
	_ =	sdelay $0x4  }
0x3a4: {  	v30 =	vld.idx.msk [tilespmem:v46+s12+$0x0], $0xffff;
	_ =	sdelay $0x4  }
0x3a5: {  	v31 =	vor.u32 $0x8, v29;
	vm1 =	vle.f32 v30, v28  }
0x3a6: {  	v29 =	vsel vm1, v31, v29  }
0x3a7: {  	v47 =	vadd.s32 $0x3, v29;
	_ =	sdelay $0x4  }
0x3a8: {  	v30 =	vld.idx.msk [tilespmem:v47+s12+$0x0], $0xffff;
	_ =	sdelay $0x4  }
0x3a9: {  	vm2 =	vlt.u32 v29, $0x7B;
	vm1 =	vle.f32 v30, v28  }
0x3aa: {  	v48 =	vadd.s32 $0x4, v29;
	vm1 =	vmand vm1, vm2  }
0x3ab: {  	v29 =	vsel vm1, v48, v29  }
0x3ac: {  	v30 =	vadd.s32 $0x1, v29;
	_ =	sdelay $0x4  }
0x3ad: {  	v30 =	vld.idx.msk [tilespmem:v30+s12+$0x0], $0xffff;
	_ =	sdelay $0x4  }
0x3ae: {  	vm2 =	vlt.u32 v29, $0x7D;
	vm1 =	vle.f32 v30, v28  }
0x3af: {  	v49 =	vadd.s32 $0x2, v29;
	vm1 =	vmand vm1, vm2  }
0x3b0: {  	v29 =	vsel vm1, v49, v29;
	_ =	sdelay $0x4  }
0x3b1: {  	v30 =	vld.idx.msk [tilespmem:v29+s12+$0x0], $0xffff;
	_ =	sdelay $0x4  }
0x3b2: {  	vm2 =	vlt.u32 v29, $0x7E;
	vm1 =	vle.f32 v30, v28  }
0x3b3: {  	vm1 =	vmand vm1, vm2  }
0x3b4: {  	v50 =	vsel vm1, $0x1, v10  }
0x3b5: {  	v29 =	vadd.s32 v50, v29  }
0x3b6: {  	v30 =	vadd.s32 $0x1, v29;
	v51 =	vmax.u32 v29, $0x1  }
0x3b7: {  	v52 =	vmin.u32 v30, $0x7E;
	v31 =	vsub.s32 v51, v11  }
0x3b8: {  	v53 =	vadd.s32 $0xFFFFFFFF, v52;
	_ =	sdelay $0x3  }
0x3b9: {  	v31 =	vld.idx.msk [tilespmem:v31+s12+$0x0], $0xffff  }
0x3ba: {  	v54 =	vand.u32 $0xFFFFFF80, v29;
	v33 =	vld.idx.msk [tilespmem:v53+s12+$0x0], $0xffff  }
0x3bb: {  	v55 =	vand.u32 $0x7F, v29;
	v34 =	vadd.s32 v27, v54  }
0x3bc: {  	vm1 =	veq.s32 v29, $0x0;
	v56 =	vand.u32 $0xFFFFFF80, v30;
	v34 =	vor.u32 v55, v34  }
0x3bd: {  	v30 =	vand.u32 $0x7F, v30;
	v57 =	vadd.s32 v27, v56;
	v27 =	vor.u32 v27, v52  }
0x3be: {  	v58 =	vor.u32 v30, v57;
	v59 =	vsel vm1, $0x0, v31  }
0x3bf: {  	v60 =	vadd.s32 $0x1, v27;
	v61 =	vsub.f32 v33, v59;
	_ =	sdelay $0x1  }
0x3c0: {  	v62 =	vld.idx.msk [tilespmem:v34+s5+$0x0], $0xffff;
	vm1 =	vlt.f32 v61, $9.999999740e-06  }
0x3c1: {  	v27 =	vld.idx.msk [tilespmem:v27+s5+$0x0], $0xffff;
	v32 =	vsel vm1, $0x3F800000, v61  }
0x3c2: {  	v29 =	vld.idx.msk [tilespmem:v58+s5+$0x0], $0xffff;
	(erf) = vrcp.f32 v32  }
0x3c3: {  	v31 =	vld.idx.msk [tilespmem:v60+s5+$0x0], $0xffff;
	_ =	sdelay $0x4  }
0x3c4: {  	v29 =	vadd.f32 v29, v62;
	v27 =	vadd.f32 v31, v27;
	_ =	sdelay $0x1  }
0x3c5: {  	v28 =	vsub.f32 v28, v59;
	v29 =	vmul.f32 $5.000000000e-01, v29;
	v27 =	vmul.f32 $5.000000000e-01, v27  }
0x3c6: {  	v63 =	vpop (erf)  }
0x3c7: {  	v27 =	vsub.f32 v27, v29;
	v28 =	vmul.f32 v63, v28  }
0x3c8: {  	p0 =	sne.s32 s16, $0x7  }
.Ltmp0:
0x3c9: {  	v27 =	vmul.f32 v28, v27;
	(pc) =	sbr.rel @p0 .LBB2_3-.Ltmp0, $3  }
0x3ca: {  	_ = 	snop  }
0x3cb: {  	v27 =	vadd.f32 v27, v29;
	_ =	sdelay $0x1  }
0x3cc: {  	s16 =	sadd.s32 $0x1, s16;
	[tilespmem:s18+$0x70] =	vst v27;
	s18 =	sadd.s32 $0x80, s18  }
0x3cd: {  	s15 =	sadd.s32 $0x1, s15  }
0x3ce: {  	p0 =	sne.s32 s15, $0x40  }
.Ltmp1:
0x3cf: {  	s16 =	sadd.s32 s4, s17;
	(pc) =	sbr.rel @p0 .LBB2_2-.Ltmp1, $4  }
0x3d0: {  	[hbm4b:s16+s5] =	stream.linear.scatter [tilespmem:s13], [sflag:$0x1], $0x800, $0x38;
	[tilespmem:$0x1880] =	vst v63  }
0x3d1: {  	_ =	swait.ge [sflag:s9], $0x800  }
0x3d2: {  	[sflag:s9] =	ssyncset.done $0x0  }
0x3d3: {  	[sflag:s9] =	ssyncadd.s32 $0xFFFFF800  }
0x3d4: {  	s14 =	sadd.s32 $0x1, s14  }
0x3d5: {  	p0 =	sne.s32 s14, s8  }
.Ltmp2:
0x3d6: {  	_ = 	snop;
	(pc) =	sbr.rel @p0 .LBB2_1-.Ltmp2, $1  }
0x3d7: {  	_ =	sdelay $0x3  }
0x3d8: {  	_ =	sfence.sel $0x180000  }
0x3d9: {  	[bflag:$0x0] =	sbarrier.arrive $0xFFFF  }
0x3da: {  	p0 =	sne.s32 s6, $0x0;
	_ =	strace $0x90000047  }
0x3db: {  	s0 =	sadd.s32 @!p0 $0x100000, s3;
	[bflag:$0x2] =	sbarrier.arrive $0xFFFF  }
0x3dc: {  	[sflag:s0] =	ssyncadd.tile.s32 @!p0 $0x1;
	_ =	shalt  }
.Lfunc_end2:
_tile_overlayer_lowered:
.L_overlay_start_2:
0x3dd: {  	(tag) =	ssettag $0x2  }
0x3de: {  	s0 =	rddreg [dreg:$0x0];
	s2 =	stileid.u32  }
0x3df: {  	s1 =	rddreg [dreg:$0x1];
	p0 =	sne.s32 s2, $0x0  }
0x3e0: {  	s3 =	rddreg [dreg:$0x2];
	[bflag:$0x3] =	sbarrier.arrive $0xFFFF;
	s2 =	simm.s32 @!p0 $0x1C01  }
0x3e1: {  	[timem:s3], [sflag:s2] =	dma.local @!p0 [hbm:s0], s1  }
0x3e2: {  	s0 =	simm.s32 @!p0 $0x1  }
0x3e3: {  	_ =	swait.ge @!p0 [sflag:s0], s1  }
0x3e4: {  	s1 =	ssub.s32 @!p0 $0x0, s1;
	[sflag:s0] =	ssyncset.done @!p0 $0x0  }
0x3e5: {  	[sflag:s0] =	ssyncadd.s32 @!p0 s1  }
0x3e6: {  	[bflag:$0x3] =	sbarrier.arrive $0xFFFF  }
0x3e7: {  	_ =	shalt  }

</sc_bundles>
